<compile_context>
chip_gen: v7x
topology: tpu7x:2x2x1
jax: 0.10.2.dev20260603
libtpu: 0.0.44.dev20260713+nightly
codegen_flags: <defaults>
</compile_context>

<pallas_src>
import functools

import jax
import jax.numpy as jnp
from jax import lax
from jax.experimental import pallas as pl
from jax.experimental.pallas import tpu as pltpu
from jax.experimental.pallas import tpu_sc as plsc

N = 10000
D = 256
H = 256
C = 2
G = 64
E = 160000

NPAD = 10240
NTILE = 16
CH = 80
CK = 128
EP = NTILE * CH * CK
DUMP = NPAD - 8
RPT = NPAD // NTILE
HALF = 128
BM = 512


def _sc_degree(dst3):
    mesh = plsc.VectorSubcoreMesh(core_axis_name="c", subcore_axis_name="s")

    @functools.partial(
        pl.kernel,
        mesh=mesh,
        out_type=(
            jax.ShapeDtypeStruct((NPAD, 16), jnp.float32),
            jax.ShapeDtypeStruct((NPAD, 16), jnp.float32),
        ),
        scratch_types=[
            pltpu.VMEM((CH, CK), jnp.int32),
            pltpu.VMEM((CK, 16), jnp.float32),
            pltpu.VMEM((CK, 16), jnp.float32),
            pltpu.VMEM_SHARED((NPAD, 16), jnp.float32),
        ],
    )
    def k(dst_hbm, deg0_hbm, deg1_hbm, dst_slab, ones_v, zero_v, acc):
        c = lax.axis_index("c")
        s = lax.axis_index("s")
        pltpu.sync_copy(dst_hbm.at[s], dst_slab)

        def fill(i, _):
            ones_v[i, :] = jnp.ones((16,), jnp.float32)
            zero_v[i, :] = jnp.zeros((16,), jnp.float32)
            return 0

        lax.fori_loop(0, CK, fill, 0)
        for kk in range(RPT // CK):
            pltpu.sync_copy(zero_v, acc.at[pl.ds(s * RPT + kk * CK, CK)])
        plsc.subcore_barrier()

        base = c * (CH // 2)

        def body(j, _):
            pltpu.sync_copy(ones_v, acc.at[dst_slab.at[base + j]], add=True)
            return 0

        lax.fori_loop(0, CH // 2, body, 0)
        plsc.subcore_barrier()

        @pl.when(c == 0)
        def _():
            pltpu.sync_copy(acc.at[pl.ds(s * RPT, RPT)],
                            deg0_hbm.at[pl.ds(s * RPT, RPT)])

        @pl.when(c == 1)
        def _():
            pltpu.sync_copy(acc.at[pl.ds(s * RPT, RPT)],
                            deg1_hbm.at[pl.ds(s * RPT, RPT)])

    return k(dst3)


def _sc_aggregate(yA, yB, src3, dst3):
    mesh = plsc.VectorSubcoreMesh(core_axis_name="c", subcore_axis_name="s")

    @functools.partial(
        pl.kernel,
        mesh=mesh,
        out_type=(
            jax.ShapeDtypeStruct((NPAD, HALF), jnp.float32),
            jax.ShapeDtypeStruct((NPAD, HALF), jnp.float32),
        ),
        scratch_types=[
            pltpu.VMEM((CH // 2, CK), jnp.int32),
            pltpu.VMEM((CH // 2, CK), jnp.int32),
            pltpu.VMEM((CK, HALF), jnp.float32),
            pltpu.VMEM((CK, HALF), jnp.float32),
            pltpu.VMEM_SHARED((NPAD, HALF), jnp.float32),
            pltpu.SemaphoreType.DMA,
            pltpu.SemaphoreType.DMA,
            pltpu.SemaphoreType.DMA,
            pltpu.SemaphoreType.DMA,
        ],
    )
    def k(yA_hbm, yB_hbm, src_hbm, dst_hbm, aggA_hbm, aggB_hbm,
          src_slab, dst_slab, rows0, rows1, acc, gs0, gs1, ss0, ss1):
        c = lax.axis_index("c")
        s = lax.axis_index("s")

        def zfill(i, _):
            for l in range(HALF // 16):
                rows0[i, pl.ds(l * 16, 16)] = jnp.zeros((16,), jnp.float32)
            return 0

        lax.fori_loop(0, CK, zfill, 0)
        for kk in range(RPT // CK):
            pltpu.sync_copy(rows0, acc.at[pl.ds(s * RPT + kk * CK, CK)])
        plsc.subcore_barrier()

        def run(y_hbm, out_hbm):
            hc = CH // 2

            def g(buf, j, sem):
                pltpu.async_copy(y_hbm.at[src_slab.at[j]], buf, sem)

            def gw(buf, j, sem):
                pltpu.make_async_copy(y_hbm.at[src_slab.at[j]], buf,
                                      sem).wait()

            def sc(buf, j, sem):
                pltpu.async_copy(buf, acc.at[dst_slab.at[j]], sem, add=True)

            def scw(buf, j, sem):
                pltpu.make_async_copy(buf, acc.at[dst_slab.at[j]], sem).wait()

            for phase in range(2):
                pltpu.sync_copy(src_hbm.at[s, pl.ds(phase * hc, hc)], src_slab)
                pltpu.sync_copy(dst_hbm.at[s, pl.ds(phase * hc, hc)], dst_slab)
                g(rows0, 0, gs0)
                g(rows1, 1, gs1)

                def body(k2, _):
                    j = k2 * 2
                    gw(rows0, j, gs0)
                    pltpu.sync_copy(rows0, acc.at[dst_slab.at[j]], add=True)
                    g(rows0, j + 2, gs0)
                    gw(rows1, j + 1, gs1)
                    pltpu.sync_copy(rows1, acc.at[dst_slab.at[j + 1]],
                                    add=True)
                    g(rows1, j + 3, gs1)
                    return 0

                lax.fori_loop(0, hc // 2 - 1, body, 0)
                jlast = hc - 2
                gw(rows0, jlast, gs0)
                pltpu.sync_copy(rows0, acc.at[dst_slab.at[jlast]], add=True)
                gw(rows1, jlast + 1, gs1)
                pltpu.sync_copy(rows1, acc.at[dst_slab.at[jlast + 1]],
                                add=True)
            plsc.subcore_barrier()
            pltpu.sync_copy(acc.at[pl.ds(s * RPT, RPT)],
                            out_hbm.at[pl.ds(s * RPT, RPT)])

        @pl.when(c == 0)
        def _():
            run(yA_hbm, aggA_hbm)

        @pl.when(c == 1)
        def _():
            run(yB_hbm, aggB_hbm)

    return k(yA, yB, src3, dst3)


def _dinv_of(d_ref):
    return lax.rsqrt(d_ref[:, 0:1] + 1.0)


def _mm_t(a, w):
    return lax.dot_general(a, w, (((1,), (1,)), ((), ())),
                           preferred_element_type=jnp.float32,
                           precision=lax.Precision.HIGHEST)


def _tc_layer1(xp, W1, deg):

    def body(x_ref, w_ref, d_ref, yA_ref, yB_ref):
        dinv = _dinv_of(d_ref)
        y = _mm_t(x_ref[...], w_ref[...]) * dinv
        yA_ref[...] = y[:, :HALF]
        yB_ref[...] = y[:, HALF:]

    return pl.pallas_call(
        body,
        grid=(NPAD // BM,),
        in_specs=[
            pl.BlockSpec((BM, D), lambda i: (i, 0)),
            pl.BlockSpec((H, D), lambda i: (0, 0)),
            pl.BlockSpec((BM, 16), lambda i: (i, 0)),
        ],
        out_specs=[
            pl.BlockSpec((BM, HALF), lambda i: (i, 0)),
            pl.BlockSpec((BM, HALF), lambda i: (i, 0)),
        ],
        out_shape=[jax.ShapeDtypeStruct((NPAD, HALF), jnp.float32)] * 2,
    )(xp, W1, deg)


def _tc_layer(aggA, aggB, yA, yB, W, b2d, deg):

    def body(aA_ref, aB_ref, yA_ref, yB_ref, w_ref, b_ref, d_ref,
             oA_ref, oB_ref):
        dinv = _dinv_of(d_ref)
        u = jnp.concatenate(
            [aA_ref[...] + yA_ref[...], aB_ref[...] + yB_ref[...]], axis=1)
        xn = jnp.maximum(u * dinv + b_ref[...], 0.0)
        y = _mm_t(xn, w_ref[...]) * dinv
        oA_ref[...] = y[:, :HALF]
        oB_ref[...] = y[:, HALF:]

    half_spec = pl.BlockSpec((BM, HALF), lambda i: (i, 0))
    return pl.pallas_call(
        body,
        grid=(NPAD // BM,),
        in_specs=[
            half_spec, half_spec, half_spec, half_spec,
            pl.BlockSpec((H, H), lambda i: (0, 0)),
            pl.BlockSpec((1, H), lambda i: (0, 0)),
            pl.BlockSpec((BM, 16), lambda i: (i, 0)),
        ],
        out_specs=[half_spec, half_spec],
        out_shape=[jax.ShapeDtypeStruct((NPAD, HALF), jnp.float32)] * 2,
    )(aggA, aggB, yA, yB, W, b2d, deg)


def _tc_final(aggA, aggB, yA, yB, deg, b3_2d, batch3, wfc_p, bfc_p):
    nblk = NPAD // BM

    def body(aA_ref, aB_ref, yA_ref, yB_ref, d_ref, b_ref, bt_ref,
             wfc_ref, bfc_ref, out_ref, acc, cnt):
        i = pl.program_id(0)

        @pl.when(i == 0)
        def _():
            acc[...] = jnp.zeros_like(acc)
            cnt[...] = jnp.zeros_like(cnt)

        dinv = _dinv_of(d_ref)
        u = jnp.concatenate(
            [aA_ref[...] + yA_ref[...], aB_ref[...] + yB_ref[...]], axis=1)
        h = jnp.maximum(u * dinv + b_ref[...], 0.0)
        bt = jnp.reshape(bt_ref[...], (1, BM))
        ohT = (lax.broadcasted_iota(jnp.int32, (G, 1), 0) == bt
               ).astype(jnp.float32)
        acc[...] += lax.dot_general(ohT, h, (((1,), (0,)), ((), ())),
                                    preferred_element_type=jnp.float32,
                                    precision=lax.Precision.HIGHEST)
        cnt[...] += lax.dot_general(ohT, jnp.ones((BM, 128), jnp.float32),
                                    (((1,), (0,)), ((), ())),
                                    preferred_element_type=jnp.float32,
                                    precision=lax.Precision.HIGHEST)

        @pl.when(i == nblk - 1)
        def _():
            pooled = acc[...] / jnp.maximum(cnt[:, 0:1], 1.0)
            out_ref[...] = _mm_t(pooled, wfc_ref[...]) + bfc_ref[...]

    half_spec = pl.BlockSpec((BM, HALF), lambda i: (i, 0))
    return pl.pallas_call(
        body,
        grid=(nblk,),
        in_specs=[
            half_spec, half_spec, half_spec, half_spec,
            pl.BlockSpec((BM, 16), lambda i: (i, 0)),
            pl.BlockSpec((1, H), lambda i: (0, 0)),
            pl.BlockSpec((1, 1, BM), lambda i: (i, 0, 0)),
            pl.BlockSpec((128, H), lambda i: (0, 0)),
            pl.BlockSpec((1, 128), lambda i: (0, 0)),
        ],
        out_specs=pl.BlockSpec((G, 128), lambda i: (0, 0)),
        out_shape=jax.ShapeDtypeStruct((G, 128), jnp.float32),
        scratch_shapes=[
            pltpu.VMEM((G, H), jnp.float32),
            pltpu.VMEM((G, 128), jnp.float32),
        ],
    )(aggA, aggB, yA, yB, deg, b3_2d, batch3, wfc_p, bfc_p)


def kernel(x, edge_index, batch, W1, b1, W2, b2, W3, b3, Wfc, bfc):
    src = edge_index[0]
    dst = edge_index[1]
    pad_e = EP - E
    srcp = jnp.concatenate(
        [src, jnp.zeros((pad_e,), jnp.int32)]).reshape(NTILE, CH, CK)
    dstp = jnp.concatenate(
        [dst, jnp.full((pad_e,), DUMP, jnp.int32)]).reshape(NTILE, CH, CK)
    xp = jnp.concatenate([x, jnp.zeros((NPAD - N, D), jnp.float32)], axis=0)
    batchp = jnp.concatenate(
        [batch, jnp.full((NPAD - N,), G, jnp.int32)]).reshape(NPAD // BM, 1, BM)
    b1r = b1.reshape(1, H)
    b2r = b2.reshape(1, H)
    b3r = b3.reshape(1, H)
    wfc_p = jnp.zeros((128, H), jnp.float32).at[:C].set(Wfc)
    bfc_p = jnp.zeros((1, 128), jnp.float32).at[0, :C].set(bfc)

    deg0, deg1 = _sc_degree(dstp)
    deg = deg0 + deg1
    yA, yB = _tc_layer1(xp, W1, deg)
    aggA, aggB = _sc_aggregate(yA, yB, srcp, dstp)
    yA, yB = _tc_layer(aggA, aggB, yA, yB, W2, b1r, deg)
    aggA, aggB = _sc_aggregate(yA, yB, srcp, dstp)
    yA, yB = _tc_layer(aggA, aggB, yA, yB, W3, b2r, deg)
    aggA, aggB = _sc_aggregate(yA, yB, srcp, dstp)
    out = _tc_final(aggA, aggB, yA, yB, deg, b3r, batchp, wfc_p, bfc_p)
    return out[:, :C]

# --- scband reference (transcript-rebuilt; emitter-appended) ---
"""Pipeline reference for scband-smurfing-detector-gnn-74560632258587 (READ-ONLY COPY).

The authoritative reference and input builder live on the scoring server;
editing this copy changes nothing except your own understanding.
"""

import jax, jax.numpy as jnp
import numpy as np

N = 10000
E = 160000
D = 256
H = 256
C = 2
G = 64


def setup_inputs(seed: int = 0) -> dict:
    key = jax.random.key(seed)
    ks = jax.random.split(key, 12)
    x = jax.random.normal(ks[0], (N, D), dtype=jnp.float32)
    edge_index = jax.random.randint(ks[1], (2, E), 0, N, dtype=jnp.int32)
    batch = jnp.sort(jax.random.randint(ks[2], (N,), 0, G, dtype=jnp.int32))
    W1 = jax.random.normal(ks[3], (H, D), dtype=jnp.float32) * (1.0 / np.sqrt(D))
    b1 = jnp.zeros((H,), dtype=jnp.float32)
    W2 = jax.random.normal(ks[4], (H, H), dtype=jnp.float32) * (1.0 / np.sqrt(H))
    b2 = jnp.zeros((H,), dtype=jnp.float32)
    W3 = jax.random.normal(ks[5], (H, H), dtype=jnp.float32) * (1.0 / np.sqrt(H))
    b3 = jnp.zeros((H,), dtype=jnp.float32)
    Wfc = jax.random.normal(ks[6], (C, H), dtype=jnp.float32) * (1.0 / np.sqrt(H))
    bfc = jnp.zeros((C,), dtype=jnp.float32)
    return {"x": x, "edge_index": edge_index, "batch": batch,
            "W1": W1, "b1": b1, "W2": W2, "b2": b2, "W3": W3, "b3": b3,
            "Wfc": Wfc, "bfc": bfc}


def _gcn_conv(x, edge_index, W, b):
    # PyG GCNConv: h = x @ W^T; add self-loops; symmetric normalization; sum-aggregate; + bias
    h = x @ W.T
    src = edge_index[0]
    dst = edge_index[1]
    loop = jnp.arange(N, dtype=src.dtype)
    s = jnp.concatenate([src, loop])
    d = jnp.concatenate([dst, loop])
    deg = jax.ops.segment_sum(jnp.ones(s.shape[0], dtype=h.dtype), d, num_segments=N)
    dinv = jax.lax.rsqrt(jnp.maximum(deg, 1e-12))
    norm = dinv[s] * dinv[d]
    msg = h[s] * norm[:, None]
    out = jax.ops.segment_sum(msg, d, num_segments=N)
    return out + b


def reference(x, edge_index, batch, W1, b1, W2, b2, W3, b3, Wfc, bfc):
    h = jax.nn.relu(_gcn_conv(x, edge_index, W1, b1))
    h = jax.nn.relu(_gcn_conv(h, edge_index, W2, b2))
    h = jax.nn.relu(_gcn_conv(h, edge_index, W3, b3))
    # global_mean_pool over batch assignment
    sums = jax.ops.segment_sum(h, batch, num_segments=G)
    cnts = jax.ops.segment_sum(jnp.ones((N,), dtype=h.dtype), batch, num_segments=G)
    pooled = sums / jnp.maximum(cnts, 1.0)[:, None]
    return pooled @ Wfc.T + bfc

if __name__ == "__main__":
    import jax
    _d = setup_inputs()
    print(jax.jit(kernel)(*tuple(_d.values())))

</pallas_src>

<mosaic_0001>
#map = affine_map<(d0, d1) -> (0, 0, 0)>
#map1 = affine_map<(d0, d1) -> (0, 0)>
module attributes {stable_mosaic.version = 14 : i64} {
  func.func @k(%arg0: i32, %arg1: i32, %arg2: memref<16x80x128xi32, #tpu.memory_space<hbm>>, %arg3: memref<10240x16xf32, #tpu.memory_space<hbm>>, %arg4: memref<10240x16xf32, #tpu.memory_space<hbm>>, %arg5: memref<80x128xi32, #tpu.memory_space<vmem>>, %arg6: memref<128x16xf32, #tpu.memory_space<vmem>>, %arg7: memref<128x16xf32, #tpu.memory_space<vmem>>, %arg8: memref<10240x16xf32, #tpu.memory_space<vmem_shared>>) attributes {dimension_semantics = [#tpu.dimension_semantics<core_parallel>, #tpu.dimension_semantics<subcore_parallel>], iteration_bounds = array<i64: 2, 16>, scalar_prefetch = 0 : i64, scratch_operands = 4 : i64, tpu.core_type = #tpu.core_type<sc_vector_subcore>, window_params = [{transform_indices = #map}, {transform_indices = #map1}, {transform_indices = #map1}]} {
    "tpu.region"() ({
      %run_scoped3A = tpu.sem_alloc : memref<!tpu.dma_semaphore, #tpu.memory_space<semaphore_mem>>
      %dma_start3A = arith.constant 0 : i32
      %dma_start3A_41 = arith.constant 0 : i32
      %dma_start3A_42 = tpu.memref_slice %arg2[%arg1, %dma_start3A, %dma_start3A_41] : memref<16x80x128xi32, #tpu.memory_space<hbm>> -> memref<1x80x128xi32, #tpu.memory_space<hbm>>
      %dma_start3A_43 = tpu.memref_squeeze %dma_start3A_42 : memref<1x80x128xi32, #tpu.memory_space<hbm>> -> memref<80x128xi32, #tpu.memory_space<hbm>>
      %dma_start3A_44 = arith.constant 0 : i32
      %dma_start3A_45 = arith.constant 0 : i32
      %dma_start3A_46 = tpu.memref_slice %arg2[%arg1, %dma_start3A_44, %dma_start3A_45] : memref<16x80x128xi32, #tpu.memory_space<hbm>> -> memref<1x80x128xi32, #tpu.memory_space<hbm>>
      %dma_start3A_47 = tpu.memref_squeeze %dma_start3A_46 : memref<1x80x128xi32, #tpu.memory_space<hbm>> -> memref<80x128xi32, #tpu.memory_space<hbm>>
      tpu.enqueue_dma source(%dma_start3A_47 : memref<80x128xi32, #tpu.memory_space<hbm>>) target(%arg5 : memref<80x128xi32, #tpu.memory_space<vmem>>) target_semaphore(%run_scoped3A : memref<!tpu.dma_semaphore, #tpu.memory_space<semaphore_mem>>)
      %dma_wait3A = arith.constant 0 : i32
      %dma_wait3A_48 = arith.constant 0 : i32
      %dma_wait3A_49 = tpu.memref_slice %arg2[%arg1, %dma_wait3A, %dma_wait3A_48] : memref<16x80x128xi32, #tpu.memory_space<hbm>> -> memref<1x80x128xi32, #tpu.memory_space<hbm>>
      %dma_wait3A_50 = tpu.memref_squeeze %dma_wait3A_49 : memref<1x80x128xi32, #tpu.memory_space<hbm>> -> memref<80x128xi32, #tpu.memory_space<hbm>>
      %dma_wait3A_51 = arith.constant 0 : i32
      %dma_wait3A_52 = arith.constant 0 : i32
      %dma_wait3A_53 = tpu.memref_slice %arg2[%arg1, %dma_wait3A_51, %dma_wait3A_52] : memref<16x80x128xi32, #tpu.memory_space<hbm>> -> memref<1x80x128xi32, #tpu.memory_space<hbm>>
      %dma_wait3A_54 = tpu.memref_squeeze %dma_wait3A_53 : memref<1x80x128xi32, #tpu.memory_space<hbm>> -> memref<80x128xi32, #tpu.memory_space<hbm>>
      tpu.wait_dma2 semaphore(%run_scoped3A : memref<!tpu.dma_semaphore, #tpu.memory_space<semaphore_mem>>) src(%dma_wait3A_54 : memref<80x128xi32, #tpu.memory_space<hbm>>) dst(%arg5 : memref<80x128xi32, #tpu.memory_space<vmem>>)
      tpu.yield
    }) : () -> ()
    %scan3A = arith.constant 0 : i32
    %scan3A_0 = arith.constant 0 : i32
    %scan3A_1 = arith.constant 128 : i32
    %scan3A_2 = arith.addi %scan3A_0, %scan3A_1 : i32
    %scan3A_3 = arith.constant 1 : i32
    %scan3A_4 = scf.for %scan3A_41 = %scan3A_0 to %scan3A_2 step %scan3A_3 iter_args(%scan3A_42 = %scan3A) -> (i32)  : i32 {
      %broadcast_in_dim3A = arith.constant 1.000000e+00 : f32
      %broadcast_in_dim3A_43 = vector.broadcast %broadcast_in_dim3A : f32 to vector<16xf32>
      %swap3A = arith.index_cast %scan3A_41 : i32 to index
      %swap3A_44 = arith.constant 0 : index
      %swap3A_45 = tpu.vector_load %arg6[%swap3A, %swap3A_44] {strides = array<i32>} : memref<128x16xf32, #tpu.memory_space<vmem>>, vector<1x16xf32>,
      %swap3A_46 = vector.shape_cast %swap3A_45 : vector<1x16xf32> to vector<16xf32>
      %swap3A_47 = vector.shape_cast %broadcast_in_dim3A_43 : vector<16xf32> to vector<1x16xf32>
      tpu.vector_store %arg6[%swap3A, %swap3A_44], %swap3A_47 {strides = array<i32>} : memref<128x16xf32, #tpu.memory_space<vmem>>, vector<1x16xf32>,
      %broadcast_in_dim3A_48 = arith.constant 0.000000e+00 : f32
      %broadcast_in_dim3A_49 = vector.broadcast %broadcast_in_dim3A_48 : f32 to vector<16xf32>
      %swap3A_50 = arith.index_cast %scan3A_41 : i32 to index
      %swap3A_51 = arith.constant 0 : index
      %swap3A_52 = tpu.vector_load %arg7[%swap3A_50, %swap3A_51] {strides = array<i32>} : memref<128x16xf32, #tpu.memory_space<vmem>>, vector<1x16xf32>,
      %swap3A_53 = vector.shape_cast %swap3A_52 : vector<1x16xf32> to vector<16xf32>
      %swap3A_54 = vector.shape_cast %broadcast_in_dim3A_49 : vector<16xf32> to vector<1x16xf32>
      tpu.vector_store %arg7[%swap3A_50, %swap3A_51], %swap3A_54 {strides = array<i32>} : memref<128x16xf32, #tpu.memory_space<vmem>>, vector<1x16xf32>,
      %scan3A_55 = arith.constant 0 : i32
      scf.yield %scan3A_55 : i32
    }
    %scan3A_5 = arith.constant 128 : i32
    %mul3A = arith.constant 640 : i32
    %mul3A_6 = arith.muli %arg1, %mul3A : i32
    %add3A = arith.constant 0 : i32
    %add3A_7 = arith.addi %mul3A_6, %add3A : i32
    "tpu.region"() ({
      %run_scoped3A = tpu.sem_alloc : memref<!tpu.dma_semaphore, #tpu.memory_space<semaphore_mem>>
      %dma_start3A = arith.constant 0 : i32
      %dma_start3A_41 = tpu.memref_slice %arg8[%add3A_7, %dma_start3A] : memref<10240x16xf32, #tpu.memory_space<vmem_shared>> -> memref<128x16xf32, #tpu.memory_space<vmem_shared>>
      %dma_start3A_42 = arith.constant 0 : i32
      %dma_start3A_43 = tpu.memref_slice %arg8[%add3A_7, %dma_start3A_42] : memref<10240x16xf32, #tpu.memory_space<vmem_shared>> -> memref<128x16xf32, #tpu.memory_space<vmem_shared>>
      tpu.enqueue_dma source(%arg7 : memref<128x16xf32, #tpu.memory_space<vmem>>) target(%dma_start3A_43 : memref<128x16xf32, #tpu.memory_space<vmem_shared>>) target_semaphore(%run_scoped3A : memref<!tpu.dma_semaphore, #tpu.memory_space<semaphore_mem>>)
      %dma_wait3A = arith.constant 0 : i32
      %dma_wait3A_44 = tpu.memref_slice %arg8[%add3A_7, %dma_wait3A] : memref<10240x16xf32, #tpu.memory_space<vmem_shared>> -> memref<128x16xf32, #tpu.memory_space<vmem_shared>>
      %dma_wait3A_45 = arith.constant 0 : i32
      %dma_wait3A_46 = tpu.memref_slice %arg8[%add3A_7, %dma_wait3A_45] : memref<10240x16xf32, #tpu.memory_space<vmem_shared>> -> memref<128x16xf32, #tpu.memory_space<vmem_shared>>
      tpu.wait_dma2 semaphore(%run_scoped3A : memref<!tpu.dma_semaphore, #tpu.memory_space<semaphore_mem>>) src(%arg7 : memref<128x16xf32, #tpu.memory_space<vmem>>) dst(%dma_wait3A_46 : memref<128x16xf32, #tpu.memory_space<vmem_shared>>)
      tpu.yield
    }) : () -> ()
    %mul3A_8 = arith.constant 640 : i32
    %mul3A_9 = arith.muli %arg1, %mul3A_8 : i32
    %add3A_10 = arith.constant 128 : i32
    %add3A_11 = arith.addi %mul3A_9, %add3A_10 : i32
    "tpu.region"() ({
      %run_scoped3A = tpu.sem_alloc : memref<!tpu.dma_semaphore, #tpu.memory_space<semaphore_mem>>
      %dma_start3A = arith.constant 0 : i32
      %dma_start3A_41 = tpu.memref_slice %arg8[%add3A_11, %dma_start3A] : memref<10240x16xf32, #tpu.memory_space<vmem_shared>> -> memref<128x16xf32, #tpu.memory_space<vmem_shared>>
      %dma_start3A_42 = arith.constant 0 : i32
      %dma_start3A_43 = tpu.memref_slice %arg8[%add3A_11, %dma_start3A_42] : memref<10240x16xf32, #tpu.memory_space<vmem_shared>> -> memref<128x16xf32, #tpu.memory_space<vmem_shared>>
      tpu.enqueue_dma source(%arg7 : memref<128x16xf32, #tpu.memory_space<vmem>>) target(%dma_start3A_43 : memref<128x16xf32, #tpu.memory_space<vmem_shared>>) target_semaphore(%run_scoped3A : memref<!tpu.dma_semaphore, #tpu.memory_space<semaphore_mem>>)
      %dma_wait3A = arith.constant 0 : i32
      %dma_wait3A_44 = tpu.memref_slice %arg8[%add3A_11, %dma_wait3A] : memref<10240x16xf32, #tpu.memory_space<vmem_shared>> -> memref<128x16xf32, #tpu.memory_space<vmem_shared>>
      %dma_wait3A_45 = arith.constant 0 : i32
      %dma_wait3A_46 = tpu.memref_slice %arg8[%add3A_11, %dma_wait3A_45] : memref<10240x16xf32, #tpu.memory_space<vmem_shared>> -> memref<128x16xf32, #tpu.memory_space<vmem_shared>>
      tpu.wait_dma2 semaphore(%run_scoped3A : memref<!tpu.dma_semaphore, #tpu.memory_space<semaphore_mem>>) src(%arg7 : memref<128x16xf32, #tpu.memory_space<vmem>>) dst(%dma_wait3A_46 : memref<128x16xf32, #tpu.memory_space<vmem_shared>>)
      tpu.yield
    }) : () -> ()
    %mul3A_12 = arith.constant 640 : i32
    %mul3A_13 = arith.muli %arg1, %mul3A_12 : i32
    %add3A_14 = arith.constant 256 : i32
    %add3A_15 = arith.addi %mul3A_13, %add3A_14 : i32
    "tpu.region"() ({
      %run_scoped3A = tpu.sem_alloc : memref<!tpu.dma_semaphore, #tpu.memory_space<semaphore_mem>>
      %dma_start3A = arith.constant 0 : i32
      %dma_start3A_41 = tpu.memref_slice %arg8[%add3A_15, %dma_start3A] : memref<10240x16xf32, #tpu.memory_space<vmem_shared>> -> memref<128x16xf32, #tpu.memory_space<vmem_shared>>
      %dma_start3A_42 = arith.constant 0 : i32
      %dma_start3A_43 = tpu.memref_slice %arg8[%add3A_15, %dma_start3A_42] : memref<10240x16xf32, #tpu.memory_space<vmem_shared>> -> memref<128x16xf32, #tpu.memory_space<vmem_shared>>
      tpu.enqueue_dma source(%arg7 : memref<128x16xf32, #tpu.memory_space<vmem>>) target(%dma_start3A_43 : memref<128x16xf32, #tpu.memory_space<vmem_shared>>) target_semaphore(%run_scoped3A : memref<!tpu.dma_semaphore, #tpu.memory_space<semaphore_mem>>)
      %dma_wait3A = arith.constant 0 : i32
      %dma_wait3A_44 = tpu.memref_slice %arg8[%add3A_15, %dma_wait3A] : memref<10240x16xf32, #tpu.memory_space<vmem_shared>> -> memref<128x16xf32, #tpu.memory_space<vmem_shared>>
      %dma_wait3A_45 = arith.constant 0 : i32
      %dma_wait3A_46 = tpu.memref_slice %arg8[%add3A_15, %dma_wait3A_45] : memref<10240x16xf32, #tpu.memory_space<vmem_shared>> -> memref<128x16xf32, #tpu.memory_space<vmem_shared>>
      tpu.wait_dma2 semaphore(%run_scoped3A : memref<!tpu.dma_semaphore, #tpu.memory_space<semaphore_mem>>) src(%arg7 : memref<128x16xf32, #tpu.memory_space<vmem>>) dst(%dma_wait3A_46 : memref<128x16xf32, #tpu.memory_space<vmem_shared>>)
      tpu.yield
    }) : () -> ()
    %mul3A_16 = arith.constant 640 : i32
    %mul3A_17 = arith.muli %arg1, %mul3A_16 : i32
    %add3A_18 = arith.constant 384 : i32
    %add3A_19 = arith.addi %mul3A_17, %add3A_18 : i32
    "tpu.region"() ({
      %run_scoped3A = tpu.sem_alloc : memref<!tpu.dma_semaphore, #tpu.memory_space<semaphore_mem>>
      %dma_start3A = arith.constant 0 : i32
      %dma_start3A_41 = tpu.memref_slice %arg8[%add3A_19, %dma_start3A] : memref<10240x16xf32, #tpu.memory_space<vmem_shared>> -> memref<128x16xf32, #tpu.memory_space<vmem_shared>>
      %dma_start3A_42 = arith.constant 0 : i32
      %dma_start3A_43 = tpu.memref_slice %arg8[%add3A_19, %dma_start3A_42] : memref<10240x16xf32, #tpu.memory_space<vmem_shared>> -> memref<128x16xf32, #tpu.memory_space<vmem_shared>>
      tpu.enqueue_dma source(%arg7 : memref<128x16xf32, #tpu.memory_space<vmem>>) target(%dma_start3A_43 : memref<128x16xf32, #tpu.memory_space<vmem_shared>>) target_semaphore(%run_scoped3A : memref<!tpu.dma_semaphore, #tpu.memory_space<semaphore_mem>>)
      %dma_wait3A = arith.constant 0 : i32
      %dma_wait3A_44 = tpu.memref_slice %arg8[%add3A_19, %dma_wait3A] : memref<10240x16xf32, #tpu.memory_space<vmem_shared>> -> memref<128x16xf32, #tpu.memory_space<vmem_shared>>
      %dma_wait3A_45 = arith.constant 0 : i32
      %dma_wait3A_46 = tpu.memref_slice %arg8[%add3A_19, %dma_wait3A_45] : memref<10240x16xf32, #tpu.memory_space<vmem_shared>> -> memref<128x16xf32, #tpu.memory_space<vmem_shared>>
      tpu.wait_dma2 semaphore(%run_scoped3A : memref<!tpu.dma_semaphore, #tpu.memory_space<semaphore_mem>>) src(%arg7 : memref<128x16xf32, #tpu.memory_space<vmem>>) dst(%dma_wait3A_46 : memref<128x16xf32, #tpu.memory_space<vmem_shared>>)
      tpu.yield
    }) : () -> ()
    %mul3A_20 = arith.constant 640 : i32
    %mul3A_21 = arith.muli %arg1, %mul3A_20 : i32
    %add3A_22 = arith.constant 512 : i32
    %add3A_23 = arith.addi %mul3A_21, %add3A_22 : i32
    "tpu.region"() ({
      %run_scoped3A = tpu.sem_alloc : memref<!tpu.dma_semaphore, #tpu.memory_space<semaphore_mem>>
      %dma_start3A = arith.constant 0 : i32
      %dma_start3A_41 = tpu.memref_slice %arg8[%add3A_23, %dma_start3A] : memref<10240x16xf32, #tpu.memory_space<vmem_shared>> -> memref<128x16xf32, #tpu.memory_space<vmem_shared>>
      %dma_start3A_42 = arith.constant 0 : i32
      %dma_start3A_43 = tpu.memref_slice %arg8[%add3A_23, %dma_start3A_42] : memref<10240x16xf32, #tpu.memory_space<vmem_shared>> -> memref<128x16xf32, #tpu.memory_space<vmem_shared>>
      tpu.enqueue_dma source(%arg7 : memref<128x16xf32, #tpu.memory_space<vmem>>) target(%dma_start3A_43 : memref<128x16xf32, #tpu.memory_space<vmem_shared>>) target_semaphore(%run_scoped3A : memref<!tpu.dma_semaphore, #tpu.memory_space<semaphore_mem>>)
      %dma_wait3A = arith.constant 0 : i32
      %dma_wait3A_44 = tpu.memref_slice %arg8[%add3A_23, %dma_wait3A] : memref<10240x16xf32, #tpu.memory_space<vmem_shared>> -> memref<128x16xf32, #tpu.memory_space<vmem_shared>>
      %dma_wait3A_45 = arith.constant 0 : i32
      %dma_wait3A_46 = tpu.memref_slice %arg8[%add3A_23, %dma_wait3A_45] : memref<10240x16xf32, #tpu.memory_space<vmem_shared>> -> memref<128x16xf32, #tpu.memory_space<vmem_shared>>
      tpu.wait_dma2 semaphore(%run_scoped3A : memref<!tpu.dma_semaphore, #tpu.memory_space<semaphore_mem>>) src(%arg7 : memref<128x16xf32, #tpu.memory_space<vmem>>) dst(%dma_wait3A_46 : memref<128x16xf32, #tpu.memory_space<vmem_shared>>)
      tpu.yield
    }) : () -> ()
    %barrier3A = arith.constant 0 : index
    tpu.barrier barrier_id(%barrier3A)
    %mul3A_24 = arith.constant 40 : i32
    %mul3A_25 = arith.muli %arg0, %mul3A_24 : i32
    %scan3A_26 = arith.constant 0 : i32
    %scan3A_27 = arith.constant 0 : i32
    %scan3A_28 = arith.constant 40 : i32
    %scan3A_29 = arith.addi %scan3A_27, %scan3A_28 : i32
    %scan3A_30 = arith.constant 1 : i32
    %scan3A_31 = scf.for %scan3A_41 = %scan3A_27 to %scan3A_29 step %scan3A_30 iter_args(%scan3A_42 = %scan3A_26) -> (i32)  : i32 {
      %add3A_43 = arith.addi %mul3A_25, %scan3A_41 : i32
      "tpu.region"() ({
        %run_scoped3A = tpu.sem_alloc : memref<!tpu.dma_semaphore, #tpu.memory_space<semaphore_mem>>
        %dma_start3A = arith.constant 0 : i32
        %dma_start3A_45 = tpu.memref_slice %arg5[%add3A_43, %dma_start3A] : memref<80x128xi32, #tpu.memory_space<vmem>> -> memref<1x128xi32, #tpu.memory_space<vmem>>
        %dma_start3A_46 = tpu.memref_squeeze %dma_start3A_45 : memref<1x128xi32, #tpu.memory_space<vmem>> -> memref<128xi32, #tpu.memory_space<vmem>>
        %dma_start3A_47 = arith.constant 0 : i32
        %dma_start3A_48 = arith.constant 0 : i32
        %dma_start3A_49 = tpu.memref_slice %arg8[%dma_start3A_47, %dma_start3A_48] : memref<10240x16xf32, #tpu.memory_space<vmem_shared>> -> memref<10240x16xf32, #tpu.memory_space<vmem_shared>>
        tpu.enqueue_indirect_dma source(%arg6 : memref<128x16xf32, #tpu.memory_space<vmem>>) target(%dma_start3A_49 : memref<10240x16xf32, #tpu.memory_space<vmem_shared>>) offsets(%dma_start3A_46 : memref<128xi32, #tpu.memory_space<vmem>>) semaphore(%run_scoped3A : memref<!tpu.dma_semaphore, #tpu.memory_space<semaphore_mem>>) {add = true}
        %dma_wait3A = arith.constant 0 : i32
        %dma_wait3A_50 = tpu.memref_slice %arg5[%add3A_43, %dma_wait3A] : memref<80x128xi32, #tpu.memory_space<vmem>> -> memref<1x128xi32, #tpu.memory_space<vmem>>
        %dma_wait3A_51 = tpu.memref_squeeze %dma_wait3A_50 : memref<1x128xi32, #tpu.memory_space<vmem>> -> memref<128xi32, #tpu.memory_space<vmem>>
        %dma_wait3A_52 = arith.constant 0 : i32
        %dma_wait3A_53 = arith.constant 0 : i32
        %dma_wait3A_54 = tpu.memref_slice %arg8[%dma_wait3A_52, %dma_wait3A_53] : memref<10240x16xf32, #tpu.memory_space<vmem_shared>> -> memref<10240x16xf32, #tpu.memory_space<vmem_shared>>
        tpu.wait_indirect_dma semaphore(%run_scoped3A : memref<!tpu.dma_semaphore, #tpu.memory_space<semaphore_mem>>) src(%arg6 : memref<128x16xf32, #tpu.memory_space<vmem>>) dst(%dma_wait3A_54 : memref<10240x16xf32, #tpu.memory_space<vmem_shared>>)
        tpu.yield
      }) : () -> ()
      %scan3A_44 = arith.constant 0 : i32
      scf.yield %scan3A_44 : i32
    }
    %scan3A_32 = arith.constant 40 : i32
    %barrier3A_33 = arith.constant 0 : index
    tpu.barrier barrier_id(%barrier3A_33)
    %eq3A = arith.constant 0 : i32
    %eq3A_34 = arith.cmpi eq, %arg0, %eq3A : i32
    %convert_element_type3A = arith.extui %eq3A_34 : i1 to i32
    %cond3A = arith.constant 0 : i32
    %cond3A_35 = arith.cmpi ne, %convert_element_type3A, %cond3A : i32
    scf.if %cond3A_35 {
      %mul3A_41 = arith.constant 640 : i32
      %mul3A_42 = arith.muli %arg1, %mul3A_41 : i32
      %mul3A_43 = arith.constant 640 : i32
      %mul3A_44 = arith.muli %arg1, %mul3A_43 : i32
      "tpu.region"() ({
        %run_scoped3A = tpu.sem_alloc : memref<!tpu.dma_semaphore, #tpu.memory_space<semaphore_mem>>
        %dma_start3A = arith.constant 0 : i32
        %dma_start3A_45 = tpu.memref_slice %arg3[%mul3A_44, %dma_start3A] : memref<10240x16xf32, #tpu.memory_space<hbm>> -> memref<640x16xf32, #tpu.memory_space<hbm>>
        %dma_start3A_46 = arith.constant 0 : i32
        %dma_start3A_47 = tpu.memref_slice %arg8[%mul3A_42, %dma_start3A_46] : memref<10240x16xf32, #tpu.memory_space<vmem_shared>> -> memref<640x16xf32, #tpu.memory_space<vmem_shared>>
        tpu.enqueue_dma source(%dma_start3A_47 : memref<640x16xf32, #tpu.memory_space<vmem_shared>>) target(%dma_start3A_45 : memref<640x16xf32, #tpu.memory_space<hbm>>) target_semaphore(%run_scoped3A : memref<!tpu.dma_semaphore, #tpu.memory_space<semaphore_mem>>)
        %dma_wait3A = arith.constant 0 : i32
        %dma_wait3A_48 = tpu.memref_slice %arg3[%mul3A_44, %dma_wait3A] : memref<10240x16xf32, #tpu.memory_space<hbm>> -> memref<640x16xf32, #tpu.memory_space<hbm>>
        %dma_wait3A_49 = arith.constant 0 : i32
        %dma_wait3A_50 = tpu.memref_slice %arg8[%mul3A_42, %dma_wait3A_49] : memref<10240x16xf32, #tpu.memory_space<vmem_shared>> -> memref<640x16xf32, #tpu.memory_space<vmem_shared>>
        tpu.wait_dma2 semaphore(%run_scoped3A : memref<!tpu.dma_semaphore, #tpu.memory_space<semaphore_mem>>) src(%dma_wait3A_50 : memref<640x16xf32, #tpu.memory_space<vmem_shared>>) dst(%dma_wait3A_48 : memref<640x16xf32, #tpu.memory_space<hbm>>)
        tpu.yield
      }) : () -> ()
    } else {
    }
    %eq3A_36 = arith.constant 1 : i32
    %eq3A_37 = arith.cmpi eq, %arg0, %eq3A_36 : i32
    %convert_element_type3A_38 = arith.extui %eq3A_37 : i1 to i32
    %cond3A_39 = arith.constant 0 : i32
    %cond3A_40 = arith.cmpi ne, %convert_element_type3A_38, %cond3A_39 : i32
    scf.if %cond3A_40 {
      %mul3A_41 = arith.constant 640 : i32
      %mul3A_42 = arith.muli %arg1, %mul3A_41 : i32
      %mul3A_43 = arith.constant 640 : i32
      %mul3A_44 = arith.muli %arg1, %mul3A_43 : i32
      "tpu.region"() ({
        %run_scoped3A = tpu.sem_alloc : memref<!tpu.dma_semaphore, #tpu.memory_space<semaphore_mem>>
        %dma_start3A = arith.constant 0 : i32
        %dma_start3A_45 = tpu.memref_slice %arg4[%mul3A_44, %dma_start3A] : memref<10240x16xf32, #tpu.memory_space<hbm>> -> memref<640x16xf32, #tpu.memory_space<hbm>>
        %dma_start3A_46 = arith.constant 0 : i32
        %dma_start3A_47 = tpu.memref_slice %arg8[%mul3A_42, %dma_start3A_46] : memref<10240x16xf32, #tpu.memory_space<vmem_shared>> -> memref<640x16xf32, #tpu.memory_space<vmem_shared>>
        tpu.enqueue_dma source(%dma_start3A_47 : memref<640x16xf32, #tpu.memory_space<vmem_shared>>) target(%dma_start3A_45 : memref<640x16xf32, #tpu.memory_space<hbm>>) target_semaphore(%run_scoped3A : memref<!tpu.dma_semaphore, #tpu.memory_space<semaphore_mem>>)
        %dma_wait3A = arith.constant 0 : i32
        %dma_wait3A_48 = tpu.memref_slice %arg4[%mul3A_44, %dma_wait3A] : memref<10240x16xf32, #tpu.memory_space<hbm>> -> memref<640x16xf32, #tpu.memory_space<hbm>>
        %dma_wait3A_49 = arith.constant 0 : i32
        %dma_wait3A_50 = tpu.memref_slice %arg8[%mul3A_42, %dma_wait3A_49] : memref<10240x16xf32, #tpu.memory_space<vmem_shared>> -> memref<640x16xf32, #tpu.memory_space<vmem_shared>>
        tpu.wait_dma2 semaphore(%run_scoped3A : memref<!tpu.dma_semaphore, #tpu.memory_space<semaphore_mem>>) src(%dma_wait3A_50 : memref<640x16xf32, #tpu.memory_space<vmem_shared>>) dst(%dma_wait3A_48 : memref<640x16xf32, #tpu.memory_space<hbm>>)
        tpu.yield
      }) : () -> ()
    } else {
    }
    return
  }
}

#map = affine_map<(d0, d1) -> (0, 0)>
#map1 = affine_map<(d0, d1) -> (0, 0, 0)>
module attributes {stable_mosaic.version = 14 : i64} {
  func.func @k(%arg0: i32, %arg1: i32, %arg2: memref<10240x128xf32, #tpu.memory_space<hbm>>, %arg3: memref<10240x128xf32, #tpu.memory_space<hbm>>, %arg4: memref<16x80x128xi32, #tpu.memory_space<hbm>>, %arg5: memref<16x80x128xi32, #tpu.memory_space<hbm>>, %arg6: memref<10240x128xf32, #tpu.memory_space<hbm>>, %arg7: memref<10240x128xf32, #tpu.memory_space<hbm>>, %arg8: memref<40x128xi32, #tpu.memory_space<vmem>>, %arg9: memref<40x128xi32, #tpu.memory_space<vmem>>, %arg10: memref<128x128xf32, #tpu.memory_space<vmem>>, %arg11: memref<128x128xf32, #tpu.memory_space<vmem>>, %arg12: memref<10240x128xf32, #tpu.memory_space<vmem_shared>>, %arg13: memref<!tpu.dma_semaphore, #tpu.memory_space<semaphore_mem>>, %arg14: memref<!tpu.dma_semaphore, #tpu.memory_space<semaphore_mem>>, %arg15: memref<!tpu.dma_semaphore, #tpu.memory_space<semaphore_mem>>, %arg16: memref<!tpu.dma_semaphore, #tpu.memory_space<semaphore_mem>>) attributes {dimension_semantics = [#tpu.dimension_semantics<core_parallel>, #tpu.dimension_semantics<subcore_parallel>], iteration_bounds = array<i64: 2, 16>, scalar_prefetch = 0 : i64, scratch_operands = 9 : i64, tpu.core_type = #tpu.core_type<sc_vector_subcore>, window_params = [{transform_indices = #map}, {transform_indices = #map}, {transform_indices = #map1}, {transform_indices = #map1}, {transform_indices = #map}, {transform_indices = #map}]} {
    %scan3A = arith.constant 0 : i32
    %scan3A_0 = arith.constant 0 : i32
    %scan3A_1 = arith.constant 128 : i32
    %scan3A_2 = arith.addi %scan3A_0, %scan3A_1 : i32
    %scan3A_3 = arith.constant 1 : i32
    %scan3A_4 = scf.for %scan3A_31 = %scan3A_0 to %scan3A_2 step %scan3A_3 iter_args(%scan3A_32 = %scan3A) -> (i32)  : i32 {
      %broadcast_in_dim3A = arith.constant 0.000000e+00 : f32
      %broadcast_in_dim3A_33 = vector.broadcast %broadcast_in_dim3A : f32 to vector<16xf32>
      %swap3A = arith.index_cast %scan3A_31 : i32 to index
      %swap3A_34 = arith.constant 0 : index
      %swap3A_35 = tpu.vector_load %arg10[%swap3A, %swap3A_34] {strides = array<i32>} : memref<128x128xf32, #tpu.memory_space<vmem>>, vector<1x16xf32>,
      %swap3A_36 = vector.shape_cast %swap3A_35 : vector<1x16xf32> to vector<16xf32>
      %swap3A_37 = vector.shape_cast %broadcast_in_dim3A_33 : vector<16xf32> to vector<1x16xf32>
      tpu.vector_store %arg10[%swap3A, %swap3A_34], %swap3A_37 {strides = array<i32>} : memref<128x128xf32, #tpu.memory_space<vmem>>, vector<1x16xf32>,
      %broadcast_in_dim3A_38 = arith.constant 0.000000e+00 : f32
      %broadcast_in_dim3A_39 = vector.broadcast %broadcast_in_dim3A_38 : f32 to vector<16xf32>
      %swap3A_40 = arith.index_cast %scan3A_31 : i32 to index
      %swap3A_41 = arith.constant 16 : index
      %swap3A_42 = tpu.vector_load %arg10[%swap3A_40, %swap3A_41] {strides = array<i32>} : memref<128x128xf32, #tpu.memory_space<vmem>>, vector<1x16xf32>,
      %swap3A_43 = vector.shape_cast %swap3A_42 : vector<1x16xf32> to vector<16xf32>
      %swap3A_44 = vector.shape_cast %broadcast_in_dim3A_39 : vector<16xf32> to vector<1x16xf32>
      tpu.vector_store %arg10[%swap3A_40, %swap3A_41], %swap3A_44 {strides = array<i32>} : memref<128x128xf32, #tpu.memory_space<vmem>>, vector<1x16xf32>,
      %broadcast_in_dim3A_45 = arith.constant 0.000000e+00 : f32
      %broadcast_in_dim3A_46 = vector.broadcast %broadcast_in_dim3A_45 : f32 to vector<16xf32>
      %swap3A_47 = arith.index_cast %scan3A_31 : i32 to index
      %swap3A_48 = arith.constant 32 : index
      %swap3A_49 = tpu.vector_load %arg10[%swap3A_47, %swap3A_48] {strides = array<i32>} : memref<128x128xf32, #tpu.memory_space<vmem>>, vector<1x16xf32>,
      %swap3A_50 = vector.shape_cast %swap3A_49 : vector<1x16xf32> to vector<16xf32>
      %swap3A_51 = vector.shape_cast %broadcast_in_dim3A_46 : vector<16xf32> to vector<1x16xf32>
      tpu.vector_store %arg10[%swap3A_47, %swap3A_48], %swap3A_51 {strides = array<i32>} : memref<128x128xf32, #tpu.memory_space<vmem>>, vector<1x16xf32>,
      %broadcast_in_dim3A_52 = arith.constant 0.000000e+00 : f32
      %broadcast_in_dim3A_53 = vector.broadcast %broadcast_in_dim3A_52 : f32 to vector<16xf32>
      %swap3A_54 = arith.index_cast %scan3A_31 : i32 to index
      %swap3A_55 = arith.constant 48 : index
      %swap3A_56 = tpu.vector_load %arg10[%swap3A_54, %swap3A_55] {strides = array<i32>} : memref<128x128xf32, #tpu.memory_space<vmem>>, vector<1x16xf32>,
      %swap3A_57 = vector.shape_cast %swap3A_56 : vector<1x16xf32> to vector<16xf32>
      %swap3A_58 = vector.shape_cast %broadcast_in_dim3A_53 : vector<16xf32> to vector<1x16xf32>
      tpu.vector_store %arg10[%swap3A_54, %swap3A_55], %swap3A_58 {strides = array<i32>} : memref<128x128xf32, #tpu.memory_space<vmem>>, vector<1x16xf32>,
      %broadcast_in_dim3A_59 = arith.constant 0.000000e+00 : f32
      %broadcast_in_dim3A_60 = vector.broadcast %broadcast_in_dim3A_59 : f32 to vector<16xf32>
      %swap3A_61 = arith.index_cast %scan3A_31 : i32 to index
      %swap3A_62 = arith.constant 64 : index
      %swap3A_63 = tpu.vector_load %arg10[%swap3A_61, %swap3A_62] {strides = array<i32>} : memref<128x128xf32, #tpu.memory_space<vmem>>, vector<1x16xf32>,
      %swap3A_64 = vector.shape_cast %swap3A_63 : vector<1x16xf32> to vector<16xf32>
      %swap3A_65 = vector.shape_cast %broadcast_in_dim3A_60 : vector<16xf32> to vector<1x16xf32>
      tpu.vector_store %arg10[%swap3A_61, %swap3A_62], %swap3A_65 {strides = array<i32>} : memref<128x128xf32, #tpu.memory_space<vmem>>, vector<1x16xf32>,
      %broadcast_in_dim3A_66 = arith.constant 0.000000e+00 : f32
      %broadcast_in_dim3A_67 = vector.broadcast %broadcast_in_dim3A_66 : f32 to vector<16xf32>
      %swap3A_68 = arith.index_cast %scan3A_31 : i32 to index
      %swap3A_69 = arith.constant 80 : index
      %swap3A_70 = tpu.vector_load %arg10[%swap3A_68, %swap3A_69] {strides = array<i32>} : memref<128x128xf32, #tpu.memory_space<vmem>>, vector<1x16xf32>,
      %swap3A_71 = vector.shape_cast %swap3A_70 : vector<1x16xf32> to vector<16xf32>
      %swap3A_72 = vector.shape_cast %broadcast_in_dim3A_67 : vector<16xf32> to vector<1x16xf32>
      tpu.vector_store %arg10[%swap3A_68, %swap3A_69], %swap3A_72 {strides = array<i32>} : memref<128x128xf32, #tpu.memory_space<vmem>>, vector<1x16xf32>,
      %broadcast_in_dim3A_73 = arith.constant 0.000000e+00 : f32
      %broadcast_in_dim3A_74 = vector.broadcast %broadcast_in_dim3A_73 : f32 to vector<16xf32>
      %swap3A_75 = arith.index_cast %scan3A_31 : i32 to index
      %swap3A_76 = arith.constant 96 : index
      %swap3A_77 = tpu.vector_load %arg10[%swap3A_75, %swap3A_76] {strides = array<i32>} : memref<128x128xf32, #tpu.memory_space<vmem>>, vector<1x16xf32>,
      %swap3A_78 = vector.shape_cast %swap3A_77 : vector<1x16xf32> to vector<16xf32>
      %swap3A_79 = vector.shape_cast %broadcast_in_dim3A_74 : vector<16xf32> to vector<1x16xf32>
      tpu.vector_store %arg10[%swap3A_75, %swap3A_76], %swap3A_79 {strides = array<i32>} : memref<128x128xf32, #tpu.memory_space<vmem>>, vector<1x16xf32>,
      %broadcast_in_dim3A_80 = arith.constant 0.000000e+00 : f32
      %broadcast_in_dim3A_81 = vector.broadcast %broadcast_in_dim3A_80 : f32 to vector<16xf32>
      %swap3A_82 = arith.index_cast %scan3A_31 : i32 to index
      %swap3A_83 = arith.constant 112 : index
      %swap3A_84 = tpu.vector_load %arg10[%swap3A_82, %swap3A_83] {strides = array<i32>} : memref<128x128xf32, #tpu.memory_space<vmem>>, vector<1x16xf32>,
      %swap3A_85 = vector.shape_cast %swap3A_84 : vector<1x16xf32> to vector<16xf32>
      %swap3A_86 = vector.shape_cast %broadcast_in_dim3A_81 : vector<16xf32> to vector<1x16xf32>
      tpu.vector_store %arg10[%swap3A_82, %swap3A_83], %swap3A_86 {strides = array<i32>} : memref<128x128xf32, #tpu.memory_space<vmem>>, vector<1x16xf32>,
      %scan3A_87 = arith.constant 0 : i32
      scf.yield %scan3A_87 : i32
    }
    %scan3A_5 = arith.constant 128 : i32
    %mul3A = arith.constant 640 : i32
    %mul3A_6 = arith.muli %arg1, %mul3A : i32
    %add3A = arith.constant 0 : i32
    %add3A_7 = arith.addi %mul3A_6, %add3A : i32
    "tpu.region"() ({
      %run_scoped3A = tpu.sem_alloc : memref<!tpu.dma_semaphore, #tpu.memory_space<semaphore_mem>>
      %dma_start3A = arith.constant 0 : i32
      %dma_start3A_31 = tpu.memref_slice %arg12[%add3A_7, %dma_start3A] : memref<10240x128xf32, #tpu.memory_space<vmem_shared>> -> memref<128x128xf32, #tpu.memory_space<vmem_shared>>
      %dma_start3A_32 = arith.constant 0 : i32
      %dma_start3A_33 = tpu.memref_slice %arg12[%add3A_7, %dma_start3A_32] : memref<10240x128xf32, #tpu.memory_space<vmem_shared>> -> memref<128x128xf32, #tpu.memory_space<vmem_shared>>
      tpu.enqueue_dma source(%arg10 : memref<128x128xf32, #tpu.memory_space<vmem>>) target(%dma_start3A_33 : memref<128x128xf32, #tpu.memory_space<vmem_shared>>) target_semaphore(%run_scoped3A : memref<!tpu.dma_semaphore, #tpu.memory_space<semaphore_mem>>)
      %dma_wait3A = arith.constant 0 : i32
      %dma_wait3A_34 = tpu.memref_slice %arg12[%add3A_7, %dma_wait3A] : memref<10240x128xf32, #tpu.memory_space<vmem_shared>> -> memref<128x128xf32, #tpu.memory_space<vmem_shared>>
      %dma_wait3A_35 = arith.constant 0 : i32
      %dma_wait3A_36 = tpu.memref_slice %arg12[%add3A_7, %dma_wait3A_35] : memref<10240x128xf32, #tpu.memory_space<vmem_shared>> -> memref<128x128xf32, #tpu.memory_space<vmem_shared>>
      tpu.wait_dma2 semaphore(%run_scoped3A : memref<!tpu.dma_semaphore, #tpu.memory_space<semaphore_mem>>) src(%arg10 : memref<128x128xf32, #tpu.memory_space<vmem>>) dst(%dma_wait3A_36 : memref<128x128xf32, #tpu.memory_space<vmem_shared>>)
      tpu.yield
    }) : () -> ()
    %mul3A_8 = arith.constant 640 : i32
    %mul3A_9 = arith.muli %arg1, %mul3A_8 : i32
    %add3A_10 = arith.constant 128 : i32
    %add3A_11 = arith.addi %mul3A_9, %add3A_10 : i32
    "tpu.region"() ({
      %run_scoped3A = tpu.sem_alloc : memref<!tpu.dma_semaphore, #tpu.memory_space<semaphore_mem>>
      %dma_start3A = arith.constant 0 : i32
      %dma_start3A_31 = tpu.memref_slice %arg12[%add3A_11, %dma_start3A] : memref<10240x128xf32, #tpu.memory_space<vmem_shared>> -> memref<128x128xf32, #tpu.memory_space<vmem_shared>>
      %dma_start3A_32 = arith.constant 0 : i32
      %dma_start3A_33 = tpu.memref_slice %arg12[%add3A_11, %dma_start3A_32] : memref<10240x128xf32, #tpu.memory_space<vmem_shared>> -> memref<128x128xf32, #tpu.memory_space<vmem_shared>>
      tpu.enqueue_dma source(%arg10 : memref<128x128xf32, #tpu.memory_space<vmem>>) target(%dma_start3A_33 : memref<128x128xf32, #tpu.memory_space<vmem_shared>>) target_semaphore(%run_scoped3A : memref<!tpu.dma_semaphore, #tpu.memory_space<semaphore_mem>>)
      %dma_wait3A = arith.constant 0 : i32
      %dma_wait3A_34 = tpu.memref_slice %arg12[%add3A_11, %dma_wait3A] : memref<10240x128xf32, #tpu.memory_space<vmem_shared>> -> memref<128x128xf32, #tpu.memory_space<vmem_shared>>
      %dma_wait3A_35 = arith.constant 0 : i32
      %dma_wait3A_36 = tpu.memref_slice %arg12[%add3A_11, %dma_wait3A_35] : memref<10240x128xf32, #tpu.memory_space<vmem_shared>> -> memref<128x128xf32, #tpu.memory_space<vmem_shared>>
      tpu.wait_dma2 semaphore(%run_scoped3A : memref<!tpu.dma_semaphore, #tpu.memory_space<semaphore_mem>>) src(%arg10 : memref<128x128xf32, #tpu.memory_space<vmem>>) dst(%dma_wait3A_36 : memref<128x128xf32, #tpu.memory_space<vmem_shared>>)
      tpu.yield
    }) : () -> ()
    %mul3A_12 = arith.constant 640 : i32
    %mul3A_13 = arith.muli %arg1, %mul3A_12 : i32
    %add3A_14 = arith.constant 256 : i32
    %add3A_15 = arith.addi %mul3A_13, %add3A_14 : i32
    "tpu.region"() ({
      %run_scoped3A = tpu.sem_alloc : memref<!tpu.dma_semaphore, #tpu.memory_space<semaphore_mem>>
      %dma_start3A = arith.constant 0 : i32
      %dma_start3A_31 = tpu.memref_slice %arg12[%add3A_15, %dma_start3A] : memref<10240x128xf32, #tpu.memory_space<vmem_shared>> -> memref<128x128xf32, #tpu.memory_space<vmem_shared>>
      %dma_start3A_32 = arith.constant 0 : i32
      %dma_start3A_33 = tpu.memref_slice %arg12[%add3A_15, %dma_start3A_32] : memref<10240x128xf32, #tpu.memory_space<vmem_shared>> -> memref<128x128xf32, #tpu.memory_space<vmem_shared>>
      tpu.enqueue_dma source(%arg10 : memref<128x128xf32, #tpu.memory_space<vmem>>) target(%dma_start3A_33 : memref<128x128xf32, #tpu.memory_space<vmem_shared>>) target_semaphore(%run_scoped3A : memref<!tpu.dma_semaphore, #tpu.memory_space<semaphore_mem>>)
      %dma_wait3A = arith.constant 0 : i32
      %dma_wait3A_34 = tpu.memref_slice %arg12[%add3A_15, %dma_wait3A] : memref<10240x128xf32, #tpu.memory_space<vmem_shared>> -> memref<128x128xf32, #tpu.memory_space<vmem_shared>>
      %dma_wait3A_35 = arith.constant 0 : i32
      %dma_wait3A_36 = tpu.memref_slice %arg12[%add3A_15, %dma_wait3A_35] : memref<10240x128xf32, #tpu.memory_space<vmem_shared>> -> memref<128x128xf32, #tpu.memory_space<vmem_shared>>
      tpu.wait_dma2 semaphore(%run_scoped3A : memref<!tpu.dma_semaphore, #tpu.memory_space<semaphore_mem>>) src(%arg10 : memref<128x128xf32, #tpu.memory_space<vmem>>) dst(%dma_wait3A_36 : memref<128x128xf32, #tpu.memory_space<vmem_shared>>)
      tpu.yield
    }) : () -> ()
    %mul3A_16 = arith.constant 640 : i32
    %mul3A_17 = arith.muli %arg1, %mul3A_16 : i32
    %add3A_18 = arith.constant 384 : i32
    %add3A_19 = arith.addi %mul3A_17, %add3A_18 : i32
    "tpu.region"() ({
      %run_scoped3A = tpu.sem_alloc : memref<!tpu.dma_semaphore, #tpu.memory_space<semaphore_mem>>
      %dma_start3A = arith.constant 0 : i32
      %dma_start3A_31 = tpu.memref_slice %arg12[%add3A_19, %dma_start3A] : memref<10240x128xf32, #tpu.memory_space<vmem_shared>> -> memref<128x128xf32, #tpu.memory_space<vmem_shared>>
      %dma_start3A_32 = arith.constant 0 : i32
      %dma_start3A_33 = tpu.memref_slice %arg12[%add3A_19, %dma_start3A_32] : memref<10240x128xf32, #tpu.memory_space<vmem_shared>> -> memref<128x128xf32, #tpu.memory_space<vmem_shared>>
      tpu.enqueue_dma source(%arg10 : memref<128x128xf32, #tpu.memory_space<vmem>>) target(%dma_start3A_33 : memref<128x128xf32, #tpu.memory_space<vmem_shared>>) target_semaphore(%run_scoped3A : memref<!tpu.dma_semaphore, #tpu.memory_space<semaphore_mem>>)
      %dma_wait3A = arith.constant 0 : i32
      %dma_wait3A_34 = tpu.memref_slice %arg12[%add3A_19, %dma_wait3A] : memref<10240x128xf32, #tpu.memory_space<vmem_shared>> -> memref<128x128xf32, #tpu.memory_space<vmem_shared>>
      %dma_wait3A_35 = arith.constant 0 : i32
      %dma_wait3A_36 = tpu.memref_slice %arg12[%add3A_19, %dma_wait3A_35] : memref<10240x128xf32, #tpu.memory_space<vmem_shared>> -> memref<128x128xf32, #tpu.memory_space<vmem_shared>>
      tpu.wait_dma2 semaphore(%run_scoped3A : memref<!tpu.dma_semaphore, #tpu.memory_space<semaphore_mem>>) src(%arg10 : memref<128x128xf32, #tpu.memory_space<vmem>>) dst(%dma_wait3A_36 : memref<128x128xf32, #tpu.memory_space<vmem_shared>>)
      tpu.yield
    }) : () -> ()
    %mul3A_20 = arith.constant 640 : i32
    %mul3A_21 = arith.muli %arg1, %mul3A_20 : i32
    %add3A_22 = arith.constant 512 : i32
    %add3A_23 = arith.addi %mul3A_21, %add3A_22 : i32
    "tpu.region"() ({
      %run_scoped3A = tpu.sem_alloc : memref<!tpu.dma_semaphore, #tpu.memory_space<semaphore_mem>>
      %dma_start3A = arith.constant 0 : i32
      %dma_start3A_31 = tpu.memref_slice %arg12[%add3A_23, %dma_start3A] : memref<10240x128xf32, #tpu.memory_space<vmem_shared>> -> memref<128x128xf32, #tpu.memory_space<vmem_shared>>
      %dma_start3A_32 = arith.constant 0 : i32
      %dma_start3A_33 = tpu.memref_slice %arg12[%add3A_23, %dma_start3A_32] : memref<10240x128xf32, #tpu.memory_space<vmem_shared>> -> memref<128x128xf32, #tpu.memory_space<vmem_shared>>
      tpu.enqueue_dma source(%arg10 : memref<128x128xf32, #tpu.memory_space<vmem>>) target(%dma_start3A_33 : memref<128x128xf32, #tpu.memory_space<vmem_shared>>) target_semaphore(%run_scoped3A : memref<!tpu.dma_semaphore, #tpu.memory_space<semaphore_mem>>)
      %dma_wait3A = arith.constant 0 : i32
      %dma_wait3A_34 = tpu.memref_slice %arg12[%add3A_23, %dma_wait3A] : memref<10240x128xf32, #tpu.memory_space<vmem_shared>> -> memref<128x128xf32, #tpu.memory_space<vmem_shared>>
      %dma_wait3A_35 = arith.constant 0 : i32
      %dma_wait3A_36 = tpu.memref_slice %arg12[%add3A_23, %dma_wait3A_35] : memref<10240x128xf32, #tpu.memory_space<vmem_shared>> -> memref<128x128xf32, #tpu.memory_space<vmem_shared>>
      tpu.wait_dma2 semaphore(%run_scoped3A : memref<!tpu.dma_semaphore, #tpu.memory_space<semaphore_mem>>) src(%arg10 : memref<128x128xf32, #tpu.memory_space<vmem>>) dst(%dma_wait3A_36 : memref<128x128xf32, #tpu.memory_space<vmem_shared>>)
      tpu.yield
    }) : () -> ()
    %barrier3A = arith.constant 0 : index
    tpu.barrier barrier_id(%barrier3A)
    %eq3A = arith.constant 0 : i32
    %eq3A_24 = arith.cmpi eq, %arg0, %eq3A : i32
    %convert_element_type3A = arith.extui %eq3A_24 : i1 to i32
    %cond3A = arith.constant 0 : i32
    %cond3A_25 = arith.cmpi ne, %convert_element_type3A, %cond3A : i32
    scf.if %cond3A_25 {
      "tpu.region"() ({
        %run_scoped3A_107 = tpu.sem_alloc : memref<!tpu.dma_semaphore, #tpu.memory_space<semaphore_mem>>
        %dma_start3A_108 = arith.constant 0 : i32
        %dma_start3A_109 = arith.constant 0 : i32
        %dma_start3A_110 = tpu.memref_slice %arg4[%arg1, %dma_start3A_108, %dma_start3A_109] : memref<16x80x128xi32, #tpu.memory_space<hbm>> -> memref<1x40x128xi32, #tpu.memory_space<hbm>>
        %dma_start3A_111 = tpu.memref_squeeze %dma_start3A_110 : memref<1x40x128xi32, #tpu.memory_space<hbm>> -> memref<40x128xi32, #tpu.memory_space<hbm>>
        %dma_start3A_112 = arith.constant 0 : i32
        %dma_start3A_113 = arith.constant 0 : i32
        %dma_start3A_114 = tpu.memref_slice %arg4[%arg1, %dma_start3A_112, %dma_start3A_113] : memref<16x80x128xi32, #tpu.memory_space<hbm>> -> memref<1x40x128xi32, #tpu.memory_space<hbm>>
        %dma_start3A_115 = tpu.memref_squeeze %dma_start3A_114 : memref<1x40x128xi32, #tpu.memory_space<hbm>> -> memref<40x128xi32, #tpu.memory_space<hbm>>
        tpu.enqueue_dma source(%dma_start3A_115 : memref<40x128xi32, #tpu.memory_space<hbm>>) target(%arg8 : memref<40x128xi32, #tpu.memory_space<vmem>>) target_semaphore(%run_scoped3A_107 : memref<!tpu.dma_semaphore, #tpu.memory_space<semaphore_mem>>)
        %dma_wait3A_116 = arith.constant 0 : i32
        %dma_wait3A_117 = arith.constant 0 : i32
        %dma_wait3A_118 = tpu.memref_slice %arg4[%arg1, %dma_wait3A_116, %dma_wait3A_117] : memref<16x80x128xi32, #tpu.memory_space<hbm>> -> memref<1x40x128xi32, #tpu.memory_space<hbm>>
        %dma_wait3A_119 = tpu.memref_squeeze %dma_wait3A_118 : memref<1x40x128xi32, #tpu.memory_space<hbm>> -> memref<40x128xi32, #tpu.memory_space<hbm>>
        %dma_wait3A_120 = arith.constant 0 : i32
        %dma_wait3A_121 = arith.constant 0 : i32
        %dma_wait3A_122 = tpu.memref_slice %arg4[%arg1, %dma_wait3A_120, %dma_wait3A_121] : memref<16x80x128xi32, #tpu.memory_space<hbm>> -> memref<1x40x128xi32, #tpu.memory_space<hbm>>
        %dma_wait3A_123 = tpu.memref_squeeze %dma_wait3A_122 : memref<1x40x128xi32, #tpu.memory_space<hbm>> -> memref<40x128xi32, #tpu.memory_space<hbm>>
        tpu.wait_dma2 semaphore(%run_scoped3A_107 : memref<!tpu.dma_semaphore, #tpu.memory_space<semaphore_mem>>) src(%dma_wait3A_123 : memref<40x128xi32, #tpu.memory_space<hbm>>) dst(%arg8 : memref<40x128xi32, #tpu.memory_space<vmem>>)
        tpu.yield
      }) : () -> ()
      "tpu.region"() ({
        %run_scoped3A_107 = tpu.sem_alloc : memref<!tpu.dma_semaphore, #tpu.memory_space<semaphore_mem>>
        %dma_start3A_108 = arith.constant 0 : i32
        %dma_start3A_109 = arith.constant 0 : i32
        %dma_start3A_110 = tpu.memref_slice %arg5[%arg1, %dma_start3A_108, %dma_start3A_109] : memref<16x80x128xi32, #tpu.memory_space<hbm>> -> memref<1x40x128xi32, #tpu.memory_space<hbm>>
        %dma_start3A_111 = tpu.memref_squeeze %dma_start3A_110 : memref<1x40x128xi32, #tpu.memory_space<hbm>> -> memref<40x128xi32, #tpu.memory_space<hbm>>
        %dma_start3A_112 = arith.constant 0 : i32
        %dma_start3A_113 = arith.constant 0 : i32
        %dma_start3A_114 = tpu.memref_slice %arg5[%arg1, %dma_start3A_112, %dma_start3A_113] : memref<16x80x128xi32, #tpu.memory_space<hbm>> -> memref<1x40x128xi32, #tpu.memory_space<hbm>>
        %dma_start3A_115 = tpu.memref_squeeze %dma_start3A_114 : memref<1x40x128xi32, #tpu.memory_space<hbm>> -> memref<40x128xi32, #tpu.memory_space<hbm>>
        tpu.enqueue_dma source(%dma_start3A_115 : memref<40x128xi32, #tpu.memory_space<hbm>>) target(%arg9 : memref<40x128xi32, #tpu.memory_space<vmem>>) target_semaphore(%run_scoped3A_107 : memref<!tpu.dma_semaphore, #tpu.memory_space<semaphore_mem>>)
        %dma_wait3A_116 = arith.constant 0 : i32
        %dma_wait3A_117 = arith.constant 0 : i32
        %dma_wait3A_118 = tpu.memref_slice %arg5[%arg1, %dma_wait3A_116, %dma_wait3A_117] : memref<16x80x128xi32, #tpu.memory_space<hbm>> -> memref<1x40x128xi32, #tpu.memory_space<hbm>>
        %dma_wait3A_119 = tpu.memref_squeeze %dma_wait3A_118 : memref<1x40x128xi32, #tpu.memory_space<hbm>> -> memref<40x128xi32, #tpu.memory_space<hbm>>
        %dma_wait3A_120 = arith.constant 0 : i32
        %dma_wait3A_121 = arith.constant 0 : i32
        %dma_wait3A_122 = tpu.memref_slice %arg5[%arg1, %dma_wait3A_120, %dma_wait3A_121] : memref<16x80x128xi32, #tpu.memory_space<hbm>> -> memref<1x40x128xi32, #tpu.memory_space<hbm>>
        %dma_wait3A_123 = tpu.memref_squeeze %dma_wait3A_122 : memref<1x40x128xi32, #tpu.memory_space<hbm>> -> memref<40x128xi32, #tpu.memory_space<hbm>>
        tpu.wait_dma2 semaphore(%run_scoped3A_107 : memref<!tpu.dma_semaphore, #tpu.memory_space<semaphore_mem>>) src(%dma_wait3A_123 : memref<40x128xi32, #tpu.memory_space<hbm>>) dst(%arg9 : memref<40x128xi32, #tpu.memory_space<vmem>>)
        tpu.yield
      }) : () -> ()
      %dma_start3A = arith.constant 0 : i32
      %dma_start3A_31 = arith.constant 0 : i32
      %dma_start3A_32 = tpu.memref_slice %arg8[%dma_start3A, %dma_start3A_31] : memref<40x128xi32, #tpu.memory_space<vmem>> -> memref<1x128xi32, #tpu.memory_space<vmem>>
      %dma_start3A_33 = tpu.memref_squeeze %dma_start3A_32 : memref<1x128xi32, #tpu.memory_space<vmem>> -> memref<128xi32, #tpu.memory_space<vmem>>
      %dma_start3A_34 = arith.constant 0 : i32
      %dma_start3A_35 = arith.constant 0 : i32
      %dma_start3A_36 = tpu.memref_slice %arg2[%dma_start3A_34, %dma_start3A_35] : memref<10240x128xf32, #tpu.memory_space<hbm>> -> memref<10240x128xf32, #tpu.memory_space<hbm>>
      tpu.enqueue_indirect_dma source(%dma_start3A_36 : memref<10240x128xf32, #tpu.memory_space<hbm>>) target(%arg10 : memref<128x128xf32, #tpu.memory_space<vmem>>) offsets(%dma_start3A_33 : memref<128xi32, #tpu.memory_space<vmem>>) semaphore(%arg13 : memref<!tpu.dma_semaphore, #tpu.memory_space<semaphore_mem>>)
      %dma_start3A_37 = arith.constant 1 : i32
      %dma_start3A_38 = arith.constant 0 : i32
      %dma_start3A_39 = tpu.memref_slice %arg8[%dma_start3A_37, %dma_start3A_38] : memref<40x128xi32, #tpu.memory_space<vmem>> -> memref<1x128xi32, #tpu.memory_space<vmem>>
      %dma_start3A_40 = tpu.memref_squeeze %dma_start3A_39 : memref<1x128xi32, #tpu.memory_space<vmem>> -> memref<128xi32, #tpu.memory_space<vmem>>
      %dma_start3A_41 = arith.constant 0 : i32
      %dma_start3A_42 = arith.constant 0 : i32
      %dma_start3A_43 = tpu.memref_slice %arg2[%dma_start3A_41, %dma_start3A_42] : memref<10240x128xf32, #tpu.memory_space<hbm>> -> memref<10240x128xf32, #tpu.memory_space<hbm>>
      tpu.enqueue_indirect_dma source(%dma_start3A_43 : memref<10240x128xf32, #tpu.memory_space<hbm>>) target(%arg11 : memref<128x128xf32, #tpu.memory_space<vmem>>) offsets(%dma_start3A_40 : memref<128xi32, #tpu.memory_space<vmem>>) semaphore(%arg14 : memref<!tpu.dma_semaphore, #tpu.memory_space<semaphore_mem>>)
      %scan3A_44 = arith.constant 0 : i32
      %scan3A_45 = arith.constant 0 : i32
      %scan3A_46 = arith.constant 19 : i32
      %scan3A_47 = arith.addi %scan3A_45, %scan3A_46 : i32
      %scan3A_48 = arith.constant 1 : i32
      %scan3A_49 = scf.for %scan3A_107 = %scan3A_45 to %scan3A_47 step %scan3A_48 iter_args(%scan3A_108 = %scan3A_44) -> (i32)  : i32 {
        %mul3A_109 = arith.constant 2 : i32
        %mul3A_110 = arith.muli %scan3A_107, %mul3A_109 : i32
        %dma_wait3A_111 = arith.constant 0 : i32
        %dma_wait3A_112 = tpu.memref_slice %arg8[%mul3A_110, %dma_wait3A_111] : memref<40x128xi32, #tpu.memory_space<vmem>> -> memref<1x128xi32, #tpu.memory_space<vmem>>
        %dma_wait3A_113 = tpu.memref_squeeze %dma_wait3A_112 : memref<1x128xi32, #tpu.memory_space<vmem>> -> memref<128xi32, #tpu.memory_space<vmem>>
        %dma_wait3A_114 = arith.constant 0 : i32
        %dma_wait3A_115 = arith.constant 0 : i32
        %dma_wait3A_116 = tpu.memref_slice %arg2[%dma_wait3A_114, %dma_wait3A_115] : memref<10240x128xf32, #tpu.memory_space<hbm>> -> memref<10240x128xf32, #tpu.memory_space<hbm>>
        tpu.wait_indirect_dma semaphore(%arg13 : memref<!tpu.dma_semaphore, #tpu.memory_space<semaphore_mem>>) src(%dma_wait3A_116 : memref<10240x128xf32, #tpu.memory_space<hbm>>) dst(%arg10 : memref<128x128xf32, #tpu.memory_space<vmem>>)
        "tpu.region"() ({
          %run_scoped3A_144 = tpu.sem_alloc : memref<!tpu.dma_semaphore, #tpu.memory_space<semaphore_mem>>
          %dma_start3A_145 = arith.constant 0 : i32
          %dma_start3A_146 = tpu.memref_slice %arg9[%mul3A_110, %dma_start3A_145] : memref<40x128xi32, #tpu.memory_space<vmem>> -> memref<1x128xi32, #tpu.memory_space<vmem>>
          %dma_start3A_147 = tpu.memref_squeeze %dma_start3A_146 : memref<1x128xi32, #tpu.memory_space<vmem>> -> memref<128xi32, #tpu.memory_space<vmem>>
          %dma_start3A_148 = arith.constant 0 : i32
          %dma_start3A_149 = arith.constant 0 : i32
          %dma_start3A_150 = tpu.memref_slice %arg12[%dma_start3A_148, %dma_start3A_149] : memref<10240x128xf32, #tpu.memory_space<vmem_shared>> -> memref<10240x128xf32, #tpu.memory_space<vmem_shared>>
          tpu.enqueue_indirect_dma source(%arg10 : memref<128x128xf32, #tpu.memory_space<vmem>>) target(%dma_start3A_150 : memref<10240x128xf32, #tpu.memory_space<vmem_shared>>) offsets(%dma_start3A_147 : memref<128xi32, #tpu.memory_space<vmem>>) semaphore(%run_scoped3A_144 : memref<!tpu.dma_semaphore, #tpu.memory_space<semaphore_mem>>) {add = true}
          %dma_wait3A_151 = arith.constant 0 : i32
          %dma_wait3A_152 = tpu.memref_slice %arg9[%mul3A_110, %dma_wait3A_151] : memref<40x128xi32, #tpu.memory_space<vmem>> -> memref<1x128xi32, #tpu.memory_space<vmem>>
          %dma_wait3A_153 = tpu.memref_squeeze %dma_wait3A_152 : memref<1x128xi32, #tpu.memory_space<vmem>> -> memref<128xi32, #tpu.memory_space<vmem>>
          %dma_wait3A_154 = arith.constant 0 : i32
          %dma_wait3A_155 = arith.constant 0 : i32
          %dma_wait3A_156 = tpu.memref_slice %arg12[%dma_wait3A_154, %dma_wait3A_155] : memref<10240x128xf32, #tpu.memory_space<vmem_shared>> -> memref<10240x128xf32, #tpu.memory_space<vmem_shared>>
          tpu.wait_indirect_dma semaphore(%run_scoped3A_144 : memref<!tpu.dma_semaphore, #tpu.memory_space<semaphore_mem>>) src(%arg10 : memref<128x128xf32, #tpu.memory_space<vmem>>) dst(%dma_wait3A_156 : memref<10240x128xf32, #tpu.memory_space<vmem_shared>>)
          tpu.yield
        }) : () -> ()
        %add3A_117 = arith.constant 2 : i32
        %add3A_118 = arith.addi %mul3A_110, %add3A_117 : i32
        %dma_start3A_119 = arith.constant 0 : i32
        %dma_start3A_120 = tpu.memref_slice %arg8[%add3A_118, %dma_start3A_119] : memref<40x128xi32, #tpu.memory_space<vmem>> -> memref<1x128xi32, #tpu.memory_space<vmem>>
        %dma_start3A_121 = tpu.memref_squeeze %dma_start3A_120 : memref<1x128xi32, #tpu.memory_space<vmem>> -> memref<128xi32, #tpu.memory_space<vmem>>
        %dma_start3A_122 = arith.constant 0 : i32
        %dma_start3A_123 = arith.constant 0 : i32
        %dma_start3A_124 = tpu.memref_slice %arg2[%dma_start3A_122, %dma_start3A_123] : memref<10240x128xf32, #tpu.memory_space<hbm>> -> memref<10240x128xf32, #tpu.memory_space<hbm>>
        tpu.enqueue_indirect_dma source(%dma_start3A_124 : memref<10240x128xf32, #tpu.memory_space<hbm>>) target(%arg10 : memref<128x128xf32, #tpu.memory_space<vmem>>) offsets(%dma_start3A_121 : memref<128xi32, #tpu.memory_space<vmem>>) semaphore(%arg13 : memref<!tpu.dma_semaphore, #tpu.memory_space<semaphore_mem>>)
        %add3A_125 = arith.constant 1 : i32
        %add3A_126 = arith.addi %mul3A_110, %add3A_125 : i32
        %dma_wait3A_127 = arith.constant 0 : i32
        %dma_wait3A_128 = tpu.memref_slice %arg8[%add3A_126, %dma_wait3A_127] : memref<40x128xi32, #tpu.memory_space<vmem>> -> memref<1x128xi32, #tpu.memory_space<vmem>>
        %dma_wait3A_129 = tpu.memref_squeeze %dma_wait3A_128 : memref<1x128xi32, #tpu.memory_space<vmem>> -> memref<128xi32, #tpu.memory_space<vmem>>
        %dma_wait3A_130 = arith.constant 0 : i32
        %dma_wait3A_131 = arith.constant 0 : i32
        %dma_wait3A_132 = tpu.memref_slice %arg2[%dma_wait3A_130, %dma_wait3A_131] : memref<10240x128xf32, #tpu.memory_space<hbm>> -> memref<10240x128xf32, #tpu.memory_space<hbm>>
        tpu.wait_indirect_dma semaphore(%arg14 : memref<!tpu.dma_semaphore, #tpu.memory_space<semaphore_mem>>) src(%dma_wait3A_132 : memref<10240x128xf32, #tpu.memory_space<hbm>>) dst(%arg11 : memref<128x128xf32, #tpu.memory_space<vmem>>)
        %add3A_133 = arith.constant 1 : i32
        %add3A_134 = arith.addi %mul3A_110, %add3A_133 : i32
        "tpu.region"() ({
          %run_scoped3A_144 = tpu.sem_alloc : memref<!tpu.dma_semaphore, #tpu.memory_space<semaphore_mem>>
          %dma_start3A_145 = arith.constant 0 : i32
          %dma_start3A_146 = tpu.memref_slice %arg9[%add3A_134, %dma_start3A_145] : memref<40x128xi32, #tpu.memory_space<vmem>> -> memref<1x128xi32, #tpu.memory_space<vmem>>
          %dma_start3A_147 = tpu.memref_squeeze %dma_start3A_146 : memref<1x128xi32, #tpu.memory_space<vmem>> -> memref<128xi32, #tpu.memory_space<vmem>>
          %dma_start3A_148 = arith.constant 0 : i32
          %dma_start3A_149 = arith.constant 0 : i32
          %dma_start3A_150 = tpu.memref_slice %arg12[%dma_start3A_148, %dma_start3A_149] : memref<10240x128xf32, #tpu.memory_space<vmem_shared>> -> memref<10240x128xf32, #tpu.memory_space<vmem_shared>>
          tpu.enqueue_indirect_dma source(%arg11 : memref<128x128xf32, #tpu.memory_space<vmem>>) target(%dma_start3A_150 : memref<10240x128xf32, #tpu.memory_space<vmem_shared>>) offsets(%dma_start3A_147 : memref<128xi32, #tpu.memory_space<vmem>>) semaphore(%run_scoped3A_144 : memref<!tpu.dma_semaphore, #tpu.memory_space<semaphore_mem>>) {add = true}
          %dma_wait3A_151 = arith.constant 0 : i32
          %dma_wait3A_152 = tpu.memref_slice %arg9[%add3A_134, %dma_wait3A_151] : memref<40x128xi32, #tpu.memory_space<vmem>> -> memref<1x128xi32, #tpu.memory_space<vmem>>
          %dma_wait3A_153 = tpu.memref_squeeze %dma_wait3A_152 : memref<1x128xi32, #tpu.memory_space<vmem>> -> memref<128xi32, #tpu.memory_space<vmem>>
          %dma_wait3A_154 = arith.constant 0 : i32
          %dma_wait3A_155 = arith.constant 0 : i32
          %dma_wait3A_156 = tpu.memref_slice %arg12[%dma_wait3A_154, %dma_wait3A_155] : memref<10240x128xf32, #tpu.memory_space<vmem_shared>> -> memref<10240x128xf32, #tpu.memory_space<vmem_shared>>
          tpu.wait_indirect_dma semaphore(%run_scoped3A_144 : memref<!tpu.dma_semaphore, #tpu.memory_space<semaphore_mem>>) src(%arg11 : memref<128x128xf32, #tpu.memory_space<vmem>>) dst(%dma_wait3A_156 : memref<10240x128xf32, #tpu.memory_space<vmem_shared>>)
          tpu.yield
        }) : () -> ()
        %add3A_135 = arith.constant 3 : i32
        %add3A_136 = arith.addi %mul3A_110, %add3A_135 : i32
        %dma_start3A_137 = arith.constant 0 : i32
        %dma_start3A_138 = tpu.memref_slice %arg8[%add3A_136, %dma_start3A_137] : memref<40x128xi32, #tpu.memory_space<vmem>> -> memref<1x128xi32, #tpu.memory_space<vmem>>
        %dma_start3A_139 = tpu.memref_squeeze %dma_start3A_138 : memref<1x128xi32, #tpu.memory_space<vmem>> -> memref<128xi32, #tpu.memory_space<vmem>>
        %dma_start3A_140 = arith.constant 0 : i32
        %dma_start3A_141 = arith.constant 0 : i32
        %dma_start3A_142 = tpu.memref_slice %arg2[%dma_start3A_140, %dma_start3A_141] : memref<10240x128xf32, #tpu.memory_space<hbm>> -> memref<10240x128xf32, #tpu.memory_space<hbm>>
        tpu.enqueue_indirect_dma source(%dma_start3A_142 : memref<10240x128xf32, #tpu.memory_space<hbm>>) target(%arg11 : memref<128x128xf32, #tpu.memory_space<vmem>>) offsets(%dma_start3A_139 : memref<128xi32, #tpu.memory_space<vmem>>) semaphore(%arg14 : memref<!tpu.dma_semaphore, #tpu.memory_space<semaphore_mem>>)
        %scan3A_143 = arith.constant 0 : i32
        scf.yield %scan3A_143 : i32
      }
      %scan3A_50 = arith.constant 19 : i32
      %dma_wait3A = arith.constant 38 : i32
      %dma_wait3A_51 = arith.constant 0 : i32
      %dma_wait3A_52 = tpu.memref_slice %arg8[%dma_wait3A, %dma_wait3A_51] : memref<40x128xi32, #tpu.memory_space<vmem>> -> memref<1x128xi32, #tpu.memory_space<vmem>>
      %dma_wait3A_53 = tpu.memref_squeeze %dma_wait3A_52 : memref<1x128xi32, #tpu.memory_space<vmem>> -> memref<128xi32, #tpu.memory_space<vmem>>
      %dma_wait3A_54 = arith.constant 0 : i32
      %dma_wait3A_55 = arith.constant 0 : i32
      %dma_wait3A_56 = tpu.memref_slice %arg2[%dma_wait3A_54, %dma_wait3A_55] : memref<10240x128xf32, #tpu.memory_space<hbm>> -> memref<10240x128xf32, #tpu.memory_space<hbm>>
      tpu.wait_indirect_dma semaphore(%arg13 : memref<!tpu.dma_semaphore, #tpu.memory_space<semaphore_mem>>) src(%dma_wait3A_56 : memref<10240x128xf32, #tpu.memory_space<hbm>>) dst(%arg10 : memref<128x128xf32, #tpu.memory_space<vmem>>)
      %run_scoped3A = arith.constant 38 : i32
      "tpu.region"() ({
        %run_scoped3A_107 = tpu.sem_alloc : memref<!tpu.dma_semaphore, #tpu.memory_space<semaphore_mem>>
        %dma_start3A_108 = arith.constant 0 : i32
        %dma_start3A_109 = tpu.memref_slice %arg9[%run_scoped3A, %dma_start3A_108] : memref<40x128xi32, #tpu.memory_space<vmem>> -> memref<1x128xi32, #tpu.memory_space<vmem>>
        %dma_start3A_110 = tpu.memref_squeeze %dma_start3A_109 : memref<1x128xi32, #tpu.memory_space<vmem>> -> memref<128xi32, #tpu.memory_space<vmem>>
        %dma_start3A_111 = arith.constant 0 : i32
        %dma_start3A_112 = arith.constant 0 : i32
        %dma_start3A_113 = tpu.memref_slice %arg12[%dma_start3A_111, %dma_start3A_112] : memref<10240x128xf32, #tpu.memory_space<vmem_shared>> -> memref<10240x128xf32, #tpu.memory_space<vmem_shared>>
        tpu.enqueue_indirect_dma source(%arg10 : memref<128x128xf32, #tpu.memory_space<vmem>>) target(%dma_start3A_113 : memref<10240x128xf32, #tpu.memory_space<vmem_shared>>) offsets(%dma_start3A_110 : memref<128xi32, #tpu.memory_space<vmem>>) semaphore(%run_scoped3A_107 : memref<!tpu.dma_semaphore, #tpu.memory_space<semaphore_mem>>) {add = true}
        %dma_wait3A_114 = arith.constant 0 : i32
        %dma_wait3A_115 = tpu.memref_slice %arg9[%run_scoped3A, %dma_wait3A_114] : memref<40x128xi32, #tpu.memory_space<vmem>> -> memref<1x128xi32, #tpu.memory_space<vmem>>
        %dma_wait3A_116 = tpu.memref_squeeze %dma_wait3A_115 : memref<1x128xi32, #tpu.memory_space<vmem>> -> memref<128xi32, #tpu.memory_space<vmem>>
        %dma_wait3A_117 = arith.constant 0 : i32
        %dma_wait3A_118 = arith.constant 0 : i32
        %dma_wait3A_119 = tpu.memref_slice %arg12[%dma_wait3A_117, %dma_wait3A_118] : memref<10240x128xf32, #tpu.memory_space<vmem_shared>> -> memref<10240x128xf32, #tpu.memory_space<vmem_shared>>
        tpu.wait_indirect_dma semaphore(%run_scoped3A_107 : memref<!tpu.dma_semaphore, #tpu.memory_space<semaphore_mem>>) src(%arg10 : memref<128x128xf32, #tpu.memory_space<vmem>>) dst(%dma_wait3A_119 : memref<10240x128xf32, #tpu.memory_space<vmem_shared>>)
        tpu.yield
      }) : () -> ()
      %dma_wait3A_57 = arith.constant 39 : i32
      %dma_wait3A_58 = arith.constant 0 : i32
      %dma_wait3A_59 = tpu.memref_slice %arg8[%dma_wait3A_57, %dma_wait3A_58] : memref<40x128xi32, #tpu.memory_space<vmem>> -> memref<1x128xi32, #tpu.memory_space<vmem>>
      %dma_wait3A_60 = tpu.memref_squeeze %dma_wait3A_59 : memref<1x128xi32, #tpu.memory_space<vmem>> -> memref<128xi32, #tpu.memory_space<vmem>>
      %dma_wait3A_61 = arith.constant 0 : i32
      %dma_wait3A_62 = arith.constant 0 : i32
      %dma_wait3A_63 = tpu.memref_slice %arg2[%dma_wait3A_61, %dma_wait3A_62] : memref<10240x128xf32, #tpu.memory_space<hbm>> -> memref<10240x128xf32, #tpu.memory_space<hbm>>
      tpu.wait_indirect_dma semaphore(%arg14 : memref<!tpu.dma_semaphore, #tpu.memory_space<semaphore_mem>>) src(%dma_wait3A_63 : memref<10240x128xf32, #tpu.memory_space<hbm>>) dst(%arg11 : memref<128x128xf32, #tpu.memory_space<vmem>>)
      %run_scoped3A_64 = arith.constant 39 : i32
      "tpu.region"() ({
        %run_scoped3A_107 = tpu.sem_alloc : memref<!tpu.dma_semaphore, #tpu.memory_space<semaphore_mem>>
        %dma_start3A_108 = arith.constant 0 : i32
        %dma_start3A_109 = tpu.memref_slice %arg9[%run_scoped3A_64, %dma_start3A_108] : memref<40x128xi32, #tpu.memory_space<vmem>> -> memref<1x128xi32, #tpu.memory_space<vmem>>
        %dma_start3A_110 = tpu.memref_squeeze %dma_start3A_109 : memref<1x128xi32, #tpu.memory_space<vmem>> -> memref<128xi32, #tpu.memory_space<vmem>>
        %dma_start3A_111 = arith.constant 0 : i32
        %dma_start3A_112 = arith.constant 0 : i32
        %dma_start3A_113 = tpu.memref_slice %arg12[%dma_start3A_111, %dma_start3A_112] : memref<10240x128xf32, #tpu.memory_space<vmem_shared>> -> memref<10240x128xf32, #tpu.memory_space<vmem_shared>>
        tpu.enqueue_indirect_dma source(%arg11 : memref<128x128xf32, #tpu.memory_space<vmem>>) target(%dma_start3A_113 : memref<10240x128xf32, #tpu.memory_space<vmem_shared>>) offsets(%dma_start3A_110 : memref<128xi32, #tpu.memory_space<vmem>>) semaphore(%run_scoped3A_107 : memref<!tpu.dma_semaphore, #tpu.memory_space<semaphore_mem>>) {add = true}
        %dma_wait3A_114 = arith.constant 0 : i32
        %dma_wait3A_115 = tpu.memref_slice %arg9[%run_scoped3A_64, %dma_wait3A_114] : memref<40x128xi32, #tpu.memory_space<vmem>> -> memref<1x128xi32, #tpu.memory_space<vmem>>
        %dma_wait3A_116 = tpu.memref_squeeze %dma_wait3A_115 : memref<1x128xi32, #tpu.memory_space<vmem>> -> memref<128xi32, #tpu.memory_space<vmem>>
        %dma_wait3A_117 = arith.constant 0 : i32
        %dma_wait3A_118 = arith.constant 0 : i32
        %dma_wait3A_119 = tpu.memref_slice %arg12[%dma_wait3A_117, %dma_wait3A_118] : memref<10240x128xf32, #tpu.memory_space<vmem_shared>> -> memref<10240x128xf32, #tpu.memory_space<vmem_shared>>
        tpu.wait_indirect_dma semaphore(%run_scoped3A_107 : memref<!tpu.dma_semaphore, #tpu.memory_space<semaphore_mem>>) src(%arg11 : memref<128x128xf32, #tpu.memory_space<vmem>>) dst(%dma_wait3A_119 : memref<10240x128xf32, #tpu.memory_space<vmem_shared>>)
        tpu.yield
      }) : () -> ()
      "tpu.region"() ({
        %run_scoped3A_107 = tpu.sem_alloc : memref<!tpu.dma_semaphore, #tpu.memory_space<semaphore_mem>>
        %dma_start3A_108 = arith.constant 40 : i32
        %dma_start3A_109 = arith.constant 0 : i32
        %dma_start3A_110 = tpu.memref_slice %arg4[%arg1, %dma_start3A_108, %dma_start3A_109] : memref<16x80x128xi32, #tpu.memory_space<hbm>> -> memref<1x40x128xi32, #tpu.memory_space<hbm>>
        %dma_start3A_111 = tpu.memref_squeeze %dma_start3A_110 : memref<1x40x128xi32, #tpu.memory_space<hbm>> -> memref<40x128xi32, #tpu.memory_space<hbm>>
        %dma_start3A_112 = arith.constant 40 : i32
        %dma_start3A_113 = arith.constant 0 : i32
        %dma_start3A_114 = tpu.memref_slice %arg4[%arg1, %dma_start3A_112, %dma_start3A_113] : memref<16x80x128xi32, #tpu.memory_space<hbm>> -> memref<1x40x128xi32, #tpu.memory_space<hbm>>
        %dma_start3A_115 = tpu.memref_squeeze %dma_start3A_114 : memref<1x40x128xi32, #tpu.memory_space<hbm>> -> memref<40x128xi32, #tpu.memory_space<hbm>>
        tpu.enqueue_dma source(%dma_start3A_115 : memref<40x128xi32, #tpu.memory_space<hbm>>) target(%arg8 : memref<40x128xi32, #tpu.memory_space<vmem>>) target_semaphore(%run_scoped3A_107 : memref<!tpu.dma_semaphore, #tpu.memory_space<semaphore_mem>>)
        %dma_wait3A_116 = arith.constant 40 : i32
        %dma_wait3A_117 = arith.constant 0 : i32
        %dma_wait3A_118 = tpu.memref_slice %arg4[%arg1, %dma_wait3A_116, %dma_wait3A_117] : memref<16x80x128xi32, #tpu.memory_space<hbm>> -> memref<1x40x128xi32, #tpu.memory_space<hbm>>
        %dma_wait3A_119 = tpu.memref_squeeze %dma_wait3A_118 : memref<1x40x128xi32, #tpu.memory_space<hbm>> -> memref<40x128xi32, #tpu.memory_space<hbm>>
        %dma_wait3A_120 = arith.constant 40 : i32
        %dma_wait3A_121 = arith.constant 0 : i32
        %dma_wait3A_122 = tpu.memref_slice %arg4[%arg1, %dma_wait3A_120, %dma_wait3A_121] : memref<16x80x128xi32, #tpu.memory_space<hbm>> -> memref<1x40x128xi32, #tpu.memory_space<hbm>>
        %dma_wait3A_123 = tpu.memref_squeeze %dma_wait3A_122 : memref<1x40x128xi32, #tpu.memory_space<hbm>> -> memref<40x128xi32, #tpu.memory_space<hbm>>
        tpu.wait_dma2 semaphore(%run_scoped3A_107 : memref<!tpu.dma_semaphore, #tpu.memory_space<semaphore_mem>>) src(%dma_wait3A_123 : memref<40x128xi32, #tpu.memory_space<hbm>>) dst(%arg8 : memref<40x128xi32, #tpu.memory_space<vmem>>)
        tpu.yield
      }) : () -> ()
      "tpu.region"() ({
        %run_scoped3A_107 = tpu.sem_alloc : memref<!tpu.dma_semaphore, #tpu.memory_space<semaphore_mem>>
        %dma_start3A_108 = arith.constant 40 : i32
        %dma_start3A_109 = arith.constant 0 : i32
        %dma_start3A_110 = tpu.memref_slice %arg5[%arg1, %dma_start3A_108, %dma_start3A_109] : memref<16x80x128xi32, #tpu.memory_space<hbm>> -> memref<1x40x128xi32, #tpu.memory_space<hbm>>
        %dma_start3A_111 = tpu.memref_squeeze %dma_start3A_110 : memref<1x40x128xi32, #tpu.memory_space<hbm>> -> memref<40x128xi32, #tpu.memory_space<hbm>>
        %dma_start3A_112 = arith.constant 40 : i32
        %dma_start3A_113 = arith.constant 0 : i32
        %dma_start3A_114 = tpu.memref_slice %arg5[%arg1, %dma_start3A_112, %dma_start3A_113] : memref<16x80x128xi32, #tpu.memory_space<hbm>> -> memref<1x40x128xi32, #tpu.memory_space<hbm>>
        %dma_start3A_115 = tpu.memref_squeeze %dma_start3A_114 : memref<1x40x128xi32, #tpu.memory_space<hbm>> -> memref<40x128xi32, #tpu.memory_space<hbm>>
        tpu.enqueue_dma source(%dma_start3A_115 : memref<40x128xi32, #tpu.memory_space<hbm>>) target(%arg9 : memref<40x128xi32, #tpu.memory_space<vmem>>) target_semaphore(%run_scoped3A_107 : memref<!tpu.dma_semaphore, #tpu.memory_space<semaphore_mem>>)
        %dma_wait3A_116 = arith.constant 40 : i32
        %dma_wait3A_117 = arith.constant 0 : i32
        %dma_wait3A_118 = tpu.memref_slice %arg5[%arg1, %dma_wait3A_116, %dma_wait3A_117] : memref<16x80x128xi32, #tpu.memory_space<hbm>> -> memref<1x40x128xi32, #tpu.memory_space<hbm>>
        %dma_wait3A_119 = tpu.memref_squeeze %dma_wait3A_118 : memref<1x40x128xi32, #tpu.memory_space<hbm>> -> memref<40x128xi32, #tpu.memory_space<hbm>>
        %dma_wait3A_120 = arith.constant 40 : i32
        %dma_wait3A_121 = arith.constant 0 : i32
        %dma_wait3A_122 = tpu.memref_slice %arg5[%arg1, %dma_wait3A_120, %dma_wait3A_121] : memref<16x80x128xi32, #tpu.memory_space<hbm>> -> memref<1x40x128xi32, #tpu.memory_space<hbm>>
        %dma_wait3A_123 = tpu.memref_squeeze %dma_wait3A_122 : memref<1x40x128xi32, #tpu.memory_space<hbm>> -> memref<40x128xi32, #tpu.memory_space<hbm>>
        tpu.wait_dma2 semaphore(%run_scoped3A_107 : memref<!tpu.dma_semaphore, #tpu.memory_space<semaphore_mem>>) src(%dma_wait3A_123 : memref<40x128xi32, #tpu.memory_space<hbm>>) dst(%arg9 : memref<40x128xi32, #tpu.memory_space<vmem>>)
        tpu.yield
      }) : () -> ()
      %dma_start3A_65 = arith.constant 0 : i32
      %dma_start3A_66 = arith.constant 0 : i32
      %dma_start3A_67 = tpu.memref_slice %arg8[%dma_start3A_65, %dma_start3A_66] : memref<40x128xi32, #tpu.memory_space<vmem>> -> memref<1x128xi32, #tpu.memory_space<vmem>>
      %dma_start3A_68 = tpu.memref_squeeze %dma_start3A_67 : memref<1x128xi32, #tpu.memory_space<vmem>> -> memref<128xi32, #tpu.memory_space<vmem>>
      %dma_start3A_69 = arith.constant 0 : i32
      %dma_start3A_70 = arith.constant 0 : i32
      %dma_start3A_71 = tpu.memref_slice %arg2[%dma_start3A_69, %dma_start3A_70] : memref<10240x128xf32, #tpu.memory_space<hbm>> -> memref<10240x128xf32, #tpu.memory_space<hbm>>
      tpu.enqueue_indirect_dma source(%dma_start3A_71 : memref<10240x128xf32, #tpu.memory_space<hbm>>) target(%arg10 : memref<128x128xf32, #tpu.memory_space<vmem>>) offsets(%dma_start3A_68 : memref<128xi32, #tpu.memory_space<vmem>>) semaphore(%arg13 : memref<!tpu.dma_semaphore, #tpu.memory_space<semaphore_mem>>)
      %dma_start3A_72 = arith.constant 1 : i32
      %dma_start3A_73 = arith.constant 0 : i32
      %dma_start3A_74 = tpu.memref_slice %arg8[%dma_start3A_72, %dma_start3A_73] : memref<40x128xi32, #tpu.memory_space<vmem>> -> memref<1x128xi32, #tpu.memory_space<vmem>>
      %dma_start3A_75 = tpu.memref_squeeze %dma_start3A_74 : memref<1x128xi32, #tpu.memory_space<vmem>> -> memref<128xi32, #tpu.memory_space<vmem>>
      %dma_start3A_76 = arith.constant 0 : i32
      %dma_start3A_77 = arith.constant 0 : i32
      %dma_start3A_78 = tpu.memref_slice %arg2[%dma_start3A_76, %dma_start3A_77] : memref<10240x128xf32, #tpu.memory_space<hbm>> -> memref<10240x128xf32, #tpu.memory_space<hbm>>
      tpu.enqueue_indirect_dma source(%dma_start3A_78 : memref<10240x128xf32, #tpu.memory_space<hbm>>) target(%arg11 : memref<128x128xf32, #tpu.memory_space<vmem>>) offsets(%dma_start3A_75 : memref<128xi32, #tpu.memory_space<vmem>>) semaphore(%arg14 : memref<!tpu.dma_semaphore, #tpu.memory_space<semaphore_mem>>)
      %scan3A_79 = arith.constant 0 : i32
      %scan3A_80 = arith.constant 0 : i32
      %scan3A_81 = arith.constant 19 : i32
      %scan3A_82 = arith.addi %scan3A_80, %scan3A_81 : i32
      %scan3A_83 = arith.constant 1 : i32
      %scan3A_84 = scf.for %scan3A_107 = %scan3A_80 to %scan3A_82 step %scan3A_83 iter_args(%scan3A_108 = %scan3A_79) -> (i32)  : i32 {
        %mul3A_109 = arith.constant 2 : i32
        %mul3A_110 = arith.muli %scan3A_107, %mul3A_109 : i32
        %dma_wait3A_111 = arith.constant 0 : i32
        %dma_wait3A_112 = tpu.memref_slice %arg8[%mul3A_110, %dma_wait3A_111] : memref<40x128xi32, #tpu.memory_space<vmem>> -> memref<1x128xi32, #tpu.memory_space<vmem>>
        %dma_wait3A_113 = tpu.memref_squeeze %dma_wait3A_112 : memref<1x128xi32, #tpu.memory_space<vmem>> -> memref<128xi32, #tpu.memory_space<vmem>>
        %dma_wait3A_114 = arith.constant 0 : i32
        %dma_wait3A_115 = arith.constant 0 : i32
        %dma_wait3A_116 = tpu.memref_slice %arg2[%dma_wait3A_114, %dma_wait3A_115] : memref<10240x128xf32, #tpu.memory_space<hbm>> -> memref<10240x128xf32, #tpu.memory_space<hbm>>
        tpu.wait_indirect_dma semaphore(%arg13 : memref<!tpu.dma_semaphore, #tpu.memory_space<semaphore_mem>>) src(%dma_wait3A_116 : memref<10240x128xf32, #tpu.memory_space<hbm>>) dst(%arg10 : memref<128x128xf32, #tpu.memory_space<vmem>>)
        "tpu.region"() ({
          %run_scoped3A_144 = tpu.sem_alloc : memref<!tpu.dma_semaphore, #tpu.memory_space<semaphore_mem>>
          %dma_start3A_145 = arith.constant 0 : i32
          %dma_start3A_146 = tpu.memref_slice %arg9[%mul3A_110, %dma_start3A_145] : memref<40x128xi32, #tpu.memory_space<vmem>> -> memref<1x128xi32, #tpu.memory_space<vmem>>
          %dma_start3A_147 = tpu.memref_squeeze %dma_start3A_146 : memref<1x128xi32, #tpu.memory_space<vmem>> -> memref<128xi32, #tpu.memory_space<vmem>>
          %dma_start3A_148 = arith.constant 0 : i32
          %dma_start3A_149 = arith.constant 0 : i32
          %dma_start3A_150 = tpu.memref_slice %arg12[%dma_start3A_148, %dma_start3A_149] : memref<10240x128xf32, #tpu.memory_space<vmem_shared>> -> memref<10240x128xf32, #tpu.memory_space<vmem_shared>>
          tpu.enqueue_indirect_dma source(%arg10 : memref<128x128xf32, #tpu.memory_space<vmem>>) target(%dma_start3A_150 : memref<10240x128xf32, #tpu.memory_space<vmem_shared>>) offsets(%dma_start3A_147 : memref<128xi32, #tpu.memory_space<vmem>>) semaphore(%run_scoped3A_144 : memref<!tpu.dma_semaphore, #tpu.memory_space<semaphore_mem>>) {add = true}
          %dma_wait3A_151 = arith.constant 0 : i32
          %dma_wait3A_152 = tpu.memref_slice %arg9[%mul3A_110, %dma_wait3A_151] : memref<40x128xi32, #tpu.memory_space<vmem>> -> memref<1x128xi32, #tpu.memory_space<vmem>>
          %dma_wait3A_153 = tpu.memref_squeeze %dma_wait3A_152 : memref<1x128xi32, #tpu.memory_space<vmem>> -> memref<128xi32, #tpu.memory_space<vmem>>
          %dma_wait3A_154 = arith.constant 0 : i32
          %dma_wait3A_155 = arith.constant 0 : i32
          %dma_wait3A_156 = tpu.memref_slice %arg12[%dma_wait3A_154, %dma_wait3A_155] : memref<10240x128xf32, #tpu.memory_space<vmem_shared>> -> memref<10240x128xf32, #tpu.memory_space<vmem_shared>>
          tpu.wait_indirect_dma semaphore(%run_scoped3A_144 : memref<!tpu.dma_semaphore, #tpu.memory_space<semaphore_mem>>) src(%arg10 : memref<128x128xf32, #tpu.memory_space<vmem>>) dst(%dma_wait3A_156 : memref<10240x128xf32, #tpu.memory_space<vmem_shared>>)
          tpu.yield
        }) : () -> ()
        %add3A_117 = arith.constant 2 : i32
        %add3A_118 = arith.addi %mul3A_110, %add3A_117 : i32
        %dma_start3A_119 = arith.constant 0 : i32
        %dma_start3A_120 = tpu.memref_slice %arg8[%add3A_118, %dma_start3A_119] : memref<40x128xi32, #tpu.memory_space<vmem>> -> memref<1x128xi32, #tpu.memory_space<vmem>>
        %dma_start3A_121 = tpu.memref_squeeze %dma_start3A_120 : memref<1x128xi32, #tpu.memory_space<vmem>> -> memref<128xi32, #tpu.memory_space<vmem>>
        %dma_start3A_122 = arith.constant 0 : i32
        %dma_start3A_123 = arith.constant 0 : i32
        %dma_start3A_124 = tpu.memref_slice %arg2[%dma_start3A_122, %dma_start3A_123] : memref<10240x128xf32, #tpu.memory_space<hbm>> -> memref<10240x128xf32, #tpu.memory_space<hbm>>
        tpu.enqueue_indirect_dma source(%dma_start3A_124 : memref<10240x128xf32, #tpu.memory_space<hbm>>) target(%arg10 : memref<128x128xf32, #tpu.memory_space<vmem>>) offsets(%dma_start3A_121 : memref<128xi32, #tpu.memory_space<vmem>>) semaphore(%arg13 : memref<!tpu.dma_semaphore, #tpu.memory_space<semaphore_mem>>)
        %add3A_125 = arith.constant 1 : i32
        %add3A_126 = arith.addi %mul3A_110, %add3A_125 : i32
        %dma_wait3A_127 = arith.constant 0 : i32
        %dma_wait3A_128 = tpu.memref_slice %arg8[%add3A_126, %dma_wait3A_127] : memref<40x128xi32, #tpu.memory_space<vmem>> -> memref<1x128xi32, #tpu.memory_space<vmem>>
        %dma_wait3A_129 = tpu.memref_squeeze %dma_wait3A_128 : memref<1x128xi32, #tpu.memory_space<vmem>> -> memref<128xi32, #tpu.memory_space<vmem>>
        %dma_wait3A_130 = arith.constant 0 : i32
        %dma_wait3A_131 = arith.constant 0 : i32
        %dma_wait3A_132 = tpu.memref_slice %arg2[%dma_wait3A_130, %dma_wait3A_131] : memref<10240x128xf32, #tpu.memory_space<hbm>> -> memref<10240x128xf32, #tpu.memory_space<hbm>>
        tpu.wait_indirect_dma semaphore(%arg14 : memref<!tpu.dma_semaphore, #tpu.memory_space<semaphore_mem>>) src(%dma_wait3A_132 : memref<10240x128xf32, #tpu.memory_space<hbm>>) dst(%arg11 : memref<128x128xf32, #tpu.memory_space<vmem>>)
        %add3A_133 = arith.constant 1 : i32
        %add3A_134 = arith.addi %mul3A_110, %add3A_133 : i32
        "tpu.region"() ({
          %run_scoped3A_144 = tpu.sem_alloc : memref<!tpu.dma_semaphore, #tpu.memory_space<semaphore_mem>>
          %dma_start3A_145 = arith.constant 0 : i32
          %dma_start3A_146 = tpu.memref_slice %arg9[%add3A_134, %dma_start3A_145] : memref<40x128xi32, #tpu.memory_space<vmem>> -> memref<1x128xi32, #tpu.memory_space<vmem>>
          %dma_start3A_147 = tpu.memref_squeeze %dma_start3A_146 : memref<1x128xi32, #tpu.memory_space<vmem>> -> memref<128xi32, #tpu.memory_space<vmem>>
          %dma_start3A_148 = arith.constant 0 : i32
          %dma_start3A_149 = arith.constant 0 : i32
          %dma_start3A_150 = tpu.memref_slice %arg12[%dma_start3A_148, %dma_start3A_149] : memref<10240x128xf32, #tpu.memory_space<vmem_shared>> -> memref<10240x128xf32, #tpu.memory_space<vmem_shared>>
          tpu.enqueue_indirect_dma source(%arg11 : memref<128x128xf32, #tpu.memory_space<vmem>>) target(%dma_start3A_150 : memref<10240x128xf32, #tpu.memory_space<vmem_shared>>) offsets(%dma_start3A_147 : memref<128xi32, #tpu.memory_space<vmem>>) semaphore(%run_scoped3A_144 : memref<!tpu.dma_semaphore, #tpu.memory_space<semaphore_mem>>) {add = true}
          %dma_wait3A_151 = arith.constant 0 : i32
          %dma_wait3A_152 = tpu.memref_slice %arg9[%add3A_134, %dma_wait3A_151] : memref<40x128xi32, #tpu.memory_space<vmem>> -> memref<1x128xi32, #tpu.memory_space<vmem>>
          %dma_wait3A_153 = tpu.memref_squeeze %dma_wait3A_152 : memref<1x128xi32, #tpu.memory_space<vmem>> -> memref<128xi32, #tpu.memory_space<vmem>>
          %dma_wait3A_154 = arith.constant 0 : i32
          %dma_wait3A_155 = arith.constant 0 : i32
          %dma_wait3A_156 = tpu.memref_slice %arg12[%dma_wait3A_154, %dma_wait3A_155] : memref<10240x128xf32, #tpu.memory_space<vmem_shared>> -> memref<10240x128xf32, #tpu.memory_space<vmem_shared>>
          tpu.wait_indirect_dma semaphore(%run_scoped3A_144 : memref<!tpu.dma_semaphore, #tpu.memory_space<semaphore_mem>>) src(%arg11 : memref<128x128xf32, #tpu.memory_space<vmem>>) dst(%dma_wait3A_156 : memref<10240x128xf32, #tpu.memory_space<vmem_shared>>)
          tpu.yield
        }) : () -> ()
        %add3A_135 = arith.constant 3 : i32
        %add3A_136 = arith.addi %mul3A_110, %add3A_135 : i32
        %dma_start3A_137 = arith.constant 0 : i32
        %dma_start3A_138 = tpu.memref_slice %arg8[%add3A_136, %dma_start3A_137] : memref<40x128xi32, #tpu.memory_space<vmem>> -> memref<1x128xi32, #tpu.memory_space<vmem>>
        %dma_start3A_139 = tpu.memref_squeeze %dma_start3A_138 : memref<1x128xi32, #tpu.memory_space<vmem>> -> memref<128xi32, #tpu.memory_space<vmem>>
        %dma_start3A_140 = arith.constant 0 : i32
        %dma_start3A_141 = arith.constant 0 : i32
        %dma_start3A_142 = tpu.memref_slice %arg2[%dma_start3A_140, %dma_start3A_141] : memref<10240x128xf32, #tpu.memory_space<hbm>> -> memref<10240x128xf32, #tpu.memory_space<hbm>>
        tpu.enqueue_indirect_dma source(%dma_start3A_142 : memref<10240x128xf32, #tpu.memory_space<hbm>>) target(%arg11 : memref<128x128xf32, #tpu.memory_space<vmem>>) offsets(%dma_start3A_139 : memref<128xi32, #tpu.memory_space<vmem>>) semaphore(%arg14 : memref<!tpu.dma_semaphore, #tpu.memory_space<semaphore_mem>>)
        %scan3A_143 = arith.constant 0 : i32
        scf.yield %scan3A_143 : i32
      }
      %scan3A_85 = arith.constant 19 : i32
      %dma_wait3A_86 = arith.constant 38 : i32
      %dma_wait3A_87 = arith.constant 0 : i32
      %dma_wait3A_88 = tpu.memref_slice %arg8[%dma_wait3A_86, %dma_wait3A_87] : memref<40x128xi32, #tpu.memory_space<vmem>> -> memref<1x128xi32, #tpu.memory_space<vmem>>
      %dma_wait3A_89 = tpu.memref_squeeze %dma_wait3A_88 : memref<1x128xi32, #tpu.memory_space<vmem>> -> memref<128xi32, #tpu.memory_space<vmem>>
      %dma_wait3A_90 = arith.constant 0 : i32
      %dma_wait3A_91 = arith.constant 0 : i32
      %dma_wait3A_92 = tpu.memref_slice %arg2[%dma_wait3A_90, %dma_wait3A_91] : memref<10240x128xf32, #tpu.memory_space<hbm>> -> memref<10240x128xf32, #tpu.memory_space<hbm>>
      tpu.wait_indirect_dma semaphore(%arg13 : memref<!tpu.dma_semaphore, #tpu.memory_space<semaphore_mem>>) src(%dma_wait3A_92 : memref<10240x128xf32, #tpu.memory_space<hbm>>) dst(%arg10 : memref<128x128xf32, #tpu.memory_space<vmem>>)
      %run_scoped3A_93 = arith.constant 38 : i32
      "tpu.region"() ({
        %run_scoped3A_107 = tpu.sem_alloc : memref<!tpu.dma_semaphore, #tpu.memory_space<semaphore_mem>>
        %dma_start3A_108 = arith.constant 0 : i32
        %dma_start3A_109 = tpu.memref_slice %arg9[%run_scoped3A_93, %dma_start3A_108] : memref<40x128xi32, #tpu.memory_space<vmem>> -> memref<1x128xi32, #tpu.memory_space<vmem>>
        %dma_start3A_110 = tpu.memref_squeeze %dma_start3A_109 : memref<1x128xi32, #tpu.memory_space<vmem>> -> memref<128xi32, #tpu.memory_space<vmem>>
        %dma_start3A_111 = arith.constant 0 : i32
        %dma_start3A_112 = arith.constant 0 : i32
        %dma_start3A_113 = tpu.memref_slice %arg12[%dma_start3A_111, %dma_start3A_112] : memref<10240x128xf32, #tpu.memory_space<vmem_shared>> -> memref<10240x128xf32, #tpu.memory_space<vmem_shared>>
        tpu.enqueue_indirect_dma source(%arg10 : memref<128x128xf32, #tpu.memory_space<vmem>>) target(%dma_start3A_113 : memref<10240x128xf32, #tpu.memory_space<vmem_shared>>) offsets(%dma_start3A_110 : memref<128xi32, #tpu.memory_space<vmem>>) semaphore(%run_scoped3A_107 : memref<!tpu.dma_semaphore, #tpu.memory_space<semaphore_mem>>) {add = true}
        %dma_wait3A_114 = arith.constant 0 : i32
        %dma_wait3A_115 = tpu.memref_slice %arg9[%run_scoped3A_93, %dma_wait3A_114] : memref<40x128xi32, #tpu.memory_space<vmem>> -> memref<1x128xi32, #tpu.memory_space<vmem>>
        %dma_wait3A_116 = tpu.memref_squeeze %dma_wait3A_115 : memref<1x128xi32, #tpu.memory_space<vmem>> -> memref<128xi32, #tpu.memory_space<vmem>>
        %dma_wait3A_117 = arith.constant 0 : i32
        %dma_wait3A_118 = arith.constant 0 : i32
        %dma_wait3A_119 = tpu.memref_slice %arg12[%dma_wait3A_117, %dma_wait3A_118] : memref<10240x128xf32, #tpu.memory_space<vmem_shared>> -> memref<10240x128xf32, #tpu.memory_space<vmem_shared>>
        tpu.wait_indirect_dma semaphore(%run_scoped3A_107 : memref<!tpu.dma_semaphore, #tpu.memory_space<semaphore_mem>>) src(%arg10 : memref<128x128xf32, #tpu.memory_space<vmem>>) dst(%dma_wait3A_119 : memref<10240x128xf32, #tpu.memory_space<vmem_shared>>)
        tpu.yield
      }) : () -> ()
      %dma_wait3A_94 = arith.constant 39 : i32
      %dma_wait3A_95 = arith.constant 0 : i32
      %dma_wait3A_96 = tpu.memref_slice %arg8[%dma_wait3A_94, %dma_wait3A_95] : memref<40x128xi32, #tpu.memory_space<vmem>> -> memref<1x128xi32, #tpu.memory_space<vmem>>
      %dma_wait3A_97 = tpu.memref_squeeze %dma_wait3A_96 : memref<1x128xi32, #tpu.memory_space<vmem>> -> memref<128xi32, #tpu.memory_space<vmem>>
      %dma_wait3A_98 = arith.constant 0 : i32
      %dma_wait3A_99 = arith.constant 0 : i32
      %dma_wait3A_100 = tpu.memref_slice %arg2[%dma_wait3A_98, %dma_wait3A_99] : memref<10240x128xf32, #tpu.memory_space<hbm>> -> memref<10240x128xf32, #tpu.memory_space<hbm>>
      tpu.wait_indirect_dma semaphore(%arg14 : memref<!tpu.dma_semaphore, #tpu.memory_space<semaphore_mem>>) src(%dma_wait3A_100 : memref<10240x128xf32, #tpu.memory_space<hbm>>) dst(%arg11 : memref<128x128xf32, #tpu.memory_space<vmem>>)
      %run_scoped3A_101 = arith.constant 39 : i32
      "tpu.region"() ({
        %run_scoped3A_107 = tpu.sem_alloc : memref<!tpu.dma_semaphore, #tpu.memory_space<semaphore_mem>>
        %dma_start3A_108 = arith.constant 0 : i32
        %dma_start3A_109 = tpu.memref_slice %arg9[%run_scoped3A_101, %dma_start3A_108] : memref<40x128xi32, #tpu.memory_space<vmem>> -> memref<1x128xi32, #tpu.memory_space<vmem>>
        %dma_start3A_110 = tpu.memref_squeeze %dma_start3A_109 : memref<1x128xi32, #tpu.memory_space<vmem>> -> memref<128xi32, #tpu.memory_space<vmem>>
        %dma_start3A_111 = arith.constant 0 : i32
        %dma_start3A_112 = arith.constant 0 : i32
        %dma_start3A_113 = tpu.memref_slice %arg12[%dma_start3A_111, %dma_start3A_112] : memref<10240x128xf32, #tpu.memory_space<vmem_shared>> -> memref<10240x128xf32, #tpu.memory_space<vmem_shared>>
        tpu.enqueue_indirect_dma source(%arg11 : memref<128x128xf32, #tpu.memory_space<vmem>>) target(%dma_start3A_113 : memref<10240x128xf32, #tpu.memory_space<vmem_shared>>) offsets(%dma_start3A_110 : memref<128xi32, #tpu.memory_space<vmem>>) semaphore(%run_scoped3A_107 : memref<!tpu.dma_semaphore, #tpu.memory_space<semaphore_mem>>) {add = true}
        %dma_wait3A_114 = arith.constant 0 : i32
        %dma_wait3A_115 = tpu.memref_slice %arg9[%run_scoped3A_101, %dma_wait3A_114] : memref<40x128xi32, #tpu.memory_space<vmem>> -> memref<1x128xi32, #tpu.memory_space<vmem>>
        %dma_wait3A_116 = tpu.memref_squeeze %dma_wait3A_115 : memref<1x128xi32, #tpu.memory_space<vmem>> -> memref<128xi32, #tpu.memory_space<vmem>>
        %dma_wait3A_117 = arith.constant 0 : i32
        %dma_wait3A_118 = arith.constant 0 : i32
        %dma_wait3A_119 = tpu.memref_slice %arg12[%dma_wait3A_117, %dma_wait3A_118] : memref<10240x128xf32, #tpu.memory_space<vmem_shared>> -> memref<10240x128xf32, #tpu.memory_space<vmem_shared>>
        tpu.wait_indirect_dma semaphore(%run_scoped3A_107 : memref<!tpu.dma_semaphore, #tpu.memory_space<semaphore_mem>>) src(%arg11 : memref<128x128xf32, #tpu.memory_space<vmem>>) dst(%dma_wait3A_119 : memref<10240x128xf32, #tpu.memory_space<vmem_shared>>)
        tpu.yield
      }) : () -> ()
      %barrier3A_102 = arith.constant 0 : index
      tpu.barrier barrier_id(%barrier3A_102)
      %mul3A_103 = arith.constant 640 : i32
      %mul3A_104 = arith.muli %arg1, %mul3A_103 : i32
      %mul3A_105 = arith.constant 640 : i32
      %mul3A_106 = arith.muli %arg1, %mul3A_105 : i32
      "tpu.region"() ({
        %run_scoped3A_107 = tpu.sem_alloc : memref<!tpu.dma_semaphore, #tpu.memory_space<semaphore_mem>>
        %dma_start3A_108 = arith.constant 0 : i32
        %dma_start3A_109 = tpu.memref_slice %arg6[%mul3A_106, %dma_start3A_108] : memref<10240x128xf32, #tpu.memory_space<hbm>> -> memref<640x128xf32, #tpu.memory_space<hbm>>
        %dma_start3A_110 = arith.constant 0 : i32
        %dma_start3A_111 = tpu.memref_slice %arg12[%mul3A_104, %dma_start3A_110] : memref<10240x128xf32, #tpu.memory_space<vmem_shared>> -> memref<640x128xf32, #tpu.memory_space<vmem_shared>>
        tpu.enqueue_dma source(%dma_start3A_111 : memref<640x128xf32, #tpu.memory_space<vmem_shared>>) target(%dma_start3A_109 : memref<640x128xf32, #tpu.memory_space<hbm>>) target_semaphore(%run_scoped3A_107 : memref<!tpu.dma_semaphore, #tpu.memory_space<semaphore_mem>>)
        %dma_wait3A_112 = arith.constant 0 : i32
        %dma_wait3A_113 = tpu.memref_slice %arg6[%mul3A_106, %dma_wait3A_112] : memref<10240x128xf32, #tpu.memory_space<hbm>> -> memref<640x128xf32, #tpu.memory_space<hbm>>
        %dma_wait3A_114 = arith.constant 0 : i32
        %dma_wait3A_115 = tpu.memref_slice %arg12[%mul3A_104, %dma_wait3A_114] : memref<10240x128xf32, #tpu.memory_space<vmem_shared>> -> memref<640x128xf32, #tpu.memory_space<vmem_shared>>
        tpu.wait_dma2 semaphore(%run_scoped3A_107 : memref<!tpu.dma_semaphore, #tpu.memory_space<semaphore_mem>>) src(%dma_wait3A_115 : memref<640x128xf32, #tpu.memory_space<vmem_shared>>) dst(%dma_wait3A_113 : memref<640x128xf32, #tpu.memory_space<hbm>>)
        tpu.yield
      }) : () -> ()
    } else {
    }
    %eq3A_26 = arith.constant 1 : i32
    %eq3A_27 = arith.cmpi eq, %arg0, %eq3A_26 : i32
    %convert_element_type3A_28 = arith.extui %eq3A_27 : i1 to i32
    %cond3A_29 = arith.constant 0 : i32
    %cond3A_30 = arith.cmpi ne, %convert_element_type3A_28, %cond3A_29 : i32
    scf.if %cond3A_30 {
      "tpu.region"() ({
        %run_scoped3A_107 = tpu.sem_alloc : memref<!tpu.dma_semaphore, #tpu.memory_space<semaphore_mem>>
        %dma_start3A_108 = arith.constant 0 : i32
        %dma_start3A_109 = arith.constant 0 : i32
        %dma_start3A_110 = tpu.memref_slice %arg4[%arg1, %dma_start3A_108, %dma_start3A_109] : memref<16x80x128xi32, #tpu.memory_space<hbm>> -> memref<1x40x128xi32, #tpu.memory_space<hbm>>
        %dma_start3A_111 = tpu.memref_squeeze %dma_start3A_110 : memref<1x40x128xi32, #tpu.memory_space<hbm>> -> memref<40x128xi32, #tpu.memory_space<hbm>>
        %dma_start3A_112 = arith.constant 0 : i32
        %dma_start3A_113 = arith.constant 0 : i32
        %dma_start3A_114 = tpu.memref_slice %arg4[%arg1, %dma_start3A_112, %dma_start3A_113] : memref<16x80x128xi32, #tpu.memory_space<hbm>> -> memref<1x40x128xi32, #tpu.memory_space<hbm>>
        %dma_start3A_115 = tpu.memref_squeeze %dma_start3A_114 : memref<1x40x128xi32, #tpu.memory_space<hbm>> -> memref<40x128xi32, #tpu.memory_space<hbm>>
        tpu.enqueue_dma source(%dma_start3A_115 : memref<40x128xi32, #tpu.memory_space<hbm>>) target(%arg8 : memref<40x128xi32, #tpu.memory_space<vmem>>) target_semaphore(%run_scoped3A_107 : memref<!tpu.dma_semaphore, #tpu.memory_space<semaphore_mem>>)
        %dma_wait3A_116 = arith.constant 0 : i32
        %dma_wait3A_117 = arith.constant 0 : i32
        %dma_wait3A_118 = tpu.memref_slice %arg4[%arg1, %dma_wait3A_116, %dma_wait3A_117] : memref<16x80x128xi32, #tpu.memory_space<hbm>> -> memref<1x40x128xi32, #tpu.memory_space<hbm>>
        %dma_wait3A_119 = tpu.memref_squeeze %dma_wait3A_118 : memref<1x40x128xi32, #tpu.memory_space<hbm>> -> memref<40x128xi32, #tpu.memory_space<hbm>>
        %dma_wait3A_120 = arith.constant 0 : i32
        %dma_wait3A_121 = arith.constant 0 : i32
        %dma_wait3A_122 = tpu.memref_slice %arg4[%arg1, %dma_wait3A_120, %dma_wait3A_121] : memref<16x80x128xi32, #tpu.memory_space<hbm>> -> memref<1x40x128xi32, #tpu.memory_space<hbm>>
        %dma_wait3A_123 = tpu.memref_squeeze %dma_wait3A_122 : memref<1x40x128xi32, #tpu.memory_space<hbm>> -> memref<40x128xi32, #tpu.memory_space<hbm>>
        tpu.wait_dma2 semaphore(%run_scoped3A_107 : memref<!tpu.dma_semaphore, #tpu.memory_space<semaphore_mem>>) src(%dma_wait3A_123 : memref<40x128xi32, #tpu.memory_space<hbm>>) dst(%arg8 : memref<40x128xi32, #tpu.memory_space<vmem>>)
        tpu.yield
      }) : () -> ()
      "tpu.region"() ({
        %run_scoped3A_107 = tpu.sem_alloc : memref<!tpu.dma_semaphore, #tpu.memory_space<semaphore_mem>>
        %dma_start3A_108 = arith.constant 0 : i32
        %dma_start3A_109 = arith.constant 0 : i32
        %dma_start3A_110 = tpu.memref_slice %arg5[%arg1, %dma_start3A_108, %dma_start3A_109] : memref<16x80x128xi32, #tpu.memory_space<hbm>> -> memref<1x40x128xi32, #tpu.memory_space<hbm>>
        %dma_start3A_111 = tpu.memref_squeeze %dma_start3A_110 : memref<1x40x128xi32, #tpu.memory_space<hbm>> -> memref<40x128xi32, #tpu.memory_space<hbm>>
        %dma_start3A_112 = arith.constant 0 : i32
        %dma_start3A_113 = arith.constant 0 : i32
        %dma_start3A_114 = tpu.memref_slice %arg5[%arg1, %dma_start3A_112, %dma_start3A_113] : memref<16x80x128xi32, #tpu.memory_space<hbm>> -> memref<1x40x128xi32, #tpu.memory_space<hbm>>
        %dma_start3A_115 = tpu.memref_squeeze %dma_start3A_114 : memref<1x40x128xi32, #tpu.memory_space<hbm>> -> memref<40x128xi32, #tpu.memory_space<hbm>>
        tpu.enqueue_dma source(%dma_start3A_115 : memref<40x128xi32, #tpu.memory_space<hbm>>) target(%arg9 : memref<40x128xi32, #tpu.memory_space<vmem>>) target_semaphore(%run_scoped3A_107 : memref<!tpu.dma_semaphore, #tpu.memory_space<semaphore_mem>>)
        %dma_wait3A_116 = arith.constant 0 : i32
        %dma_wait3A_117 = arith.constant 0 : i32
        %dma_wait3A_118 = tpu.memref_slice %arg5[%arg1, %dma_wait3A_116, %dma_wait3A_117] : memref<16x80x128xi32, #tpu.memory_space<hbm>> -> memref<1x40x128xi32, #tpu.memory_space<hbm>>
        %dma_wait3A_119 = tpu.memref_squeeze %dma_wait3A_118 : memref<1x40x128xi32, #tpu.memory_space<hbm>> -> memref<40x128xi32, #tpu.memory_space<hbm>>
        %dma_wait3A_120 = arith.constant 0 : i32
        %dma_wait3A_121 = arith.constant 0 : i32
        %dma_wait3A_122 = tpu.memref_slice %arg5[%arg1, %dma_wait3A_120, %dma_wait3A_121] : memref<16x80x128xi32, #tpu.memory_space<hbm>> -> memref<1x40x128xi32, #tpu.memory_space<hbm>>
        %dma_wait3A_123 = tpu.memref_squeeze %dma_wait3A_122 : memref<1x40x128xi32, #tpu.memory_space<hbm>> -> memref<40x128xi32, #tpu.memory_space<hbm>>
        tpu.wait_dma2 semaphore(%run_scoped3A_107 : memref<!tpu.dma_semaphore, #tpu.memory_space<semaphore_mem>>) src(%dma_wait3A_123 : memref<40x128xi32, #tpu.memory_space<hbm>>) dst(%arg9 : memref<40x128xi32, #tpu.memory_space<vmem>>)
        tpu.yield
      }) : () -> ()
      %dma_start3A = arith.constant 0 : i32
      %dma_start3A_31 = arith.constant 0 : i32
      %dma_start3A_32 = tpu.memref_slice %arg8[%dma_start3A, %dma_start3A_31] : memref<40x128xi32, #tpu.memory_space<vmem>> -> memref<1x128xi32, #tpu.memory_space<vmem>>
      %dma_start3A_33 = tpu.memref_squeeze %dma_start3A_32 : memref<1x128xi32, #tpu.memory_space<vmem>> -> memref<128xi32, #tpu.memory_space<vmem>>
      %dma_start3A_34 = arith.constant 0 : i32
      %dma_start3A_35 = arith.constant 0 : i32
      %dma_start3A_36 = tpu.memref_slice %arg3[%dma_start3A_34, %dma_start3A_35] : memref<10240x128xf32, #tpu.memory_space<hbm>> -> memref<10240x128xf32, #tpu.memory_space<hbm>>
      tpu.enqueue_indirect_dma source(%dma_start3A_36 : memref<10240x128xf32, #tpu.memory_space<hbm>>) target(%arg10 : memref<128x128xf32, #tpu.memory_space<vmem>>) offsets(%dma_start3A_33 : memref<128xi32, #tpu.memory_space<vmem>>) semaphore(%arg13 : memref<!tpu.dma_semaphore, #tpu.memory_space<semaphore_mem>>)
      %dma_start3A_37 = arith.constant 1 : i32
      %dma_start3A_38 = arith.constant 0 : i32
      %dma_start3A_39 = tpu.memref_slice %arg8[%dma_start3A_37, %dma_start3A_38] : memref<40x128xi32, #tpu.memory_space<vmem>> -> memref<1x128xi32, #tpu.memory_space<vmem>>
      %dma_start3A_40 = tpu.memref_squeeze %dma_start3A_39 : memref<1x128xi32, #tpu.memory_space<vmem>> -> memref<128xi32, #tpu.memory_space<vmem>>
      %dma_start3A_41 = arith.constant 0 : i32
      %dma_start3A_42 = arith.constant 0 : i32
      %dma_start3A_43 = tpu.memref_slice %arg3[%dma_start3A_41, %dma_start3A_42] : memref<10240x128xf32, #tpu.memory_space<hbm>> -> memref<10240x128xf32, #tpu.memory_space<hbm>>
      tpu.enqueue_indirect_dma source(%dma_start3A_43 : memref<10240x128xf32, #tpu.memory_space<hbm>>) target(%arg11 : memref<128x128xf32, #tpu.memory_space<vmem>>) offsets(%dma_start3A_40 : memref<128xi32, #tpu.memory_space<vmem>>) semaphore(%arg14 : memref<!tpu.dma_semaphore, #tpu.memory_space<semaphore_mem>>)
      %scan3A_44 = arith.constant 0 : i32
      %scan3A_45 = arith.constant 0 : i32
      %scan3A_46 = arith.constant 19 : i32
      %scan3A_47 = arith.addi %scan3A_45, %scan3A_46 : i32
      %scan3A_48 = arith.constant 1 : i32
      %scan3A_49 = scf.for %scan3A_107 = %scan3A_45 to %scan3A_47 step %scan3A_48 iter_args(%scan3A_108 = %scan3A_44) -> (i32)  : i32 {
        %mul3A_109 = arith.constant 2 : i32
        %mul3A_110 = arith.muli %scan3A_107, %mul3A_109 : i32
        %dma_wait3A_111 = arith.constant 0 : i32
        %dma_wait3A_112 = tpu.memref_slice %arg8[%mul3A_110, %dma_wait3A_111] : memref<40x128xi32, #tpu.memory_space<vmem>> -> memref<1x128xi32, #tpu.memory_space<vmem>>
        %dma_wait3A_113 = tpu.memref_squeeze %dma_wait3A_112 : memref<1x128xi32, #tpu.memory_space<vmem>> -> memref<128xi32, #tpu.memory_space<vmem>>
        %dma_wait3A_114 = arith.constant 0 : i32
        %dma_wait3A_115 = arith.constant 0 : i32
        %dma_wait3A_116 = tpu.memref_slice %arg3[%dma_wait3A_114, %dma_wait3A_115] : memref<10240x128xf32, #tpu.memory_space<hbm>> -> memref<10240x128xf32, #tpu.memory_space<hbm>>
        tpu.wait_indirect_dma semaphore(%arg13 : memref<!tpu.dma_semaphore, #tpu.memory_space<semaphore_mem>>) src(%dma_wait3A_116 : memref<10240x128xf32, #tpu.memory_space<hbm>>) dst(%arg10 : memref<128x128xf32, #tpu.memory_space<vmem>>)
        "tpu.region"() ({
          %run_scoped3A_144 = tpu.sem_alloc : memref<!tpu.dma_semaphore, #tpu.memory_space<semaphore_mem>>
          %dma_start3A_145 = arith.constant 0 : i32
          %dma_start3A_146 = tpu.memref_slice %arg9[%mul3A_110, %dma_start3A_145] : memref<40x128xi32, #tpu.memory_space<vmem>> -> memref<1x128xi32, #tpu.memory_space<vmem>>
          %dma_start3A_147 = tpu.memref_squeeze %dma_start3A_146 : memref<1x128xi32, #tpu.memory_space<vmem>> -> memref<128xi32, #tpu.memory_space<vmem>>
          %dma_start3A_148 = arith.constant 0 : i32
          %dma_start3A_149 = arith.constant 0 : i32
          %dma_start3A_150 = tpu.memref_slice %arg12[%dma_start3A_148, %dma_start3A_149] : memref<10240x128xf32, #tpu.memory_space<vmem_shared>> -> memref<10240x128xf32, #tpu.memory_space<vmem_shared>>
          tpu.enqueue_indirect_dma source(%arg10 : memref<128x128xf32, #tpu.memory_space<vmem>>) target(%dma_start3A_150 : memref<10240x128xf32, #tpu.memory_space<vmem_shared>>) offsets(%dma_start3A_147 : memref<128xi32, #tpu.memory_space<vmem>>) semaphore(%run_scoped3A_144 : memref<!tpu.dma_semaphore, #tpu.memory_space<semaphore_mem>>) {add = true}
          %dma_wait3A_151 = arith.constant 0 : i32
          %dma_wait3A_152 = tpu.memref_slice %arg9[%mul3A_110, %dma_wait3A_151] : memref<40x128xi32, #tpu.memory_space<vmem>> -> memref<1x128xi32, #tpu.memory_space<vmem>>
          %dma_wait3A_153 = tpu.memref_squeeze %dma_wait3A_152 : memref<1x128xi32, #tpu.memory_space<vmem>> -> memref<128xi32, #tpu.memory_space<vmem>>
          %dma_wait3A_154 = arith.constant 0 : i32
          %dma_wait3A_155 = arith.constant 0 : i32
          %dma_wait3A_156 = tpu.memref_slice %arg12[%dma_wait3A_154, %dma_wait3A_155] : memref<10240x128xf32, #tpu.memory_space<vmem_shared>> -> memref<10240x128xf32, #tpu.memory_space<vmem_shared>>
          tpu.wait_indirect_dma semaphore(%run_scoped3A_144 : memref<!tpu.dma_semaphore, #tpu.memory_space<semaphore_mem>>) src(%arg10 : memref<128x128xf32, #tpu.memory_space<vmem>>) dst(%dma_wait3A_156 : memref<10240x128xf32, #tpu.memory_space<vmem_shared>>)
          tpu.yield
        }) : () -> ()
        %add3A_117 = arith.constant 2 : i32
        %add3A_118 = arith.addi %mul3A_110, %add3A_117 : i32
        %dma_start3A_119 = arith.constant 0 : i32
        %dma_start3A_120 = tpu.memref_slice %arg8[%add3A_118, %dma_start3A_119] : memref<40x128xi32, #tpu.memory_space<vmem>> -> memref<1x128xi32, #tpu.memory_space<vmem>>
        %dma_start3A_121 = tpu.memref_squeeze %dma_start3A_120 : memref<1x128xi32, #tpu.memory_space<vmem>> -> memref<128xi32, #tpu.memory_space<vmem>>
        %dma_start3A_122 = arith.constant 0 : i32
        %dma_start3A_123 = arith.constant 0 : i32
        %dma_start3A_124 = tpu.memref_slice %arg3[%dma_start3A_122, %dma_start3A_123] : memref<10240x128xf32, #tpu.memory_space<hbm>> -> memref<10240x128xf32, #tpu.memory_space<hbm>>
        tpu.enqueue_indirect_dma source(%dma_start3A_124 : memref<10240x128xf32, #tpu.memory_space<hbm>>) target(%arg10 : memref<128x128xf32, #tpu.memory_space<vmem>>) offsets(%dma_start3A_121 : memref<128xi32, #tpu.memory_space<vmem>>) semaphore(%arg13 : memref<!tpu.dma_semaphore, #tpu.memory_space<semaphore_mem>>)
        %add3A_125 = arith.constant 1 : i32
        %add3A_126 = arith.addi %mul3A_110, %add3A_125 : i32
        %dma_wait3A_127 = arith.constant 0 : i32
        %dma_wait3A_128 = tpu.memref_slice %arg8[%add3A_126, %dma_wait3A_127] : memref<40x128xi32, #tpu.memory_space<vmem>> -> memref<1x128xi32, #tpu.memory_space<vmem>>
        %dma_wait3A_129 = tpu.memref_squeeze %dma_wait3A_128 : memref<1x128xi32, #tpu.memory_space<vmem>> -> memref<128xi32, #tpu.memory_space<vmem>>
        %dma_wait3A_130 = arith.constant 0 : i32
        %dma_wait3A_131 = arith.constant 0 : i32
        %dma_wait3A_132 = tpu.memref_slice %arg3[%dma_wait3A_130, %dma_wait3A_131] : memref<10240x128xf32, #tpu.memory_space<hbm>> -> memref<10240x128xf32, #tpu.memory_space<hbm>>
        tpu.wait_indirect_dma semaphore(%arg14 : memref<!tpu.dma_semaphore, #tpu.memory_space<semaphore_mem>>) src(%dma_wait3A_132 : memref<10240x128xf32, #tpu.memory_space<hbm>>) dst(%arg11 : memref<128x128xf32, #tpu.memory_space<vmem>>)
        %add3A_133 = arith.constant 1 : i32
        %add3A_134 = arith.addi %mul3A_110, %add3A_133 : i32
        "tpu.region"() ({
          %run_scoped3A_144 = tpu.sem_alloc : memref<!tpu.dma_semaphore, #tpu.memory_space<semaphore_mem>>
          %dma_start3A_145 = arith.constant 0 : i32
          %dma_start3A_146 = tpu.memref_slice %arg9[%add3A_134, %dma_start3A_145] : memref<40x128xi32, #tpu.memory_space<vmem>> -> memref<1x128xi32, #tpu.memory_space<vmem>>
          %dma_start3A_147 = tpu.memref_squeeze %dma_start3A_146 : memref<1x128xi32, #tpu.memory_space<vmem>> -> memref<128xi32, #tpu.memory_space<vmem>>
          %dma_start3A_148 = arith.constant 0 : i32
          %dma_start3A_149 = arith.constant 0 : i32
          %dma_start3A_150 = tpu.memref_slice %arg12[%dma_start3A_148, %dma_start3A_149] : memref<10240x128xf32, #tpu.memory_space<vmem_shared>> -> memref<10240x128xf32, #tpu.memory_space<vmem_shared>>
          tpu.enqueue_indirect_dma source(%arg11 : memref<128x128xf32, #tpu.memory_space<vmem>>) target(%dma_start3A_150 : memref<10240x128xf32, #tpu.memory_space<vmem_shared>>) offsets(%dma_start3A_147 : memref<128xi32, #tpu.memory_space<vmem>>) semaphore(%run_scoped3A_144 : memref<!tpu.dma_semaphore, #tpu.memory_space<semaphore_mem>>) {add = true}
          %dma_wait3A_151 = arith.constant 0 : i32
          %dma_wait3A_152 = tpu.memref_slice %arg9[%add3A_134, %dma_wait3A_151] : memref<40x128xi32, #tpu.memory_space<vmem>> -> memref<1x128xi32, #tpu.memory_space<vmem>>
          %dma_wait3A_153 = tpu.memref_squeeze %dma_wait3A_152 : memref<1x128xi32, #tpu.memory_space<vmem>> -> memref<128xi32, #tpu.memory_space<vmem>>
          %dma_wait3A_154 = arith.constant 0 : i32
          %dma_wait3A_155 = arith.constant 0 : i32
          %dma_wait3A_156 = tpu.memref_slice %arg12[%dma_wait3A_154, %dma_wait3A_155] : memref<10240x128xf32, #tpu.memory_space<vmem_shared>> -> memref<10240x128xf32, #tpu.memory_space<vmem_shared>>
          tpu.wait_indirect_dma semaphore(%run_scoped3A_144 : memref<!tpu.dma_semaphore, #tpu.memory_space<semaphore_mem>>) src(%arg11 : memref<128x128xf32, #tpu.memory_space<vmem>>) dst(%dma_wait3A_156 : memref<10240x128xf32, #tpu.memory_space<vmem_shared>>)
          tpu.yield
        }) : () -> ()
        %add3A_135 = arith.constant 3 : i32
        %add3A_136 = arith.addi %mul3A_110, %add3A_135 : i32
        %dma_start3A_137 = arith.constant 0 : i32
        %dma_start3A_138 = tpu.memref_slice %arg8[%add3A_136, %dma_start3A_137] : memref<40x128xi32, #tpu.memory_space<vmem>> -> memref<1x128xi32, #tpu.memory_space<vmem>>
        %dma_start3A_139 = tpu.memref_squeeze %dma_start3A_138 : memref<1x128xi32, #tpu.memory_space<vmem>> -> memref<128xi32, #tpu.memory_space<vmem>>
        %dma_start3A_140 = arith.constant 0 : i32
        %dma_start3A_141 = arith.constant 0 : i32
        %dma_start3A_142 = tpu.memref_slice %arg3[%dma_start3A_140, %dma_start3A_141] : memref<10240x128xf32, #tpu.memory_space<hbm>> -> memref<10240x128xf32, #tpu.memory_space<hbm>>
        tpu.enqueue_indirect_dma source(%dma_start3A_142 : memref<10240x128xf32, #tpu.memory_space<hbm>>) target(%arg11 : memref<128x128xf32, #tpu.memory_space<vmem>>) offsets(%dma_start3A_139 : memref<128xi32, #tpu.memory_space<vmem>>) semaphore(%arg14 : memref<!tpu.dma_semaphore, #tpu.memory_space<semaphore_mem>>)
        %scan3A_143 = arith.constant 0 : i32
        scf.yield %scan3A_143 : i32
      }
      %scan3A_50 = arith.constant 19 : i32
      %dma_wait3A = arith.constant 38 : i32
      %dma_wait3A_51 = arith.constant 0 : i32
      %dma_wait3A_52 = tpu.memref_slice %arg8[%dma_wait3A, %dma_wait3A_51] : memref<40x128xi32, #tpu.memory_space<vmem>> -> memref<1x128xi32, #tpu.memory_space<vmem>>
      %dma_wait3A_53 = tpu.memref_squeeze %dma_wait3A_52 : memref<1x128xi32, #tpu.memory_space<vmem>> -> memref<128xi32, #tpu.memory_space<vmem>>
      %dma_wait3A_54 = arith.constant 0 : i32
      %dma_wait3A_55 = arith.constant 0 : i32
      %dma_wait3A_56 = tpu.memref_slice %arg3[%dma_wait3A_54, %dma_wait3A_55] : memref<10240x128xf32, #tpu.memory_space<hbm>> -> memref<10240x128xf32, #tpu.memory_space<hbm>>
      tpu.wait_indirect_dma semaphore(%arg13 : memref<!tpu.dma_semaphore, #tpu.memory_space<semaphore_mem>>) src(%dma_wait3A_56 : memref<10240x128xf32, #tpu.memory_space<hbm>>) dst(%arg10 : memref<128x128xf32, #tpu.memory_space<vmem>>)
      %run_scoped3A = arith.constant 38 : i32
      "tpu.region"() ({
        %run_scoped3A_107 = tpu.sem_alloc : memref<!tpu.dma_semaphore, #tpu.memory_space<semaphore_mem>>
        %dma_start3A_108 = arith.constant 0 : i32
        %dma_start3A_109 = tpu.memref_slice %arg9[%run_scoped3A, %dma_start3A_108] : memref<40x128xi32, #tpu.memory_space<vmem>> -> memref<1x128xi32, #tpu.memory_space<vmem>>
        %dma_start3A_110 = tpu.memref_squeeze %dma_start3A_109 : memref<1x128xi32, #tpu.memory_space<vmem>> -> memref<128xi32, #tpu.memory_space<vmem>>
        %dma_start3A_111 = arith.constant 0 : i32
        %dma_start3A_112 = arith.constant 0 : i32
        %dma_start3A_113 = tpu.memref_slice %arg12[%dma_start3A_111, %dma_start3A_112] : memref<10240x128xf32, #tpu.memory_space<vmem_shared>> -> memref<10240x128xf32, #tpu.memory_space<vmem_shared>>
        tpu.enqueue_indirect_dma source(%arg10 : memref<128x128xf32, #tpu.memory_space<vmem>>) target(%dma_start3A_113 : memref<10240x128xf32, #tpu.memory_space<vmem_shared>>) offsets(%dma_start3A_110 : memref<128xi32, #tpu.memory_space<vmem>>) semaphore(%run_scoped3A_107 : memref<!tpu.dma_semaphore, #tpu.memory_space<semaphore_mem>>) {add = true}
        %dma_wait3A_114 = arith.constant 0 : i32
        %dma_wait3A_115 = tpu.memref_slice %arg9[%run_scoped3A, %dma_wait3A_114] : memref<40x128xi32, #tpu.memory_space<vmem>> -> memref<1x128xi32, #tpu.memory_space<vmem>>
        %dma_wait3A_116 = tpu.memref_squeeze %dma_wait3A_115 : memref<1x128xi32, #tpu.memory_space<vmem>> -> memref<128xi32, #tpu.memory_space<vmem>>
        %dma_wait3A_117 = arith.constant 0 : i32
        %dma_wait3A_118 = arith.constant 0 : i32
        %dma_wait3A_119 = tpu.memref_slice %arg12[%dma_wait3A_117, %dma_wait3A_118] : memref<10240x128xf32, #tpu.memory_space<vmem_shared>> -> memref<10240x128xf32, #tpu.memory_space<vmem_shared>>
        tpu.wait_indirect_dma semaphore(%run_scoped3A_107 : memref<!tpu.dma_semaphore, #tpu.memory_space<semaphore_mem>>) src(%arg10 : memref<128x128xf32, #tpu.memory_space<vmem>>) dst(%dma_wait3A_119 : memref<10240x128xf32, #tpu.memory_space<vmem_shared>>)
        tpu.yield
      }) : () -> ()
      %dma_wait3A_57 = arith.constant 39 : i32
      %dma_wait3A_58 = arith.constant 0 : i32
      %dma_wait3A_59 = tpu.memref_slice %arg8[%dma_wait3A_57, %dma_wait3A_58] : memref<40x128xi32, #tpu.memory_space<vmem>> -> memref<1x128xi32, #tpu.memory_space<vmem>>
      %dma_wait3A_60 = tpu.memref_squeeze %dma_wait3A_59 : memref<1x128xi32, #tpu.memory_space<vmem>> -> memref<128xi32, #tpu.memory_space<vmem>>
      %dma_wait3A_61 = arith.constant 0 : i32
      %dma_wait3A_62 = arith.constant 0 : i32
      %dma_wait3A_63 = tpu.memref_slice %arg3[%dma_wait3A_61, %dma_wait3A_62] : memref<10240x128xf32, #tpu.memory_space<hbm>> -> memref<10240x128xf32, #tpu.memory_space<hbm>>
      tpu.wait_indirect_dma semaphore(%arg14 : memref<!tpu.dma_semaphore, #tpu.memory_space<semaphore_mem>>) src(%dma_wait3A_63 : memref<10240x128xf32, #tpu.memory_space<hbm>>) dst(%arg11 : memref<128x128xf32, #tpu.memory_space<vmem>>)
      %run_scoped3A_64 = arith.constant 39 : i32
      "tpu.region"() ({
        %run_scoped3A_107 = tpu.sem_alloc : memref<!tpu.dma_semaphore, #tpu.memory_space<semaphore_mem>>
        %dma_start3A_108 = arith.constant 0 : i32
        %dma_start3A_109 = tpu.memref_slice %arg9[%run_scoped3A_64, %dma_start3A_108] : memref<40x128xi32, #tpu.memory_space<vmem>> -> memref<1x128xi32, #tpu.memory_space<vmem>>
        %dma_start3A_110 = tpu.memref_squeeze %dma_start3A_109 : memref<1x128xi32, #tpu.memory_space<vmem>> -> memref<128xi32, #tpu.memory_space<vmem>>
        %dma_start3A_111 = arith.constant 0 : i32
        %dma_start3A_112 = arith.constant 0 : i32
        %dma_start3A_113 = tpu.memref_slice %arg12[%dma_start3A_111, %dma_start3A_112] : memref<10240x128xf32, #tpu.memory_space<vmem_shared>> -> memref<10240x128xf32, #tpu.memory_space<vmem_shared>>
        tpu.enqueue_indirect_dma source(%arg11 : memref<128x128xf32, #tpu.memory_space<vmem>>) target(%dma_start3A_113 : memref<10240x128xf32, #tpu.memory_space<vmem_shared>>) offsets(%dma_start3A_110 : memref<128xi32, #tpu.memory_space<vmem>>) semaphore(%run_scoped3A_107 : memref<!tpu.dma_semaphore, #tpu.memory_space<semaphore_mem>>) {add = true}
        %dma_wait3A_114 = arith.constant 0 : i32
        %dma_wait3A_115 = tpu.memref_slice %arg9[%run_scoped3A_64, %dma_wait3A_114] : memref<40x128xi32, #tpu.memory_space<vmem>> -> memref<1x128xi32, #tpu.memory_space<vmem>>
        %dma_wait3A_116 = tpu.memref_squeeze %dma_wait3A_115 : memref<1x128xi32, #tpu.memory_space<vmem>> -> memref<128xi32, #tpu.memory_space<vmem>>
        %dma_wait3A_117 = arith.constant 0 : i32
        %dma_wait3A_118 = arith.constant 0 : i32
        %dma_wait3A_119 = tpu.memref_slice %arg12[%dma_wait3A_117, %dma_wait3A_118] : memref<10240x128xf32, #tpu.memory_space<vmem_shared>> -> memref<10240x128xf32, #tpu.memory_space<vmem_shared>>
        tpu.wait_indirect_dma semaphore(%run_scoped3A_107 : memref<!tpu.dma_semaphore, #tpu.memory_space<semaphore_mem>>) src(%arg11 : memref<128x128xf32, #tpu.memory_space<vmem>>) dst(%dma_wait3A_119 : memref<10240x128xf32, #tpu.memory_space<vmem_shared>>)
        tpu.yield
      }) : () -> ()
      "tpu.region"() ({
        %run_scoped3A_107 = tpu.sem_alloc : memref<!tpu.dma_semaphore, #tpu.memory_space<semaphore_mem>>
        %dma_start3A_108 = arith.constant 40 : i32
        %dma_start3A_109 = arith.constant 0 : i32
        %dma_start3A_110 = tpu.memref_slice %arg4[%arg1, %dma_start3A_108, %dma_start3A_109] : memref<16x80x128xi32, #tpu.memory_space<hbm>> -> memref<1x40x128xi32, #tpu.memory_space<hbm>>
        %dma_start3A_111 = tpu.memref_squeeze %dma_start3A_110 : memref<1x40x128xi32, #tpu.memory_space<hbm>> -> memref<40x128xi32, #tpu.memory_space<hbm>>
        %dma_start3A_112 = arith.constant 40 : i32
        %dma_start3A_113 = arith.constant 0 : i32
        %dma_start3A_114 = tpu.memref_slice %arg4[%arg1, %dma_start3A_112, %dma_start3A_113] : memref<16x80x128xi32, #tpu.memory_space<hbm>> -> memref<1x40x128xi32, #tpu.memory_space<hbm>>
        %dma_start3A_115 = tpu.memref_squeeze %dma_start3A_114 : memref<1x40x128xi32, #tpu.memory_space<hbm>> -> memref<40x128xi32, #tpu.memory_space<hbm>>
        tpu.enqueue_dma source(%dma_start3A_115 : memref<40x128xi32, #tpu.memory_space<hbm>>) target(%arg8 : memref<40x128xi32, #tpu.memory_space<vmem>>) target_semaphore(%run_scoped3A_107 : memref<!tpu.dma_semaphore, #tpu.memory_space<semaphore_mem>>)
        %dma_wait3A_116 = arith.constant 40 : i32
        %dma_wait3A_117 = arith.constant 0 : i32
        %dma_wait3A_118 = tpu.memref_slice %arg4[%arg1, %dma_wait3A_116, %dma_wait3A_117] : memref<16x80x128xi32, #tpu.memory_space<hbm>> -> memref<1x40x128xi32, #tpu.memory_space<hbm>>
        %dma_wait3A_119 = tpu.memref_squeeze %dma_wait3A_118 : memref<1x40x128xi32, #tpu.memory_space<hbm>> -> memref<40x128xi32, #tpu.memory_space<hbm>>
        %dma_wait3A_120 = arith.constant 40 : i32
        %dma_wait3A_121 = arith.constant 0 : i32
        %dma_wait3A_122 = tpu.memref_slice %arg4[%arg1, %dma_wait3A_120, %dma_wait3A_121] : memref<16x80x128xi32, #tpu.memory_space<hbm>> -> memref<1x40x128xi32, #tpu.memory_space<hbm>>
        %dma_wait3A_123 = tpu.memref_squeeze %dma_wait3A_122 : memref<1x40x128xi32, #tpu.memory_space<hbm>> -> memref<40x128xi32, #tpu.memory_space<hbm>>
        tpu.wait_dma2 semaphore(%run_scoped3A_107 : memref<!tpu.dma_semaphore, #tpu.memory_space<semaphore_mem>>) src(%dma_wait3A_123 : memref<40x128xi32, #tpu.memory_space<hbm>>) dst(%arg8 : memref<40x128xi32, #tpu.memory_space<vmem>>)
        tpu.yield
      }) : () -> ()
      "tpu.region"() ({
        %run_scoped3A_107 = tpu.sem_alloc : memref<!tpu.dma_semaphore, #tpu.memory_space<semaphore_mem>>
        %dma_start3A_108 = arith.constant 40 : i32
        %dma_start3A_109 = arith.constant 0 : i32
        %dma_start3A_110 = tpu.memref_slice %arg5[%arg1, %dma_start3A_108, %dma_start3A_109] : memref<16x80x128xi32, #tpu.memory_space<hbm>> -> memref<1x40x128xi32, #tpu.memory_space<hbm>>
        %dma_start3A_111 = tpu.memref_squeeze %dma_start3A_110 : memref<1x40x128xi32, #tpu.memory_space<hbm>> -> memref<40x128xi32, #tpu.memory_space<hbm>>
        %dma_start3A_112 = arith.constant 40 : i32
        %dma_start3A_113 = arith.constant 0 : i32
        %dma_start3A_114 = tpu.memref_slice %arg5[%arg1, %dma_start3A_112, %dma_start3A_113] : memref<16x80x128xi32, #tpu.memory_space<hbm>> -> memref<1x40x128xi32, #tpu.memory_space<hbm>>
        %dma_start3A_115 = tpu.memref_squeeze %dma_start3A_114 : memref<1x40x128xi32, #tpu.memory_space<hbm>> -> memref<40x128xi32, #tpu.memory_space<hbm>>
        tpu.enqueue_dma source(%dma_start3A_115 : memref<40x128xi32, #tpu.memory_space<hbm>>) target(%arg9 : memref<40x128xi32, #tpu.memory_space<vmem>>) target_semaphore(%run_scoped3A_107 : memref<!tpu.dma_semaphore, #tpu.memory_space<semaphore_mem>>)
        %dma_wait3A_116 = arith.constant 40 : i32
        %dma_wait3A_117 = arith.constant 0 : i32
        %dma_wait3A_118 = tpu.memref_slice %arg5[%arg1, %dma_wait3A_116, %dma_wait3A_117] : memref<16x80x128xi32, #tpu.memory_space<hbm>> -> memref<1x40x128xi32, #tpu.memory_space<hbm>>
        %dma_wait3A_119 = tpu.memref_squeeze %dma_wait3A_118 : memref<1x40x128xi32, #tpu.memory_space<hbm>> -> memref<40x128xi32, #tpu.memory_space<hbm>>
        %dma_wait3A_120 = arith.constant 40 : i32
        %dma_wait3A_121 = arith.constant 0 : i32
        %dma_wait3A_122 = tpu.memref_slice %arg5[%arg1, %dma_wait3A_120, %dma_wait3A_121] : memref<16x80x128xi32, #tpu.memory_space<hbm>> -> memref<1x40x128xi32, #tpu.memory_space<hbm>>
        %dma_wait3A_123 = tpu.memref_squeeze %dma_wait3A_122 : memref<1x40x128xi32, #tpu.memory_space<hbm>> -> memref<40x128xi32, #tpu.memory_space<hbm>>
        tpu.wait_dma2 semaphore(%run_scoped3A_107 : memref<!tpu.dma_semaphore, #tpu.memory_space<semaphore_mem>>) src(%dma_wait3A_123 : memref<40x128xi32, #tpu.memory_space<hbm>>) dst(%arg9 : memref<40x128xi32, #tpu.memory_space<vmem>>)
        tpu.yield
      }) : () -> ()
      %dma_start3A_65 = arith.constant 0 : i32
      %dma_start3A_66 = arith.constant 0 : i32
      %dma_start3A_67 = tpu.memref_slice %arg8[%dma_start3A_65, %dma_start3A_66] : memref<40x128xi32, #tpu.memory_space<vmem>> -> memref<1x128xi32, #tpu.memory_space<vmem>>
      %dma_start3A_68 = tpu.memref_squeeze %dma_start3A_67 : memref<1x128xi32, #tpu.memory_space<vmem>> -> memref<128xi32, #tpu.memory_space<vmem>>
      %dma_start3A_69 = arith.constant 0 : i32
      %dma_start3A_70 = arith.constant 0 : i32
      %dma_start3A_71 = tpu.memref_slice %arg3[%dma_start3A_69, %dma_start3A_70] : memref<10240x128xf32, #tpu.memory_space<hbm>> -> memref<10240x128xf32, #tpu.memory_space<hbm>>
      tpu.enqueue_indirect_dma source(%dma_start3A_71 : memref<10240x128xf32, #tpu.memory_space<hbm>>) target(%arg10 : memref<128x128xf32, #tpu.memory_space<vmem>>) offsets(%dma_start3A_68 : memref<128xi32, #tpu.memory_space<vmem>>) semaphore(%arg13 : memref<!tpu.dma_semaphore, #tpu.memory_space<semaphore_mem>>)
      %dma_start3A_72 = arith.constant 1 : i32
      %dma_start3A_73 = arith.constant 0 : i32
      %dma_start3A_74 = tpu.memref_slice %arg8[%dma_start3A_72, %dma_start3A_73] : memref<40x128xi32, #tpu.memory_space<vmem>> -> memref<1x128xi32, #tpu.memory_space<vmem>>
      %dma_start3A_75 = tpu.memref_squeeze %dma_start3A_74 : memref<1x128xi32, #tpu.memory_space<vmem>> -> memref<128xi32, #tpu.memory_space<vmem>>
      %dma_start3A_76 = arith.constant 0 : i32
      %dma_start3A_77 = arith.constant 0 : i32
      %dma_start3A_78 = tpu.memref_slice %arg3[%dma_start3A_76, %dma_start3A_77] : memref<10240x128xf32, #tpu.memory_space<hbm>> -> memref<10240x128xf32, #tpu.memory_space<hbm>>
      tpu.enqueue_indirect_dma source(%dma_start3A_78 : memref<10240x128xf32, #tpu.memory_space<hbm>>) target(%arg11 : memref<128x128xf32, #tpu.memory_space<vmem>>) offsets(%dma_start3A_75 : memref<128xi32, #tpu.memory_space<vmem>>) semaphore(%arg14 : memref<!tpu.dma_semaphore, #tpu.memory_space<semaphore_mem>>)
      %scan3A_79 = arith.constant 0 : i32
      %scan3A_80 = arith.constant 0 : i32
      %scan3A_81 = arith.constant 19 : i32
      %scan3A_82 = arith.addi %scan3A_80, %scan3A_81 : i32
      %scan3A_83 = arith.constant 1 : i32
      %scan3A_84 = scf.for %scan3A_107 = %scan3A_80 to %scan3A_82 step %scan3A_83 iter_args(%scan3A_108 = %scan3A_79) -> (i32)  : i32 {
        %mul3A_109 = arith.constant 2 : i32
        %mul3A_110 = arith.muli %scan3A_107, %mul3A_109 : i32
        %dma_wait3A_111 = arith.constant 0 : i32
        %dma_wait3A_112 = tpu.memref_slice %arg8[%mul3A_110, %dma_wait3A_111] : memref<40x128xi32, #tpu.memory_space<vmem>> -> memref<1x128xi32, #tpu.memory_space<vmem>>
        %dma_wait3A_113 = tpu.memref_squeeze %dma_wait3A_112 : memref<1x128xi32, #tpu.memory_space<vmem>> -> memref<128xi32, #tpu.memory_space<vmem>>
        %dma_wait3A_114 = arith.constant 0 : i32
        %dma_wait3A_115 = arith.constant 0 : i32
        %dma_wait3A_116 = tpu.memref_slice %arg3[%dma_wait3A_114, %dma_wait3A_115] : memref<10240x128xf32, #tpu.memory_space<hbm>> -> memref<10240x128xf32, #tpu.memory_space<hbm>>
        tpu.wait_indirect_dma semaphore(%arg13 : memref<!tpu.dma_semaphore, #tpu.memory_space<semaphore_mem>>) src(%dma_wait3A_116 : memref<10240x128xf32, #tpu.memory_space<hbm>>) dst(%arg10 : memref<128x128xf32, #tpu.memory_space<vmem>>)
        "tpu.region"() ({
          %run_scoped3A_144 = tpu.sem_alloc : memref<!tpu.dma_semaphore, #tpu.memory_space<semaphore_mem>>
          %dma_start3A_145 = arith.constant 0 : i32
          %dma_start3A_146 = tpu.memref_slice %arg9[%mul3A_110, %dma_start3A_145] : memref<40x128xi32, #tpu.memory_space<vmem>> -> memref<1x128xi32, #tpu.memory_space<vmem>>
          %dma_start3A_147 = tpu.memref_squeeze %dma_start3A_146 : memref<1x128xi32, #tpu.memory_space<vmem>> -> memref<128xi32, #tpu.memory_space<vmem>>
          %dma_start3A_148 = arith.constant 0 : i32
          %dma_start3A_149 = arith.constant 0 : i32
          %dma_start3A_150 = tpu.memref_slice %arg12[%dma_start3A_148, %dma_start3A_149] : memref<10240x128xf32, #tpu.memory_space<vmem_shared>> -> memref<10240x128xf32, #tpu.memory_space<vmem_shared>>
          tpu.enqueue_indirect_dma source(%arg10 : memref<128x128xf32, #tpu.memory_space<vmem>>) target(%dma_start3A_150 : memref<10240x128xf32, #tpu.memory_space<vmem_shared>>) offsets(%dma_start3A_147 : memref<128xi32, #tpu.memory_space<vmem>>) semaphore(%run_scoped3A_144 : memref<!tpu.dma_semaphore, #tpu.memory_space<semaphore_mem>>) {add = true}
          %dma_wait3A_151 = arith.constant 0 : i32
          %dma_wait3A_152 = tpu.memref_slice %arg9[%mul3A_110, %dma_wait3A_151] : memref<40x128xi32, #tpu.memory_space<vmem>> -> memref<1x128xi32, #tpu.memory_space<vmem>>
          %dma_wait3A_153 = tpu.memref_squeeze %dma_wait3A_152 : memref<1x128xi32, #tpu.memory_space<vmem>> -> memref<128xi32, #tpu.memory_space<vmem>>
          %dma_wait3A_154 = arith.constant 0 : i32
          %dma_wait3A_155 = arith.constant 0 : i32
          %dma_wait3A_156 = tpu.memref_slice %arg12[%dma_wait3A_154, %dma_wait3A_155] : memref<10240x128xf32, #tpu.memory_space<vmem_shared>> -> memref<10240x128xf32, #tpu.memory_space<vmem_shared>>
          tpu.wait_indirect_dma semaphore(%run_scoped3A_144 : memref<!tpu.dma_semaphore, #tpu.memory_space<semaphore_mem>>) src(%arg10 : memref<128x128xf32, #tpu.memory_space<vmem>>) dst(%dma_wait3A_156 : memref<10240x128xf32, #tpu.memory_space<vmem_shared>>)
          tpu.yield
        }) : () -> ()
        %add3A_117 = arith.constant 2 : i32
        %add3A_118 = arith.addi %mul3A_110, %add3A_117 : i32
        %dma_start3A_119 = arith.constant 0 : i32
        %dma_start3A_120 = tpu.memref_slice %arg8[%add3A_118, %dma_start3A_119] : memref<40x128xi32, #tpu.memory_space<vmem>> -> memref<1x128xi32, #tpu.memory_space<vmem>>
        %dma_start3A_121 = tpu.memref_squeeze %dma_start3A_120 : memref<1x128xi32, #tpu.memory_space<vmem>> -> memref<128xi32, #tpu.memory_space<vmem>>
        %dma_start3A_122 = arith.constant 0 : i32
        %dma_start3A_123 = arith.constant 0 : i32
        %dma_start3A_124 = tpu.memref_slice %arg3[%dma_start3A_122, %dma_start3A_123] : memref<10240x128xf32, #tpu.memory_space<hbm>> -> memref<10240x128xf32, #tpu.memory_space<hbm>>
        tpu.enqueue_indirect_dma source(%dma_start3A_124 : memref<10240x128xf32, #tpu.memory_space<hbm>>) target(%arg10 : memref<128x128xf32, #tpu.memory_space<vmem>>) offsets(%dma_start3A_121 : memref<128xi32, #tpu.memory_space<vmem>>) semaphore(%arg13 : memref<!tpu.dma_semaphore, #tpu.memory_space<semaphore_mem>>)
        %add3A_125 = arith.constant 1 : i32
        %add3A_126 = arith.addi %mul3A_110, %add3A_125 : i32
        %dma_wait3A_127 = arith.constant 0 : i32
        %dma_wait3A_128 = tpu.memref_slice %arg8[%add3A_126, %dma_wait3A_127] : memref<40x128xi32, #tpu.memory_space<vmem>> -> memref<1x128xi32, #tpu.memory_space<vmem>>
        %dma_wait3A_129 = tpu.memref_squeeze %dma_wait3A_128 : memref<1x128xi32, #tpu.memory_space<vmem>> -> memref<128xi32, #tpu.memory_space<vmem>>
        %dma_wait3A_130 = arith.constant 0 : i32
        %dma_wait3A_131 = arith.constant 0 : i32
        %dma_wait3A_132 = tpu.memref_slice %arg3[%dma_wait3A_130, %dma_wait3A_131] : memref<10240x128xf32, #tpu.memory_space<hbm>> -> memref<10240x128xf32, #tpu.memory_space<hbm>>
        tpu.wait_indirect_dma semaphore(%arg14 : memref<!tpu.dma_semaphore, #tpu.memory_space<semaphore_mem>>) src(%dma_wait3A_132 : memref<10240x128xf32, #tpu.memory_space<hbm>>) dst(%arg11 : memref<128x128xf32, #tpu.memory_space<vmem>>)
        %add3A_133 = arith.constant 1 : i32
        %add3A_134 = arith.addi %mul3A_110, %add3A_133 : i32
        "tpu.region"() ({
          %run_scoped3A_144 = tpu.sem_alloc : memref<!tpu.dma_semaphore, #tpu.memory_space<semaphore_mem>>
          %dma_start3A_145 = arith.constant 0 : i32
          %dma_start3A_146 = tpu.memref_slice %arg9[%add3A_134, %dma_start3A_145] : memref<40x128xi32, #tpu.memory_space<vmem>> -> memref<1x128xi32, #tpu.memory_space<vmem>>
          %dma_start3A_147 = tpu.memref_squeeze %dma_start3A_146 : memref<1x128xi32, #tpu.memory_space<vmem>> -> memref<128xi32, #tpu.memory_space<vmem>>
          %dma_start3A_148 = arith.constant 0 : i32
          %dma_start3A_149 = arith.constant 0 : i32
          %dma_start3A_150 = tpu.memref_slice %arg12[%dma_start3A_148, %dma_start3A_149] : memref<10240x128xf32, #tpu.memory_space<vmem_shared>> -> memref<10240x128xf32, #tpu.memory_space<vmem_shared>>
          tpu.enqueue_indirect_dma source(%arg11 : memref<128x128xf32, #tpu.memory_space<vmem>>) target(%dma_start3A_150 : memref<10240x128xf32, #tpu.memory_space<vmem_shared>>) offsets(%dma_start3A_147 : memref<128xi32, #tpu.memory_space<vmem>>) semaphore(%run_scoped3A_144 : memref<!tpu.dma_semaphore, #tpu.memory_space<semaphore_mem>>) {add = true}
          %dma_wait3A_151 = arith.constant 0 : i32
          %dma_wait3A_152 = tpu.memref_slice %arg9[%add3A_134, %dma_wait3A_151] : memref<40x128xi32, #tpu.memory_space<vmem>> -> memref<1x128xi32, #tpu.memory_space<vmem>>
          %dma_wait3A_153 = tpu.memref_squeeze %dma_wait3A_152 : memref<1x128xi32, #tpu.memory_space<vmem>> -> memref<128xi32, #tpu.memory_space<vmem>>
          %dma_wait3A_154 = arith.constant 0 : i32
          %dma_wait3A_155 = arith.constant 0 : i32
          %dma_wait3A_156 = tpu.memref_slice %arg12[%dma_wait3A_154, %dma_wait3A_155] : memref<10240x128xf32, #tpu.memory_space<vmem_shared>> -> memref<10240x128xf32, #tpu.memory_space<vmem_shared>>
          tpu.wait_indirect_dma semaphore(%run_scoped3A_144 : memref<!tpu.dma_semaphore, #tpu.memory_space<semaphore_mem>>) src(%arg11 : memref<128x128xf32, #tpu.memory_space<vmem>>) dst(%dma_wait3A_156 : memref<10240x128xf32, #tpu.memory_space<vmem_shared>>)
          tpu.yield
        }) : () -> ()
        %add3A_135 = arith.constant 3 : i32
        %add3A_136 = arith.addi %mul3A_110, %add3A_135 : i32
        %dma_start3A_137 = arith.constant 0 : i32
        %dma_start3A_138 = tpu.memref_slice %arg8[%add3A_136, %dma_start3A_137] : memref<40x128xi32, #tpu.memory_space<vmem>> -> memref<1x128xi32, #tpu.memory_space<vmem>>
        %dma_start3A_139 = tpu.memref_squeeze %dma_start3A_138 : memref<1x128xi32, #tpu.memory_space<vmem>> -> memref<128xi32, #tpu.memory_space<vmem>>
        %dma_start3A_140 = arith.constant 0 : i32
        %dma_start3A_141 = arith.constant 0 : i32
        %dma_start3A_142 = tpu.memref_slice %arg3[%dma_start3A_140, %dma_start3A_141] : memref<10240x128xf32, #tpu.memory_space<hbm>> -> memref<10240x128xf32, #tpu.memory_space<hbm>>
        tpu.enqueue_indirect_dma source(%dma_start3A_142 : memref<10240x128xf32, #tpu.memory_space<hbm>>) target(%arg11 : memref<128x128xf32, #tpu.memory_space<vmem>>) offsets(%dma_start3A_139 : memref<128xi32, #tpu.memory_space<vmem>>) semaphore(%arg14 : memref<!tpu.dma_semaphore, #tpu.memory_space<semaphore_mem>>)
        %scan3A_143 = arith.constant 0 : i32
        scf.yield %scan3A_143 : i32
      }
      %scan3A_85 = arith.constant 19 : i32
      %dma_wait3A_86 = arith.constant 38 : i32
      %dma_wait3A_87 = arith.constant 0 : i32
      %dma_wait3A_88 = tpu.memref_slice %arg8[%dma_wait3A_86, %dma_wait3A_87] : memref<40x128xi32, #tpu.memory_space<vmem>> -> memref<1x128xi32, #tpu.memory_space<vmem>>
      %dma_wait3A_89 = tpu.memref_squeeze %dma_wait3A_88 : memref<1x128xi32, #tpu.memory_space<vmem>> -> memref<128xi32, #tpu.memory_space<vmem>>
      %dma_wait3A_90 = arith.constant 0 : i32
      %dma_wait3A_91 = arith.constant 0 : i32
      %dma_wait3A_92 = tpu.memref_slice %arg3[%dma_wait3A_90, %dma_wait3A_91] : memref<10240x128xf32, #tpu.memory_space<hbm>> -> memref<10240x128xf32, #tpu.memory_space<hbm>>
      tpu.wait_indirect_dma semaphore(%arg13 : memref<!tpu.dma_semaphore, #tpu.memory_space<semaphore_mem>>) src(%dma_wait3A_92 : memref<10240x128xf32, #tpu.memory_space<hbm>>) dst(%arg10 : memref<128x128xf32, #tpu.memory_space<vmem>>)
      %run_scoped3A_93 = arith.constant 38 : i32
      "tpu.region"() ({
        %run_scoped3A_107 = tpu.sem_alloc : memref<!tpu.dma_semaphore, #tpu.memory_space<semaphore_mem>>
        %dma_start3A_108 = arith.constant 0 : i32
        %dma_start3A_109 = tpu.memref_slice %arg9[%run_scoped3A_93, %dma_start3A_108] : memref<40x128xi32, #tpu.memory_space<vmem>> -> memref<1x128xi32, #tpu.memory_space<vmem>>
        %dma_start3A_110 = tpu.memref_squeeze %dma_start3A_109 : memref<1x128xi32, #tpu.memory_space<vmem>> -> memref<128xi32, #tpu.memory_space<vmem>>
        %dma_start3A_111 = arith.constant 0 : i32
        %dma_start3A_112 = arith.constant 0 : i32
        %dma_start3A_113 = tpu.memref_slice %arg12[%dma_start3A_111, %dma_start3A_112] : memref<10240x128xf32, #tpu.memory_space<vmem_shared>> -> memref<10240x128xf32, #tpu.memory_space<vmem_shared>>
        tpu.enqueue_indirect_dma source(%arg10 : memref<128x128xf32, #tpu.memory_space<vmem>>) target(%dma_start3A_113 : memref<10240x128xf32, #tpu.memory_space<vmem_shared>>) offsets(%dma_start3A_110 : memref<128xi32, #tpu.memory_space<vmem>>) semaphore(%run_scoped3A_107 : memref<!tpu.dma_semaphore, #tpu.memory_space<semaphore_mem>>) {add = true}
        %dma_wait3A_114 = arith.constant 0 : i32
        %dma_wait3A_115 = tpu.memref_slice %arg9[%run_scoped3A_93, %dma_wait3A_114] : memref<40x128xi32, #tpu.memory_space<vmem>> -> memref<1x128xi32, #tpu.memory_space<vmem>>
        %dma_wait3A_116 = tpu.memref_squeeze %dma_wait3A_115 : memref<1x128xi32, #tpu.memory_space<vmem>> -> memref<128xi32, #tpu.memory_space<vmem>>
        %dma_wait3A_117 = arith.constant 0 : i32
        %dma_wait3A_118 = arith.constant 0 : i32
        %dma_wait3A_119 = tpu.memref_slice %arg12[%dma_wait3A_117, %dma_wait3A_118] : memref<10240x128xf32, #tpu.memory_space<vmem_shared>> -> memref<10240x128xf32, #tpu.memory_space<vmem_shared>>
        tpu.wait_indirect_dma semaphore(%run_scoped3A_107 : memref<!tpu.dma_semaphore, #tpu.memory_space<semaphore_mem>>) src(%arg10 : memref<128x128xf32, #tpu.memory_space<vmem>>) dst(%dma_wait3A_119 : memref<10240x128xf32, #tpu.memory_space<vmem_shared>>)
        tpu.yield
      }) : () -> ()
      %dma_wait3A_94 = arith.constant 39 : i32
      %dma_wait3A_95 = arith.constant 0 : i32
      %dma_wait3A_96 = tpu.memref_slice %arg8[%dma_wait3A_94, %dma_wait3A_95] : memref<40x128xi32, #tpu.memory_space<vmem>> -> memref<1x128xi32, #tpu.memory_space<vmem>>
      %dma_wait3A_97 = tpu.memref_squeeze %dma_wait3A_96 : memref<1x128xi32, #tpu.memory_space<vmem>> -> memref<128xi32, #tpu.memory_space<vmem>>
      %dma_wait3A_98 = arith.constant 0 : i32
      %dma_wait3A_99 = arith.constant 0 : i32
      %dma_wait3A_100 = tpu.memref_slice %arg3[%dma_wait3A_98, %dma_wait3A_99] : memref<10240x128xf32, #tpu.memory_space<hbm>> -> memref<10240x128xf32, #tpu.memory_space<hbm>>
      tpu.wait_indirect_dma semaphore(%arg14 : memref<!tpu.dma_semaphore, #tpu.memory_space<semaphore_mem>>) src(%dma_wait3A_100 : memref<10240x128xf32, #tpu.memory_space<hbm>>) dst(%arg11 : memref<128x128xf32, #tpu.memory_space<vmem>>)
      %run_scoped3A_101 = arith.constant 39 : i32
      "tpu.region"() ({
        %run_scoped3A_107 = tpu.sem_alloc : memref<!tpu.dma_semaphore, #tpu.memory_space<semaphore_mem>>
        %dma_start3A_108 = arith.constant 0 : i32
        %dma_start3A_109 = tpu.memref_slice %arg9[%run_scoped3A_101, %dma_start3A_108] : memref<40x128xi32, #tpu.memory_space<vmem>> -> memref<1x128xi32, #tpu.memory_space<vmem>>
        %dma_start3A_110 = tpu.memref_squeeze %dma_start3A_109 : memref<1x128xi32, #tpu.memory_space<vmem>> -> memref<128xi32, #tpu.memory_space<vmem>>
        %dma_start3A_111 = arith.constant 0 : i32
        %dma_start3A_112 = arith.constant 0 : i32
        %dma_start3A_113 = tpu.memref_slice %arg12[%dma_start3A_111, %dma_start3A_112] : memref<10240x128xf32, #tpu.memory_space<vmem_shared>> -> memref<10240x128xf32, #tpu.memory_space<vmem_shared>>
        tpu.enqueue_indirect_dma source(%arg11 : memref<128x128xf32, #tpu.memory_space<vmem>>) target(%dma_start3A_113 : memref<10240x128xf32, #tpu.memory_space<vmem_shared>>) offsets(%dma_start3A_110 : memref<128xi32, #tpu.memory_space<vmem>>) semaphore(%run_scoped3A_107 : memref<!tpu.dma_semaphore, #tpu.memory_space<semaphore_mem>>) {add = true}
        %dma_wait3A_114 = arith.constant 0 : i32
        %dma_wait3A_115 = tpu.memref_slice %arg9[%run_scoped3A_101, %dma_wait3A_114] : memref<40x128xi32, #tpu.memory_space<vmem>> -> memref<1x128xi32, #tpu.memory_space<vmem>>
        %dma_wait3A_116 = tpu.memref_squeeze %dma_wait3A_115 : memref<1x128xi32, #tpu.memory_space<vmem>> -> memref<128xi32, #tpu.memory_space<vmem>>
        %dma_wait3A_117 = arith.constant 0 : i32
        %dma_wait3A_118 = arith.constant 0 : i32
        %dma_wait3A_119 = tpu.memref_slice %arg12[%dma_wait3A_117, %dma_wait3A_118] : memref<10240x128xf32, #tpu.memory_space<vmem_shared>> -> memref<10240x128xf32, #tpu.memory_space<vmem_shared>>
        tpu.wait_indirect_dma semaphore(%run_scoped3A_107 : memref<!tpu.dma_semaphore, #tpu.memory_space<semaphore_mem>>) src(%arg11 : memref<128x128xf32, #tpu.memory_space<vmem>>) dst(%dma_wait3A_119 : memref<10240x128xf32, #tpu.memory_space<vmem_shared>>)
        tpu.yield
      }) : () -> ()
      %barrier3A_102 = arith.constant 0 : index
      tpu.barrier barrier_id(%barrier3A_102)
      %mul3A_103 = arith.constant 640 : i32
      %mul3A_104 = arith.muli %arg1, %mul3A_103 : i32
      %mul3A_105 = arith.constant 640 : i32
      %mul3A_106 = arith.muli %arg1, %mul3A_105 : i32
      "tpu.region"() ({
        %run_scoped3A_107 = tpu.sem_alloc : memref<!tpu.dma_semaphore, #tpu.memory_space<semaphore_mem>>
        %dma_start3A_108 = arith.constant 0 : i32
        %dma_start3A_109 = tpu.memref_slice %arg7[%mul3A_106, %dma_start3A_108] : memref<10240x128xf32, #tpu.memory_space<hbm>> -> memref<640x128xf32, #tpu.memory_space<hbm>>
        %dma_start3A_110 = arith.constant 0 : i32
        %dma_start3A_111 = tpu.memref_slice %arg12[%mul3A_104, %dma_start3A_110] : memref<10240x128xf32, #tpu.memory_space<vmem_shared>> -> memref<640x128xf32, #tpu.memory_space<vmem_shared>>
        tpu.enqueue_dma source(%dma_start3A_111 : memref<640x128xf32, #tpu.memory_space<vmem_shared>>) target(%dma_start3A_109 : memref<640x128xf32, #tpu.memory_space<hbm>>) target_semaphore(%run_scoped3A_107 : memref<!tpu.dma_semaphore, #tpu.memory_space<semaphore_mem>>)
        %dma_wait3A_112 = arith.constant 0 : i32
        %dma_wait3A_113 = tpu.memref_slice %arg7[%mul3A_106, %dma_wait3A_112] : memref<10240x128xf32, #tpu.memory_space<hbm>> -> memref<640x128xf32, #tpu.memory_space<hbm>>
        %dma_wait3A_114 = arith.constant 0 : i32
        %dma_wait3A_115 = tpu.memref_slice %arg12[%mul3A_104, %dma_wait3A_114] : memref<10240x128xf32, #tpu.memory_space<vmem_shared>> -> memref<640x128xf32, #tpu.memory_space<vmem_shared>>
        tpu.wait_dma2 semaphore(%run_scoped3A_107 : memref<!tpu.dma_semaphore, #tpu.memory_space<semaphore_mem>>) src(%dma_wait3A_115 : memref<640x128xf32, #tpu.memory_space<vmem_shared>>) dst(%dma_wait3A_113 : memref<640x128xf32, #tpu.memory_space<hbm>>)
        tpu.yield
      }) : () -> ()
    } else {
    }
    return
  }
}

#map = affine_map<(d0, d1) -> (0, 0)>
#map1 = affine_map<(d0, d1) -> (0, 0, 0)>
module attributes {stable_mosaic.version = 14 : i64} {
  func.func @k(%arg0: i32, %arg1: i32, %arg2: memref<10240x128xf32, #tpu.memory_space<hbm>>, %arg3: memref<10240x128xf32, #tpu.memory_space<hbm>>, %arg4: memref<16x80x128xi32, #tpu.memory_space<hbm>>, %arg5: memref<16x80x128xi32, #tpu.memory_space<hbm>>, %arg6: memref<10240x128xf32, #tpu.memory_space<hbm>>, %arg7: memref<10240x128xf32, #tpu.memory_space<hbm>>, %arg8: memref<40x128xi32, #tpu.memory_space<vmem>>, %arg9: memref<40x128xi32, #tpu.memory_space<vmem>>, %arg10: memref<128x128xf32, #tpu.memory_space<vmem>>, %arg11: memref<128x128xf32, #tpu.memory_space<vmem>>, %arg12: memref<10240x128xf32, #tpu.memory_space<vmem_shared>>, %arg13: memref<!tpu.dma_semaphore, #tpu.memory_space<semaphore_mem>>, %arg14: memref<!tpu.dma_semaphore, #tpu.memory_space<semaphore_mem>>, %arg15: memref<!tpu.dma_semaphore, #tpu.memory_space<semaphore_mem>>, %arg16: memref<!tpu.dma_semaphore, #tpu.memory_space<semaphore_mem>>) attributes {dimension_semantics = [#tpu.dimension_semantics<core_parallel>, #tpu.dimension_semantics<subcore_parallel>], iteration_bounds = array<i64: 2, 16>, scalar_prefetch = 0 : i64, scratch_operands = 9 : i64, tpu.core_type = #tpu.core_type<sc_vector_subcore>, window_params = [{transform_indices = #map}, {transform_indices = #map}, {transform_indices = #map1}, {transform_indices = #map1}, {transform_indices = #map}, {transform_indices = #map}]} {
    %scan3A = arith.constant 0 : i32
    %scan3A_0 = arith.constant 0 : i32
    %scan3A_1 = arith.constant 128 : i32
    %scan3A_2 = arith.addi %scan3A_0, %scan3A_1 : i32
    %scan3A_3 = arith.constant 1 : i32
    %scan3A_4 = scf.for %scan3A_31 = %scan3A_0 to %scan3A_2 step %scan3A_3 iter_args(%scan3A_32 = %scan3A) -> (i32)  : i32 {
      %broadcast_in_dim3A = arith.constant 0.000000e+00 : f32
      %broadcast_in_dim3A_33 = vector.broadcast %broadcast_in_dim3A : f32 to vector<16xf32>
      %swap3A = arith.index_cast %scan3A_31 : i32 to index
      %swap3A_34 = arith.constant 0 : index
      %swap3A_35 = tpu.vector_load %arg10[%swap3A, %swap3A_34] {strides = array<i32>} : memref<128x128xf32, #tpu.memory_space<vmem>>, vector<1x16xf32>,
      %swap3A_36 = vector.shape_cast %swap3A_35 : vector<1x16xf32> to vector<16xf32>
      %swap3A_37 = vector.shape_cast %broadcast_in_dim3A_33 : vector<16xf32> to vector<1x16xf32>
      tpu.vector_store %arg10[%swap3A, %swap3A_34], %swap3A_37 {strides = array<i32>} : memref<128x128xf32, #tpu.memory_space<vmem>>, vector<1x16xf32>,
      %broadcast_in_dim3A_38 = arith.constant 0.000000e+00 : f32
      %broadcast_in_dim3A_39 = vector.broadcast %broadcast_in_dim3A_38 : f32 to vector<16xf32>
      %swap3A_40 = arith.index_cast %scan3A_31 : i32 to index
      %swap3A_41 = arith.constant 16 : index
      %swap3A_42 = tpu.vector_load %arg10[%swap3A_40, %swap3A_41] {strides = array<i32>} : memref<128x128xf32, #tpu.memory_space<vmem>>, vector<1x16xf32>,
      %swap3A_43 = vector.shape_cast %swap3A_42 : vector<1x16xf32> to vector<16xf32>
      %swap3A_44 = vector.shape_cast %broadcast_in_dim3A_39 : vector<16xf32> to vector<1x16xf32>
      tpu.vector_store %arg10[%swap3A_40, %swap3A_41], %swap3A_44 {strides = array<i32>} : memref<128x128xf32, #tpu.memory_space<vmem>>, vector<1x16xf32>,
      %broadcast_in_dim3A_45 = arith.constant 0.000000e+00 : f32
      %broadcast_in_dim3A_46 = vector.broadcast %broadcast_in_dim3A_45 : f32 to vector<16xf32>
      %swap3A_47 = arith.index_cast %scan3A_31 : i32 to index
      %swap3A_48 = arith.constant 32 : index
      %swap3A_49 = tpu.vector_load %arg10[%swap3A_47, %swap3A_48] {strides = array<i32>} : memref<128x128xf32, #tpu.memory_space<vmem>>, vector<1x16xf32>,
      %swap3A_50 = vector.shape_cast %swap3A_49 : vector<1x16xf32> to vector<16xf32>
      %swap3A_51 = vector.shape_cast %broadcast_in_dim3A_46 : vector<16xf32> to vector<1x16xf32>
      tpu.vector_store %arg10[%swap3A_47, %swap3A_48], %swap3A_51 {strides = array<i32>} : memref<128x128xf32, #tpu.memory_space<vmem>>, vector<1x16xf32>,
      %broadcast_in_dim3A_52 = arith.constant 0.000000e+00 : f32
      %broadcast_in_dim3A_53 = vector.broadcast %broadcast_in_dim3A_52 : f32 to vector<16xf32>
      %swap3A_54 = arith.index_cast %scan3A_31 : i32 to index
      %swap3A_55 = arith.constant 48 : index
      %swap3A_56 = tpu.vector_load %arg10[%swap3A_54, %swap3A_55] {strides = array<i32>} : memref<128x128xf32, #tpu.memory_space<vmem>>, vector<1x16xf32>,
      %swap3A_57 = vector.shape_cast %swap3A_56 : vector<1x16xf32> to vector<16xf32>
      %swap3A_58 = vector.shape_cast %broadcast_in_dim3A_53 : vector<16xf32> to vector<1x16xf32>
      tpu.vector_store %arg10[%swap3A_54, %swap3A_55], %swap3A_58 {strides = array<i32>} : memref<128x128xf32, #tpu.memory_space<vmem>>, vector<1x16xf32>,
      %broadcast_in_dim3A_59 = arith.constant 0.000000e+00 : f32
      %broadcast_in_dim3A_60 = vector.broadcast %broadcast_in_dim3A_59 : f32 to vector<16xf32>
      %swap3A_61 = arith.index_cast %scan3A_31 : i32 to index
      %swap3A_62 = arith.constant 64 : index
      %swap3A_63 = tpu.vector_load %arg10[%swap3A_61, %swap3A_62] {strides = array<i32>} : memref<128x128xf32, #tpu.memory_space<vmem>>, vector<1x16xf32>,
      %swap3A_64 = vector.shape_cast %swap3A_63 : vector<1x16xf32> to vector<16xf32>
      %swap3A_65 = vector.shape_cast %broadcast_in_dim3A_60 : vector<16xf32> to vector<1x16xf32>
      tpu.vector_store %arg10[%swap3A_61, %swap3A_62], %swap3A_65 {strides = array<i32>} : memref<128x128xf32, #tpu.memory_space<vmem>>, vector<1x16xf32>,
      %broadcast_in_dim3A_66 = arith.constant 0.000000e+00 : f32
      %broadcast_in_dim3A_67 = vector.broadcast %broadcast_in_dim3A_66 : f32 to vector<16xf32>
      %swap3A_68 = arith.index_cast %scan3A_31 : i32 to index
      %swap3A_69 = arith.constant 80 : index
      %swap3A_70 = tpu.vector_load %arg10[%swap3A_68, %swap3A_69] {strides = array<i32>} : memref<128x128xf32, #tpu.memory_space<vmem>>, vector<1x16xf32>,
      %swap3A_71 = vector.shape_cast %swap3A_70 : vector<1x16xf32> to vector<16xf32>
      %swap3A_72 = vector.shape_cast %broadcast_in_dim3A_67 : vector<16xf32> to vector<1x16xf32>
      tpu.vector_store %arg10[%swap3A_68, %swap3A_69], %swap3A_72 {strides = array<i32>} : memref<128x128xf32, #tpu.memory_space<vmem>>, vector<1x16xf32>,
      %broadcast_in_dim3A_73 = arith.constant 0.000000e+00 : f32
      %broadcast_in_dim3A_74 = vector.broadcast %broadcast_in_dim3A_73 : f32 to vector<16xf32>
      %swap3A_75 = arith.index_cast %scan3A_31 : i32 to index
      %swap3A_76 = arith.constant 96 : index
      %swap3A_77 = tpu.vector_load %arg10[%swap3A_75, %swap3A_76] {strides = array<i32>} : memref<128x128xf32, #tpu.memory_space<vmem>>, vector<1x16xf32>,
      %swap3A_78 = vector.shape_cast %swap3A_77 : vector<1x16xf32> to vector<16xf32>
      %swap3A_79 = vector.shape_cast %broadcast_in_dim3A_74 : vector<16xf32> to vector<1x16xf32>
      tpu.vector_store %arg10[%swap3A_75, %swap3A_76], %swap3A_79 {strides = array<i32>} : memref<128x128xf32, #tpu.memory_space<vmem>>, vector<1x16xf32>,
      %broadcast_in_dim3A_80 = arith.constant 0.000000e+00 : f32
      %broadcast_in_dim3A_81 = vector.broadcast %broadcast_in_dim3A_80 : f32 to vector<16xf32>
      %swap3A_82 = arith.index_cast %scan3A_31 : i32 to index
      %swap3A_83 = arith.constant 112 : index
      %swap3A_84 = tpu.vector_load %arg10[%swap3A_82, %swap3A_83] {strides = array<i32>} : memref<128x128xf32, #tpu.memory_space<vmem>>, vector<1x16xf32>,
      %swap3A_85 = vector.shape_cast %swap3A_84 : vector<1x16xf32> to vector<16xf32>
      %swap3A_86 = vector.shape_cast %broadcast_in_dim3A_81 : vector<16xf32> to vector<1x16xf32>
      tpu.vector_store %arg10[%swap3A_82, %swap3A_83], %swap3A_86 {strides = array<i32>} : memref<128x128xf32, #tpu.memory_space<vmem>>, vector<1x16xf32>,
      %scan3A_87 = arith.constant 0 : i32
      scf.yield %scan3A_87 : i32
    }
    %scan3A_5 = arith.constant 128 : i32
    %mul3A = arith.constant 640 : i32
    %mul3A_6 = arith.muli %arg1, %mul3A : i32
    %add3A = arith.constant 0 : i32
    %add3A_7 = arith.addi %mul3A_6, %add3A : i32
    "tpu.region"() ({
      %run_scoped3A = tpu.sem_alloc : memref<!tpu.dma_semaphore, #tpu.memory_space<semaphore_mem>>
      %dma_start3A = arith.constant 0 : i32
      %dma_start3A_31 = tpu.memref_slice %arg12[%add3A_7, %dma_start3A] : memref<10240x128xf32, #tpu.memory_space<vmem_shared>> -> memref<128x128xf32, #tpu.memory_space<vmem_shared>>
      %dma_start3A_32 = arith.constant 0 : i32
      %dma_start3A_33 = tpu.memref_slice %arg12[%add3A_7, %dma_start3A_32] : memref<10240x128xf32, #tpu.memory_space<vmem_shared>> -> memref<128x128xf32, #tpu.memory_space<vmem_shared>>
      tpu.enqueue_dma source(%arg10 : memref<128x128xf32, #tpu.memory_space<vmem>>) target(%dma_start3A_33 : memref<128x128xf32, #tpu.memory_space<vmem_shared>>) target_semaphore(%run_scoped3A : memref<!tpu.dma_semaphore, #tpu.memory_space<semaphore_mem>>)
      %dma_wait3A = arith.constant 0 : i32
      %dma_wait3A_34 = tpu.memref_slice %arg12[%add3A_7, %dma_wait3A] : memref<10240x128xf32, #tpu.memory_space<vmem_shared>> -> memref<128x128xf32, #tpu.memory_space<vmem_shared>>
      %dma_wait3A_35 = arith.constant 0 : i32
      %dma_wait3A_36 = tpu.memref_slice %arg12[%add3A_7, %dma_wait3A_35] : memref<10240x128xf32, #tpu.memory_space<vmem_shared>> -> memref<128x128xf32, #tpu.memory_space<vmem_shared>>
      tpu.wait_dma2 semaphore(%run_scoped3A : memref<!tpu.dma_semaphore, #tpu.memory_space<semaphore_mem>>) src(%arg10 : memref<128x128xf32, #tpu.memory_space<vmem>>) dst(%dma_wait3A_36 : memref<128x128xf32, #tpu.memory_space<vmem_shared>>)
      tpu.yield
    }) : () -> ()
    %mul3A_8 = arith.constant 640 : i32
    %mul3A_9 = arith.muli %arg1, %mul3A_8 : i32
    %add3A_10 = arith.constant 128 : i32
    %add3A_11 = arith.addi %mul3A_9, %add3A_10 : i32
    "tpu.region"() ({
      %run_scoped3A = tpu.sem_alloc : memref<!tpu.dma_semaphore, #tpu.memory_space<semaphore_mem>>
      %dma_start3A = arith.constant 0 : i32
      %dma_start3A_31 = tpu.memref_slice %arg12[%add3A_11, %dma_start3A] : memref<10240x128xf32, #tpu.memory_space<vmem_shared>> -> memref<128x128xf32, #tpu.memory_space<vmem_shared>>
      %dma_start3A_32 = arith.constant 0 : i32
      %dma_start3A_33 = tpu.memref_slice %arg12[%add3A_11, %dma_start3A_32] : memref<10240x128xf32, #tpu.memory_space<vmem_shared>> -> memref<128x128xf32, #tpu.memory_space<vmem_shared>>
      tpu.enqueue_dma source(%arg10 : memref<128x128xf32, #tpu.memory_space<vmem>>) target(%dma_start3A_33 : memref<128x128xf32, #tpu.memory_space<vmem_shared>>) target_semaphore(%run_scoped3A : memref<!tpu.dma_semaphore, #tpu.memory_space<semaphore_mem>>)
      %dma_wait3A = arith.constant 0 : i32
      %dma_wait3A_34 = tpu.memref_slice %arg12[%add3A_11, %dma_wait3A] : memref<10240x128xf32, #tpu.memory_space<vmem_shared>> -> memref<128x128xf32, #tpu.memory_space<vmem_shared>>
      %dma_wait3A_35 = arith.constant 0 : i32
      %dma_wait3A_36 = tpu.memref_slice %arg12[%add3A_11, %dma_wait3A_35] : memref<10240x128xf32, #tpu.memory_space<vmem_shared>> -> memref<128x128xf32, #tpu.memory_space<vmem_shared>>
      tpu.wait_dma2 semaphore(%run_scoped3A : memref<!tpu.dma_semaphore, #tpu.memory_space<semaphore_mem>>) src(%arg10 : memref<128x128xf32, #tpu.memory_space<vmem>>) dst(%dma_wait3A_36 : memref<128x128xf32, #tpu.memory_space<vmem_shared>>)
      tpu.yield
    }) : () -> ()
    %mul3A_12 = arith.constant 640 : i32
    %mul3A_13 = arith.muli %arg1, %mul3A_12 : i32
    %add3A_14 = arith.constant 256 : i32
    %add3A_15 = arith.addi %mul3A_13, %add3A_14 : i32
    "tpu.region"() ({
      %run_scoped3A = tpu.sem_alloc : memref<!tpu.dma_semaphore, #tpu.memory_space<semaphore_mem>>
      %dma_start3A = arith.constant 0 : i32
      %dma_start3A_31 = tpu.memref_slice %arg12[%add3A_15, %dma_start3A] : memref<10240x128xf32, #tpu.memory_space<vmem_shared>> -> memref<128x128xf32, #tpu.memory_space<vmem_shared>>
      %dma_start3A_32 = arith.constant 0 : i32
      %dma_start3A_33 = tpu.memref_slice %arg12[%add3A_15, %dma_start3A_32] : memref<10240x128xf32, #tpu.memory_space<vmem_shared>> -> memref<128x128xf32, #tpu.memory_space<vmem_shared>>
      tpu.enqueue_dma source(%arg10 : memref<128x128xf32, #tpu.memory_space<vmem>>) target(%dma_start3A_33 : memref<128x128xf32, #tpu.memory_space<vmem_shared>>) target_semaphore(%run_scoped3A : memref<!tpu.dma_semaphore, #tpu.memory_space<semaphore_mem>>)
      %dma_wait3A = arith.constant 0 : i32
      %dma_wait3A_34 = tpu.memref_slice %arg12[%add3A_15, %dma_wait3A] : memref<10240x128xf32, #tpu.memory_space<vmem_shared>> -> memref<128x128xf32, #tpu.memory_space<vmem_shared>>
      %dma_wait3A_35 = arith.constant 0 : i32
      %dma_wait3A_36 = tpu.memref_slice %arg12[%add3A_15, %dma_wait3A_35] : memref<10240x128xf32, #tpu.memory_space<vmem_shared>> -> memref<128x128xf32, #tpu.memory_space<vmem_shared>>
      tpu.wait_dma2 semaphore(%run_scoped3A : memref<!tpu.dma_semaphore, #tpu.memory_space<semaphore_mem>>) src(%arg10 : memref<128x128xf32, #tpu.memory_space<vmem>>) dst(%dma_wait3A_36 : memref<128x128xf32, #tpu.memory_space<vmem_shared>>)
      tpu.yield
    }) : () -> ()
    %mul3A_16 = arith.constant 640 : i32
    %mul3A_17 = arith.muli %arg1, %mul3A_16 : i32
    %add3A_18 = arith.constant 384 : i32
    %add3A_19 = arith.addi %mul3A_17, %add3A_18 : i32
    "tpu.region"() ({
      %run_scoped3A = tpu.sem_alloc : memref<!tpu.dma_semaphore, #tpu.memory_space<semaphore_mem>>
      %dma_start3A = arith.constant 0 : i32
      %dma_start3A_31 = tpu.memref_slice %arg12[%add3A_19, %dma_start3A] : memref<10240x128xf32, #tpu.memory_space<vmem_shared>> -> memref<128x128xf32, #tpu.memory_space<vmem_shared>>
      %dma_start3A_32 = arith.constant 0 : i32
      %dma_start3A_33 = tpu.memref_slice %arg12[%add3A_19, %dma_start3A_32] : memref<10240x128xf32, #tpu.memory_space<vmem_shared>> -> memref<128x128xf32, #tpu.memory_space<vmem_shared>>
      tpu.enqueue_dma source(%arg10 : memref<128x128xf32, #tpu.memory_space<vmem>>) target(%dma_start3A_33 : memref<128x128xf32, #tpu.memory_space<vmem_shared>>) target_semaphore(%run_scoped3A : memref<!tpu.dma_semaphore, #tpu.memory_space<semaphore_mem>>)
      %dma_wait3A = arith.constant 0 : i32
      %dma_wait3A_34 = tpu.memref_slice %arg12[%add3A_19, %dma_wait3A] : memref<10240x128xf32, #tpu.memory_space<vmem_shared>> -> memref<128x128xf32, #tpu.memory_space<vmem_shared>>
      %dma_wait3A_35 = arith.constant 0 : i32
      %dma_wait3A_36 = tpu.memref_slice %arg12[%add3A_19, %dma_wait3A_35] : memref<10240x128xf32, #tpu.memory_space<vmem_shared>> -> memref<128x128xf32, #tpu.memory_space<vmem_shared>>
      tpu.wait_dma2 semaphore(%run_scoped3A : memref<!tpu.dma_semaphore, #tpu.memory_space<semaphore_mem>>) src(%arg10 : memref<128x128xf32, #tpu.memory_space<vmem>>) dst(%dma_wait3A_36 : memref<128x128xf32, #tpu.memory_space<vmem_shared>>)
      tpu.yield
    }) : () -> ()
    %mul3A_20 = arith.constant 640 : i32
    %mul3A_21 = arith.muli %arg1, %mul3A_20 : i32
    %add3A_22 = arith.constant 512 : i32
    %add3A_23 = arith.addi %mul3A_21, %add3A_22 : i32
    "tpu.region"() ({
      %run_scoped3A = tpu.sem_alloc : memref<!tpu.dma_semaphore, #tpu.memory_space<semaphore_mem>>
      %dma_start3A = arith.constant 0 : i32
      %dma_start3A_31 = tpu.memref_slice %arg12[%add3A_23, %dma_start3A] : memref<10240x128xf32, #tpu.memory_space<vmem_shared>> -> memref<128x128xf32, #tpu.memory_space<vmem_shared>>
      %dma_start3A_32 = arith.constant 0 : i32
      %dma_start3A_33 = tpu.memref_slice %arg12[%add3A_23, %dma_start3A_32] : memref<10240x128xf32, #tpu.memory_space<vmem_shared>> -> memref<128x128xf32, #tpu.memory_space<vmem_shared>>
      tpu.enqueue_dma source(%arg10 : memref<128x128xf32, #tpu.memory_space<vmem>>) target(%dma_start3A_33 : memref<128x128xf32, #tpu.memory_space<vmem_shared>>) target_semaphore(%run_scoped3A : memref<!tpu.dma_semaphore, #tpu.memory_space<semaphore_mem>>)
      %dma_wait3A = arith.constant 0 : i32
      %dma_wait3A_34 = tpu.memref_slice %arg12[%add3A_23, %dma_wait3A] : memref<10240x128xf32, #tpu.memory_space<vmem_shared>> -> memref<128x128xf32, #tpu.memory_space<vmem_shared>>
      %dma_wait3A_35 = arith.constant 0 : i32
      %dma_wait3A_36 = tpu.memref_slice %arg12[%add3A_23, %dma_wait3A_35] : memref<10240x128xf32, #tpu.memory_space<vmem_shared>> -> memref<128x128xf32, #tpu.memory_space<vmem_shared>>
      tpu.wait_dma2 semaphore(%run_scoped3A : memref<!tpu.dma_semaphore, #tpu.memory_space<semaphore_mem>>) src(%arg10 : memref<128x128xf32, #tpu.memory_space<vmem>>) dst(%dma_wait3A_36 : memref<128x128xf32, #tpu.memory_space<vmem_shared>>)
      tpu.yield
    }) : () -> ()
    %barrier3A = arith.constant 0 : index
    tpu.barrier barrier_id(%barrier3A)
    %eq3A = arith.constant 0 : i32
    %eq3A_24 = arith.cmpi eq, %arg0, %eq3A : i32
    %convert_element_type3A = arith.extui %eq3A_24 : i1 to i32
    %cond3A = arith.constant 0 : i32
    %cond3A_25 = arith.cmpi ne, %convert_element_type3A, %cond3A : i32
    scf.if %cond3A_25 {
      "tpu.region"() ({
        %run_scoped3A_107 = tpu.sem_alloc : memref<!tpu.dma_semaphore, #tpu.memory_space<semaphore_mem>>
        %dma_start3A_108 = arith.constant 0 : i32
        %dma_start3A_109 = arith.constant 0 : i32
        %dma_start3A_110 = tpu.memref_slice %arg4[%arg1, %dma_start3A_108, %dma_start3A_109] : memref<16x80x128xi32, #tpu.memory_space<hbm>> -> memref<1x40x128xi32, #tpu.memory_space<hbm>>
        %dma_start3A_111 = tpu.memref_squeeze %dma_start3A_110 : memref<1x40x128xi32, #tpu.memory_space<hbm>> -> memref<40x128xi32, #tpu.memory_space<hbm>>
        %dma_start3A_112 = arith.constant 0 : i32
        %dma_start3A_113 = arith.constant 0 : i32
        %dma_start3A_114 = tpu.memref_slice %arg4[%arg1, %dma_start3A_112, %dma_start3A_113] : memref<16x80x128xi32, #tpu.memory_space<hbm>> -> memref<1x40x128xi32, #tpu.memory_space<hbm>>
        %dma_start3A_115 = tpu.memref_squeeze %dma_start3A_114 : memref<1x40x128xi32, #tpu.memory_space<hbm>> -> memref<40x128xi32, #tpu.memory_space<hbm>>
        tpu.enqueue_dma source(%dma_start3A_115 : memref<40x128xi32, #tpu.memory_space<hbm>>) target(%arg8 : memref<40x128xi32, #tpu.memory_space<vmem>>) target_semaphore(%run_scoped3A_107 : memref<!tpu.dma_semaphore, #tpu.memory_space<semaphore_mem>>)
        %dma_wait3A_116 = arith.constant 0 : i32
        %dma_wait3A_117 = arith.constant 0 : i32
        %dma_wait3A_118 = tpu.memref_slice %arg4[%arg1, %dma_wait3A_116, %dma_wait3A_117] : memref<16x80x128xi32, #tpu.memory_space<hbm>> -> memref<1x40x128xi32, #tpu.memory_space<hbm>>
        %dma_wait3A_119 = tpu.memref_squeeze %dma_wait3A_118 : memref<1x40x128xi32, #tpu.memory_space<hbm>> -> memref<40x128xi32, #tpu.memory_space<hbm>>
        %dma_wait3A_120 = arith.constant 0 : i32
        %dma_wait3A_121 = arith.constant 0 : i32
        %dma_wait3A_122 = tpu.memref_slice %arg4[%arg1, %dma_wait3A_120, %dma_wait3A_121] : memref<16x80x128xi32, #tpu.memory_space<hbm>> -> memref<1x40x128xi32, #tpu.memory_space<hbm>>
        %dma_wait3A_123 = tpu.memref_squeeze %dma_wait3A_122 : memref<1x40x128xi32, #tpu.memory_space<hbm>> -> memref<40x128xi32, #tpu.memory_space<hbm>>
        tpu.wait_dma2 semaphore(%run_scoped3A_107 : memref<!tpu.dma_semaphore, #tpu.memory_space<semaphore_mem>>) src(%dma_wait3A_123 : memref<40x128xi32, #tpu.memory_space<hbm>>) dst(%arg8 : memref<40x128xi32, #tpu.memory_space<vmem>>)
        tpu.yield
      }) : () -> ()
      "tpu.region"() ({
        %run_scoped3A_107 = tpu.sem_alloc : memref<!tpu.dma_semaphore, #tpu.memory_space<semaphore_mem>>
        %dma_start3A_108 = arith.constant 0 : i32
        %dma_start3A_109 = arith.constant 0 : i32
        %dma_start3A_110 = tpu.memref_slice %arg5[%arg1, %dma_start3A_108, %dma_start3A_109] : memref<16x80x128xi32, #tpu.memory_space<hbm>> -> memref<1x40x128xi32, #tpu.memory_space<hbm>>
        %dma_start3A_111 = tpu.memref_squeeze %dma_start3A_110 : memref<1x40x128xi32, #tpu.memory_space<hbm>> -> memref<40x128xi32, #tpu.memory_space<hbm>>
        %dma_start3A_112 = arith.constant 0 : i32
        %dma_start3A_113 = arith.constant 0 : i32
        %dma_start3A_114 = tpu.memref_slice %arg5[%arg1, %dma_start3A_112, %dma_start3A_113] : memref<16x80x128xi32, #tpu.memory_space<hbm>> -> memref<1x40x128xi32, #tpu.memory_space<hbm>>
        %dma_start3A_115 = tpu.memref_squeeze %dma_start3A_114 : memref<1x40x128xi32, #tpu.memory_space<hbm>> -> memref<40x128xi32, #tpu.memory_space<hbm>>
        tpu.enqueue_dma source(%dma_start3A_115 : memref<40x128xi32, #tpu.memory_space<hbm>>) target(%arg9 : memref<40x128xi32, #tpu.memory_space<vmem>>) target_semaphore(%run_scoped3A_107 : memref<!tpu.dma_semaphore, #tpu.memory_space<semaphore_mem>>)
        %dma_wait3A_116 = arith.constant 0 : i32
        %dma_wait3A_117 = arith.constant 0 : i32
        %dma_wait3A_118 = tpu.memref_slice %arg5[%arg1, %dma_wait3A_116, %dma_wait3A_117] : memref<16x80x128xi32, #tpu.memory_space<hbm>> -> memref<1x40x128xi32, #tpu.memory_space<hbm>>
        %dma_wait3A_119 = tpu.memref_squeeze %dma_wait3A_118 : memref<1x40x128xi32, #tpu.memory_space<hbm>> -> memref<40x128xi32, #tpu.memory_space<hbm>>
        %dma_wait3A_120 = arith.constant 0 : i32
        %dma_wait3A_121 = arith.constant 0 : i32
        %dma_wait3A_122 = tpu.memref_slice %arg5[%arg1, %dma_wait3A_120, %dma_wait3A_121] : memref<16x80x128xi32, #tpu.memory_space<hbm>> -> memref<1x40x128xi32, #tpu.memory_space<hbm>>
        %dma_wait3A_123 = tpu.memref_squeeze %dma_wait3A_122 : memref<1x40x128xi32, #tpu.memory_space<hbm>> -> memref<40x128xi32, #tpu.memory_space<hbm>>
        tpu.wait_dma2 semaphore(%run_scoped3A_107 : memref<!tpu.dma_semaphore, #tpu.memory_space<semaphore_mem>>) src(%dma_wait3A_123 : memref<40x128xi32, #tpu.memory_space<hbm>>) dst(%arg9 : memref<40x128xi32, #tpu.memory_space<vmem>>)
        tpu.yield
      }) : () -> ()
      %dma_start3A = arith.constant 0 : i32
      %dma_start3A_31 = arith.constant 0 : i32
      %dma_start3A_32 = tpu.memref_slice %arg8[%dma_start3A, %dma_start3A_31] : memref<40x128xi32, #tpu.memory_space<vmem>> -> memref<1x128xi32, #tpu.memory_space<vmem>>
      %dma_start3A_33 = tpu.memref_squeeze %dma_start3A_32 : memref<1x128xi32, #tpu.memory_space<vmem>> -> memref<128xi32, #tpu.memory_space<vmem>>
      %dma_start3A_34 = arith.constant 0 : i32
      %dma_start3A_35 = arith.constant 0 : i32
      %dma_start3A_36 = tpu.memref_slice %arg2[%dma_start3A_34, %dma_start3A_35] : memref<10240x128xf32, #tpu.memory_space<hbm>> -> memref<10240x128xf32, #tpu.memory_space<hbm>>
      tpu.enqueue_indirect_dma source(%dma_start3A_36 : memref<10240x128xf32, #tpu.memory_space<hbm>>) target(%arg10 : memref<128x128xf32, #tpu.memory_space<vmem>>) offsets(%dma_start3A_33 : memref<128xi32, #tpu.memory_space<vmem>>) semaphore(%arg13 : memref<!tpu.dma_semaphore, #tpu.memory_space<semaphore_mem>>)
      %dma_start3A_37 = arith.constant 1 : i32
      %dma_start3A_38 = arith.constant 0 : i32
      %dma_start3A_39 = tpu.memref_slice %arg8[%dma_start3A_37, %dma_start3A_38] : memref<40x128xi32, #tpu.memory_space<vmem>> -> memref<1x128xi32, #tpu.memory_space<vmem>>
      %dma_start3A_40 = tpu.memref_squeeze %dma_start3A_39 : memref<1x128xi32, #tpu.memory_space<vmem>> -> memref<128xi32, #tpu.memory_space<vmem>>
      %dma_start3A_41 = arith.constant 0 : i32
      %dma_start3A_42 = arith.constant 0 : i32
      %dma_start3A_43 = tpu.memref_slice %arg2[%dma_start3A_41, %dma_start3A_42] : memref<10240x128xf32, #tpu.memory_space<hbm>> -> memref<10240x128xf32, #tpu.memory_space<hbm>>
      tpu.enqueue_indirect_dma source(%dma_start3A_43 : memref<10240x128xf32, #tpu.memory_space<hbm>>) target(%arg11 : memref<128x128xf32, #tpu.memory_space<vmem>>) offsets(%dma_start3A_40 : memref<128xi32, #tpu.memory_space<vmem>>) semaphore(%arg14 : memref<!tpu.dma_semaphore, #tpu.memory_space<semaphore_mem>>)
      %scan3A_44 = arith.constant 0 : i32
      %scan3A_45 = arith.constant 0 : i32
      %scan3A_46 = arith.constant 19 : i32
      %scan3A_47 = arith.addi %scan3A_45, %scan3A_46 : i32
      %scan3A_48 = arith.constant 1 : i32
      %scan3A_49 = scf.for %scan3A_107 = %scan3A_45 to %scan3A_47 step %scan3A_48 iter_args(%scan3A_108 = %scan3A_44) -> (i32)  : i32 {
        %mul3A_109 = arith.constant 2 : i32
        %mul3A_110 = arith.muli %scan3A_107, %mul3A_109 : i32
        %dma_wait3A_111 = arith.constant 0 : i32
        %dma_wait3A_112 = tpu.memref_slice %arg8[%mul3A_110, %dma_wait3A_111] : memref<40x128xi32, #tpu.memory_space<vmem>> -> memref<1x128xi32, #tpu.memory_space<vmem>>
        %dma_wait3A_113 = tpu.memref_squeeze %dma_wait3A_112 : memref<1x128xi32, #tpu.memory_space<vmem>> -> memref<128xi32, #tpu.memory_space<vmem>>
        %dma_wait3A_114 = arith.constant 0 : i32
        %dma_wait3A_115 = arith.constant 0 : i32
        %dma_wait3A_116 = tpu.memref_slice %arg2[%dma_wait3A_114, %dma_wait3A_115] : memref<10240x128xf32, #tpu.memory_space<hbm>> -> memref<10240x128xf32, #tpu.memory_space<hbm>>
        tpu.wait_indirect_dma semaphore(%arg13 : memref<!tpu.dma_semaphore, #tpu.memory_space<semaphore_mem>>) src(%dma_wait3A_116 : memref<10240x128xf32, #tpu.memory_space<hbm>>) dst(%arg10 : memref<128x128xf32, #tpu.memory_space<vmem>>)
        "tpu.region"() ({
          %run_scoped3A_144 = tpu.sem_alloc : memref<!tpu.dma_semaphore, #tpu.memory_space<semaphore_mem>>
          %dma_start3A_145 = arith.constant 0 : i32
          %dma_start3A_146 = tpu.memref_slice %arg9[%mul3A_110, %dma_start3A_145] : memref<40x128xi32, #tpu.memory_space<vmem>> -> memref<1x128xi32, #tpu.memory_space<vmem>>
          %dma_start3A_147 = tpu.memref_squeeze %dma_start3A_146 : memref<1x128xi32, #tpu.memory_space<vmem>> -> memref<128xi32, #tpu.memory_space<vmem>>
          %dma_start3A_148 = arith.constant 0 : i32
          %dma_start3A_149 = arith.constant 0 : i32
          %dma_start3A_150 = tpu.memref_slice %arg12[%dma_start3A_148, %dma_start3A_149] : memref<10240x128xf32, #tpu.memory_space<vmem_shared>> -> memref<10240x128xf32, #tpu.memory_space<vmem_shared>>
          tpu.enqueue_indirect_dma source(%arg10 : memref<128x128xf32, #tpu.memory_space<vmem>>) target(%dma_start3A_150 : memref<10240x128xf32, #tpu.memory_space<vmem_shared>>) offsets(%dma_start3A_147 : memref<128xi32, #tpu.memory_space<vmem>>) semaphore(%run_scoped3A_144 : memref<!tpu.dma_semaphore, #tpu.memory_space<semaphore_mem>>) {add = true}
          %dma_wait3A_151 = arith.constant 0 : i32
          %dma_wait3A_152 = tpu.memref_slice %arg9[%mul3A_110, %dma_wait3A_151] : memref<40x128xi32, #tpu.memory_space<vmem>> -> memref<1x128xi32, #tpu.memory_space<vmem>>
          %dma_wait3A_153 = tpu.memref_squeeze %dma_wait3A_152 : memref<1x128xi32, #tpu.memory_space<vmem>> -> memref<128xi32, #tpu.memory_space<vmem>>
          %dma_wait3A_154 = arith.constant 0 : i32
          %dma_wait3A_155 = arith.constant 0 : i32
          %dma_wait3A_156 = tpu.memref_slice %arg12[%dma_wait3A_154, %dma_wait3A_155] : memref<10240x128xf32, #tpu.memory_space<vmem_shared>> -> memref<10240x128xf32, #tpu.memory_space<vmem_shared>>
          tpu.wait_indirect_dma semaphore(%run_scoped3A_144 : memref<!tpu.dma_semaphore, #tpu.memory_space<semaphore_mem>>) src(%arg10 : memref<128x128xf32, #tpu.memory_space<vmem>>) dst(%dma_wait3A_156 : memref<10240x128xf32, #tpu.memory_space<vmem_shared>>)
          tpu.yield
        }) : () -> ()
        %add3A_117 = arith.constant 2 : i32
        %add3A_118 = arith.addi %mul3A_110, %add3A_117 : i32
        %dma_start3A_119 = arith.constant 0 : i32
        %dma_start3A_120 = tpu.memref_slice %arg8[%add3A_118, %dma_start3A_119] : memref<40x128xi32, #tpu.memory_space<vmem>> -> memref<1x128xi32, #tpu.memory_space<vmem>>
        %dma_start3A_121 = tpu.memref_squeeze %dma_start3A_120 : memref<1x128xi32, #tpu.memory_space<vmem>> -> memref<128xi32, #tpu.memory_space<vmem>>
        %dma_start3A_122 = arith.constant 0 : i32
        %dma_start3A_123 = arith.constant 0 : i32
        %dma_start3A_124 = tpu.memref_slice %arg2[%dma_start3A_122, %dma_start3A_123] : memref<10240x128xf32, #tpu.memory_space<hbm>> -> memref<10240x128xf32, #tpu.memory_space<hbm>>
        tpu.enqueue_indirect_dma source(%dma_start3A_124 : memref<10240x128xf32, #tpu.memory_space<hbm>>) target(%arg10 : memref<128x128xf32, #tpu.memory_space<vmem>>) offsets(%dma_start3A_121 : memref<128xi32, #tpu.memory_space<vmem>>) semaphore(%arg13 : memref<!tpu.dma_semaphore, #tpu.memory_space<semaphore_mem>>)
        %add3A_125 = arith.constant 1 : i32
        %add3A_126 = arith.addi %mul3A_110, %add3A_125 : i32
        %dma_wait3A_127 = arith.constant 0 : i32
        %dma_wait3A_128 = tpu.memref_slice %arg8[%add3A_126, %dma_wait3A_127] : memref<40x128xi32, #tpu.memory_space<vmem>> -> memref<1x128xi32, #tpu.memory_space<vmem>>
        %dma_wait3A_129 = tpu.memref_squeeze %dma_wait3A_128 : memref<1x128xi32, #tpu.memory_space<vmem>> -> memref<128xi32, #tpu.memory_space<vmem>>
        %dma_wait3A_130 = arith.constant 0 : i32
        %dma_wait3A_131 = arith.constant 0 : i32
        %dma_wait3A_132 = tpu.memref_slice %arg2[%dma_wait3A_130, %dma_wait3A_131] : memref<10240x128xf32, #tpu.memory_space<hbm>> -> memref<10240x128xf32, #tpu.memory_space<hbm>>
        tpu.wait_indirect_dma semaphore(%arg14 : memref<!tpu.dma_semaphore, #tpu.memory_space<semaphore_mem>>) src(%dma_wait3A_132 : memref<10240x128xf32, #tpu.memory_space<hbm>>) dst(%arg11 : memref<128x128xf32, #tpu.memory_space<vmem>>)
        %add3A_133 = arith.constant 1 : i32
        %add3A_134 = arith.addi %mul3A_110, %add3A_133 : i32
        "tpu.region"() ({
          %run_scoped3A_144 = tpu.sem_alloc : memref<!tpu.dma_semaphore, #tpu.memory_space<semaphore_mem>>
          %dma_start3A_145 = arith.constant 0 : i32
          %dma_start3A_146 = tpu.memref_slice %arg9[%add3A_134, %dma_start3A_145] : memref<40x128xi32, #tpu.memory_space<vmem>> -> memref<1x128xi32, #tpu.memory_space<vmem>>
          %dma_start3A_147 = tpu.memref_squeeze %dma_start3A_146 : memref<1x128xi32, #tpu.memory_space<vmem>> -> memref<128xi32, #tpu.memory_space<vmem>>
          %dma_start3A_148 = arith.constant 0 : i32
          %dma_start3A_149 = arith.constant 0 : i32
          %dma_start3A_150 = tpu.memref_slice %arg12[%dma_start3A_148, %dma_start3A_149] : memref<10240x128xf32, #tpu.memory_space<vmem_shared>> -> memref<10240x128xf32, #tpu.memory_space<vmem_shared>>
          tpu.enqueue_indirect_dma source(%arg11 : memref<128x128xf32, #tpu.memory_space<vmem>>) target(%dma_start3A_150 : memref<10240x128xf32, #tpu.memory_space<vmem_shared>>) offsets(%dma_start3A_147 : memref<128xi32, #tpu.memory_space<vmem>>) semaphore(%run_scoped3A_144 : memref<!tpu.dma_semaphore, #tpu.memory_space<semaphore_mem>>) {add = true}
          %dma_wait3A_151 = arith.constant 0 : i32
          %dma_wait3A_152 = tpu.memref_slice %arg9[%add3A_134, %dma_wait3A_151] : memref<40x128xi32, #tpu.memory_space<vmem>> -> memref<1x128xi32, #tpu.memory_space<vmem>>
          %dma_wait3A_153 = tpu.memref_squeeze %dma_wait3A_152 : memref<1x128xi32, #tpu.memory_space<vmem>> -> memref<128xi32, #tpu.memory_space<vmem>>
          %dma_wait3A_154 = arith.constant 0 : i32
          %dma_wait3A_155 = arith.constant 0 : i32
          %dma_wait3A_156 = tpu.memref_slice %arg12[%dma_wait3A_154, %dma_wait3A_155] : memref<10240x128xf32, #tpu.memory_space<vmem_shared>> -> memref<10240x128xf32, #tpu.memory_space<vmem_shared>>
          tpu.wait_indirect_dma semaphore(%run_scoped3A_144 : memref<!tpu.dma_semaphore, #tpu.memory_space<semaphore_mem>>) src(%arg11 : memref<128x128xf32, #tpu.memory_space<vmem>>) dst(%dma_wait3A_156 : memref<10240x128xf32, #tpu.memory_space<vmem_shared>>)
          tpu.yield
        }) : () -> ()
        %add3A_135 = arith.constant 3 : i32
        %add3A_136 = arith.addi %mul3A_110, %add3A_135 : i32
        %dma_start3A_137 = arith.constant 0 : i32
        %dma_start3A_138 = tpu.memref_slice %arg8[%add3A_136, %dma_start3A_137] : memref<40x128xi32, #tpu.memory_space<vmem>> -> memref<1x128xi32, #tpu.memory_space<vmem>>
        %dma_start3A_139 = tpu.memref_squeeze %dma_start3A_138 : memref<1x128xi32, #tpu.memory_space<vmem>> -> memref<128xi32, #tpu.memory_space<vmem>>
        %dma_start3A_140 = arith.constant 0 : i32
        %dma_start3A_141 = arith.constant 0 : i32
        %dma_start3A_142 = tpu.memref_slice %arg2[%dma_start3A_140, %dma_start3A_141] : memref<10240x128xf32, #tpu.memory_space<hbm>> -> memref<10240x128xf32, #tpu.memory_space<hbm>>
        tpu.enqueue_indirect_dma source(%dma_start3A_142 : memref<10240x128xf32, #tpu.memory_space<hbm>>) target(%arg11 : memref<128x128xf32, #tpu.memory_space<vmem>>) offsets(%dma_start3A_139 : memref<128xi32, #tpu.memory_space<vmem>>) semaphore(%arg14 : memref<!tpu.dma_semaphore, #tpu.memory_space<semaphore_mem>>)
        %scan3A_143 = arith.constant 0 : i32
        scf.yield %scan3A_143 : i32
      }
      %scan3A_50 = arith.constant 19 : i32
      %dma_wait3A = arith.constant 38 : i32
      %dma_wait3A_51 = arith.constant 0 : i32
      %dma_wait3A_52 = tpu.memref_slice %arg8[%dma_wait3A, %dma_wait3A_51] : memref<40x128xi32, #tpu.memory_space<vmem>> -> memref<1x128xi32, #tpu.memory_space<vmem>>
      %dma_wait3A_53 = tpu.memref_squeeze %dma_wait3A_52 : memref<1x128xi32, #tpu.memory_space<vmem>> -> memref<128xi32, #tpu.memory_space<vmem>>
      %dma_wait3A_54 = arith.constant 0 : i32
      %dma_wait3A_55 = arith.constant 0 : i32
      %dma_wait3A_56 = tpu.memref_slice %arg2[%dma_wait3A_54, %dma_wait3A_55] : memref<10240x128xf32, #tpu.memory_space<hbm>> -> memref<10240x128xf32, #tpu.memory_space<hbm>>
      tpu.wait_indirect_dma semaphore(%arg13 : memref<!tpu.dma_semaphore, #tpu.memory_space<semaphore_mem>>) src(%dma_wait3A_56 : memref<10240x128xf32, #tpu.memory_space<hbm>>) dst(%arg10 : memref<128x128xf32, #tpu.memory_space<vmem>>)
      %run_scoped3A = arith.constant 38 : i32
      "tpu.region"() ({
        %run_scoped3A_107 = tpu.sem_alloc : memref<!tpu.dma_semaphore, #tpu.memory_space<semaphore_mem>>
        %dma_start3A_108 = arith.constant 0 : i32
        %dma_start3A_109 = tpu.memref_slice %arg9[%run_scoped3A, %dma_start3A_108] : memref<40x128xi32, #tpu.memory_space<vmem>> -> memref<1x128xi32, #tpu.memory_space<vmem>>
        %dma_start3A_110 = tpu.memref_squeeze %dma_start3A_109 : memref<1x128xi32, #tpu.memory_space<vmem>> -> memref<128xi32, #tpu.memory_space<vmem>>
        %dma_start3A_111 = arith.constant 0 : i32
        %dma_start3A_112 = arith.constant 0 : i32
        %dma_start3A_113 = tpu.memref_slice %arg12[%dma_start3A_111, %dma_start3A_112] : memref<10240x128xf32, #tpu.memory_space<vmem_shared>> -> memref<10240x128xf32, #tpu.memory_space<vmem_shared>>
        tpu.enqueue_indirect_dma source(%arg10 : memref<128x128xf32, #tpu.memory_space<vmem>>) target(%dma_start3A_113 : memref<10240x128xf32, #tpu.memory_space<vmem_shared>>) offsets(%dma_start3A_110 : memref<128xi32, #tpu.memory_space<vmem>>) semaphore(%run_scoped3A_107 : memref<!tpu.dma_semaphore, #tpu.memory_space<semaphore_mem>>) {add = true}
        %dma_wait3A_114 = arith.constant 0 : i32
        %dma_wait3A_115 = tpu.memref_slice %arg9[%run_scoped3A, %dma_wait3A_114] : memref<40x128xi32, #tpu.memory_space<vmem>> -> memref<1x128xi32, #tpu.memory_space<vmem>>
        %dma_wait3A_116 = tpu.memref_squeeze %dma_wait3A_115 : memref<1x128xi32, #tpu.memory_space<vmem>> -> memref<128xi32, #tpu.memory_space<vmem>>
        %dma_wait3A_117 = arith.constant 0 : i32
        %dma_wait3A_118 = arith.constant 0 : i32
        %dma_wait3A_119 = tpu.memref_slice %arg12[%dma_wait3A_117, %dma_wait3A_118] : memref<10240x128xf32, #tpu.memory_space<vmem_shared>> -> memref<10240x128xf32, #tpu.memory_space<vmem_shared>>
        tpu.wait_indirect_dma semaphore(%run_scoped3A_107 : memref<!tpu.dma_semaphore, #tpu.memory_space<semaphore_mem>>) src(%arg10 : memref<128x128xf32, #tpu.memory_space<vmem>>) dst(%dma_wait3A_119 : memref<10240x128xf32, #tpu.memory_space<vmem_shared>>)
        tpu.yield
      }) : () -> ()
      %dma_wait3A_57 = arith.constant 39 : i32
      %dma_wait3A_58 = arith.constant 0 : i32
      %dma_wait3A_59 = tpu.memref_slice %arg8[%dma_wait3A_57, %dma_wait3A_58] : memref<40x128xi32, #tpu.memory_space<vmem>> -> memref<1x128xi32, #tpu.memory_space<vmem>>
      %dma_wait3A_60 = tpu.memref_squeeze %dma_wait3A_59 : memref<1x128xi32, #tpu.memory_space<vmem>> -> memref<128xi32, #tpu.memory_space<vmem>>
      %dma_wait3A_61 = arith.constant 0 : i32
      %dma_wait3A_62 = arith.constant 0 : i32
      %dma_wait3A_63 = tpu.memref_slice %arg2[%dma_wait3A_61, %dma_wait3A_62] : memref<10240x128xf32, #tpu.memory_space<hbm>> -> memref<10240x128xf32, #tpu.memory_space<hbm>>
      tpu.wait_indirect_dma semaphore(%arg14 : memref<!tpu.dma_semaphore, #tpu.memory_space<semaphore_mem>>) src(%dma_wait3A_63 : memref<10240x128xf32, #tpu.memory_space<hbm>>) dst(%arg11 : memref<128x128xf32, #tpu.memory_space<vmem>>)
      %run_scoped3A_64 = arith.constant 39 : i32
      "tpu.region"() ({
        %run_scoped3A_107 = tpu.sem_alloc : memref<!tpu.dma_semaphore, #tpu.memory_space<semaphore_mem>>
        %dma_start3A_108 = arith.constant 0 : i32
        %dma_start3A_109 = tpu.memref_slice %arg9[%run_scoped3A_64, %dma_start3A_108] : memref<40x128xi32, #tpu.memory_space<vmem>> -> memref<1x128xi32, #tpu.memory_space<vmem>>
        %dma_start3A_110 = tpu.memref_squeeze %dma_start3A_109 : memref<1x128xi32, #tpu.memory_space<vmem>> -> memref<128xi32, #tpu.memory_space<vmem>>
        %dma_start3A_111 = arith.constant 0 : i32
        %dma_start3A_112 = arith.constant 0 : i32
        %dma_start3A_113 = tpu.memref_slice %arg12[%dma_start3A_111, %dma_start3A_112] : memref<10240x128xf32, #tpu.memory_space<vmem_shared>> -> memref<10240x128xf32, #tpu.memory_space<vmem_shared>>
        tpu.enqueue_indirect_dma source(%arg11 : memref<128x128xf32, #tpu.memory_space<vmem>>) target(%dma_start3A_113 : memref<10240x128xf32, #tpu.memory_space<vmem_shared>>) offsets(%dma_start3A_110 : memref<128xi32, #tpu.memory_space<vmem>>) semaphore(%run_scoped3A_107 : memref<!tpu.dma_semaphore, #tpu.memory_space<semaphore_mem>>) {add = true}
        %dma_wait3A_114 = arith.constant 0 : i32
        %dma_wait3A_115 = tpu.memref_slice %arg9[%run_scoped3A_64, %dma_wait3A_114] : memref<40x128xi32, #tpu.memory_space<vmem>> -> memref<1x128xi32, #tpu.memory_space<vmem>>
        %dma_wait3A_116 = tpu.memref_squeeze %dma_wait3A_115 : memref<1x128xi32, #tpu.memory_space<vmem>> -> memref<128xi32, #tpu.memory_space<vmem>>
        %dma_wait3A_117 = arith.constant 0 : i32
        %dma_wait3A_118 = arith.constant 0 : i32
        %dma_wait3A_119 = tpu.memref_slice %arg12[%dma_wait3A_117, %dma_wait3A_118] : memref<10240x128xf32, #tpu.memory_space<vmem_shared>> -> memref<10240x128xf32, #tpu.memory_space<vmem_shared>>
        tpu.wait_indirect_dma semaphore(%run_scoped3A_107 : memref<!tpu.dma_semaphore, #tpu.memory_space<semaphore_mem>>) src(%arg11 : memref<128x128xf32, #tpu.memory_space<vmem>>) dst(%dma_wait3A_119 : memref<10240x128xf32, #tpu.memory_space<vmem_shared>>)
        tpu.yield
      }) : () -> ()
      "tpu.region"() ({
        %run_scoped3A_107 = tpu.sem_alloc : memref<!tpu.dma_semaphore, #tpu.memory_space<semaphore_mem>>
        %dma_start3A_108 = arith.constant 40 : i32
        %dma_start3A_109 = arith.constant 0 : i32
        %dma_start3A_110 = tpu.memref_slice %arg4[%arg1, %dma_start3A_108, %dma_start3A_109] : memref<16x80x128xi32, #tpu.memory_space<hbm>> -> memref<1x40x128xi32, #tpu.memory_space<hbm>>
        %dma_start3A_111 = tpu.memref_squeeze %dma_start3A_110 : memref<1x40x128xi32, #tpu.memory_space<hbm>> -> memref<40x128xi32, #tpu.memory_space<hbm>>
        %dma_start3A_112 = arith.constant 40 : i32
        %dma_start3A_113 = arith.constant 0 : i32
        %dma_start3A_114 = tpu.memref_slice %arg4[%arg1, %dma_start3A_112, %dma_start3A_113] : memref<16x80x128xi32, #tpu.memory_space<hbm>> -> memref<1x40x128xi32, #tpu.memory_space<hbm>>
        %dma_start3A_115 = tpu.memref_squeeze %dma_start3A_114 : memref<1x40x128xi32, #tpu.memory_space<hbm>> -> memref<40x128xi32, #tpu.memory_space<hbm>>
        tpu.enqueue_dma source(%dma_start3A_115 : memref<40x128xi32, #tpu.memory_space<hbm>>) target(%arg8 : memref<40x128xi32, #tpu.memory_space<vmem>>) target_semaphore(%run_scoped3A_107 : memref<!tpu.dma_semaphore, #tpu.memory_space<semaphore_mem>>)
        %dma_wait3A_116 = arith.constant 40 : i32
        %dma_wait3A_117 = arith.constant 0 : i32
        %dma_wait3A_118 = tpu.memref_slice %arg4[%arg1, %dma_wait3A_116, %dma_wait3A_117] : memref<16x80x128xi32, #tpu.memory_space<hbm>> -> memref<1x40x128xi32, #tpu.memory_space<hbm>>
        %dma_wait3A_119 = tpu.memref_squeeze %dma_wait3A_118 : memref<1x40x128xi32, #tpu.memory_space<hbm>> -> memref<40x128xi32, #tpu.memory_space<hbm>>
        %dma_wait3A_120 = arith.constant 40 : i32
        %dma_wait3A_121 = arith.constant 0 : i32
        %dma_wait3A_122 = tpu.memref_slice %arg4[%arg1, %dma_wait3A_120, %dma_wait3A_121] : memref<16x80x128xi32, #tpu.memory_space<hbm>> -> memref<1x40x128xi32, #tpu.memory_space<hbm>>
        %dma_wait3A_123 = tpu.memref_squeeze %dma_wait3A_122 : memref<1x40x128xi32, #tpu.memory_space<hbm>> -> memref<40x128xi32, #tpu.memory_space<hbm>>
        tpu.wait_dma2 semaphore(%run_scoped3A_107 : memref<!tpu.dma_semaphore, #tpu.memory_space<semaphore_mem>>) src(%dma_wait3A_123 : memref<40x128xi32, #tpu.memory_space<hbm>>) dst(%arg8 : memref<40x128xi32, #tpu.memory_space<vmem>>)
        tpu.yield
      }) : () -> ()
      "tpu.region"() ({
        %run_scoped3A_107 = tpu.sem_alloc : memref<!tpu.dma_semaphore, #tpu.memory_space<semaphore_mem>>
        %dma_start3A_108 = arith.constant 40 : i32
        %dma_start3A_109 = arith.constant 0 : i32
        %dma_start3A_110 = tpu.memref_slice %arg5[%arg1, %dma_start3A_108, %dma_start3A_109] : memref<16x80x128xi32, #tpu.memory_space<hbm>> -> memref<1x40x128xi32, #tpu.memory_space<hbm>>
        %dma_start3A_111 = tpu.memref_squeeze %dma_start3A_110 : memref<1x40x128xi32, #tpu.memory_space<hbm>> -> memref<40x128xi32, #tpu.memory_space<hbm>>
        %dma_start3A_112 = arith.constant 40 : i32
        %dma_start3A_113 = arith.constant 0 : i32
        %dma_start3A_114 = tpu.memref_slice %arg5[%arg1, %dma_start3A_112, %dma_start3A_113] : memref<16x80x128xi32, #tpu.memory_space<hbm>> -> memref<1x40x128xi32, #tpu.memory_space<hbm>>
        %dma_start3A_115 = tpu.memref_squeeze %dma_start3A_114 : memref<1x40x128xi32, #tpu.memory_space<hbm>> -> memref<40x128xi32, #tpu.memory_space<hbm>>
        tpu.enqueue_dma source(%dma_start3A_115 : memref<40x128xi32, #tpu.memory_space<hbm>>) target(%arg9 : memref<40x128xi32, #tpu.memory_space<vmem>>) target_semaphore(%run_scoped3A_107 : memref<!tpu.dma_semaphore, #tpu.memory_space<semaphore_mem>>)
        %dma_wait3A_116 = arith.constant 40 : i32
        %dma_wait3A_117 = arith.constant 0 : i32
        %dma_wait3A_118 = tpu.memref_slice %arg5[%arg1, %dma_wait3A_116, %dma_wait3A_117] : memref<16x80x128xi32, #tpu.memory_space<hbm>> -> memref<1x40x128xi32, #tpu.memory_space<hbm>>
        %dma_wait3A_119 = tpu.memref_squeeze %dma_wait3A_118 : memref<1x40x128xi32, #tpu.memory_space<hbm>> -> memref<40x128xi32, #tpu.memory_space<hbm>>
        %dma_wait3A_120 = arith.constant 40 : i32
        %dma_wait3A_121 = arith.constant 0 : i32
        %dma_wait3A_122 = tpu.memref_slice %arg5[%arg1, %dma_wait3A_120, %dma_wait3A_121] : memref<16x80x128xi32, #tpu.memory_space<hbm>> -> memref<1x40x128xi32, #tpu.memory_space<hbm>>
        %dma_wait3A_123 = tpu.memref_squeeze %dma_wait3A_122 : memref<1x40x128xi32, #tpu.memory_space<hbm>> -> memref<40x128xi32, #tpu.memory_space<hbm>>
        tpu.wait_dma2 semaphore(%run_scoped3A_107 : memref<!tpu.dma_semaphore, #tpu.memory_space<semaphore_mem>>) src(%dma_wait3A_123 : memref<40x128xi32, #tpu.memory_space<hbm>>) dst(%arg9 : memref<40x128xi32, #tpu.memory_space<vmem>>)
        tpu.yield
      }) : () -> ()
      %dma_start3A_65 = arith.constant 0 : i32
      %dma_start3A_66 = arith.constant 0 : i32
      %dma_start3A_67 = tpu.memref_slice %arg8[%dma_start3A_65, %dma_start3A_66] : memref<40x128xi32, #tpu.memory_space<vmem>> -> memref<1x128xi32, #tpu.memory_space<vmem>>
      %dma_start3A_68 = tpu.memref_squeeze %dma_start3A_67 : memref<1x128xi32, #tpu.memory_space<vmem>> -> memref<128xi32, #tpu.memory_space<vmem>>
      %dma_start3A_69 = arith.constant 0 : i32
      %dma_start3A_70 = arith.constant 0 : i32
      %dma_start3A_71 = tpu.memref_slice %arg2[%dma_start3A_69, %dma_start3A_70] : memref<10240x128xf32, #tpu.memory_space<hbm>> -> memref<10240x128xf32, #tpu.memory_space<hbm>>
      tpu.enqueue_indirect_dma source(%dma_start3A_71 : memref<10240x128xf32, #tpu.memory_space<hbm>>) target(%arg10 : memref<128x128xf32, #tpu.memory_space<vmem>>) offsets(%dma_start3A_68 : memref<128xi32, #tpu.memory_space<vmem>>) semaphore(%arg13 : memref<!tpu.dma_semaphore, #tpu.memory_space<semaphore_mem>>)
      %dma_start3A_72 = arith.constant 1 : i32
      %dma_start3A_73 = arith.constant 0 : i32
      %dma_start3A_74 = tpu.memref_slice %arg8[%dma_start3A_72, %dma_start3A_73] : memref<40x128xi32, #tpu.memory_space<vmem>> -> memref<1x128xi32, #tpu.memory_space<vmem>>
      %dma_start3A_75 = tpu.memref_squeeze %dma_start3A_74 : memref<1x128xi32, #tpu.memory_space<vmem>> -> memref<128xi32, #tpu.memory_space<vmem>>
      %dma_start3A_76 = arith.constant 0 : i32
      %dma_start3A_77 = arith.constant 0 : i32
      %dma_start3A_78 = tpu.memref_slice %arg2[%dma_start3A_76, %dma_start3A_77] : memref<10240x128xf32, #tpu.memory_space<hbm>> -> memref<10240x128xf32, #tpu.memory_space<hbm>>
      tpu.enqueue_indirect_dma source(%dma_start3A_78 : memref<10240x128xf32, #tpu.memory_space<hbm>>) target(%arg11 : memref<128x128xf32, #tpu.memory_space<vmem>>) offsets(%dma_start3A_75 : memref<128xi32, #tpu.memory_space<vmem>>) semaphore(%arg14 : memref<!tpu.dma_semaphore, #tpu.memory_space<semaphore_mem>>)
      %scan3A_79 = arith.constant 0 : i32
      %scan3A_80 = arith.constant 0 : i32
      %scan3A_81 = arith.constant 19 : i32
      %scan3A_82 = arith.addi %scan3A_80, %scan3A_81 : i32
      %scan3A_83 = arith.constant 1 : i32
      %scan3A_84 = scf.for %scan3A_107 = %scan3A_80 to %scan3A_82 step %scan3A_83 iter_args(%scan3A_108 = %scan3A_79) -> (i32)  : i32 {
        %mul3A_109 = arith.constant 2 : i32
        %mul3A_110 = arith.muli %scan3A_107, %mul3A_109 : i32
        %dma_wait3A_111 = arith.constant 0 : i32
        %dma_wait3A_112 = tpu.memref_slice %arg8[%mul3A_110, %dma_wait3A_111] : memref<40x128xi32, #tpu.memory_space<vmem>> -> memref<1x128xi32, #tpu.memory_space<vmem>>
        %dma_wait3A_113 = tpu.memref_squeeze %dma_wait3A_112 : memref<1x128xi32, #tpu.memory_space<vmem>> -> memref<128xi32, #tpu.memory_space<vmem>>
        %dma_wait3A_114 = arith.constant 0 : i32
        %dma_wait3A_115 = arith.constant 0 : i32
        %dma_wait3A_116 = tpu.memref_slice %arg2[%dma_wait3A_114, %dma_wait3A_115] : memref<10240x128xf32, #tpu.memory_space<hbm>> -> memref<10240x128xf32, #tpu.memory_space<hbm>>
        tpu.wait_indirect_dma semaphore(%arg13 : memref<!tpu.dma_semaphore, #tpu.memory_space<semaphore_mem>>) src(%dma_wait3A_116 : memref<10240x128xf32, #tpu.memory_space<hbm>>) dst(%arg10 : memref<128x128xf32, #tpu.memory_space<vmem>>)
        "tpu.region"() ({
          %run_scoped3A_144 = tpu.sem_alloc : memref<!tpu.dma_semaphore, #tpu.memory_space<semaphore_mem>>
          %dma_start3A_145 = arith.constant 0 : i32
          %dma_start3A_146 = tpu.memref_slice %arg9[%mul3A_110, %dma_start3A_145] : memref<40x128xi32, #tpu.memory_space<vmem>> -> memref<1x128xi32, #tpu.memory_space<vmem>>
          %dma_start3A_147 = tpu.memref_squeeze %dma_start3A_146 : memref<1x128xi32, #tpu.memory_space<vmem>> -> memref<128xi32, #tpu.memory_space<vmem>>
          %dma_start3A_148 = arith.constant 0 : i32
          %dma_start3A_149 = arith.constant 0 : i32
          %dma_start3A_150 = tpu.memref_slice %arg12[%dma_start3A_148, %dma_start3A_149] : memref<10240x128xf32, #tpu.memory_space<vmem_shared>> -> memref<10240x128xf32, #tpu.memory_space<vmem_shared>>
          tpu.enqueue_indirect_dma source(%arg10 : memref<128x128xf32, #tpu.memory_space<vmem>>) target(%dma_start3A_150 : memref<10240x128xf32, #tpu.memory_space<vmem_shared>>) offsets(%dma_start3A_147 : memref<128xi32, #tpu.memory_space<vmem>>) semaphore(%run_scoped3A_144 : memref<!tpu.dma_semaphore, #tpu.memory_space<semaphore_mem>>) {add = true}
          %dma_wait3A_151 = arith.constant 0 : i32
          %dma_wait3A_152 = tpu.memref_slice %arg9[%mul3A_110, %dma_wait3A_151] : memref<40x128xi32, #tpu.memory_space<vmem>> -> memref<1x128xi32, #tpu.memory_space<vmem>>
          %dma_wait3A_153 = tpu.memref_squeeze %dma_wait3A_152 : memref<1x128xi32, #tpu.memory_space<vmem>> -> memref<128xi32, #tpu.memory_space<vmem>>
          %dma_wait3A_154 = arith.constant 0 : i32
          %dma_wait3A_155 = arith.constant 0 : i32
          %dma_wait3A_156 = tpu.memref_slice %arg12[%dma_wait3A_154, %dma_wait3A_155] : memref<10240x128xf32, #tpu.memory_space<vmem_shared>> -> memref<10240x128xf32, #tpu.memory_space<vmem_shared>>
          tpu.wait_indirect_dma semaphore(%run_scoped3A_144 : memref<!tpu.dma_semaphore, #tpu.memory_space<semaphore_mem>>) src(%arg10 : memref<128x128xf32, #tpu.memory_space<vmem>>) dst(%dma_wait3A_156 : memref<10240x128xf32, #tpu.memory_space<vmem_shared>>)
          tpu.yield
        }) : () -> ()
        %add3A_117 = arith.constant 2 : i32
        %add3A_118 = arith.addi %mul3A_110, %add3A_117 : i32
        %dma_start3A_119 = arith.constant 0 : i32
        %dma_start3A_120 = tpu.memref_slice %arg8[%add3A_118, %dma_start3A_119] : memref<40x128xi32, #tpu.memory_space<vmem>> -> memref<1x128xi32, #tpu.memory_space<vmem>>
        %dma_start3A_121 = tpu.memref_squeeze %dma_start3A_120 : memref<1x128xi32, #tpu.memory_space<vmem>> -> memref<128xi32, #tpu.memory_space<vmem>>
        %dma_start3A_122 = arith.constant 0 : i32
        %dma_start3A_123 = arith.constant 0 : i32
        %dma_start3A_124 = tpu.memref_slice %arg2[%dma_start3A_122, %dma_start3A_123] : memref<10240x128xf32, #tpu.memory_space<hbm>> -> memref<10240x128xf32, #tpu.memory_space<hbm>>
        tpu.enqueue_indirect_dma source(%dma_start3A_124 : memref<10240x128xf32, #tpu.memory_space<hbm>>) target(%arg10 : memref<128x128xf32, #tpu.memory_space<vmem>>) offsets(%dma_start3A_121 : memref<128xi32, #tpu.memory_space<vmem>>) semaphore(%arg13 : memref<!tpu.dma_semaphore, #tpu.memory_space<semaphore_mem>>)
        %add3A_125 = arith.constant 1 : i32
        %add3A_126 = arith.addi %mul3A_110, %add3A_125 : i32
        %dma_wait3A_127 = arith.constant 0 : i32
        %dma_wait3A_128 = tpu.memref_slice %arg8[%add3A_126, %dma_wait3A_127] : memref<40x128xi32, #tpu.memory_space<vmem>> -> memref<1x128xi32, #tpu.memory_space<vmem>>
        %dma_wait3A_129 = tpu.memref_squeeze %dma_wait3A_128 : memref<1x128xi32, #tpu.memory_space<vmem>> -> memref<128xi32, #tpu.memory_space<vmem>>
        %dma_wait3A_130 = arith.constant 0 : i32
        %dma_wait3A_131 = arith.constant 0 : i32
        %dma_wait3A_132 = tpu.memref_slice %arg2[%dma_wait3A_130, %dma_wait3A_131] : memref<10240x128xf32, #tpu.memory_space<hbm>> -> memref<10240x128xf32, #tpu.memory_space<hbm>>
        tpu.wait_indirect_dma semaphore(%arg14 : memref<!tpu.dma_semaphore, #tpu.memory_space<semaphore_mem>>) src(%dma_wait3A_132 : memref<10240x128xf32, #tpu.memory_space<hbm>>) dst(%arg11 : memref<128x128xf32, #tpu.memory_space<vmem>>)
        %add3A_133 = arith.constant 1 : i32
        %add3A_134 = arith.addi %mul3A_110, %add3A_133 : i32
        "tpu.region"() ({
          %run_scoped3A_144 = tpu.sem_alloc : memref<!tpu.dma_semaphore, #tpu.memory_space<semaphore_mem>>
          %dma_start3A_145 = arith.constant 0 : i32
          %dma_start3A_146 = tpu.memref_slice %arg9[%add3A_134, %dma_start3A_145] : memref<40x128xi32, #tpu.memory_space<vmem>> -> memref<1x128xi32, #tpu.memory_space<vmem>>
          %dma_start3A_147 = tpu.memref_squeeze %dma_start3A_146 : memref<1x128xi32, #tpu.memory_space<vmem>> -> memref<128xi32, #tpu.memory_space<vmem>>
          %dma_start3A_148 = arith.constant 0 : i32
          %dma_start3A_149 = arith.constant 0 : i32
          %dma_start3A_150 = tpu.memref_slice %arg12[%dma_start3A_148, %dma_start3A_149] : memref<10240x128xf32, #tpu.memory_space<vmem_shared>> -> memref<10240x128xf32, #tpu.memory_space<vmem_shared>>
          tpu.enqueue_indirect_dma source(%arg11 : memref<128x128xf32, #tpu.memory_space<vmem>>) target(%dma_start3A_150 : memref<10240x128xf32, #tpu.memory_space<vmem_shared>>) offsets(%dma_start3A_147 : memref<128xi32, #tpu.memory_space<vmem>>) semaphore(%run_scoped3A_144 : memref<!tpu.dma_semaphore, #tpu.memory_space<semaphore_mem>>) {add = true}
          %dma_wait3A_151 = arith.constant 0 : i32
          %dma_wait3A_152 = tpu.memref_slice %arg9[%add3A_134, %dma_wait3A_151] : memref<40x128xi32, #tpu.memory_space<vmem>> -> memref<1x128xi32, #tpu.memory_space<vmem>>
          %dma_wait3A_153 = tpu.memref_squeeze %dma_wait3A_152 : memref<1x128xi32, #tpu.memory_space<vmem>> -> memref<128xi32, #tpu.memory_space<vmem>>
          %dma_wait3A_154 = arith.constant 0 : i32
          %dma_wait3A_155 = arith.constant 0 : i32
          %dma_wait3A_156 = tpu.memref_slice %arg12[%dma_wait3A_154, %dma_wait3A_155] : memref<10240x128xf32, #tpu.memory_space<vmem_shared>> -> memref<10240x128xf32, #tpu.memory_space<vmem_shared>>
          tpu.wait_indirect_dma semaphore(%run_scoped3A_144 : memref<!tpu.dma_semaphore, #tpu.memory_space<semaphore_mem>>) src(%arg11 : memref<128x128xf32, #tpu.memory_space<vmem>>) dst(%dma_wait3A_156 : memref<10240x128xf32, #tpu.memory_space<vmem_shared>>)
          tpu.yield
        }) : () -> ()
        %add3A_135 = arith.constant 3 : i32
        %add3A_136 = arith.addi %mul3A_110, %add3A_135 : i32
        %dma_start3A_137 = arith.constant 0 : i32
        %dma_start3A_138 = tpu.memref_slice %arg8[%add3A_136, %dma_start3A_137] : memref<40x128xi32, #tpu.memory_space<vmem>> -> memref<1x128xi32, #tpu.memory_space<vmem>>
        %dma_start3A_139 = tpu.memref_squeeze %dma_start3A_138 : memref<1x128xi32, #tpu.memory_space<vmem>> -> memref<128xi32, #tpu.memory_space<vmem>>
        %dma_start3A_140 = arith.constant 0 : i32
        %dma_start3A_141 = arith.constant 0 : i32
        %dma_start3A_142 = tpu.memref_slice %arg2[%dma_start3A_140, %dma_start3A_141] : memref<10240x128xf32, #tpu.memory_space<hbm>> -> memref<10240x128xf32, #tpu.memory_space<hbm>>
        tpu.enqueue_indirect_dma source(%dma_start3A_142 : memref<10240x128xf32, #tpu.memory_space<hbm>>) target(%arg11 : memref<128x128xf32, #tpu.memory_space<vmem>>) offsets(%dma_start3A_139 : memref<128xi32, #tpu.memory_space<vmem>>) semaphore(%arg14 : memref<!tpu.dma_semaphore, #tpu.memory_space<semaphore_mem>>)
        %scan3A_143 = arith.constant 0 : i32
        scf.yield %scan3A_143 : i32
      }
      %scan3A_85 = arith.constant 19 : i32
      %dma_wait3A_86 = arith.constant 38 : i32
      %dma_wait3A_87 = arith.constant 0 : i32
      %dma_wait3A_88 = tpu.memref_slice %arg8[%dma_wait3A_86, %dma_wait3A_87] : memref<40x128xi32, #tpu.memory_space<vmem>> -> memref<1x128xi32, #tpu.memory_space<vmem>>
      %dma_wait3A_89 = tpu.memref_squeeze %dma_wait3A_88 : memref<1x128xi32, #tpu.memory_space<vmem>> -> memref<128xi32, #tpu.memory_space<vmem>>
      %dma_wait3A_90 = arith.constant 0 : i32
      %dma_wait3A_91 = arith.constant 0 : i32
      %dma_wait3A_92 = tpu.memref_slice %arg2[%dma_wait3A_90, %dma_wait3A_91] : memref<10240x128xf32, #tpu.memory_space<hbm>> -> memref<10240x128xf32, #tpu.memory_space<hbm>>
      tpu.wait_indirect_dma semaphore(%arg13 : memref<!tpu.dma_semaphore, #tpu.memory_space<semaphore_mem>>) src(%dma_wait3A_92 : memref<10240x128xf32, #tpu.memory_space<hbm>>) dst(%arg10 : memref<128x128xf32, #tpu.memory_space<vmem>>)
      %run_scoped3A_93 = arith.constant 38 : i32
      "tpu.region"() ({
        %run_scoped3A_107 = tpu.sem_alloc : memref<!tpu.dma_semaphore, #tpu.memory_space<semaphore_mem>>
        %dma_start3A_108 = arith.constant 0 : i32
        %dma_start3A_109 = tpu.memref_slice %arg9[%run_scoped3A_93, %dma_start3A_108] : memref<40x128xi32, #tpu.memory_space<vmem>> -> memref<1x128xi32, #tpu.memory_space<vmem>>
        %dma_start3A_110 = tpu.memref_squeeze %dma_start3A_109 : memref<1x128xi32, #tpu.memory_space<vmem>> -> memref<128xi32, #tpu.memory_space<vmem>>
        %dma_start3A_111 = arith.constant 0 : i32
        %dma_start3A_112 = arith.constant 0 : i32
        %dma_start3A_113 = tpu.memref_slice %arg12[%dma_start3A_111, %dma_start3A_112] : memref<10240x128xf32, #tpu.memory_space<vmem_shared>> -> memref<10240x128xf32, #tpu.memory_space<vmem_shared>>
        tpu.enqueue_indirect_dma source(%arg10 : memref<128x128xf32, #tpu.memory_space<vmem>>) target(%dma_start3A_113 : memref<10240x128xf32, #tpu.memory_space<vmem_shared>>) offsets(%dma_start3A_110 : memref<128xi32, #tpu.memory_space<vmem>>) semaphore(%run_scoped3A_107 : memref<!tpu.dma_semaphore, #tpu.memory_space<semaphore_mem>>) {add = true}
        %dma_wait3A_114 = arith.constant 0 : i32
        %dma_wait3A_115 = tpu.memref_slice %arg9[%run_scoped3A_93, %dma_wait3A_114] : memref<40x128xi32, #tpu.memory_space<vmem>> -> memref<1x128xi32, #tpu.memory_space<vmem>>
        %dma_wait3A_116 = tpu.memref_squeeze %dma_wait3A_115 : memref<1x128xi32, #tpu.memory_space<vmem>> -> memref<128xi32, #tpu.memory_space<vmem>>
        %dma_wait3A_117 = arith.constant 0 : i32
        %dma_wait3A_118 = arith.constant 0 : i32
        %dma_wait3A_119 = tpu.memref_slice %arg12[%dma_wait3A_117, %dma_wait3A_118] : memref<10240x128xf32, #tpu.memory_space<vmem_shared>> -> memref<10240x128xf32, #tpu.memory_space<vmem_shared>>
        tpu.wait_indirect_dma semaphore(%run_scoped3A_107 : memref<!tpu.dma_semaphore, #tpu.memory_space<semaphore_mem>>) src(%arg10 : memref<128x128xf32, #tpu.memory_space<vmem>>) dst(%dma_wait3A_119 : memref<10240x128xf32, #tpu.memory_space<vmem_shared>>)
        tpu.yield
      }) : () -> ()
      %dma_wait3A_94 = arith.constant 39 : i32
      %dma_wait3A_95 = arith.constant 0 : i32
      %dma_wait3A_96 = tpu.memref_slice %arg8[%dma_wait3A_94, %dma_wait3A_95] : memref<40x128xi32, #tpu.memory_space<vmem>> -> memref<1x128xi32, #tpu.memory_space<vmem>>
      %dma_wait3A_97 = tpu.memref_squeeze %dma_wait3A_96 : memref<1x128xi32, #tpu.memory_space<vmem>> -> memref<128xi32, #tpu.memory_space<vmem>>
      %dma_wait3A_98 = arith.constant 0 : i32
      %dma_wait3A_99 = arith.constant 0 : i32
      %dma_wait3A_100 = tpu.memref_slice %arg2[%dma_wait3A_98, %dma_wait3A_99] : memref<10240x128xf32, #tpu.memory_space<hbm>> -> memref<10240x128xf32, #tpu.memory_space<hbm>>
      tpu.wait_indirect_dma semaphore(%arg14 : memref<!tpu.dma_semaphore, #tpu.memory_space<semaphore_mem>>) src(%dma_wait3A_100 : memref<10240x128xf32, #tpu.memory_space<hbm>>) dst(%arg11 : memref<128x128xf32, #tpu.memory_space<vmem>>)
      %run_scoped3A_101 = arith.constant 39 : i32
      "tpu.region"() ({
        %run_scoped3A_107 = tpu.sem_alloc : memref<!tpu.dma_semaphore, #tpu.memory_space<semaphore_mem>>
        %dma_start3A_108 = arith.constant 0 : i32
        %dma_start3A_109 = tpu.memref_slice %arg9[%run_scoped3A_101, %dma_start3A_108] : memref<40x128xi32, #tpu.memory_space<vmem>> -> memref<1x128xi32, #tpu.memory_space<vmem>>
        %dma_start3A_110 = tpu.memref_squeeze %dma_start3A_109 : memref<1x128xi32, #tpu.memory_space<vmem>> -> memref<128xi32, #tpu.memory_space<vmem>>
        %dma_start3A_111 = arith.constant 0 : i32
        %dma_start3A_112 = arith.constant 0 : i32
        %dma_start3A_113 = tpu.memref_slice %arg12[%dma_start3A_111, %dma_start3A_112] : memref<10240x128xf32, #tpu.memory_space<vmem_shared>> -> memref<10240x128xf32, #tpu.memory_space<vmem_shared>>
        tpu.enqueue_indirect_dma source(%arg11 : memref<128x128xf32, #tpu.memory_space<vmem>>) target(%dma_start3A_113 : memref<10240x128xf32, #tpu.memory_space<vmem_shared>>) offsets(%dma_start3A_110 : memref<128xi32, #tpu.memory_space<vmem>>) semaphore(%run_scoped3A_107 : memref<!tpu.dma_semaphore, #tpu.memory_space<semaphore_mem>>) {add = true}
        %dma_wait3A_114 = arith.constant 0 : i32
        %dma_wait3A_115 = tpu.memref_slice %arg9[%run_scoped3A_101, %dma_wait3A_114] : memref<40x128xi32, #tpu.memory_space<vmem>> -> memref<1x128xi32, #tpu.memory_space<vmem>>
        %dma_wait3A_116 = tpu.memref_squeeze %dma_wait3A_115 : memref<1x128xi32, #tpu.memory_space<vmem>> -> memref<128xi32, #tpu.memory_space<vmem>>
        %dma_wait3A_117 = arith.constant 0 : i32
        %dma_wait3A_118 = arith.constant 0 : i32
        %dma_wait3A_119 = tpu.memref_slice %arg12[%dma_wait3A_117, %dma_wait3A_118] : memref<10240x128xf32, #tpu.memory_space<vmem_shared>> -> memref<10240x128xf32, #tpu.memory_space<vmem_shared>>
        tpu.wait_indirect_dma semaphore(%run_scoped3A_107 : memref<!tpu.dma_semaphore, #tpu.memory_space<semaphore_mem>>) src(%arg11 : memref<128x128xf32, #tpu.memory_space<vmem>>) dst(%dma_wait3A_119 : memref<10240x128xf32, #tpu.memory_space<vmem_shared>>)
        tpu.yield
      }) : () -> ()
      %barrier3A_102 = arith.constant 0 : index
      tpu.barrier barrier_id(%barrier3A_102)
      %mul3A_103 = arith.constant 640 : i32
      %mul3A_104 = arith.muli %arg1, %mul3A_103 : i32
      %mul3A_105 = arith.constant 640 : i32
      %mul3A_106 = arith.muli %arg1, %mul3A_105 : i32
      "tpu.region"() ({
        %run_scoped3A_107 = tpu.sem_alloc : memref<!tpu.dma_semaphore, #tpu.memory_space<semaphore_mem>>
        %dma_start3A_108 = arith.constant 0 : i32
        %dma_start3A_109 = tpu.memref_slice %arg6[%mul3A_106, %dma_start3A_108] : memref<10240x128xf32, #tpu.memory_space<hbm>> -> memref<640x128xf32, #tpu.memory_space<hbm>>
        %dma_start3A_110 = arith.constant 0 : i32
        %dma_start3A_111 = tpu.memref_slice %arg12[%mul3A_104, %dma_start3A_110] : memref<10240x128xf32, #tpu.memory_space<vmem_shared>> -> memref<640x128xf32, #tpu.memory_space<vmem_shared>>
        tpu.enqueue_dma source(%dma_start3A_111 : memref<640x128xf32, #tpu.memory_space<vmem_shared>>) target(%dma_start3A_109 : memref<640x128xf32, #tpu.memory_space<hbm>>) target_semaphore(%run_scoped3A_107 : memref<!tpu.dma_semaphore, #tpu.memory_space<semaphore_mem>>)
        %dma_wait3A_112 = arith.constant 0 : i32
        %dma_wait3A_113 = tpu.memref_slice %arg6[%mul3A_106, %dma_wait3A_112] : memref<10240x128xf32, #tpu.memory_space<hbm>> -> memref<640x128xf32, #tpu.memory_space<hbm>>
        %dma_wait3A_114 = arith.constant 0 : i32
        %dma_wait3A_115 = tpu.memref_slice %arg12[%mul3A_104, %dma_wait3A_114] : memref<10240x128xf32, #tpu.memory_space<vmem_shared>> -> memref<640x128xf32, #tpu.memory_space<vmem_shared>>
        tpu.wait_dma2 semaphore(%run_scoped3A_107 : memref<!tpu.dma_semaphore, #tpu.memory_space<semaphore_mem>>) src(%dma_wait3A_115 : memref<640x128xf32, #tpu.memory_space<vmem_shared>>) dst(%dma_wait3A_113 : memref<640x128xf32, #tpu.memory_space<hbm>>)
        tpu.yield
      }) : () -> ()
    } else {
    }
    %eq3A_26 = arith.constant 1 : i32
    %eq3A_27 = arith.cmpi eq, %arg0, %eq3A_26 : i32
    %convert_element_type3A_28 = arith.extui %eq3A_27 : i1 to i32
    %cond3A_29 = arith.constant 0 : i32
    %cond3A_30 = arith.cmpi ne, %convert_element_type3A_28, %cond3A_29 : i32
    scf.if %cond3A_30 {
      "tpu.region"() ({
        %run_scoped3A_107 = tpu.sem_alloc : memref<!tpu.dma_semaphore, #tpu.memory_space<semaphore_mem>>
        %dma_start3A_108 = arith.constant 0 : i32
        %dma_start3A_109 = arith.constant 0 : i32
        %dma_start3A_110 = tpu.memref_slice %arg4[%arg1, %dma_start3A_108, %dma_start3A_109] : memref<16x80x128xi32, #tpu.memory_space<hbm>> -> memref<1x40x128xi32, #tpu.memory_space<hbm>>
        %dma_start3A_111 = tpu.memref_squeeze %dma_start3A_110 : memref<1x40x128xi32, #tpu.memory_space<hbm>> -> memref<40x128xi32, #tpu.memory_space<hbm>>
        %dma_start3A_112 = arith.constant 0 : i32
        %dma_start3A_113 = arith.constant 0 : i32
        %dma_start3A_114 = tpu.memref_slice %arg4[%arg1, %dma_start3A_112, %dma_start3A_113] : memref<16x80x128xi32, #tpu.memory_space<hbm>> -> memref<1x40x128xi32, #tpu.memory_space<hbm>>
        %dma_start3A_115 = tpu.memref_squeeze %dma_start3A_114 : memref<1x40x128xi32, #tpu.memory_space<hbm>> -> memref<40x128xi32, #tpu.memory_space<hbm>>
        tpu.enqueue_dma source(%dma_start3A_115 : memref<40x128xi32, #tpu.memory_space<hbm>>) target(%arg8 : memref<40x128xi32, #tpu.memory_space<vmem>>) target_semaphore(%run_scoped3A_107 : memref<!tpu.dma_semaphore, #tpu.memory_space<semaphore_mem>>)
        %dma_wait3A_116 = arith.constant 0 : i32
        %dma_wait3A_117 = arith.constant 0 : i32
        %dma_wait3A_118 = tpu.memref_slice %arg4[%arg1, %dma_wait3A_116, %dma_wait3A_117] : memref<16x80x128xi32, #tpu.memory_space<hbm>> -> memref<1x40x128xi32, #tpu.memory_space<hbm>>
        %dma_wait3A_119 = tpu.memref_squeeze %dma_wait3A_118 : memref<1x40x128xi32, #tpu.memory_space<hbm>> -> memref<40x128xi32, #tpu.memory_space<hbm>>
        %dma_wait3A_120 = arith.constant 0 : i32
        %dma_wait3A_121 = arith.constant 0 : i32
        %dma_wait3A_122 = tpu.memref_slice %arg4[%arg1, %dma_wait3A_120, %dma_wait3A_121] : memref<16x80x128xi32, #tpu.memory_space<hbm>> -> memref<1x40x128xi32, #tpu.memory_space<hbm>>
        %dma_wait3A_123 = tpu.memref_squeeze %dma_wait3A_122 : memref<1x40x128xi32, #tpu.memory_space<hbm>> -> memref<40x128xi32, #tpu.memory_space<hbm>>
        tpu.wait_dma2 semaphore(%run_scoped3A_107 : memref<!tpu.dma_semaphore, #tpu.memory_space<semaphore_mem>>) src(%dma_wait3A_123 : memref<40x128xi32, #tpu.memory_space<hbm>>) dst(%arg8 : memref<40x128xi32, #tpu.memory_space<vmem>>)
        tpu.yield
      }) : () -> ()
      "tpu.region"() ({
        %run_scoped3A_107 = tpu.sem_alloc : memref<!tpu.dma_semaphore, #tpu.memory_space<semaphore_mem>>
        %dma_start3A_108 = arith.constant 0 : i32
        %dma_start3A_109 = arith.constant 0 : i32
        %dma_start3A_110 = tpu.memref_slice %arg5[%arg1, %dma_start3A_108, %dma_start3A_109] : memref<16x80x128xi32, #tpu.memory_space<hbm>> -> memref<1x40x128xi32, #tpu.memory_space<hbm>>
        %dma_start3A_111 = tpu.memref_squeeze %dma_start3A_110 : memref<1x40x128xi32, #tpu.memory_space<hbm>> -> memref<40x128xi32, #tpu.memory_space<hbm>>
        %dma_start3A_112 = arith.constant 0 : i32
        %dma_start3A_113 = arith.constant 0 : i32
        %dma_start3A_114 = tpu.memref_slice %arg5[%arg1, %dma_start3A_112, %dma_start3A_113] : memref<16x80x128xi32, #tpu.memory_space<hbm>> -> memref<1x40x128xi32, #tpu.memory_space<hbm>>
        %dma_start3A_115 = tpu.memref_squeeze %dma_start3A_114 : memref<1x40x128xi32, #tpu.memory_space<hbm>> -> memref<40x128xi32, #tpu.memory_space<hbm>>
        tpu.enqueue_dma source(%dma_start3A_115 : memref<40x128xi32, #tpu.memory_space<hbm>>) target(%arg9 : memref<40x128xi32, #tpu.memory_space<vmem>>) target_semaphore(%run_scoped3A_107 : memref<!tpu.dma_semaphore, #tpu.memory_space<semaphore_mem>>)
        %dma_wait3A_116 = arith.constant 0 : i32
        %dma_wait3A_117 = arith.constant 0 : i32
        %dma_wait3A_118 = tpu.memref_slice %arg5[%arg1, %dma_wait3A_116, %dma_wait3A_117] : memref<16x80x128xi32, #tpu.memory_space<hbm>> -> memref<1x40x128xi32, #tpu.memory_space<hbm>>
        %dma_wait3A_119 = tpu.memref_squeeze %dma_wait3A_118 : memref<1x40x128xi32, #tpu.memory_space<hbm>> -> memref<40x128xi32, #tpu.memory_space<hbm>>
        %dma_wait3A_120 = arith.constant 0 : i32
        %dma_wait3A_121 = arith.constant 0 : i32
        %dma_wait3A_122 = tpu.memref_slice %arg5[%arg1, %dma_wait3A_120, %dma_wait3A_121] : memref<16x80x128xi32, #tpu.memory_space<hbm>> -> memref<1x40x128xi32, #tpu.memory_space<hbm>>
        %dma_wait3A_123 = tpu.memref_squeeze %dma_wait3A_122 : memref<1x40x128xi32, #tpu.memory_space<hbm>> -> memref<40x128xi32, #tpu.memory_space<hbm>>
        tpu.wait_dma2 semaphore(%run_scoped3A_107 : memref<!tpu.dma_semaphore, #tpu.memory_space<semaphore_mem>>) src(%dma_wait3A_123 : memref<40x128xi32, #tpu.memory_space<hbm>>) dst(%arg9 : memref<40x128xi32, #tpu.memory_space<vmem>>)
        tpu.yield
      }) : () -> ()
      %dma_start3A = arith.constant 0 : i32
      %dma_start3A_31 = arith.constant 0 : i32
      %dma_start3A_32 = tpu.memref_slice %arg8[%dma_start3A, %dma_start3A_31] : memref<40x128xi32, #tpu.memory_space<vmem>> -> memref<1x128xi32, #tpu.memory_space<vmem>>
      %dma_start3A_33 = tpu.memref_squeeze %dma_start3A_32 : memref<1x128xi32, #tpu.memory_space<vmem>> -> memref<128xi32, #tpu.memory_space<vmem>>
      %dma_start3A_34 = arith.constant 0 : i32
      %dma_start3A_35 = arith.constant 0 : i32
      %dma_start3A_36 = tpu.memref_slice %arg3[%dma_start3A_34, %dma_start3A_35] : memref<10240x128xf32, #tpu.memory_space<hbm>> -> memref<10240x128xf32, #tpu.memory_space<hbm>>
      tpu.enqueue_indirect_dma source(%dma_start3A_36 : memref<10240x128xf32, #tpu.memory_space<hbm>>) target(%arg10 : memref<128x128xf32, #tpu.memory_space<vmem>>) offsets(%dma_start3A_33 : memref<128xi32, #tpu.memory_space<vmem>>) semaphore(%arg13 : memref<!tpu.dma_semaphore, #tpu.memory_space<semaphore_mem>>)
      %dma_start3A_37 = arith.constant 1 : i32
      %dma_start3A_38 = arith.constant 0 : i32
      %dma_start3A_39 = tpu.memref_slice %arg8[%dma_start3A_37, %dma_start3A_38] : memref<40x128xi32, #tpu.memory_space<vmem>> -> memref<1x128xi32, #tpu.memory_space<vmem>>
      %dma_start3A_40 = tpu.memref_squeeze %dma_start3A_39 : memref<1x128xi32, #tpu.memory_space<vmem>> -> memref<128xi32, #tpu.memory_space<vmem>>
      %dma_start3A_41 = arith.constant 0 : i32
      %dma_start3A_42 = arith.constant 0 : i32
      %dma_start3A_43 = tpu.memref_slice %arg3[%dma_start3A_41, %dma_start3A_42] : memref<10240x128xf32, #tpu.memory_space<hbm>> -> memref<10240x128xf32, #tpu.memory_space<hbm>>
      tpu.enqueue_indirect_dma source(%dma_start3A_43 : memref<10240x128xf32, #tpu.memory_space<hbm>>) target(%arg11 : memref<128x128xf32, #tpu.memory_space<vmem>>) offsets(%dma_start3A_40 : memref<128xi32, #tpu.memory_space<vmem>>) semaphore(%arg14 : memref<!tpu.dma_semaphore, #tpu.memory_space<semaphore_mem>>)
      %scan3A_44 = arith.constant 0 : i32
      %scan3A_45 = arith.constant 0 : i32
      %scan3A_46 = arith.constant 19 : i32
      %scan3A_47 = arith.addi %scan3A_45, %scan3A_46 : i32
      %scan3A_48 = arith.constant 1 : i32
      %scan3A_49 = scf.for %scan3A_107 = %scan3A_45 to %scan3A_47 step %scan3A_48 iter_args(%scan3A_108 = %scan3A_44) -> (i32)  : i32 {
        %mul3A_109 = arith.constant 2 : i32
        %mul3A_110 = arith.muli %scan3A_107, %mul3A_109 : i32
        %dma_wait3A_111 = arith.constant 0 : i32
        %dma_wait3A_112 = tpu.memref_slice %arg8[%mul3A_110, %dma_wait3A_111] : memref<40x128xi32, #tpu.memory_space<vmem>> -> memref<1x128xi32, #tpu.memory_space<vmem>>
        %dma_wait3A_113 = tpu.memref_squeeze %dma_wait3A_112 : memref<1x128xi32, #tpu.memory_space<vmem>> -> memref<128xi32, #tpu.memory_space<vmem>>
        %dma_wait3A_114 = arith.constant 0 : i32
        %dma_wait3A_115 = arith.constant 0 : i32
        %dma_wait3A_116 = tpu.memref_slice %arg3[%dma_wait3A_114, %dma_wait3A_115] : memref<10240x128xf32, #tpu.memory_space<hbm>> -> memref<10240x128xf32, #tpu.memory_space<hbm>>
        tpu.wait_indirect_dma semaphore(%arg13 : memref<!tpu.dma_semaphore, #tpu.memory_space<semaphore_mem>>) src(%dma_wait3A_116 : memref<10240x128xf32, #tpu.memory_space<hbm>>) dst(%arg10 : memref<128x128xf32, #tpu.memory_space<vmem>>)
        "tpu.region"() ({
          %run_scoped3A_144 = tpu.sem_alloc : memref<!tpu.dma_semaphore, #tpu.memory_space<semaphore_mem>>
          %dma_start3A_145 = arith.constant 0 : i32
          %dma_start3A_146 = tpu.memref_slice %arg9[%mul3A_110, %dma_start3A_145] : memref<40x128xi32, #tpu.memory_space<vmem>> -> memref<1x128xi32, #tpu.memory_space<vmem>>
          %dma_start3A_147 = tpu.memref_squeeze %dma_start3A_146 : memref<1x128xi32, #tpu.memory_space<vmem>> -> memref<128xi32, #tpu.memory_space<vmem>>
          %dma_start3A_148 = arith.constant 0 : i32
          %dma_start3A_149 = arith.constant 0 : i32
          %dma_start3A_150 = tpu.memref_slice %arg12[%dma_start3A_148, %dma_start3A_149] : memref<10240x128xf32, #tpu.memory_space<vmem_shared>> -> memref<10240x128xf32, #tpu.memory_space<vmem_shared>>
          tpu.enqueue_indirect_dma source(%arg10 : memref<128x128xf32, #tpu.memory_space<vmem>>) target(%dma_start3A_150 : memref<10240x128xf32, #tpu.memory_space<vmem_shared>>) offsets(%dma_start3A_147 : memref<128xi32, #tpu.memory_space<vmem>>) semaphore(%run_scoped3A_144 : memref<!tpu.dma_semaphore, #tpu.memory_space<semaphore_mem>>) {add = true}
          %dma_wait3A_151 = arith.constant 0 : i32
          %dma_wait3A_152 = tpu.memref_slice %arg9[%mul3A_110, %dma_wait3A_151] : memref<40x128xi32, #tpu.memory_space<vmem>> -> memref<1x128xi32, #tpu.memory_space<vmem>>
          %dma_wait3A_153 = tpu.memref_squeeze %dma_wait3A_152 : memref<1x128xi32, #tpu.memory_space<vmem>> -> memref<128xi32, #tpu.memory_space<vmem>>
          %dma_wait3A_154 = arith.constant 0 : i32
          %dma_wait3A_155 = arith.constant 0 : i32
          %dma_wait3A_156 = tpu.memref_slice %arg12[%dma_wait3A_154, %dma_wait3A_155] : memref<10240x128xf32, #tpu.memory_space<vmem_shared>> -> memref<10240x128xf32, #tpu.memory_space<vmem_shared>>
          tpu.wait_indirect_dma semaphore(%run_scoped3A_144 : memref<!tpu.dma_semaphore, #tpu.memory_space<semaphore_mem>>) src(%arg10 : memref<128x128xf32, #tpu.memory_space<vmem>>) dst(%dma_wait3A_156 : memref<10240x128xf32, #tpu.memory_space<vmem_shared>>)
          tpu.yield
        }) : () -> ()
        %add3A_117 = arith.constant 2 : i32
        %add3A_118 = arith.addi %mul3A_110, %add3A_117 : i32
        %dma_start3A_119 = arith.constant 0 : i32
        %dma_start3A_120 = tpu.memref_slice %arg8[%add3A_118, %dma_start3A_119] : memref<40x128xi32, #tpu.memory_space<vmem>> -> memref<1x128xi32, #tpu.memory_space<vmem>>
        %dma_start3A_121 = tpu.memref_squeeze %dma_start3A_120 : memref<1x128xi32, #tpu.memory_space<vmem>> -> memref<128xi32, #tpu.memory_space<vmem>>
        %dma_start3A_122 = arith.constant 0 : i32
        %dma_start3A_123 = arith.constant 0 : i32
        %dma_start3A_124 = tpu.memref_slice %arg3[%dma_start3A_122, %dma_start3A_123] : memref<10240x128xf32, #tpu.memory_space<hbm>> -> memref<10240x128xf32, #tpu.memory_space<hbm>>
        tpu.enqueue_indirect_dma source(%dma_start3A_124 : memref<10240x128xf32, #tpu.memory_space<hbm>>) target(%arg10 : memref<128x128xf32, #tpu.memory_space<vmem>>) offsets(%dma_start3A_121 : memref<128xi32, #tpu.memory_space<vmem>>) semaphore(%arg13 : memref<!tpu.dma_semaphore, #tpu.memory_space<semaphore_mem>>)
        %add3A_125 = arith.constant 1 : i32
        %add3A_126 = arith.addi %mul3A_110, %add3A_125 : i32
        %dma_wait3A_127 = arith.constant 0 : i32
        %dma_wait3A_128 = tpu.memref_slice %arg8[%add3A_126, %dma_wait3A_127] : memref<40x128xi32, #tpu.memory_space<vmem>> -> memref<1x128xi32, #tpu.memory_space<vmem>>
        %dma_wait3A_129 = tpu.memref_squeeze %dma_wait3A_128 : memref<1x128xi32, #tpu.memory_space<vmem>> -> memref<128xi32, #tpu.memory_space<vmem>>
        %dma_wait3A_130 = arith.constant 0 : i32
        %dma_wait3A_131 = arith.constant 0 : i32
        %dma_wait3A_132 = tpu.memref_slice %arg3[%dma_wait3A_130, %dma_wait3A_131] : memref<10240x128xf32, #tpu.memory_space<hbm>> -> memref<10240x128xf32, #tpu.memory_space<hbm>>
        tpu.wait_indirect_dma semaphore(%arg14 : memref<!tpu.dma_semaphore, #tpu.memory_space<semaphore_mem>>) src(%dma_wait3A_132 : memref<10240x128xf32, #tpu.memory_space<hbm>>) dst(%arg11 : memref<128x128xf32, #tpu.memory_space<vmem>>)
        %add3A_133 = arith.constant 1 : i32
        %add3A_134 = arith.addi %mul3A_110, %add3A_133 : i32
        "tpu.region"() ({
          %run_scoped3A_144 = tpu.sem_alloc : memref<!tpu.dma_semaphore, #tpu.memory_space<semaphore_mem>>
          %dma_start3A_145 = arith.constant 0 : i32
          %dma_start3A_146 = tpu.memref_slice %arg9[%add3A_134, %dma_start3A_145] : memref<40x128xi32, #tpu.memory_space<vmem>> -> memref<1x128xi32, #tpu.memory_space<vmem>>
          %dma_start3A_147 = tpu.memref_squeeze %dma_start3A_146 : memref<1x128xi32, #tpu.memory_space<vmem>> -> memref<128xi32, #tpu.memory_space<vmem>>
          %dma_start3A_148 = arith.constant 0 : i32
          %dma_start3A_149 = arith.constant 0 : i32
          %dma_start3A_150 = tpu.memref_slice %arg12[%dma_start3A_148, %dma_start3A_149] : memref<10240x128xf32, #tpu.memory_space<vmem_shared>> -> memref<10240x128xf32, #tpu.memory_space<vmem_shared>>
          tpu.enqueue_indirect_dma source(%arg11 : memref<128x128xf32, #tpu.memory_space<vmem>>) target(%dma_start3A_150 : memref<10240x128xf32, #tpu.memory_space<vmem_shared>>) offsets(%dma_start3A_147 : memref<128xi32, #tpu.memory_space<vmem>>) semaphore(%run_scoped3A_144 : memref<!tpu.dma_semaphore, #tpu.memory_space<semaphore_mem>>) {add = true}
          %dma_wait3A_151 = arith.constant 0 : i32
          %dma_wait3A_152 = tpu.memref_slice %arg9[%add3A_134, %dma_wait3A_151] : memref<40x128xi32, #tpu.memory_space<vmem>> -> memref<1x128xi32, #tpu.memory_space<vmem>>
          %dma_wait3A_153 = tpu.memref_squeeze %dma_wait3A_152 : memref<1x128xi32, #tpu.memory_space<vmem>> -> memref<128xi32, #tpu.memory_space<vmem>>
          %dma_wait3A_154 = arith.constant 0 : i32
          %dma_wait3A_155 = arith.constant 0 : i32
          %dma_wait3A_156 = tpu.memref_slice %arg12[%dma_wait3A_154, %dma_wait3A_155] : memref<10240x128xf32, #tpu.memory_space<vmem_shared>> -> memref<10240x128xf32, #tpu.memory_space<vmem_shared>>
          tpu.wait_indirect_dma semaphore(%run_scoped3A_144 : memref<!tpu.dma_semaphore, #tpu.memory_space<semaphore_mem>>) src(%arg11 : memref<128x128xf32, #tpu.memory_space<vmem>>) dst(%dma_wait3A_156 : memref<10240x128xf32, #tpu.memory_space<vmem_shared>>)
          tpu.yield
        }) : () -> ()
        %add3A_135 = arith.constant 3 : i32
        %add3A_136 = arith.addi %mul3A_110, %add3A_135 : i32
        %dma_start3A_137 = arith.constant 0 : i32
        %dma_start3A_138 = tpu.memref_slice %arg8[%add3A_136, %dma_start3A_137] : memref<40x128xi32, #tpu.memory_space<vmem>> -> memref<1x128xi32, #tpu.memory_space<vmem>>
        %dma_start3A_139 = tpu.memref_squeeze %dma_start3A_138 : memref<1x128xi32, #tpu.memory_space<vmem>> -> memref<128xi32, #tpu.memory_space<vmem>>
        %dma_start3A_140 = arith.constant 0 : i32
        %dma_start3A_141 = arith.constant 0 : i32
        %dma_start3A_142 = tpu.memref_slice %arg3[%dma_start3A_140, %dma_start3A_141] : memref<10240x128xf32, #tpu.memory_space<hbm>> -> memref<10240x128xf32, #tpu.memory_space<hbm>>
        tpu.enqueue_indirect_dma source(%dma_start3A_142 : memref<10240x128xf32, #tpu.memory_space<hbm>>) target(%arg11 : memref<128x128xf32, #tpu.memory_space<vmem>>) offsets(%dma_start3A_139 : memref<128xi32, #tpu.memory_space<vmem>>) semaphore(%arg14 : memref<!tpu.dma_semaphore, #tpu.memory_space<semaphore_mem>>)
        %scan3A_143 = arith.constant 0 : i32
        scf.yield %scan3A_143 : i32
      }
      %scan3A_50 = arith.constant 19 : i32
      %dma_wait3A = arith.constant 38 : i32
      %dma_wait3A_51 = arith.constant 0 : i32
      %dma_wait3A_52 = tpu.memref_slice %arg8[%dma_wait3A, %dma_wait3A_51] : memref<40x128xi32, #tpu.memory_space<vmem>> -> memref<1x128xi32, #tpu.memory_space<vmem>>
      %dma_wait3A_53 = tpu.memref_squeeze %dma_wait3A_52 : memref<1x128xi32, #tpu.memory_space<vmem>> -> memref<128xi32, #tpu.memory_space<vmem>>
      %dma_wait3A_54 = arith.constant 0 : i32
      %dma_wait3A_55 = arith.constant 0 : i32
      %dma_wait3A_56 = tpu.memref_slice %arg3[%dma_wait3A_54, %dma_wait3A_55] : memref<10240x128xf32, #tpu.memory_space<hbm>> -> memref<10240x128xf32, #tpu.memory_space<hbm>>
      tpu.wait_indirect_dma semaphore(%arg13 : memref<!tpu.dma_semaphore, #tpu.memory_space<semaphore_mem>>) src(%dma_wait3A_56 : memref<10240x128xf32, #tpu.memory_space<hbm>>) dst(%arg10 : memref<128x128xf32, #tpu.memory_space<vmem>>)
      %run_scoped3A = arith.constant 38 : i32
      "tpu.region"() ({
        %run_scoped3A_107 = tpu.sem_alloc : memref<!tpu.dma_semaphore, #tpu.memory_space<semaphore_mem>>
        %dma_start3A_108 = arith.constant 0 : i32
        %dma_start3A_109 = tpu.memref_slice %arg9[%run_scoped3A, %dma_start3A_108] : memref<40x128xi32, #tpu.memory_space<vmem>> -> memref<1x128xi32, #tpu.memory_space<vmem>>
        %dma_start3A_110 = tpu.memref_squeeze %dma_start3A_109 : memref<1x128xi32, #tpu.memory_space<vmem>> -> memref<128xi32, #tpu.memory_space<vmem>>
        %dma_start3A_111 = arith.constant 0 : i32
        %dma_start3A_112 = arith.constant 0 : i32
        %dma_start3A_113 = tpu.memref_slice %arg12[%dma_start3A_111, %dma_start3A_112] : memref<10240x128xf32, #tpu.memory_space<vmem_shared>> -> memref<10240x128xf32, #tpu.memory_space<vmem_shared>>
        tpu.enqueue_indirect_dma source(%arg10 : memref<128x128xf32, #tpu.memory_space<vmem>>) target(%dma_start3A_113 : memref<10240x128xf32, #tpu.memory_space<vmem_shared>>) offsets(%dma_start3A_110 : memref<128xi32, #tpu.memory_space<vmem>>) semaphore(%run_scoped3A_107 : memref<!tpu.dma_semaphore, #tpu.memory_space<semaphore_mem>>) {add = true}
        %dma_wait3A_114 = arith.constant 0 : i32
        %dma_wait3A_115 = tpu.memref_slice %arg9[%run_scoped3A, %dma_wait3A_114] : memref<40x128xi32, #tpu.memory_space<vmem>> -> memref<1x128xi32, #tpu.memory_space<vmem>>
        %dma_wait3A_116 = tpu.memref_squeeze %dma_wait3A_115 : memref<1x128xi32, #tpu.memory_space<vmem>> -> memref<128xi32, #tpu.memory_space<vmem>>
        %dma_wait3A_117 = arith.constant 0 : i32
        %dma_wait3A_118 = arith.constant 0 : i32
        %dma_wait3A_119 = tpu.memref_slice %arg12[%dma_wait3A_117, %dma_wait3A_118] : memref<10240x128xf32, #tpu.memory_space<vmem_shared>> -> memref<10240x128xf32, #tpu.memory_space<vmem_shared>>
        tpu.wait_indirect_dma semaphore(%run_scoped3A_107 : memref<!tpu.dma_semaphore, #tpu.memory_space<semaphore_mem>>) src(%arg10 : memref<128x128xf32, #tpu.memory_space<vmem>>) dst(%dma_wait3A_119 : memref<10240x128xf32, #tpu.memory_space<vmem_shared>>)
        tpu.yield
      }) : () -> ()
      %dma_wait3A_57 = arith.constant 39 : i32
      %dma_wait3A_58 = arith.constant 0 : i32
      %dma_wait3A_59 = tpu.memref_slice %arg8[%dma_wait3A_57, %dma_wait3A_58] : memref<40x128xi32, #tpu.memory_space<vmem>> -> memref<1x128xi32, #tpu.memory_space<vmem>>
      %dma_wait3A_60 = tpu.memref_squeeze %dma_wait3A_59 : memref<1x128xi32, #tpu.memory_space<vmem>> -> memref<128xi32, #tpu.memory_space<vmem>>
      %dma_wait3A_61 = arith.constant 0 : i32
      %dma_wait3A_62 = arith.constant 0 : i32
      %dma_wait3A_63 = tpu.memref_slice %arg3[%dma_wait3A_61, %dma_wait3A_62] : memref<10240x128xf32, #tpu.memory_space<hbm>> -> memref<10240x128xf32, #tpu.memory_space<hbm>>
      tpu.wait_indirect_dma semaphore(%arg14 : memref<!tpu.dma_semaphore, #tpu.memory_space<semaphore_mem>>) src(%dma_wait3A_63 : memref<10240x128xf32, #tpu.memory_space<hbm>>) dst(%arg11 : memref<128x128xf32, #tpu.memory_space<vmem>>)
      %run_scoped3A_64 = arith.constant 39 : i32
      "tpu.region"() ({
        %run_scoped3A_107 = tpu.sem_alloc : memref<!tpu.dma_semaphore, #tpu.memory_space<semaphore_mem>>
        %dma_start3A_108 = arith.constant 0 : i32
        %dma_start3A_109 = tpu.memref_slice %arg9[%run_scoped3A_64, %dma_start3A_108] : memref<40x128xi32, #tpu.memory_space<vmem>> -> memref<1x128xi32, #tpu.memory_space<vmem>>
        %dma_start3A_110 = tpu.memref_squeeze %dma_start3A_109 : memref<1x128xi32, #tpu.memory_space<vmem>> -> memref<128xi32, #tpu.memory_space<vmem>>
        %dma_start3A_111 = arith.constant 0 : i32
        %dma_start3A_112 = arith.constant 0 : i32
        %dma_start3A_113 = tpu.memref_slice %arg12[%dma_start3A_111, %dma_start3A_112] : memref<10240x128xf32, #tpu.memory_space<vmem_shared>> -> memref<10240x128xf32, #tpu.memory_space<vmem_shared>>
        tpu.enqueue_indirect_dma source(%arg11 : memref<128x128xf32, #tpu.memory_space<vmem>>) target(%dma_start3A_113 : memref<10240x128xf32, #tpu.memory_space<vmem_shared>>) offsets(%dma_start3A_110 : memref<128xi32, #tpu.memory_space<vmem>>) semaphore(%run_scoped3A_107 : memref<!tpu.dma_semaphore, #tpu.memory_space<semaphore_mem>>) {add = true}
        %dma_wait3A_114 = arith.constant 0 : i32
        %dma_wait3A_115 = tpu.memref_slice %arg9[%run_scoped3A_64, %dma_wait3A_114] : memref<40x128xi32, #tpu.memory_space<vmem>> -> memref<1x128xi32, #tpu.memory_space<vmem>>
        %dma_wait3A_116 = tpu.memref_squeeze %dma_wait3A_115 : memref<1x128xi32, #tpu.memory_space<vmem>> -> memref<128xi32, #tpu.memory_space<vmem>>
        %dma_wait3A_117 = arith.constant 0 : i32
        %dma_wait3A_118 = arith.constant 0 : i32
        %dma_wait3A_119 = tpu.memref_slice %arg12[%dma_wait3A_117, %dma_wait3A_118] : memref<10240x128xf32, #tpu.memory_space<vmem_shared>> -> memref<10240x128xf32, #tpu.memory_space<vmem_shared>>
        tpu.wait_indirect_dma semaphore(%run_scoped3A_107 : memref<!tpu.dma_semaphore, #tpu.memory_space<semaphore_mem>>) src(%arg11 : memref<128x128xf32, #tpu.memory_space<vmem>>) dst(%dma_wait3A_119 : memref<10240x128xf32, #tpu.memory_space<vmem_shared>>)
        tpu.yield
      }) : () -> ()
      "tpu.region"() ({
        %run_scoped3A_107 = tpu.sem_alloc : memref<!tpu.dma_semaphore, #tpu.memory_space<semaphore_mem>>
        %dma_start3A_108 = arith.constant 40 : i32
        %dma_start3A_109 = arith.constant 0 : i32
        %dma_start3A_110 = tpu.memref_slice %arg4[%arg1, %dma_start3A_108, %dma_start3A_109] : memref<16x80x128xi32, #tpu.memory_space<hbm>> -> memref<1x40x128xi32, #tpu.memory_space<hbm>>
        %dma_start3A_111 = tpu.memref_squeeze %dma_start3A_110 : memref<1x40x128xi32, #tpu.memory_space<hbm>> -> memref<40x128xi32, #tpu.memory_space<hbm>>
        %dma_start3A_112 = arith.constant 40 : i32
        %dma_start3A_113 = arith.constant 0 : i32
        %dma_start3A_114 = tpu.memref_slice %arg4[%arg1, %dma_start3A_112, %dma_start3A_113] : memref<16x80x128xi32, #tpu.memory_space<hbm>> -> memref<1x40x128xi32, #tpu.memory_space<hbm>>
        %dma_start3A_115 = tpu.memref_squeeze %dma_start3A_114 : memref<1x40x128xi32, #tpu.memory_space<hbm>> -> memref<40x128xi32, #tpu.memory_space<hbm>>
        tpu.enqueue_dma source(%dma_start3A_115 : memref<40x128xi32, #tpu.memory_space<hbm>>) target(%arg8 : memref<40x128xi32, #tpu.memory_space<vmem>>) target_semaphore(%run_scoped3A_107 : memref<!tpu.dma_semaphore, #tpu.memory_space<semaphore_mem>>)
        %dma_wait3A_116 = arith.constant 40 : i32
        %dma_wait3A_117 = arith.constant 0 : i32
        %dma_wait3A_118 = tpu.memref_slice %arg4[%arg1, %dma_wait3A_116, %dma_wait3A_117] : memref<16x80x128xi32, #tpu.memory_space<hbm>> -> memref<1x40x128xi32, #tpu.memory_space<hbm>>
        %dma_wait3A_119 = tpu.memref_squeeze %dma_wait3A_118 : memref<1x40x128xi32, #tpu.memory_space<hbm>> -> memref<40x128xi32, #tpu.memory_space<hbm>>
        %dma_wait3A_120 = arith.constant 40 : i32
        %dma_wait3A_121 = arith.constant 0 : i32
        %dma_wait3A_122 = tpu.memref_slice %arg4[%arg1, %dma_wait3A_120, %dma_wait3A_121] : memref<16x80x128xi32, #tpu.memory_space<hbm>> -> memref<1x40x128xi32, #tpu.memory_space<hbm>>
        %dma_wait3A_123 = tpu.memref_squeeze %dma_wait3A_122 : memref<1x40x128xi32, #tpu.memory_space<hbm>> -> memref<40x128xi32, #tpu.memory_space<hbm>>
        tpu.wait_dma2 semaphore(%run_scoped3A_107 : memref<!tpu.dma_semaphore, #tpu.memory_space<semaphore_mem>>) src(%dma_wait3A_123 : memref<40x128xi32, #tpu.memory_space<hbm>>) dst(%arg8 : memref<40x128xi32, #tpu.memory_space<vmem>>)
        tpu.yield
      }) : () -> ()
      "tpu.region"() ({
        %run_scoped3A_107 = tpu.sem_alloc : memref<!tpu.dma_semaphore, #tpu.memory_space<semaphore_mem>>
        %dma_start3A_108 = arith.constant 40 : i32
        %dma_start3A_109 = arith.constant 0 : i32
        %dma_start3A_110 = tpu.memref_slice %arg5[%arg1, %dma_start3A_108, %dma_start3A_109] : memref<16x80x128xi32, #tpu.memory_space<hbm>> -> memref<1x40x128xi32, #tpu.memory_space<hbm>>
        %dma_start3A_111 = tpu.memref_squeeze %dma_start3A_110 : memref<1x40x128xi32, #tpu.memory_space<hbm>> -> memref<40x128xi32, #tpu.memory_space<hbm>>
        %dma_start3A_112 = arith.constant 40 : i32
        %dma_start3A_113 = arith.constant 0 : i32
        %dma_start3A_114 = tpu.memref_slice %arg5[%arg1, %dma_start3A_112, %dma_start3A_113] : memref<16x80x128xi32, #tpu.memory_space<hbm>> -> memref<1x40x128xi32, #tpu.memory_space<hbm>>
        %dma_start3A_115 = tpu.memref_squeeze %dma_start3A_114 : memref<1x40x128xi32, #tpu.memory_space<hbm>> -> memref<40x128xi32, #tpu.memory_space<hbm>>
        tpu.enqueue_dma source(%dma_start3A_115 : memref<40x128xi32, #tpu.memory_space<hbm>>) target(%arg9 : memref<40x128xi32, #tpu.memory_space<vmem>>) target_semaphore(%run_scoped3A_107 : memref<!tpu.dma_semaphore, #tpu.memory_space<semaphore_mem>>)
        %dma_wait3A_116 = arith.constant 40 : i32
        %dma_wait3A_117 = arith.constant 0 : i32
        %dma_wait3A_118 = tpu.memref_slice %arg5[%arg1, %dma_wait3A_116, %dma_wait3A_117] : memref<16x80x128xi32, #tpu.memory_space<hbm>> -> memref<1x40x128xi32, #tpu.memory_space<hbm>>
        %dma_wait3A_119 = tpu.memref_squeeze %dma_wait3A_118 : memref<1x40x128xi32, #tpu.memory_space<hbm>> -> memref<40x128xi32, #tpu.memory_space<hbm>>
        %dma_wait3A_120 = arith.constant 40 : i32
        %dma_wait3A_121 = arith.constant 0 : i32
        %dma_wait3A_122 = tpu.memref_slice %arg5[%arg1, %dma_wait3A_120, %dma_wait3A_121] : memref<16x80x128xi32, #tpu.memory_space<hbm>> -> memref<1x40x128xi32, #tpu.memory_space<hbm>>
        %dma_wait3A_123 = tpu.memref_squeeze %dma_wait3A_122 : memref<1x40x128xi32, #tpu.memory_space<hbm>> -> memref<40x128xi32, #tpu.memory_space<hbm>>
        tpu.wait_dma2 semaphore(%run_scoped3A_107 : memref<!tpu.dma_semaphore, #tpu.memory_space<semaphore_mem>>) src(%dma_wait3A_123 : memref<40x128xi32, #tpu.memory_space<hbm>>) dst(%arg9 : memref<40x128xi32, #tpu.memory_space<vmem>>)
        tpu.yield
      }) : () -> ()
      %dma_start3A_65 = arith.constant 0 : i32
      %dma_start3A_66 = arith.constant 0 : i32
      %dma_start3A_67 = tpu.memref_slice %arg8[%dma_start3A_65, %dma_start3A_66] : memref<40x128xi32, #tpu.memory_space<vmem>> -> memref<1x128xi32, #tpu.memory_space<vmem>>
      %dma_start3A_68 = tpu.memref_squeeze %dma_start3A_67 : memref<1x128xi32, #tpu.memory_space<vmem>> -> memref<128xi32, #tpu.memory_space<vmem>>
      %dma_start3A_69 = arith.constant 0 : i32
      %dma_start3A_70 = arith.constant 0 : i32
      %dma_start3A_71 = tpu.memref_slice %arg3[%dma_start3A_69, %dma_start3A_70] : memref<10240x128xf32, #tpu.memory_space<hbm>> -> memref<10240x128xf32, #tpu.memory_space<hbm>>
      tpu.enqueue_indirect_dma source(%dma_start3A_71 : memref<10240x128xf32, #tpu.memory_space<hbm>>) target(%arg10 : memref<128x128xf32, #tpu.memory_space<vmem>>) offsets(%dma_start3A_68 : memref<128xi32, #tpu.memory_space<vmem>>) semaphore(%arg13 : memref<!tpu.dma_semaphore, #tpu.memory_space<semaphore_mem>>)
      %dma_start3A_72 = arith.constant 1 : i32
      %dma_start3A_73 = arith.constant 0 : i32
      %dma_start3A_74 = tpu.memref_slice %arg8[%dma_start3A_72, %dma_start3A_73] : memref<40x128xi32, #tpu.memory_space<vmem>> -> memref<1x128xi32, #tpu.memory_space<vmem>>
      %dma_start3A_75 = tpu.memref_squeeze %dma_start3A_74 : memref<1x128xi32, #tpu.memory_space<vmem>> -> memref<128xi32, #tpu.memory_space<vmem>>
      %dma_start3A_76 = arith.constant 0 : i32
      %dma_start3A_77 = arith.constant 0 : i32
      %dma_start3A_78 = tpu.memref_slice %arg3[%dma_start3A_76, %dma_start3A_77] : memref<10240x128xf32, #tpu.memory_space<hbm>> -> memref<10240x128xf32, #tpu.memory_space<hbm>>
      tpu.enqueue_indirect_dma source(%dma_start3A_78 : memref<10240x128xf32, #tpu.memory_space<hbm>>) target(%arg11 : memref<128x128xf32, #tpu.memory_space<vmem>>) offsets(%dma_start3A_75 : memref<128xi32, #tpu.memory_space<vmem>>) semaphore(%arg14 : memref<!tpu.dma_semaphore, #tpu.memory_space<semaphore_mem>>)
      %scan3A_79 = arith.constant 0 : i32
      %scan3A_80 = arith.constant 0 : i32
      %scan3A_81 = arith.constant 19 : i32
      %scan3A_82 = arith.addi %scan3A_80, %scan3A_81 : i32
      %scan3A_83 = arith.constant 1 : i32
      %scan3A_84 = scf.for %scan3A_107 = %scan3A_80 to %scan3A_82 step %scan3A_83 iter_args(%scan3A_108 = %scan3A_79) -> (i32)  : i32 {
        %mul3A_109 = arith.constant 2 : i32
        %mul3A_110 = arith.muli %scan3A_107, %mul3A_109 : i32
        %dma_wait3A_111 = arith.constant 0 : i32
        %dma_wait3A_112 = tpu.memref_slice %arg8[%mul3A_110, %dma_wait3A_111] : memref<40x128xi32, #tpu.memory_space<vmem>> -> memref<1x128xi32, #tpu.memory_space<vmem>>
        %dma_wait3A_113 = tpu.memref_squeeze %dma_wait3A_112 : memref<1x128xi32, #tpu.memory_space<vmem>> -> memref<128xi32, #tpu.memory_space<vmem>>
        %dma_wait3A_114 = arith.constant 0 : i32
        %dma_wait3A_115 = arith.constant 0 : i32
        %dma_wait3A_116 = tpu.memref_slice %arg3[%dma_wait3A_114, %dma_wait3A_115] : memref<10240x128xf32, #tpu.memory_space<hbm>> -> memref<10240x128xf32, #tpu.memory_space<hbm>>
        tpu.wait_indirect_dma semaphore(%arg13 : memref<!tpu.dma_semaphore, #tpu.memory_space<semaphore_mem>>) src(%dma_wait3A_116 : memref<10240x128xf32, #tpu.memory_space<hbm>>) dst(%arg10 : memref<128x128xf32, #tpu.memory_space<vmem>>)
        "tpu.region"() ({
          %run_scoped3A_144 = tpu.sem_alloc : memref<!tpu.dma_semaphore, #tpu.memory_space<semaphore_mem>>
          %dma_start3A_145 = arith.constant 0 : i32
          %dma_start3A_146 = tpu.memref_slice %arg9[%mul3A_110, %dma_start3A_145] : memref<40x128xi32, #tpu.memory_space<vmem>> -> memref<1x128xi32, #tpu.memory_space<vmem>>
          %dma_start3A_147 = tpu.memref_squeeze %dma_start3A_146 : memref<1x128xi32, #tpu.memory_space<vmem>> -> memref<128xi32, #tpu.memory_space<vmem>>
          %dma_start3A_148 = arith.constant 0 : i32
          %dma_start3A_149 = arith.constant 0 : i32
          %dma_start3A_150 = tpu.memref_slice %arg12[%dma_start3A_148, %dma_start3A_149] : memref<10240x128xf32, #tpu.memory_space<vmem_shared>> -> memref<10240x128xf32, #tpu.memory_space<vmem_shared>>
          tpu.enqueue_indirect_dma source(%arg10 : memref<128x128xf32, #tpu.memory_space<vmem>>) target(%dma_start3A_150 : memref<10240x128xf32, #tpu.memory_space<vmem_shared>>) offsets(%dma_start3A_147 : memref<128xi32, #tpu.memory_space<vmem>>) semaphore(%run_scoped3A_144 : memref<!tpu.dma_semaphore, #tpu.memory_space<semaphore_mem>>) {add = true}
          %dma_wait3A_151 = arith.constant 0 : i32
          %dma_wait3A_152 = tpu.memref_slice %arg9[%mul3A_110, %dma_wait3A_151] : memref<40x128xi32, #tpu.memory_space<vmem>> -> memref<1x128xi32, #tpu.memory_space<vmem>>
          %dma_wait3A_153 = tpu.memref_squeeze %dma_wait3A_152 : memref<1x128xi32, #tpu.memory_space<vmem>> -> memref<128xi32, #tpu.memory_space<vmem>>
          %dma_wait3A_154 = arith.constant 0 : i32
          %dma_wait3A_155 = arith.constant 0 : i32
          %dma_wait3A_156 = tpu.memref_slice %arg12[%dma_wait3A_154, %dma_wait3A_155] : memref<10240x128xf32, #tpu.memory_space<vmem_shared>> -> memref<10240x128xf32, #tpu.memory_space<vmem_shared>>
          tpu.wait_indirect_dma semaphore(%run_scoped3A_144 : memref<!tpu.dma_semaphore, #tpu.memory_space<semaphore_mem>>) src(%arg10 : memref<128x128xf32, #tpu.memory_space<vmem>>) dst(%dma_wait3A_156 : memref<10240x128xf32, #tpu.memory_space<vmem_shared>>)
          tpu.yield
        }) : () -> ()
        %add3A_117 = arith.constant 2 : i32
        %add3A_118 = arith.addi %mul3A_110, %add3A_117 : i32
        %dma_start3A_119 = arith.constant 0 : i32
        %dma_start3A_120 = tpu.memref_slice %arg8[%add3A_118, %dma_start3A_119] : memref<40x128xi32, #tpu.memory_space<vmem>> -> memref<1x128xi32, #tpu.memory_space<vmem>>
        %dma_start3A_121 = tpu.memref_squeeze %dma_start3A_120 : memref<1x128xi32, #tpu.memory_space<vmem>> -> memref<128xi32, #tpu.memory_space<vmem>>
        %dma_start3A_122 = arith.constant 0 : i32
        %dma_start3A_123 = arith.constant 0 : i32
        %dma_start3A_124 = tpu.memref_slice %arg3[%dma_start3A_122, %dma_start3A_123] : memref<10240x128xf32, #tpu.memory_space<hbm>> -> memref<10240x128xf32, #tpu.memory_space<hbm>>
        tpu.enqueue_indirect_dma source(%dma_start3A_124 : memref<10240x128xf32, #tpu.memory_space<hbm>>) target(%arg10 : memref<128x128xf32, #tpu.memory_space<vmem>>) offsets(%dma_start3A_121 : memref<128xi32, #tpu.memory_space<vmem>>) semaphore(%arg13 : memref<!tpu.dma_semaphore, #tpu.memory_space<semaphore_mem>>)
        %add3A_125 = arith.constant 1 : i32
        %add3A_126 = arith.addi %mul3A_110, %add3A_125 : i32
        %dma_wait3A_127 = arith.constant 0 : i32
        %dma_wait3A_128 = tpu.memref_slice %arg8[%add3A_126, %dma_wait3A_127] : memref<40x128xi32, #tpu.memory_space<vmem>> -> memref<1x128xi32, #tpu.memory_space<vmem>>
        %dma_wait3A_129 = tpu.memref_squeeze %dma_wait3A_128 : memref<1x128xi32, #tpu.memory_space<vmem>> -> memref<128xi32, #tpu.memory_space<vmem>>
        %dma_wait3A_130 = arith.constant 0 : i32
        %dma_wait3A_131 = arith.constant 0 : i32
        %dma_wait3A_132 = tpu.memref_slice %arg3[%dma_wait3A_130, %dma_wait3A_131] : memref<10240x128xf32, #tpu.memory_space<hbm>> -> memref<10240x128xf32, #tpu.memory_space<hbm>>
        tpu.wait_indirect_dma semaphore(%arg14 : memref<!tpu.dma_semaphore, #tpu.memory_space<semaphore_mem>>) src(%dma_wait3A_132 : memref<10240x128xf32, #tpu.memory_space<hbm>>) dst(%arg11 : memref<128x128xf32, #tpu.memory_space<vmem>>)
        %add3A_133 = arith.constant 1 : i32
        %add3A_134 = arith.addi %mul3A_110, %add3A_133 : i32
        "tpu.region"() ({
          %run_scoped3A_144 = tpu.sem_alloc : memref<!tpu.dma_semaphore, #tpu.memory_space<semaphore_mem>>
          %dma_start3A_145 = arith.constant 0 : i32
          %dma_start3A_146 = tpu.memref_slice %arg9[%add3A_134, %dma_start3A_145] : memref<40x128xi32, #tpu.memory_space<vmem>> -> memref<1x128xi32, #tpu.memory_space<vmem>>
          %dma_start3A_147 = tpu.memref_squeeze %dma_start3A_146 : memref<1x128xi32, #tpu.memory_space<vmem>> -> memref<128xi32, #tpu.memory_space<vmem>>
          %dma_start3A_148 = arith.constant 0 : i32
          %dma_start3A_149 = arith.constant 0 : i32
          %dma_start3A_150 = tpu.memref_slice %arg12[%dma_start3A_148, %dma_start3A_149] : memref<10240x128xf32, #tpu.memory_space<vmem_shared>> -> memref<10240x128xf32, #tpu.memory_space<vmem_shared>>
          tpu.enqueue_indirect_dma source(%arg11 : memref<128x128xf32, #tpu.memory_space<vmem>>) target(%dma_start3A_150 : memref<10240x128xf32, #tpu.memory_space<vmem_shared>>) offsets(%dma_start3A_147 : memref<128xi32, #tpu.memory_space<vmem>>) semaphore(%run_scoped3A_144 : memref<!tpu.dma_semaphore, #tpu.memory_space<semaphore_mem>>) {add = true}
          %dma_wait3A_151 = arith.constant 0 : i32
          %dma_wait3A_152 = tpu.memref_slice %arg9[%add3A_134, %dma_wait3A_151] : memref<40x128xi32, #tpu.memory_space<vmem>> -> memref<1x128xi32, #tpu.memory_space<vmem>>
          %dma_wait3A_153 = tpu.memref_squeeze %dma_wait3A_152 : memref<1x128xi32, #tpu.memory_space<vmem>> -> memref<128xi32, #tpu.memory_space<vmem>>
          %dma_wait3A_154 = arith.constant 0 : i32
          %dma_wait3A_155 = arith.constant 0 : i32
          %dma_wait3A_156 = tpu.memref_slice %arg12[%dma_wait3A_154, %dma_wait3A_155] : memref<10240x128xf32, #tpu.memory_space<vmem_shared>> -> memref<10240x128xf32, #tpu.memory_space<vmem_shared>>
          tpu.wait_indirect_dma semaphore(%run_scoped3A_144 : memref<!tpu.dma_semaphore, #tpu.memory_space<semaphore_mem>>) src(%arg11 : memref<128x128xf32, #tpu.memory_space<vmem>>) dst(%dma_wait3A_156 : memref<10240x128xf32, #tpu.memory_space<vmem_shared>>)
          tpu.yield
        }) : () -> ()
        %add3A_135 = arith.constant 3 : i32
        %add3A_136 = arith.addi %mul3A_110, %add3A_135 : i32
        %dma_start3A_137 = arith.constant 0 : i32
        %dma_start3A_138 = tpu.memref_slice %arg8[%add3A_136, %dma_start3A_137] : memref<40x128xi32, #tpu.memory_space<vmem>> -> memref<1x128xi32, #tpu.memory_space<vmem>>
        %dma_start3A_139 = tpu.memref_squeeze %dma_start3A_138 : memref<1x128xi32, #tpu.memory_space<vmem>> -> memref<128xi32, #tpu.memory_space<vmem>>
        %dma_start3A_140 = arith.constant 0 : i32
        %dma_start3A_141 = arith.constant 0 : i32
        %dma_start3A_142 = tpu.memref_slice %arg3[%dma_start3A_140, %dma_start3A_141] : memref<10240x128xf32, #tpu.memory_space<hbm>> -> memref<10240x128xf32, #tpu.memory_space<hbm>>
        tpu.enqueue_indirect_dma source(%dma_start3A_142 : memref<10240x128xf32, #tpu.memory_space<hbm>>) target(%arg11 : memref<128x128xf32, #tpu.memory_space<vmem>>) offsets(%dma_start3A_139 : memref<128xi32, #tpu.memory_space<vmem>>) semaphore(%arg14 : memref<!tpu.dma_semaphore, #tpu.memory_space<semaphore_mem>>)
        %scan3A_143 = arith.constant 0 : i32
        scf.yield %scan3A_143 : i32
      }
      %scan3A_85 = arith.constant 19 : i32
      %dma_wait3A_86 = arith.constant 38 : i32
      %dma_wait3A_87 = arith.constant 0 : i32
      %dma_wait3A_88 = tpu.memref_slice %arg8[%dma_wait3A_86, %dma_wait3A_87] : memref<40x128xi32, #tpu.memory_space<vmem>> -> memref<1x128xi32, #tpu.memory_space<vmem>>
      %dma_wait3A_89 = tpu.memref_squeeze %dma_wait3A_88 : memref<1x128xi32, #tpu.memory_space<vmem>> -> memref<128xi32, #tpu.memory_space<vmem>>
      %dma_wait3A_90 = arith.constant 0 : i32
      %dma_wait3A_91 = arith.constant 0 : i32
      %dma_wait3A_92 = tpu.memref_slice %arg3[%dma_wait3A_90, %dma_wait3A_91] : memref<10240x128xf32, #tpu.memory_space<hbm>> -> memref<10240x128xf32, #tpu.memory_space<hbm>>
      tpu.wait_indirect_dma semaphore(%arg13 : memref<!tpu.dma_semaphore, #tpu.memory_space<semaphore_mem>>) src(%dma_wait3A_92 : memref<10240x128xf32, #tpu.memory_space<hbm>>) dst(%arg10 : memref<128x128xf32, #tpu.memory_space<vmem>>)
      %run_scoped3A_93 = arith.constant 38 : i32
      "tpu.region"() ({
        %run_scoped3A_107 = tpu.sem_alloc : memref<!tpu.dma_semaphore, #tpu.memory_space<semaphore_mem>>
        %dma_start3A_108 = arith.constant 0 : i32
        %dma_start3A_109 = tpu.memref_slice %arg9[%run_scoped3A_93, %dma_start3A_108] : memref<40x128xi32, #tpu.memory_space<vmem>> -> memref<1x128xi32, #tpu.memory_space<vmem>>
        %dma_start3A_110 = tpu.memref_squeeze %dma_start3A_109 : memref<1x128xi32, #tpu.memory_space<vmem>> -> memref<128xi32, #tpu.memory_space<vmem>>
        %dma_start3A_111 = arith.constant 0 : i32
        %dma_start3A_112 = arith.constant 0 : i32
        %dma_start3A_113 = tpu.memref_slice %arg12[%dma_start3A_111, %dma_start3A_112] : memref<10240x128xf32, #tpu.memory_space<vmem_shared>> -> memref<10240x128xf32, #tpu.memory_space<vmem_shared>>
        tpu.enqueue_indirect_dma source(%arg10 : memref<128x128xf32, #tpu.memory_space<vmem>>) target(%dma_start3A_113 : memref<10240x128xf32, #tpu.memory_space<vmem_shared>>) offsets(%dma_start3A_110 : memref<128xi32, #tpu.memory_space<vmem>>) semaphore(%run_scoped3A_107 : memref<!tpu.dma_semaphore, #tpu.memory_space<semaphore_mem>>) {add = true}
        %dma_wait3A_114 = arith.constant 0 : i32
        %dma_wait3A_115 = tpu.memref_slice %arg9[%run_scoped3A_93, %dma_wait3A_114] : memref<40x128xi32, #tpu.memory_space<vmem>> -> memref<1x128xi32, #tpu.memory_space<vmem>>
        %dma_wait3A_116 = tpu.memref_squeeze %dma_wait3A_115 : memref<1x128xi32, #tpu.memory_space<vmem>> -> memref<128xi32, #tpu.memory_space<vmem>>
        %dma_wait3A_117 = arith.constant 0 : i32
        %dma_wait3A_118 = arith.constant 0 : i32
        %dma_wait3A_119 = tpu.memref_slice %arg12[%dma_wait3A_117, %dma_wait3A_118] : memref<10240x128xf32, #tpu.memory_space<vmem_shared>> -> memref<10240x128xf32, #tpu.memory_space<vmem_shared>>
        tpu.wait_indirect_dma semaphore(%run_scoped3A_107 : memref<!tpu.dma_semaphore, #tpu.memory_space<semaphore_mem>>) src(%arg10 : memref<128x128xf32, #tpu.memory_space<vmem>>) dst(%dma_wait3A_119 : memref<10240x128xf32, #tpu.memory_space<vmem_shared>>)
        tpu.yield
      }) : () -> ()
      %dma_wait3A_94 = arith.constant 39 : i32
      %dma_wait3A_95 = arith.constant 0 : i32
      %dma_wait3A_96 = tpu.memref_slice %arg8[%dma_wait3A_94, %dma_wait3A_95] : memref<40x128xi32, #tpu.memory_space<vmem>> -> memref<1x128xi32, #tpu.memory_space<vmem>>
      %dma_wait3A_97 = tpu.memref_squeeze %dma_wait3A_96 : memref<1x128xi32, #tpu.memory_space<vmem>> -> memref<128xi32, #tpu.memory_space<vmem>>
      %dma_wait3A_98 = arith.constant 0 : i32
      %dma_wait3A_99 = arith.constant 0 : i32
      %dma_wait3A_100 = tpu.memref_slice %arg3[%dma_wait3A_98, %dma_wait3A_99] : memref<10240x128xf32, #tpu.memory_space<hbm>> -> memref<10240x128xf32, #tpu.memory_space<hbm>>
      tpu.wait_indirect_dma semaphore(%arg14 : memref<!tpu.dma_semaphore, #tpu.memory_space<semaphore_mem>>) src(%dma_wait3A_100 : memref<10240x128xf32, #tpu.memory_space<hbm>>) dst(%arg11 : memref<128x128xf32, #tpu.memory_space<vmem>>)
      %run_scoped3A_101 = arith.constant 39 : i32
      "tpu.region"() ({
        %run_scoped3A_107 = tpu.sem_alloc : memref<!tpu.dma_semaphore, #tpu.memory_space<semaphore_mem>>
        %dma_start3A_108 = arith.constant 0 : i32
        %dma_start3A_109 = tpu.memref_slice %arg9[%run_scoped3A_101, %dma_start3A_108] : memref<40x128xi32, #tpu.memory_space<vmem>> -> memref<1x128xi32, #tpu.memory_space<vmem>>
        %dma_start3A_110 = tpu.memref_squeeze %dma_start3A_109 : memref<1x128xi32, #tpu.memory_space<vmem>> -> memref<128xi32, #tpu.memory_space<vmem>>
        %dma_start3A_111 = arith.constant 0 : i32
        %dma_start3A_112 = arith.constant 0 : i32
        %dma_start3A_113 = tpu.memref_slice %arg12[%dma_start3A_111, %dma_start3A_112] : memref<10240x128xf32, #tpu.memory_space<vmem_shared>> -> memref<10240x128xf32, #tpu.memory_space<vmem_shared>>
        tpu.enqueue_indirect_dma source(%arg11 : memref<128x128xf32, #tpu.memory_space<vmem>>) target(%dma_start3A_113 : memref<10240x128xf32, #tpu.memory_space<vmem_shared>>) offsets(%dma_start3A_110 : memref<128xi32, #tpu.memory_space<vmem>>) semaphore(%run_scoped3A_107 : memref<!tpu.dma_semaphore, #tpu.memory_space<semaphore_mem>>) {add = true}
        %dma_wait3A_114 = arith.constant 0 : i32
        %dma_wait3A_115 = tpu.memref_slice %arg9[%run_scoped3A_101, %dma_wait3A_114] : memref<40x128xi32, #tpu.memory_space<vmem>> -> memref<1x128xi32, #tpu.memory_space<vmem>>
        %dma_wait3A_116 = tpu.memref_squeeze %dma_wait3A_115 : memref<1x128xi32, #tpu.memory_space<vmem>> -> memref<128xi32, #tpu.memory_space<vmem>>
        %dma_wait3A_117 = arith.constant 0 : i32
        %dma_wait3A_118 = arith.constant 0 : i32
        %dma_wait3A_119 = tpu.memref_slice %arg12[%dma_wait3A_117, %dma_wait3A_118] : memref<10240x128xf32, #tpu.memory_space<vmem_shared>> -> memref<10240x128xf32, #tpu.memory_space<vmem_shared>>
        tpu.wait_indirect_dma semaphore(%run_scoped3A_107 : memref<!tpu.dma_semaphore, #tpu.memory_space<semaphore_mem>>) src(%arg11 : memref<128x128xf32, #tpu.memory_space<vmem>>) dst(%dma_wait3A_119 : memref<10240x128xf32, #tpu.memory_space<vmem_shared>>)
        tpu.yield
      }) : () -> ()
      %barrier3A_102 = arith.constant 0 : index
      tpu.barrier barrier_id(%barrier3A_102)
      %mul3A_103 = arith.constant 640 : i32
      %mul3A_104 = arith.muli %arg1, %mul3A_103 : i32
      %mul3A_105 = arith.constant 640 : i32
      %mul3A_106 = arith.muli %arg1, %mul3A_105 : i32
      "tpu.region"() ({
        %run_scoped3A_107 = tpu.sem_alloc : memref<!tpu.dma_semaphore, #tpu.memory_space<semaphore_mem>>
        %dma_start3A_108 = arith.constant 0 : i32
        %dma_start3A_109 = tpu.memref_slice %arg7[%mul3A_106, %dma_start3A_108] : memref<10240x128xf32, #tpu.memory_space<hbm>> -> memref<640x128xf32, #tpu.memory_space<hbm>>
        %dma_start3A_110 = arith.constant 0 : i32
        %dma_start3A_111 = tpu.memref_slice %arg12[%mul3A_104, %dma_start3A_110] : memref<10240x128xf32, #tpu.memory_space<vmem_shared>> -> memref<640x128xf32, #tpu.memory_space<vmem_shared>>
        tpu.enqueue_dma source(%dma_start3A_111 : memref<640x128xf32, #tpu.memory_space<vmem_shared>>) target(%dma_start3A_109 : memref<640x128xf32, #tpu.memory_space<hbm>>) target_semaphore(%run_scoped3A_107 : memref<!tpu.dma_semaphore, #tpu.memory_space<semaphore_mem>>)
        %dma_wait3A_112 = arith.constant 0 : i32
        %dma_wait3A_113 = tpu.memref_slice %arg7[%mul3A_106, %dma_wait3A_112] : memref<10240x128xf32, #tpu.memory_space<hbm>> -> memref<640x128xf32, #tpu.memory_space<hbm>>
        %dma_wait3A_114 = arith.constant 0 : i32
        %dma_wait3A_115 = tpu.memref_slice %arg12[%mul3A_104, %dma_wait3A_114] : memref<10240x128xf32, #tpu.memory_space<vmem_shared>> -> memref<640x128xf32, #tpu.memory_space<vmem_shared>>
        tpu.wait_dma2 semaphore(%run_scoped3A_107 : memref<!tpu.dma_semaphore, #tpu.memory_space<semaphore_mem>>) src(%dma_wait3A_115 : memref<640x128xf32, #tpu.memory_space<vmem_shared>>) dst(%dma_wait3A_113 : memref<640x128xf32, #tpu.memory_space<hbm>>)
        tpu.yield
      }) : () -> ()
    } else {
    }
    return
  }
}

#map = affine_map<(d0, d1) -> (0, 0)>
#map1 = affine_map<(d0, d1) -> (0, 0, 0)>
module attributes {stable_mosaic.version = 14 : i64} {
  func.func @k(%arg0: i32, %arg1: i32, %arg2: memref<10240x128xf32, #tpu.memory_space<hbm>>, %arg3: memref<10240x128xf32, #tpu.memory_space<hbm>>, %arg4: memref<16x80x128xi32, #tpu.memory_space<hbm>>, %arg5: memref<16x80x128xi32, #tpu.memory_space<hbm>>, %arg6: memref<10240x128xf32, #tpu.memory_space<hbm>>, %arg7: memref<10240x128xf32, #tpu.memory_space<hbm>>, %arg8: memref<40x128xi32, #tpu.memory_space<vmem>>, %arg9: memref<40x128xi32, #tpu.memory_space<vmem>>, %arg10: memref<128x128xf32, #tpu.memory_space<vmem>>, %arg11: memref<128x128xf32, #tpu.memory_space<vmem>>, %arg12: memref<10240x128xf32, #tpu.memory_space<vmem_shared>>, %arg13: memref<!tpu.dma_semaphore, #tpu.memory_space<semaphore_mem>>, %arg14: memref<!tpu.dma_semaphore, #tpu.memory_space<semaphore_mem>>, %arg15: memref<!tpu.dma_semaphore, #tpu.memory_space<semaphore_mem>>, %arg16: memref<!tpu.dma_semaphore, #tpu.memory_space<semaphore_mem>>) attributes {dimension_semantics = [#tpu.dimension_semantics<core_parallel>, #tpu.dimension_semantics<subcore_parallel>], iteration_bounds = array<i64: 2, 16>, scalar_prefetch = 0 : i64, scratch_operands = 9 : i64, tpu.core_type = #tpu.core_type<sc_vector_subcore>, window_params = [{transform_indices = #map}, {transform_indices = #map}, {transform_indices = #map1}, {transform_indices = #map1}, {transform_indices = #map}, {transform_indices = #map}]} {
    %scan3A = arith.constant 0 : i32
    %scan3A_0 = arith.constant 0 : i32
    %scan3A_1 = arith.constant 128 : i32
    %scan3A_2 = arith.addi %scan3A_0, %scan3A_1 : i32
    %scan3A_3 = arith.constant 1 : i32
    %scan3A_4 = scf.for %scan3A_31 = %scan3A_0 to %scan3A_2 step %scan3A_3 iter_args(%scan3A_32 = %scan3A) -> (i32)  : i32 {
      %broadcast_in_dim3A = arith.constant 0.000000e+00 : f32
      %broadcast_in_dim3A_33 = vector.broadcast %broadcast_in_dim3A : f32 to vector<16xf32>
      %swap3A = arith.index_cast %scan3A_31 : i32 to index
      %swap3A_34 = arith.constant 0 : index
      %swap3A_35 = tpu.vector_load %arg10[%swap3A, %swap3A_34] {strides = array<i32>} : memref<128x128xf32, #tpu.memory_space<vmem>>, vector<1x16xf32>,
      %swap3A_36 = vector.shape_cast %swap3A_35 : vector<1x16xf32> to vector<16xf32>
      %swap3A_37 = vector.shape_cast %broadcast_in_dim3A_33 : vector<16xf32> to vector<1x16xf32>
      tpu.vector_store %arg10[%swap3A, %swap3A_34], %swap3A_37 {strides = array<i32>} : memref<128x128xf32, #tpu.memory_space<vmem>>, vector<1x16xf32>,
      %broadcast_in_dim3A_38 = arith.constant 0.000000e+00 : f32
      %broadcast_in_dim3A_39 = vector.broadcast %broadcast_in_dim3A_38 : f32 to vector<16xf32>
      %swap3A_40 = arith.index_cast %scan3A_31 : i32 to index
      %swap3A_41 = arith.constant 16 : index
      %swap3A_42 = tpu.vector_load %arg10[%swap3A_40, %swap3A_41] {strides = array<i32>} : memref<128x128xf32, #tpu.memory_space<vmem>>, vector<1x16xf32>,
      %swap3A_43 = vector.shape_cast %swap3A_42 : vector<1x16xf32> to vector<16xf32>
      %swap3A_44 = vector.shape_cast %broadcast_in_dim3A_39 : vector<16xf32> to vector<1x16xf32>
      tpu.vector_store %arg10[%swap3A_40, %swap3A_41], %swap3A_44 {strides = array<i32>} : memref<128x128xf32, #tpu.memory_space<vmem>>, vector<1x16xf32>,
      %broadcast_in_dim3A_45 = arith.constant 0.000000e+00 : f32
      %broadcast_in_dim3A_46 = vector.broadcast %broadcast_in_dim3A_45 : f32 to vector<16xf32>
      %swap3A_47 = arith.index_cast %scan3A_31 : i32 to index
      %swap3A_48 = arith.constant 32 : index
      %swap3A_49 = tpu.vector_load %arg10[%swap3A_47, %swap3A_48] {strides = array<i32>} : memref<128x128xf32, #tpu.memory_space<vmem>>, vector<1x16xf32>,
      %swap3A_50 = vector.shape_cast %swap3A_49 : vector<1x16xf32> to vector<16xf32>
      %swap3A_51 = vector.shape_cast %broadcast_in_dim3A_46 : vector<16xf32> to vector<1x16xf32>
      tpu.vector_store %arg10[%swap3A_47, %swap3A_48], %swap3A_51 {strides = array<i32>} : memref<128x128xf32, #tpu.memory_space<vmem>>, vector<1x16xf32>,
      %broadcast_in_dim3A_52 = arith.constant 0.000000e+00 : f32
      %broadcast_in_dim3A_53 = vector.broadcast %broadcast_in_dim3A_52 : f32 to vector<16xf32>
      %swap3A_54 = arith.index_cast %scan3A_31 : i32 to index
      %swap3A_55 = arith.constant 48 : index
      %swap3A_56 = tpu.vector_load %arg10[%swap3A_54, %swap3A_55] {strides = array<i32>} : memref<128x128xf32, #tpu.memory_space<vmem>>, vector<1x16xf32>,
      %swap3A_57 = vector.shape_cast %swap3A_56 : vector<1x16xf32> to vector<16xf32>
      %swap3A_58 = vector.shape_cast %broadcast_in_dim3A_53 : vector<16xf32> to vector<1x16xf32>
      tpu.vector_store %arg10[%swap3A_54, %swap3A_55], %swap3A_58 {strides = array<i32>} : memref<128x128xf32, #tpu.memory_space<vmem>>, vector<1x16xf32>,
      %broadcast_in_dim3A_59 = arith.constant 0.000000e+00 : f32
      %broadcast_in_dim3A_60 = vector.broadcast %broadcast_in_dim3A_59 : f32 to vector<16xf32>
      %swap3A_61 = arith.index_cast %scan3A_31 : i32 to index
      %swap3A_62 = arith.constant 64 : index
      %swap3A_63 = tpu.vector_load %arg10[%swap3A_61, %swap3A_62] {strides = array<i32>} : memref<128x128xf32, #tpu.memory_space<vmem>>, vector<1x16xf32>,
      %swap3A_64 = vector.shape_cast %swap3A_63 : vector<1x16xf32> to vector<16xf32>
      %swap3A_65 = vector.shape_cast %broadcast_in_dim3A_60 : vector<16xf32> to vector<1x16xf32>
      tpu.vector_store %arg10[%swap3A_61, %swap3A_62], %swap3A_65 {strides = array<i32>} : memref<128x128xf32, #tpu.memory_space<vmem>>, vector<1x16xf32>,
      %broadcast_in_dim3A_66 = arith.constant 0.000000e+00 : f32
      %broadcast_in_dim3A_67 = vector.broadcast %broadcast_in_dim3A_66 : f32 to vector<16xf32>
      %swap3A_68 = arith.index_cast %scan3A_31 : i32 to index
      %swap3A_69 = arith.constant 80 : index
      %swap3A_70 = tpu.vector_load %arg10[%swap3A_68, %swap3A_69] {strides = array<i32>} : memref<128x128xf32, #tpu.memory_space<vmem>>, vector<1x16xf32>,
      %swap3A_71 = vector.shape_cast %swap3A_70 : vector<1x16xf32> to vector<16xf32>
      %swap3A_72 = vector.shape_cast %broadcast_in_dim3A_67 : vector<16xf32> to vector<1x16xf32>
      tpu.vector_store %arg10[%swap3A_68, %swap3A_69], %swap3A_72 {strides = array<i32>} : memref<128x128xf32, #tpu.memory_space<vmem>>, vector<1x16xf32>,
      %broadcast_in_dim3A_73 = arith.constant 0.000000e+00 : f32
      %broadcast_in_dim3A_74 = vector.broadcast %broadcast_in_dim3A_73 : f32 to vector<16xf32>
      %swap3A_75 = arith.index_cast %scan3A_31 : i32 to index
      %swap3A_76 = arith.constant 96 : index
      %swap3A_77 = tpu.vector_load %arg10[%swap3A_75, %swap3A_76] {strides = array<i32>} : memref<128x128xf32, #tpu.memory_space<vmem>>, vector<1x16xf32>,
      %swap3A_78 = vector.shape_cast %swap3A_77 : vector<1x16xf32> to vector<16xf32>
      %swap3A_79 = vector.shape_cast %broadcast_in_dim3A_74 : vector<16xf32> to vector<1x16xf32>
      tpu.vector_store %arg10[%swap3A_75, %swap3A_76], %swap3A_79 {strides = array<i32>} : memref<128x128xf32, #tpu.memory_space<vmem>>, vector<1x16xf32>,
      %broadcast_in_dim3A_80 = arith.constant 0.000000e+00 : f32
      %broadcast_in_dim3A_81 = vector.broadcast %broadcast_in_dim3A_80 : f32 to vector<16xf32>
      %swap3A_82 = arith.index_cast %scan3A_31 : i32 to index
      %swap3A_83 = arith.constant 112 : index
      %swap3A_84 = tpu.vector_load %arg10[%swap3A_82, %swap3A_83] {strides = array<i32>} : memref<128x128xf32, #tpu.memory_space<vmem>>, vector<1x16xf32>,
      %swap3A_85 = vector.shape_cast %swap3A_84 : vector<1x16xf32> to vector<16xf32>
      %swap3A_86 = vector.shape_cast %broadcast_in_dim3A_81 : vector<16xf32> to vector<1x16xf32>
      tpu.vector_store %arg10[%swap3A_82, %swap3A_83], %swap3A_86 {strides = array<i32>} : memref<128x128xf32, #tpu.memory_space<vmem>>, vector<1x16xf32>,
      %scan3A_87 = arith.constant 0 : i32
      scf.yield %scan3A_87 : i32
    }
    %scan3A_5 = arith.constant 128 : i32
    %mul3A = arith.constant 640 : i32
    %mul3A_6 = arith.muli %arg1, %mul3A : i32
    %add3A = arith.constant 0 : i32
    %add3A_7 = arith.addi %mul3A_6, %add3A : i32
    "tpu.region"() ({
      %run_scoped3A = tpu.sem_alloc : memref<!tpu.dma_semaphore, #tpu.memory_space<semaphore_mem>>
      %dma_start3A = arith.constant 0 : i32
      %dma_start3A_31 = tpu.memref_slice %arg12[%add3A_7, %dma_start3A] : memref<10240x128xf32, #tpu.memory_space<vmem_shared>> -> memref<128x128xf32, #tpu.memory_space<vmem_shared>>
      %dma_start3A_32 = arith.constant 0 : i32
      %dma_start3A_33 = tpu.memref_slice %arg12[%add3A_7, %dma_start3A_32] : memref<10240x128xf32, #tpu.memory_space<vmem_shared>> -> memref<128x128xf32, #tpu.memory_space<vmem_shared>>
      tpu.enqueue_dma source(%arg10 : memref<128x128xf32, #tpu.memory_space<vmem>>) target(%dma_start3A_33 : memref<128x128xf32, #tpu.memory_space<vmem_shared>>) target_semaphore(%run_scoped3A : memref<!tpu.dma_semaphore, #tpu.memory_space<semaphore_mem>>)
      %dma_wait3A = arith.constant 0 : i32
      %dma_wait3A_34 = tpu.memref_slice %arg12[%add3A_7, %dma_wait3A] : memref<10240x128xf32, #tpu.memory_space<vmem_shared>> -> memref<128x128xf32, #tpu.memory_space<vmem_shared>>
      %dma_wait3A_35 = arith.constant 0 : i32
      %dma_wait3A_36 = tpu.memref_slice %arg12[%add3A_7, %dma_wait3A_35] : memref<10240x128xf32, #tpu.memory_space<vmem_shared>> -> memref<128x128xf32, #tpu.memory_space<vmem_shared>>
      tpu.wait_dma2 semaphore(%run_scoped3A : memref<!tpu.dma_semaphore, #tpu.memory_space<semaphore_mem>>) src(%arg10 : memref<128x128xf32, #tpu.memory_space<vmem>>) dst(%dma_wait3A_36 : memref<128x128xf32, #tpu.memory_space<vmem_shared>>)
      tpu.yield
    }) : () -> ()
    %mul3A_8 = arith.constant 640 : i32
    %mul3A_9 = arith.muli %arg1, %mul3A_8 : i32
    %add3A_10 = arith.constant 128 : i32
    %add3A_11 = arith.addi %mul3A_9, %add3A_10 : i32
    "tpu.region"() ({
      %run_scoped3A = tpu.sem_alloc : memref<!tpu.dma_semaphore, #tpu.memory_space<semaphore_mem>>
      %dma_start3A = arith.constant 0 : i32
      %dma_start3A_31 = tpu.memref_slice %arg12[%add3A_11, %dma_start3A] : memref<10240x128xf32, #tpu.memory_space<vmem_shared>> -> memref<128x128xf32, #tpu.memory_space<vmem_shared>>
      %dma_start3A_32 = arith.constant 0 : i32
      %dma_start3A_33 = tpu.memref_slice %arg12[%add3A_11, %dma_start3A_32] : memref<10240x128xf32, #tpu.memory_space<vmem_shared>> -> memref<128x128xf32, #tpu.memory_space<vmem_shared>>
      tpu.enqueue_dma source(%arg10 : memref<128x128xf32, #tpu.memory_space<vmem>>) target(%dma_start3A_33 : memref<128x128xf32, #tpu.memory_space<vmem_shared>>) target_semaphore(%run_scoped3A : memref<!tpu.dma_semaphore, #tpu.memory_space<semaphore_mem>>)
      %dma_wait3A = arith.constant 0 : i32
      %dma_wait3A_34 = tpu.memref_slice %arg12[%add3A_11, %dma_wait3A] : memref<10240x128xf32, #tpu.memory_space<vmem_shared>> -> memref<128x128xf32, #tpu.memory_space<vmem_shared>>
      %dma_wait3A_35 = arith.constant 0 : i32
      %dma_wait3A_36 = tpu.memref_slice %arg12[%add3A_11, %dma_wait3A_35] : memref<10240x128xf32, #tpu.memory_space<vmem_shared>> -> memref<128x128xf32, #tpu.memory_space<vmem_shared>>
      tpu.wait_dma2 semaphore(%run_scoped3A : memref<!tpu.dma_semaphore, #tpu.memory_space<semaphore_mem>>) src(%arg10 : memref<128x128xf32, #tpu.memory_space<vmem>>) dst(%dma_wait3A_36 : memref<128x128xf32, #tpu.memory_space<vmem_shared>>)
      tpu.yield
    }) : () -> ()
    %mul3A_12 = arith.constant 640 : i32
    %mul3A_13 = arith.muli %arg1, %mul3A_12 : i32
    %add3A_14 = arith.constant 256 : i32
    %add3A_15 = arith.addi %mul3A_13, %add3A_14 : i32
    "tpu.region"() ({
      %run_scoped3A = tpu.sem_alloc : memref<!tpu.dma_semaphore, #tpu.memory_space<semaphore_mem>>
      %dma_start3A = arith.constant 0 : i32
      %dma_start3A_31 = tpu.memref_slice %arg12[%add3A_15, %dma_start3A] : memref<10240x128xf32, #tpu.memory_space<vmem_shared>> -> memref<128x128xf32, #tpu.memory_space<vmem_shared>>
      %dma_start3A_32 = arith.constant 0 : i32
      %dma_start3A_33 = tpu.memref_slice %arg12[%add3A_15, %dma_start3A_32] : memref<10240x128xf32, #tpu.memory_space<vmem_shared>> -> memref<128x128xf32, #tpu.memory_space<vmem_shared>>
      tpu.enqueue_dma source(%arg10 : memref<128x128xf32, #tpu.memory_space<vmem>>) target(%dma_start3A_33 : memref<128x128xf32, #tpu.memory_space<vmem_shared>>) target_semaphore(%run_scoped3A : memref<!tpu.dma_semaphore, #tpu.memory_space<semaphore_mem>>)
      %dma_wait3A = arith.constant 0 : i32
      %dma_wait3A_34 = tpu.memref_slice %arg12[%add3A_15, %dma_wait3A] : memref<10240x128xf32, #tpu.memory_space<vmem_shared>> -> memref<128x128xf32, #tpu.memory_space<vmem_shared>>
      %dma_wait3A_35 = arith.constant 0 : i32
      %dma_wait3A_36 = tpu.memref_slice %arg12[%add3A_15, %dma_wait3A_35] : memref<10240x128xf32, #tpu.memory_space<vmem_shared>> -> memref<128x128xf32, #tpu.memory_space<vmem_shared>>
      tpu.wait_dma2 semaphore(%run_scoped3A : memref<!tpu.dma_semaphore, #tpu.memory_space<semaphore_mem>>) src(%arg10 : memref<128x128xf32, #tpu.memory_space<vmem>>) dst(%dma_wait3A_36 : memref<128x128xf32, #tpu.memory_space<vmem_shared>>)
      tpu.yield
    }) : () -> ()
    %mul3A_16 = arith.constant 640 : i32
    %mul3A_17 = arith.muli %arg1, %mul3A_16 : i32
    %add3A_18 = arith.constant 384 : i32
    %add3A_19 = arith.addi %mul3A_17, %add3A_18 : i32
    "tpu.region"() ({
      %run_scoped3A = tpu.sem_alloc : memref<!tpu.dma_semaphore, #tpu.memory_space<semaphore_mem>>
      %dma_start3A = arith.constant 0 : i32
      %dma_start3A_31 = tpu.memref_slice %arg12[%add3A_19, %dma_start3A] : memref<10240x128xf32, #tpu.memory_space<vmem_shared>> -> memref<128x128xf32, #tpu.memory_space<vmem_shared>>
      %dma_start3A_32 = arith.constant 0 : i32
      %dma_start3A_33 = tpu.memref_slice %arg12[%add3A_19, %dma_start3A_32] : memref<10240x128xf32, #tpu.memory_space<vmem_shared>> -> memref<128x128xf32, #tpu.memory_space<vmem_shared>>
      tpu.enqueue_dma source(%arg10 : memref<128x128xf32, #tpu.memory_space<vmem>>) target(%dma_start3A_33 : memref<128x128xf32, #tpu.memory_space<vmem_shared>>) target_semaphore(%run_scoped3A : memref<!tpu.dma_semaphore, #tpu.memory_space<semaphore_mem>>)
      %dma_wait3A = arith.constant 0 : i32
      %dma_wait3A_34 = tpu.memref_slice %arg12[%add3A_19, %dma_wait3A] : memref<10240x128xf32, #tpu.memory_space<vmem_shared>> -> memref<128x128xf32, #tpu.memory_space<vmem_shared>>
      %dma_wait3A_35 = arith.constant 0 : i32
      %dma_wait3A_36 = tpu.memref_slice %arg12[%add3A_19, %dma_wait3A_35] : memref<10240x128xf32, #tpu.memory_space<vmem_shared>> -> memref<128x128xf32, #tpu.memory_space<vmem_shared>>
      tpu.wait_dma2 semaphore(%run_scoped3A : memref<!tpu.dma_semaphore, #tpu.memory_space<semaphore_mem>>) src(%arg10 : memref<128x128xf32, #tpu.memory_space<vmem>>) dst(%dma_wait3A_36 : memref<128x128xf32, #tpu.memory_space<vmem_shared>>)
      tpu.yield
    }) : () -> ()
    %mul3A_20 = arith.constant 640 : i32
    %mul3A_21 = arith.muli %arg1, %mul3A_20 : i32
    %add3A_22 = arith.constant 512 : i32
    %add3A_23 = arith.addi %mul3A_21, %add3A_22 : i32
    "tpu.region"() ({
      %run_scoped3A = tpu.sem_alloc : memref<!tpu.dma_semaphore, #tpu.memory_space<semaphore_mem>>
      %dma_start3A = arith.constant 0 : i32
      %dma_start3A_31 = tpu.memref_slice %arg12[%add3A_23, %dma_start3A] : memref<10240x128xf32, #tpu.memory_space<vmem_shared>> -> memref<128x128xf32, #tpu.memory_space<vmem_shared>>
      %dma_start3A_32 = arith.constant 0 : i32
      %dma_start3A_33 = tpu.memref_slice %arg12[%add3A_23, %dma_start3A_32] : memref<10240x128xf32, #tpu.memory_space<vmem_shared>> -> memref<128x128xf32, #tpu.memory_space<vmem_shared>>
      tpu.enqueue_dma source(%arg10 : memref<128x128xf32, #tpu.memory_space<vmem>>) target(%dma_start3A_33 : memref<128x128xf32, #tpu.memory_space<vmem_shared>>) target_semaphore(%run_scoped3A : memref<!tpu.dma_semaphore, #tpu.memory_space<semaphore_mem>>)
      %dma_wait3A = arith.constant 0 : i32
      %dma_wait3A_34 = tpu.memref_slice %arg12[%add3A_23, %dma_wait3A] : memref<10240x128xf32, #tpu.memory_space<vmem_shared>> -> memref<128x128xf32, #tpu.memory_space<vmem_shared>>
      %dma_wait3A_35 = arith.constant 0 : i32
      %dma_wait3A_36 = tpu.memref_slice %arg12[%add3A_23, %dma_wait3A_35] : memref<10240x128xf32, #tpu.memory_space<vmem_shared>> -> memref<128x128xf32, #tpu.memory_space<vmem_shared>>
      tpu.wait_dma2 semaphore(%run_scoped3A : memref<!tpu.dma_semaphore, #tpu.memory_space<semaphore_mem>>) src(%arg10 : memref<128x128xf32, #tpu.memory_space<vmem>>) dst(%dma_wait3A_36 : memref<128x128xf32, #tpu.memory_space<vmem_shared>>)
      tpu.yield
    }) : () -> ()
    %barrier3A = arith.constant 0 : index
    tpu.barrier barrier_id(%barrier3A)
    %eq3A = arith.constant 0 : i32
    %eq3A_24 = arith.cmpi eq, %arg0, %eq3A : i32
    %convert_element_type3A = arith.extui %eq3A_24 : i1 to i32
    %cond3A = arith.constant 0 : i32
    %cond3A_25 = arith.cmpi ne, %convert_element_type3A, %cond3A : i32
    scf.if %cond3A_25 {
      "tpu.region"() ({
        %run_scoped3A_107 = tpu.sem_alloc : memref<!tpu.dma_semaphore, #tpu.memory_space<semaphore_mem>>
        %dma_start3A_108 = arith.constant 0 : i32
        %dma_start3A_109 = arith.constant 0 : i32
        %dma_start3A_110 = tpu.memref_slice %arg4[%arg1, %dma_start3A_108, %dma_start3A_109] : memref<16x80x128xi32, #tpu.memory_space<hbm>> -> memref<1x40x128xi32, #tpu.memory_space<hbm>>
        %dma_start3A_111 = tpu.memref_squeeze %dma_start3A_110 : memref<1x40x128xi32, #tpu.memory_space<hbm>> -> memref<40x128xi32, #tpu.memory_space<hbm>>
        %dma_start3A_112 = arith.constant 0 : i32
        %dma_start3A_113 = arith.constant 0 : i32
        %dma_start3A_114 = tpu.memref_slice %arg4[%arg1, %dma_start3A_112, %dma_start3A_113] : memref<16x80x128xi32, #tpu.memory_space<hbm>> -> memref<1x40x128xi32, #tpu.memory_space<hbm>>
        %dma_start3A_115 = tpu.memref_squeeze %dma_start3A_114 : memref<1x40x128xi32, #tpu.memory_space<hbm>> -> memref<40x128xi32, #tpu.memory_space<hbm>>
        tpu.enqueue_dma source(%dma_start3A_115 : memref<40x128xi32, #tpu.memory_space<hbm>>) target(%arg8 : memref<40x128xi32, #tpu.memory_space<vmem>>) target_semaphore(%run_scoped3A_107 : memref<!tpu.dma_semaphore, #tpu.memory_space<semaphore_mem>>)
        %dma_wait3A_116 = arith.constant 0 : i32
        %dma_wait3A_117 = arith.constant 0 : i32
        %dma_wait3A_118 = tpu.memref_slice %arg4[%arg1, %dma_wait3A_116, %dma_wait3A_117] : memref<16x80x128xi32, #tpu.memory_space<hbm>> -> memref<1x40x128xi32, #tpu.memory_space<hbm>>
        %dma_wait3A_119 = tpu.memref_squeeze %dma_wait3A_118 : memref<1x40x128xi32, #tpu.memory_space<hbm>> -> memref<40x128xi32, #tpu.memory_space<hbm>>
        %dma_wait3A_120 = arith.constant 0 : i32
        %dma_wait3A_121 = arith.constant 0 : i32
        %dma_wait3A_122 = tpu.memref_slice %arg4[%arg1, %dma_wait3A_120, %dma_wait3A_121] : memref<16x80x128xi32, #tpu.memory_space<hbm>> -> memref<1x40x128xi32, #tpu.memory_space<hbm>>
        %dma_wait3A_123 = tpu.memref_squeeze %dma_wait3A_122 : memref<1x40x128xi32, #tpu.memory_space<hbm>> -> memref<40x128xi32, #tpu.memory_space<hbm>>
        tpu.wait_dma2 semaphore(%run_scoped3A_107 : memref<!tpu.dma_semaphore, #tpu.memory_space<semaphore_mem>>) src(%dma_wait3A_123 : memref<40x128xi32, #tpu.memory_space<hbm>>) dst(%arg8 : memref<40x128xi32, #tpu.memory_space<vmem>>)
        tpu.yield
      }) : () -> ()
      "tpu.region"() ({
        %run_scoped3A_107 = tpu.sem_alloc : memref<!tpu.dma_semaphore, #tpu.memory_space<semaphore_mem>>
        %dma_start3A_108 = arith.constant 0 : i32
        %dma_start3A_109 = arith.constant 0 : i32
        %dma_start3A_110 = tpu.memref_slice %arg5[%arg1, %dma_start3A_108, %dma_start3A_109] : memref<16x80x128xi32, #tpu.memory_space<hbm>> -> memref<1x40x128xi32, #tpu.memory_space<hbm>>
        %dma_start3A_111 = tpu.memref_squeeze %dma_start3A_110 : memref<1x40x128xi32, #tpu.memory_space<hbm>> -> memref<40x128xi32, #tpu.memory_space<hbm>>
        %dma_start3A_112 = arith.constant 0 : i32
        %dma_start3A_113 = arith.constant 0 : i32
        %dma_start3A_114 = tpu.memref_slice %arg5[%arg1, %dma_start3A_112, %dma_start3A_113] : memref<16x80x128xi32, #tpu.memory_space<hbm>> -> memref<1x40x128xi32, #tpu.memory_space<hbm>>
        %dma_start3A_115 = tpu.memref_squeeze %dma_start3A_114 : memref<1x40x128xi32, #tpu.memory_space<hbm>> -> memref<40x128xi32, #tpu.memory_space<hbm>>
        tpu.enqueue_dma source(%dma_start3A_115 : memref<40x128xi32, #tpu.memory_space<hbm>>) target(%arg9 : memref<40x128xi32, #tpu.memory_space<vmem>>) target_semaphore(%run_scoped3A_107 : memref<!tpu.dma_semaphore, #tpu.memory_space<semaphore_mem>>)
        %dma_wait3A_116 = arith.constant 0 : i32
        %dma_wait3A_117 = arith.constant 0 : i32
        %dma_wait3A_118 = tpu.memref_slice %arg5[%arg1, %dma_wait3A_116, %dma_wait3A_117] : memref<16x80x128xi32, #tpu.memory_space<hbm>> -> memref<1x40x128xi32, #tpu.memory_space<hbm>>
        %dma_wait3A_119 = tpu.memref_squeeze %dma_wait3A_118 : memref<1x40x128xi32, #tpu.memory_space<hbm>> -> memref<40x128xi32, #tpu.memory_space<hbm>>
        %dma_wait3A_120 = arith.constant 0 : i32
        %dma_wait3A_121 = arith.constant 0 : i32
        %dma_wait3A_122 = tpu.memref_slice %arg5[%arg1, %dma_wait3A_120, %dma_wait3A_121] : memref<16x80x128xi32, #tpu.memory_space<hbm>> -> memref<1x40x128xi32, #tpu.memory_space<hbm>>
        %dma_wait3A_123 = tpu.memref_squeeze %dma_wait3A_122 : memref<1x40x128xi32, #tpu.memory_space<hbm>> -> memref<40x128xi32, #tpu.memory_space<hbm>>
        tpu.wait_dma2 semaphore(%run_scoped3A_107 : memref<!tpu.dma_semaphore, #tpu.memory_space<semaphore_mem>>) src(%dma_wait3A_123 : memref<40x128xi32, #tpu.memory_space<hbm>>) dst(%arg9 : memref<40x128xi32, #tpu.memory_space<vmem>>)
        tpu.yield
      }) : () -> ()
      %dma_start3A = arith.constant 0 : i32
      %dma_start3A_31 = arith.constant 0 : i32
      %dma_start3A_32 = tpu.memref_slice %arg8[%dma_start3A, %dma_start3A_31] : memref<40x128xi32, #tpu.memory_space<vmem>> -> memref<1x128xi32, #tpu.memory_space<vmem>>
      %dma_start3A_33 = tpu.memref_squeeze %dma_start3A_32 : memref<1x128xi32, #tpu.memory_space<vmem>> -> memref<128xi32, #tpu.memory_space<vmem>>
      %dma_start3A_34 = arith.constant 0 : i32
      %dma_start3A_35 = arith.constant 0 : i32
      %dma_start3A_36 = tpu.memref_slice %arg2[%dma_start3A_34, %dma_start3A_35] : memref<10240x128xf32, #tpu.memory_space<hbm>> -> memref<10240x128xf32, #tpu.memory_space<hbm>>
      tpu.enqueue_indirect_dma source(%dma_start3A_36 : memref<10240x128xf32, #tpu.memory_space<hbm>>) target(%arg10 : memref<128x128xf32, #tpu.memory_space<vmem>>) offsets(%dma_start3A_33 : memref<128xi32, #tpu.memory_space<vmem>>) semaphore(%arg13 : memref<!tpu.dma_semaphore, #tpu.memory_space<semaphore_mem>>)
      %dma_start3A_37 = arith.constant 1 : i32
      %dma_start3A_38 = arith.constant 0 : i32
      %dma_start3A_39 = tpu.memref_slice %arg8[%dma_start3A_37, %dma_start3A_38] : memref<40x128xi32, #tpu.memory_space<vmem>> -> memref<1x128xi32, #tpu.memory_space<vmem>>
      %dma_start3A_40 = tpu.memref_squeeze %dma_start3A_39 : memref<1x128xi32, #tpu.memory_space<vmem>> -> memref<128xi32, #tpu.memory_space<vmem>>
      %dma_start3A_41 = arith.constant 0 : i32
      %dma_start3A_42 = arith.constant 0 : i32
      %dma_start3A_43 = tpu.memref_slice %arg2[%dma_start3A_41, %dma_start3A_42] : memref<10240x128xf32, #tpu.memory_space<hbm>> -> memref<10240x128xf32, #tpu.memory_space<hbm>>
      tpu.enqueue_indirect_dma source(%dma_start3A_43 : memref<10240x128xf32, #tpu.memory_space<hbm>>) target(%arg11 : memref<128x128xf32, #tpu.memory_space<vmem>>) offsets(%dma_start3A_40 : memref<128xi32, #tpu.memory_space<vmem>>) semaphore(%arg14 : memref<!tpu.dma_semaphore, #tpu.memory_space<semaphore_mem>>)
      %scan3A_44 = arith.constant 0 : i32
      %scan3A_45 = arith.constant 0 : i32
      %scan3A_46 = arith.constant 19 : i32
      %scan3A_47 = arith.addi %scan3A_45, %scan3A_46 : i32
      %scan3A_48 = arith.constant 1 : i32
      %scan3A_49 = scf.for %scan3A_107 = %scan3A_45 to %scan3A_47 step %scan3A_48 iter_args(%scan3A_108 = %scan3A_44) -> (i32)  : i32 {
        %mul3A_109 = arith.constant 2 : i32
        %mul3A_110 = arith.muli %scan3A_107, %mul3A_109 : i32
        %dma_wait3A_111 = arith.constant 0 : i32
        %dma_wait3A_112 = tpu.memref_slice %arg8[%mul3A_110, %dma_wait3A_111] : memref<40x128xi32, #tpu.memory_space<vmem>> -> memref<1x128xi32, #tpu.memory_space<vmem>>
        %dma_wait3A_113 = tpu.memref_squeeze %dma_wait3A_112 : memref<1x128xi32, #tpu.memory_space<vmem>> -> memref<128xi32, #tpu.memory_space<vmem>>
        %dma_wait3A_114 = arith.constant 0 : i32
        %dma_wait3A_115 = arith.constant 0 : i32
        %dma_wait3A_116 = tpu.memref_slice %arg2[%dma_wait3A_114, %dma_wait3A_115] : memref<10240x128xf32, #tpu.memory_space<hbm>> -> memref<10240x128xf32, #tpu.memory_space<hbm>>
        tpu.wait_indirect_dma semaphore(%arg13 : memref<!tpu.dma_semaphore, #tpu.memory_space<semaphore_mem>>) src(%dma_wait3A_116 : memref<10240x128xf32, #tpu.memory_space<hbm>>) dst(%arg10 : memref<128x128xf32, #tpu.memory_space<vmem>>)
        "tpu.region"() ({
          %run_scoped3A_144 = tpu.sem_alloc : memref<!tpu.dma_semaphore, #tpu.memory_space<semaphore_mem>>
          %dma_start3A_145 = arith.constant 0 : i32
          %dma_start3A_146 = tpu.memref_slice %arg9[%mul3A_110, %dma_start3A_145] : memref<40x128xi32, #tpu.memory_space<vmem>> -> memref<1x128xi32, #tpu.memory_space<vmem>>
          %dma_start3A_147 = tpu.memref_squeeze %dma_start3A_146 : memref<1x128xi32, #tpu.memory_space<vmem>> -> memref<128xi32, #tpu.memory_space<vmem>>
          %dma_start3A_148 = arith.constant 0 : i32
          %dma_start3A_149 = arith.constant 0 : i32
          %dma_start3A_150 = tpu.memref_slice %arg12[%dma_start3A_148, %dma_start3A_149] : memref<10240x128xf32, #tpu.memory_space<vmem_shared>> -> memref<10240x128xf32, #tpu.memory_space<vmem_shared>>
          tpu.enqueue_indirect_dma source(%arg10 : memref<128x128xf32, #tpu.memory_space<vmem>>) target(%dma_start3A_150 : memref<10240x128xf32, #tpu.memory_space<vmem_shared>>) offsets(%dma_start3A_147 : memref<128xi32, #tpu.memory_space<vmem>>) semaphore(%run_scoped3A_144 : memref<!tpu.dma_semaphore, #tpu.memory_space<semaphore_mem>>) {add = true}
          %dma_wait3A_151 = arith.constant 0 : i32
          %dma_wait3A_152 = tpu.memref_slice %arg9[%mul3A_110, %dma_wait3A_151] : memref<40x128xi32, #tpu.memory_space<vmem>> -> memref<1x128xi32, #tpu.memory_space<vmem>>
          %dma_wait3A_153 = tpu.memref_squeeze %dma_wait3A_152 : memref<1x128xi32, #tpu.memory_space<vmem>> -> memref<128xi32, #tpu.memory_space<vmem>>
          %dma_wait3A_154 = arith.constant 0 : i32
          %dma_wait3A_155 = arith.constant 0 : i32
          %dma_wait3A_156 = tpu.memref_slice %arg12[%dma_wait3A_154, %dma_wait3A_155] : memref<10240x128xf32, #tpu.memory_space<vmem_shared>> -> memref<10240x128xf32, #tpu.memory_space<vmem_shared>>
          tpu.wait_indirect_dma semaphore(%run_scoped3A_144 : memref<!tpu.dma_semaphore, #tpu.memory_space<semaphore_mem>>) src(%arg10 : memref<128x128xf32, #tpu.memory_space<vmem>>) dst(%dma_wait3A_156 : memref<10240x128xf32, #tpu.memory_space<vmem_shared>>)
          tpu.yield
        }) : () -> ()
        %add3A_117 = arith.constant 2 : i32
        %add3A_118 = arith.addi %mul3A_110, %add3A_117 : i32
        %dma_start3A_119 = arith.constant 0 : i32
        %dma_start3A_120 = tpu.memref_slice %arg8[%add3A_118, %dma_start3A_119] : memref<40x128xi32, #tpu.memory_space<vmem>> -> memref<1x128xi32, #tpu.memory_space<vmem>>
        %dma_start3A_121 = tpu.memref_squeeze %dma_start3A_120 : memref<1x128xi32, #tpu.memory_space<vmem>> -> memref<128xi32, #tpu.memory_space<vmem>>
        %dma_start3A_122 = arith.constant 0 : i32
        %dma_start3A_123 = arith.constant 0 : i32
        %dma_start3A_124 = tpu.memref_slice %arg2[%dma_start3A_122, %dma_start3A_123] : memref<10240x128xf32, #tpu.memory_space<hbm>> -> memref<10240x128xf32, #tpu.memory_space<hbm>>
        tpu.enqueue_indirect_dma source(%dma_start3A_124 : memref<10240x128xf32, #tpu.memory_space<hbm>>) target(%arg10 : memref<128x128xf32, #tpu.memory_space<vmem>>) offsets(%dma_start3A_121 : memref<128xi32, #tpu.memory_space<vmem>>) semaphore(%arg13 : memref<!tpu.dma_semaphore, #tpu.memory_space<semaphore_mem>>)
        %add3A_125 = arith.constant 1 : i32
        %add3A_126 = arith.addi %mul3A_110, %add3A_125 : i32
        %dma_wait3A_127 = arith.constant 0 : i32
        %dma_wait3A_128 = tpu.memref_slice %arg8[%add3A_126, %dma_wait3A_127] : memref<40x128xi32, #tpu.memory_space<vmem>> -> memref<1x128xi32, #tpu.memory_space<vmem>>
        %dma_wait3A_129 = tpu.memref_squeeze %dma_wait3A_128 : memref<1x128xi32, #tpu.memory_space<vmem>> -> memref<128xi32, #tpu.memory_space<vmem>>
        %dma_wait3A_130 = arith.constant 0 : i32
        %dma_wait3A_131 = arith.constant 0 : i32
        %dma_wait3A_132 = tpu.memref_slice %arg2[%dma_wait3A_130, %dma_wait3A_131] : memref<10240x128xf32, #tpu.memory_space<hbm>> -> memref<10240x128xf32, #tpu.memory_space<hbm>>
        tpu.wait_indirect_dma semaphore(%arg14 : memref<!tpu.dma_semaphore, #tpu.memory_space<semaphore_mem>>) src(%dma_wait3A_132 : memref<10240x128xf32, #tpu.memory_space<hbm>>) dst(%arg11 : memref<128x128xf32, #tpu.memory_space<vmem>>)
        %add3A_133 = arith.constant 1 : i32
        %add3A_134 = arith.addi %mul3A_110, %add3A_133 : i32
        "tpu.region"() ({
          %run_scoped3A_144 = tpu.sem_alloc : memref<!tpu.dma_semaphore, #tpu.memory_space<semaphore_mem>>
          %dma_start3A_145 = arith.constant 0 : i32
          %dma_start3A_146 = tpu.memref_slice %arg9[%add3A_134, %dma_start3A_145] : memref<40x128xi32, #tpu.memory_space<vmem>> -> memref<1x128xi32, #tpu.memory_space<vmem>>
          %dma_start3A_147 = tpu.memref_squeeze %dma_start3A_146 : memref<1x128xi32, #tpu.memory_space<vmem>> -> memref<128xi32, #tpu.memory_space<vmem>>
          %dma_start3A_148 = arith.constant 0 : i32
          %dma_start3A_149 = arith.constant 0 : i32
          %dma_start3A_150 = tpu.memref_slice %arg12[%dma_start3A_148, %dma_start3A_149] : memref<10240x128xf32, #tpu.memory_space<vmem_shared>> -> memref<10240x128xf32, #tpu.memory_space<vmem_shared>>
          tpu.enqueue_indirect_dma source(%arg11 : memref<128x128xf32, #tpu.memory_space<vmem>>) target(%dma_start3A_150 : memref<10240x128xf32, #tpu.memory_space<vmem_shared>>) offsets(%dma_start3A_147 : memref<128xi32, #tpu.memory_space<vmem>>) semaphore(%run_scoped3A_144 : memref<!tpu.dma_semaphore, #tpu.memory_space<semaphore_mem>>) {add = true}
          %dma_wait3A_151 = arith.constant 0 : i32
          %dma_wait3A_152 = tpu.memref_slice %arg9[%add3A_134, %dma_wait3A_151] : memref<40x128xi32, #tpu.memory_space<vmem>> -> memref<1x128xi32, #tpu.memory_space<vmem>>
          %dma_wait3A_153 = tpu.memref_squeeze %dma_wait3A_152 : memref<1x128xi32, #tpu.memory_space<vmem>> -> memref<128xi32, #tpu.memory_space<vmem>>
          %dma_wait3A_154 = arith.constant 0 : i32
          %dma_wait3A_155 = arith.constant 0 : i32
          %dma_wait3A_156 = tpu.memref_slice %arg12[%dma_wait3A_154, %dma_wait3A_155] : memref<10240x128xf32, #tpu.memory_space<vmem_shared>> -> memref<10240x128xf32, #tpu.memory_space<vmem_shared>>
          tpu.wait_indirect_dma semaphore(%run_scoped3A_144 : memref<!tpu.dma_semaphore, #tpu.memory_space<semaphore_mem>>) src(%arg11 : memref<128x128xf32, #tpu.memory_space<vmem>>) dst(%dma_wait3A_156 : memref<10240x128xf32, #tpu.memory_space<vmem_shared>>)
          tpu.yield
        }) : () -> ()
        %add3A_135 = arith.constant 3 : i32
        %add3A_136 = arith.addi %mul3A_110, %add3A_135 : i32
        %dma_start3A_137 = arith.constant 0 : i32
        %dma_start3A_138 = tpu.memref_slice %arg8[%add3A_136, %dma_start3A_137] : memref<40x128xi32, #tpu.memory_space<vmem>> -> memref<1x128xi32, #tpu.memory_space<vmem>>
        %dma_start3A_139 = tpu.memref_squeeze %dma_start3A_138 : memref<1x128xi32, #tpu.memory_space<vmem>> -> memref<128xi32, #tpu.memory_space<vmem>>
        %dma_start3A_140 = arith.constant 0 : i32
        %dma_start3A_141 = arith.constant 0 : i32
        %dma_start3A_142 = tpu.memref_slice %arg2[%dma_start3A_140, %dma_start3A_141] : memref<10240x128xf32, #tpu.memory_space<hbm>> -> memref<10240x128xf32, #tpu.memory_space<hbm>>
        tpu.enqueue_indirect_dma source(%dma_start3A_142 : memref<10240x128xf32, #tpu.memory_space<hbm>>) target(%arg11 : memref<128x128xf32, #tpu.memory_space<vmem>>) offsets(%dma_start3A_139 : memref<128xi32, #tpu.memory_space<vmem>>) semaphore(%arg14 : memref<!tpu.dma_semaphore, #tpu.memory_space<semaphore_mem>>)
        %scan3A_143 = arith.constant 0 : i32
        scf.yield %scan3A_143 : i32
      }
      %scan3A_50 = arith.constant 19 : i32
      %dma_wait3A = arith.constant 38 : i32
      %dma_wait3A_51 = arith.constant 0 : i32
      %dma_wait3A_52 = tpu.memref_slice %arg8[%dma_wait3A, %dma_wait3A_51] : memref<40x128xi32, #tpu.memory_space<vmem>> -> memref<1x128xi32, #tpu.memory_space<vmem>>
      %dma_wait3A_53 = tpu.memref_squeeze %dma_wait3A_52 : memref<1x128xi32, #tpu.memory_space<vmem>> -> memref<128xi32, #tpu.memory_space<vmem>>
      %dma_wait3A_54 = arith.constant 0 : i32
      %dma_wait3A_55 = arith.constant 0 : i32
      %dma_wait3A_56 = tpu.memref_slice %arg2[%dma_wait3A_54, %dma_wait3A_55] : memref<10240x128xf32, #tpu.memory_space<hbm>> -> memref<10240x128xf32, #tpu.memory_space<hbm>>
      tpu.wait_indirect_dma semaphore(%arg13 : memref<!tpu.dma_semaphore, #tpu.memory_space<semaphore_mem>>) src(%dma_wait3A_56 : memref<10240x128xf32, #tpu.memory_space<hbm>>) dst(%arg10 : memref<128x128xf32, #tpu.memory_space<vmem>>)
      %run_scoped3A = arith.constant 38 : i32
      "tpu.region"() ({
        %run_scoped3A_107 = tpu.sem_alloc : memref<!tpu.dma_semaphore, #tpu.memory_space<semaphore_mem>>
        %dma_start3A_108 = arith.constant 0 : i32
        %dma_start3A_109 = tpu.memref_slice %arg9[%run_scoped3A, %dma_start3A_108] : memref<40x128xi32, #tpu.memory_space<vmem>> -> memref<1x128xi32, #tpu.memory_space<vmem>>
        %dma_start3A_110 = tpu.memref_squeeze %dma_start3A_109 : memref<1x128xi32, #tpu.memory_space<vmem>> -> memref<128xi32, #tpu.memory_space<vmem>>
        %dma_start3A_111 = arith.constant 0 : i32
        %dma_start3A_112 = arith.constant 0 : i32
        %dma_start3A_113 = tpu.memref_slice %arg12[%dma_start3A_111, %dma_start3A_112] : memref<10240x128xf32, #tpu.memory_space<vmem_shared>> -> memref<10240x128xf32, #tpu.memory_space<vmem_shared>>
        tpu.enqueue_indirect_dma source(%arg10 : memref<128x128xf32, #tpu.memory_space<vmem>>) target(%dma_start3A_113 : memref<10240x128xf32, #tpu.memory_space<vmem_shared>>) offsets(%dma_start3A_110 : memref<128xi32, #tpu.memory_space<vmem>>) semaphore(%run_scoped3A_107 : memref<!tpu.dma_semaphore, #tpu.memory_space<semaphore_mem>>) {add = true}
        %dma_wait3A_114 = arith.constant 0 : i32
        %dma_wait3A_115 = tpu.memref_slice %arg9[%run_scoped3A, %dma_wait3A_114] : memref<40x128xi32, #tpu.memory_space<vmem>> -> memref<1x128xi32, #tpu.memory_space<vmem>>
        %dma_wait3A_116 = tpu.memref_squeeze %dma_wait3A_115 : memref<1x128xi32, #tpu.memory_space<vmem>> -> memref<128xi32, #tpu.memory_space<vmem>>
        %dma_wait3A_117 = arith.constant 0 : i32
        %dma_wait3A_118 = arith.constant 0 : i32
        %dma_wait3A_119 = tpu.memref_slice %arg12[%dma_wait3A_117, %dma_wait3A_118] : memref<10240x128xf32, #tpu.memory_space<vmem_shared>> -> memref<10240x128xf32, #tpu.memory_space<vmem_shared>>
        tpu.wait_indirect_dma semaphore(%run_scoped3A_107 : memref<!tpu.dma_semaphore, #tpu.memory_space<semaphore_mem>>) src(%arg10 : memref<128x128xf32, #tpu.memory_space<vmem>>) dst(%dma_wait3A_119 : memref<10240x128xf32, #tpu.memory_space<vmem_shared>>)
        tpu.yield
      }) : () -> ()
      %dma_wait3A_57 = arith.constant 39 : i32
      %dma_wait3A_58 = arith.constant 0 : i32
      %dma_wait3A_59 = tpu.memref_slice %arg8[%dma_wait3A_57, %dma_wait3A_58] : memref<40x128xi32, #tpu.memory_space<vmem>> -> memref<1x128xi32, #tpu.memory_space<vmem>>
      %dma_wait3A_60 = tpu.memref_squeeze %dma_wait3A_59 : memref<1x128xi32, #tpu.memory_space<vmem>> -> memref<128xi32, #tpu.memory_space<vmem>>
      %dma_wait3A_61 = arith.constant 0 : i32
      %dma_wait3A_62 = arith.constant 0 : i32
      %dma_wait3A_63 = tpu.memref_slice %arg2[%dma_wait3A_61, %dma_wait3A_62] : memref<10240x128xf32, #tpu.memory_space<hbm>> -> memref<10240x128xf32, #tpu.memory_space<hbm>>
      tpu.wait_indirect_dma semaphore(%arg14 : memref<!tpu.dma_semaphore, #tpu.memory_space<semaphore_mem>>) src(%dma_wait3A_63 : memref<10240x128xf32, #tpu.memory_space<hbm>>) dst(%arg11 : memref<128x128xf32, #tpu.memory_space<vmem>>)
      %run_scoped3A_64 = arith.constant 39 : i32
      "tpu.region"() ({
        %run_scoped3A_107 = tpu.sem_alloc : memref<!tpu.dma_semaphore, #tpu.memory_space<semaphore_mem>>
        %dma_start3A_108 = arith.constant 0 : i32
        %dma_start3A_109 = tpu.memref_slice %arg9[%run_scoped3A_64, %dma_start3A_108] : memref<40x128xi32, #tpu.memory_space<vmem>> -> memref<1x128xi32, #tpu.memory_space<vmem>>
        %dma_start3A_110 = tpu.memref_squeeze %dma_start3A_109 : memref<1x128xi32, #tpu.memory_space<vmem>> -> memref<128xi32, #tpu.memory_space<vmem>>
        %dma_start3A_111 = arith.constant 0 : i32
        %dma_start3A_112 = arith.constant 0 : i32
        %dma_start3A_113 = tpu.memref_slice %arg12[%dma_start3A_111, %dma_start3A_112] : memref<10240x128xf32, #tpu.memory_space<vmem_shared>> -> memref<10240x128xf32, #tpu.memory_space<vmem_shared>>
        tpu.enqueue_indirect_dma source(%arg11 : memref<128x128xf32, #tpu.memory_space<vmem>>) target(%dma_start3A_113 : memref<10240x128xf32, #tpu.memory_space<vmem_shared>>) offsets(%dma_start3A_110 : memref<128xi32, #tpu.memory_space<vmem>>) semaphore(%run_scoped3A_107 : memref<!tpu.dma_semaphore, #tpu.memory_space<semaphore_mem>>) {add = true}
        %dma_wait3A_114 = arith.constant 0 : i32
        %dma_wait3A_115 = tpu.memref_slice %arg9[%run_scoped3A_64, %dma_wait3A_114] : memref<40x128xi32, #tpu.memory_space<vmem>> -> memref<1x128xi32, #tpu.memory_space<vmem>>
        %dma_wait3A_116 = tpu.memref_squeeze %dma_wait3A_115 : memref<1x128xi32, #tpu.memory_space<vmem>> -> memref<128xi32, #tpu.memory_space<vmem>>
        %dma_wait3A_117 = arith.constant 0 : i32
        %dma_wait3A_118 = arith.constant 0 : i32
        %dma_wait3A_119 = tpu.memref_slice %arg12[%dma_wait3A_117, %dma_wait3A_118] : memref<10240x128xf32, #tpu.memory_space<vmem_shared>> -> memref<10240x128xf32, #tpu.memory_space<vmem_shared>>
        tpu.wait_indirect_dma semaphore(%run_scoped3A_107 : memref<!tpu.dma_semaphore, #tpu.memory_space<semaphore_mem>>) src(%arg11 : memref<128x128xf32, #tpu.memory_space<vmem>>) dst(%dma_wait3A_119 : memref<10240x128xf32, #tpu.memory_space<vmem_shared>>)
        tpu.yield
      }) : () -> ()
      "tpu.region"() ({
        %run_scoped3A_107 = tpu.sem_alloc : memref<!tpu.dma_semaphore, #tpu.memory_space<semaphore_mem>>
        %dma_start3A_108 = arith.constant 40 : i32
        %dma_start3A_109 = arith.constant 0 : i32
        %dma_start3A_110 = tpu.memref_slice %arg4[%arg1, %dma_start3A_108, %dma_start3A_109] : memref<16x80x128xi32, #tpu.memory_space<hbm>> -> memref<1x40x128xi32, #tpu.memory_space<hbm>>
        %dma_start3A_111 = tpu.memref_squeeze %dma_start3A_110 : memref<1x40x128xi32, #tpu.memory_space<hbm>> -> memref<40x128xi32, #tpu.memory_space<hbm>>
        %dma_start3A_112 = arith.constant 40 : i32
        %dma_start3A_113 = arith.constant 0 : i32
        %dma_start3A_114 = tpu.memref_slice %arg4[%arg1, %dma_start3A_112, %dma_start3A_113] : memref<16x80x128xi32, #tpu.memory_space<hbm>> -> memref<1x40x128xi32, #tpu.memory_space<hbm>>
        %dma_start3A_115 = tpu.memref_squeeze %dma_start3A_114 : memref<1x40x128xi32, #tpu.memory_space<hbm>> -> memref<40x128xi32, #tpu.memory_space<hbm>>
        tpu.enqueue_dma source(%dma_start3A_115 : memref<40x128xi32, #tpu.memory_space<hbm>>) target(%arg8 : memref<40x128xi32, #tpu.memory_space<vmem>>) target_semaphore(%run_scoped3A_107 : memref<!tpu.dma_semaphore, #tpu.memory_space<semaphore_mem>>)
        %dma_wait3A_116 = arith.constant 40 : i32
        %dma_wait3A_117 = arith.constant 0 : i32
        %dma_wait3A_118 = tpu.memref_slice %arg4[%arg1, %dma_wait3A_116, %dma_wait3A_117] : memref<16x80x128xi32, #tpu.memory_space<hbm>> -> memref<1x40x128xi32, #tpu.memory_space<hbm>>
        %dma_wait3A_119 = tpu.memref_squeeze %dma_wait3A_118 : memref<1x40x128xi32, #tpu.memory_space<hbm>> -> memref<40x128xi32, #tpu.memory_space<hbm>>
        %dma_wait3A_120 = arith.constant 40 : i32
        %dma_wait3A_121 = arith.constant 0 : i32
        %dma_wait3A_122 = tpu.memref_slice %arg4[%arg1, %dma_wait3A_120, %dma_wait3A_121] : memref<16x80x128xi32, #tpu.memory_space<hbm>> -> memref<1x40x128xi32, #tpu.memory_space<hbm>>
        %dma_wait3A_123 = tpu.memref_squeeze %dma_wait3A_122 : memref<1x40x128xi32, #tpu.memory_space<hbm>> -> memref<40x128xi32, #tpu.memory_space<hbm>>
        tpu.wait_dma2 semaphore(%run_scoped3A_107 : memref<!tpu.dma_semaphore, #tpu.memory_space<semaphore_mem>>) src(%dma_wait3A_123 : memref<40x128xi32, #tpu.memory_space<hbm>>) dst(%arg8 : memref<40x128xi32, #tpu.memory_space<vmem>>)
        tpu.yield
      }) : () -> ()
      "tpu.region"() ({
        %run_scoped3A_107 = tpu.sem_alloc : memref<!tpu.dma_semaphore, #tpu.memory_space<semaphore_mem>>
        %dma_start3A_108 = arith.constant 40 : i32
        %dma_start3A_109 = arith.constant 0 : i32
        %dma_start3A_110 = tpu.memref_slice %arg5[%arg1, %dma_start3A_108, %dma_start3A_109] : memref<16x80x128xi32, #tpu.memory_space<hbm>> -> memref<1x40x128xi32, #tpu.memory_space<hbm>>
        %dma_start3A_111 = tpu.memref_squeeze %dma_start3A_110 : memref<1x40x128xi32, #tpu.memory_space<hbm>> -> memref<40x128xi32, #tpu.memory_space<hbm>>
        %dma_start3A_112 = arith.constant 40 : i32
        %dma_start3A_113 = arith.constant 0 : i32
        %dma_start3A_114 = tpu.memref_slice %arg5[%arg1, %dma_start3A_112, %dma_start3A_113] : memref<16x80x128xi32, #tpu.memory_space<hbm>> -> memref<1x40x128xi32, #tpu.memory_space<hbm>>
        %dma_start3A_115 = tpu.memref_squeeze %dma_start3A_114 : memref<1x40x128xi32, #tpu.memory_space<hbm>> -> memref<40x128xi32, #tpu.memory_space<hbm>>
        tpu.enqueue_dma source(%dma_start3A_115 : memref<40x128xi32, #tpu.memory_space<hbm>>) target(%arg9 : memref<40x128xi32, #tpu.memory_space<vmem>>) target_semaphore(%run_scoped3A_107 : memref<!tpu.dma_semaphore, #tpu.memory_space<semaphore_mem>>)
        %dma_wait3A_116 = arith.constant 40 : i32
        %dma_wait3A_117 = arith.constant 0 : i32
        %dma_wait3A_118 = tpu.memref_slice %arg5[%arg1, %dma_wait3A_116, %dma_wait3A_117] : memref<16x80x128xi32, #tpu.memory_space<hbm>> -> memref<1x40x128xi32, #tpu.memory_space<hbm>>
        %dma_wait3A_119 = tpu.memref_squeeze %dma_wait3A_118 : memref<1x40x128xi32, #tpu.memory_space<hbm>> -> memref<40x128xi32, #tpu.memory_space<hbm>>
        %dma_wait3A_120 = arith.constant 40 : i32
        %dma_wait3A_121 = arith.constant 0 : i32
        %dma_wait3A_122 = tpu.memref_slice %arg5[%arg1, %dma_wait3A_120, %dma_wait3A_121] : memref<16x80x128xi32, #tpu.memory_space<hbm>> -> memref<1x40x128xi32, #tpu.memory_space<hbm>>
        %dma_wait3A_123 = tpu.memref_squeeze %dma_wait3A_122 : memref<1x40x128xi32, #tpu.memory_space<hbm>> -> memref<40x128xi32, #tpu.memory_space<hbm>>
        tpu.wait_dma2 semaphore(%run_scoped3A_107 : memref<!tpu.dma_semaphore, #tpu.memory_space<semaphore_mem>>) src(%dma_wait3A_123 : memref<40x128xi32, #tpu.memory_space<hbm>>) dst(%arg9 : memref<40x128xi32, #tpu.memory_space<vmem>>)
        tpu.yield
      }) : () -> ()
      %dma_start3A_65 = arith.constant 0 : i32
      %dma_start3A_66 = arith.constant 0 : i32
      %dma_start3A_67 = tpu.memref_slice %arg8[%dma_start3A_65, %dma_start3A_66] : memref<40x128xi32, #tpu.memory_space<vmem>> -> memref<1x128xi32, #tpu.memory_space<vmem>>
      %dma_start3A_68 = tpu.memref_squeeze %dma_start3A_67 : memref<1x128xi32, #tpu.memory_space<vmem>> -> memref<128xi32, #tpu.memory_space<vmem>>
      %dma_start3A_69 = arith.constant 0 : i32
      %dma_start3A_70 = arith.constant 0 : i32
      %dma_start3A_71 = tpu.memref_slice %arg2[%dma_start3A_69, %dma_start3A_70] : memref<10240x128xf32, #tpu.memory_space<hbm>> -> memref<10240x128xf32, #tpu.memory_space<hbm>>
      tpu.enqueue_indirect_dma source(%dma_start3A_71 : memref<10240x128xf32, #tpu.memory_space<hbm>>) target(%arg10 : memref<128x128xf32, #tpu.memory_space<vmem>>) offsets(%dma_start3A_68 : memref<128xi32, #tpu.memory_space<vmem>>) semaphore(%arg13 : memref<!tpu.dma_semaphore, #tpu.memory_space<semaphore_mem>>)
      %dma_start3A_72 = arith.constant 1 : i32
      %dma_start3A_73 = arith.constant 0 : i32
      %dma_start3A_74 = tpu.memref_slice %arg8[%dma_start3A_72, %dma_start3A_73] : memref<40x128xi32, #tpu.memory_space<vmem>> -> memref<1x128xi32, #tpu.memory_space<vmem>>
      %dma_start3A_75 = tpu.memref_squeeze %dma_start3A_74 : memref<1x128xi32, #tpu.memory_space<vmem>> -> memref<128xi32, #tpu.memory_space<vmem>>
      %dma_start3A_76 = arith.constant 0 : i32
      %dma_start3A_77 = arith.constant 0 : i32
      %dma_start3A_78 = tpu.memref_slice %arg2[%dma_start3A_76, %dma_start3A_77] : memref<10240x128xf32, #tpu.memory_space<hbm>> -> memref<10240x128xf32, #tpu.memory_space<hbm>>
      tpu.enqueue_indirect_dma source(%dma_start3A_78 : memref<10240x128xf32, #tpu.memory_space<hbm>>) target(%arg11 : memref<128x128xf32, #tpu.memory_space<vmem>>) offsets(%dma_start3A_75 : memref<128xi32, #tpu.memory_space<vmem>>) semaphore(%arg14 : memref<!tpu.dma_semaphore, #tpu.memory_space<semaphore_mem>>)
      %scan3A_79 = arith.constant 0 : i32
      %scan3A_80 = arith.constant 0 : i32
      %scan3A_81 = arith.constant 19 : i32
      %scan3A_82 = arith.addi %scan3A_80, %scan3A_81 : i32
      %scan3A_83 = arith.constant 1 : i32
      %scan3A_84 = scf.for %scan3A_107 = %scan3A_80 to %scan3A_82 step %scan3A_83 iter_args(%scan3A_108 = %scan3A_79) -> (i32)  : i32 {
        %mul3A_109 = arith.constant 2 : i32
        %mul3A_110 = arith.muli %scan3A_107, %mul3A_109 : i32
        %dma_wait3A_111 = arith.constant 0 : i32
        %dma_wait3A_112 = tpu.memref_slice %arg8[%mul3A_110, %dma_wait3A_111] : memref<40x128xi32, #tpu.memory_space<vmem>> -> memref<1x128xi32, #tpu.memory_space<vmem>>
        %dma_wait3A_113 = tpu.memref_squeeze %dma_wait3A_112 : memref<1x128xi32, #tpu.memory_space<vmem>> -> memref<128xi32, #tpu.memory_space<vmem>>
        %dma_wait3A_114 = arith.constant 0 : i32
        %dma_wait3A_115 = arith.constant 0 : i32
        %dma_wait3A_116 = tpu.memref_slice %arg2[%dma_wait3A_114, %dma_wait3A_115] : memref<10240x128xf32, #tpu.memory_space<hbm>> -> memref<10240x128xf32, #tpu.memory_space<hbm>>
        tpu.wait_indirect_dma semaphore(%arg13 : memref<!tpu.dma_semaphore, #tpu.memory_space<semaphore_mem>>) src(%dma_wait3A_116 : memref<10240x128xf32, #tpu.memory_space<hbm>>) dst(%arg10 : memref<128x128xf32, #tpu.memory_space<vmem>>)
        "tpu.region"() ({
          %run_scoped3A_144 = tpu.sem_alloc : memref<!tpu.dma_semaphore, #tpu.memory_space<semaphore_mem>>
          %dma_start3A_145 = arith.constant 0 : i32
          %dma_start3A_146 = tpu.memref_slice %arg9[%mul3A_110, %dma_start3A_145] : memref<40x128xi32, #tpu.memory_space<vmem>> -> memref<1x128xi32, #tpu.memory_space<vmem>>
          %dma_start3A_147 = tpu.memref_squeeze %dma_start3A_146 : memref<1x128xi32, #tpu.memory_space<vmem>> -> memref<128xi32, #tpu.memory_space<vmem>>
          %dma_start3A_148 = arith.constant 0 : i32
          %dma_start3A_149 = arith.constant 0 : i32
          %dma_start3A_150 = tpu.memref_slice %arg12[%dma_start3A_148, %dma_start3A_149] : memref<10240x128xf32, #tpu.memory_space<vmem_shared>> -> memref<10240x128xf32, #tpu.memory_space<vmem_shared>>
          tpu.enqueue_indirect_dma source(%arg10 : memref<128x128xf32, #tpu.memory_space<vmem>>) target(%dma_start3A_150 : memref<10240x128xf32, #tpu.memory_space<vmem_shared>>) offsets(%dma_start3A_147 : memref<128xi32, #tpu.memory_space<vmem>>) semaphore(%run_scoped3A_144 : memref<!tpu.dma_semaphore, #tpu.memory_space<semaphore_mem>>) {add = true}
          %dma_wait3A_151 = arith.constant 0 : i32
          %dma_wait3A_152 = tpu.memref_slice %arg9[%mul3A_110, %dma_wait3A_151] : memref<40x128xi32, #tpu.memory_space<vmem>> -> memref<1x128xi32, #tpu.memory_space<vmem>>
          %dma_wait3A_153 = tpu.memref_squeeze %dma_wait3A_152 : memref<1x128xi32, #tpu.memory_space<vmem>> -> memref<128xi32, #tpu.memory_space<vmem>>
          %dma_wait3A_154 = arith.constant 0 : i32
          %dma_wait3A_155 = arith.constant 0 : i32
          %dma_wait3A_156 = tpu.memref_slice %arg12[%dma_wait3A_154, %dma_wait3A_155] : memref<10240x128xf32, #tpu.memory_space<vmem_shared>> -> memref<10240x128xf32, #tpu.memory_space<vmem_shared>>
          tpu.wait_indirect_dma semaphore(%run_scoped3A_144 : memref<!tpu.dma_semaphore, #tpu.memory_space<semaphore_mem>>) src(%arg10 : memref<128x128xf32, #tpu.memory_space<vmem>>) dst(%dma_wait3A_156 : memref<10240x128xf32, #tpu.memory_space<vmem_shared>>)
          tpu.yield
        }) : () -> ()
        %add3A_117 = arith.constant 2 : i32
        %add3A_118 = arith.addi %mul3A_110, %add3A_117 : i32
        %dma_start3A_119 = arith.constant 0 : i32
        %dma_start3A_120 = tpu.memref_slice %arg8[%add3A_118, %dma_start3A_119] : memref<40x128xi32, #tpu.memory_space<vmem>> -> memref<1x128xi32, #tpu.memory_space<vmem>>
        %dma_start3A_121 = tpu.memref_squeeze %dma_start3A_120 : memref<1x128xi32, #tpu.memory_space<vmem>> -> memref<128xi32, #tpu.memory_space<vmem>>
        %dma_start3A_122 = arith.constant 0 : i32
        %dma_start3A_123 = arith.constant 0 : i32
        %dma_start3A_124 = tpu.memref_slice %arg2[%dma_start3A_122, %dma_start3A_123] : memref<10240x128xf32, #tpu.memory_space<hbm>> -> memref<10240x128xf32, #tpu.memory_space<hbm>>
        tpu.enqueue_indirect_dma source(%dma_start3A_124 : memref<10240x128xf32, #tpu.memory_space<hbm>>) target(%arg10 : memref<128x128xf32, #tpu.memory_space<vmem>>) offsets(%dma_start3A_121 : memref<128xi32, #tpu.memory_space<vmem>>) semaphore(%arg13 : memref<!tpu.dma_semaphore, #tpu.memory_space<semaphore_mem>>)
        %add3A_125 = arith.constant 1 : i32
        %add3A_126 = arith.addi %mul3A_110, %add3A_125 : i32
        %dma_wait3A_127 = arith.constant 0 : i32
        %dma_wait3A_128 = tpu.memref_slice %arg8[%add3A_126, %dma_wait3A_127] : memref<40x128xi32, #tpu.memory_space<vmem>> -> memref<1x128xi32, #tpu.memory_space<vmem>>
        %dma_wait3A_129 = tpu.memref_squeeze %dma_wait3A_128 : memref<1x128xi32, #tpu.memory_space<vmem>> -> memref<128xi32, #tpu.memory_space<vmem>>
        %dma_wait3A_130 = arith.constant 0 : i32
        %dma_wait3A_131 = arith.constant 0 : i32
        %dma_wait3A_132 = tpu.memref_slice %arg2[%dma_wait3A_130, %dma_wait3A_131] : memref<10240x128xf32, #tpu.memory_space<hbm>> -> memref<10240x128xf32, #tpu.memory_space<hbm>>
        tpu.wait_indirect_dma semaphore(%arg14 : memref<!tpu.dma_semaphore, #tpu.memory_space<semaphore_mem>>) src(%dma_wait3A_132 : memref<10240x128xf32, #tpu.memory_space<hbm>>) dst(%arg11 : memref<128x128xf32, #tpu.memory_space<vmem>>)
        %add3A_133 = arith.constant 1 : i32
        %add3A_134 = arith.addi %mul3A_110, %add3A_133 : i32
        "tpu.region"() ({
          %run_scoped3A_144 = tpu.sem_alloc : memref<!tpu.dma_semaphore, #tpu.memory_space<semaphore_mem>>
          %dma_start3A_145 = arith.constant 0 : i32
          %dma_start3A_146 = tpu.memref_slice %arg9[%add3A_134, %dma_start3A_145] : memref<40x128xi32, #tpu.memory_space<vmem>> -> memref<1x128xi32, #tpu.memory_space<vmem>>
          %dma_start3A_147 = tpu.memref_squeeze %dma_start3A_146 : memref<1x128xi32, #tpu.memory_space<vmem>> -> memref<128xi32, #tpu.memory_space<vmem>>
          %dma_start3A_148 = arith.constant 0 : i32
          %dma_start3A_149 = arith.constant 0 : i32
          %dma_start3A_150 = tpu.memref_slice %arg12[%dma_start3A_148, %dma_start3A_149] : memref<10240x128xf32, #tpu.memory_space<vmem_shared>> -> memref<10240x128xf32, #tpu.memory_space<vmem_shared>>
          tpu.enqueue_indirect_dma source(%arg11 : memref<128x128xf32, #tpu.memory_space<vmem>>) target(%dma_start3A_150 : memref<10240x128xf32, #tpu.memory_space<vmem_shared>>) offsets(%dma_start3A_147 : memref<128xi32, #tpu.memory_space<vmem>>) semaphore(%run_scoped3A_144 : memref<!tpu.dma_semaphore, #tpu.memory_space<semaphore_mem>>) {add = true}
          %dma_wait3A_151 = arith.constant 0 : i32
          %dma_wait3A_152 = tpu.memref_slice %arg9[%add3A_134, %dma_wait3A_151] : memref<40x128xi32, #tpu.memory_space<vmem>> -> memref<1x128xi32, #tpu.memory_space<vmem>>
          %dma_wait3A_153 = tpu.memref_squeeze %dma_wait3A_152 : memref<1x128xi32, #tpu.memory_space<vmem>> -> memref<128xi32, #tpu.memory_space<vmem>>
          %dma_wait3A_154 = arith.constant 0 : i32
          %dma_wait3A_155 = arith.constant 0 : i32
          %dma_wait3A_156 = tpu.memref_slice %arg12[%dma_wait3A_154, %dma_wait3A_155] : memref<10240x128xf32, #tpu.memory_space<vmem_shared>> -> memref<10240x128xf32, #tpu.memory_space<vmem_shared>>
          tpu.wait_indirect_dma semaphore(%run_scoped3A_144 : memref<!tpu.dma_semaphore, #tpu.memory_space<semaphore_mem>>) src(%arg11 : memref<128x128xf32, #tpu.memory_space<vmem>>) dst(%dma_wait3A_156 : memref<10240x128xf32, #tpu.memory_space<vmem_shared>>)
          tpu.yield
        }) : () -> ()
        %add3A_135 = arith.constant 3 : i32
        %add3A_136 = arith.addi %mul3A_110, %add3A_135 : i32
        %dma_start3A_137 = arith.constant 0 : i32
        %dma_start3A_138 = tpu.memref_slice %arg8[%add3A_136, %dma_start3A_137] : memref<40x128xi32, #tpu.memory_space<vmem>> -> memref<1x128xi32, #tpu.memory_space<vmem>>
        %dma_start3A_139 = tpu.memref_squeeze %dma_start3A_138 : memref<1x128xi32, #tpu.memory_space<vmem>> -> memref<128xi32, #tpu.memory_space<vmem>>
        %dma_start3A_140 = arith.constant 0 : i32
        %dma_start3A_141 = arith.constant 0 : i32
        %dma_start3A_142 = tpu.memref_slice %arg2[%dma_start3A_140, %dma_start3A_141] : memref<10240x128xf32, #tpu.memory_space<hbm>> -> memref<10240x128xf32, #tpu.memory_space<hbm>>
        tpu.enqueue_indirect_dma source(%dma_start3A_142 : memref<10240x128xf32, #tpu.memory_space<hbm>>) target(%arg11 : memref<128x128xf32, #tpu.memory_space<vmem>>) offsets(%dma_start3A_139 : memref<128xi32, #tpu.memory_space<vmem>>) semaphore(%arg14 : memref<!tpu.dma_semaphore, #tpu.memory_space<semaphore_mem>>)
        %scan3A_143 = arith.constant 0 : i32
        scf.yield %scan3A_143 : i32
      }
      %scan3A_85 = arith.constant 19 : i32
      %dma_wait3A_86 = arith.constant 38 : i32
      %dma_wait3A_87 = arith.constant 0 : i32
      %dma_wait3A_88 = tpu.memref_slice %arg8[%dma_wait3A_86, %dma_wait3A_87] : memref<40x128xi32, #tpu.memory_space<vmem>> -> memref<1x128xi32, #tpu.memory_space<vmem>>
      %dma_wait3A_89 = tpu.memref_squeeze %dma_wait3A_88 : memref<1x128xi32, #tpu.memory_space<vmem>> -> memref<128xi32, #tpu.memory_space<vmem>>
      %dma_wait3A_90 = arith.constant 0 : i32
      %dma_wait3A_91 = arith.constant 0 : i32
      %dma_wait3A_92 = tpu.memref_slice %arg2[%dma_wait3A_90, %dma_wait3A_91] : memref<10240x128xf32, #tpu.memory_space<hbm>> -> memref<10240x128xf32, #tpu.memory_space<hbm>>
      tpu.wait_indirect_dma semaphore(%arg13 : memref<!tpu.dma_semaphore, #tpu.memory_space<semaphore_mem>>) src(%dma_wait3A_92 : memref<10240x128xf32, #tpu.memory_space<hbm>>) dst(%arg10 : memref<128x128xf32, #tpu.memory_space<vmem>>)
      %run_scoped3A_93 = arith.constant 38 : i32
      "tpu.region"() ({
        %run_scoped3A_107 = tpu.sem_alloc : memref<!tpu.dma_semaphore, #tpu.memory_space<semaphore_mem>>
        %dma_start3A_108 = arith.constant 0 : i32
        %dma_start3A_109 = tpu.memref_slice %arg9[%run_scoped3A_93, %dma_start3A_108] : memref<40x128xi32, #tpu.memory_space<vmem>> -> memref<1x128xi32, #tpu.memory_space<vmem>>
        %dma_start3A_110 = tpu.memref_squeeze %dma_start3A_109 : memref<1x128xi32, #tpu.memory_space<vmem>> -> memref<128xi32, #tpu.memory_space<vmem>>
        %dma_start3A_111 = arith.constant 0 : i32
        %dma_start3A_112 = arith.constant 0 : i32
        %dma_start3A_113 = tpu.memref_slice %arg12[%dma_start3A_111, %dma_start3A_112] : memref<10240x128xf32, #tpu.memory_space<vmem_shared>> -> memref<10240x128xf32, #tpu.memory_space<vmem_shared>>
        tpu.enqueue_indirect_dma source(%arg10 : memref<128x128xf32, #tpu.memory_space<vmem>>) target(%dma_start3A_113 : memref<10240x128xf32, #tpu.memory_space<vmem_shared>>) offsets(%dma_start3A_110 : memref<128xi32, #tpu.memory_space<vmem>>) semaphore(%run_scoped3A_107 : memref<!tpu.dma_semaphore, #tpu.memory_space<semaphore_mem>>) {add = true}
        %dma_wait3A_114 = arith.constant 0 : i32
        %dma_wait3A_115 = tpu.memref_slice %arg9[%run_scoped3A_93, %dma_wait3A_114] : memref<40x128xi32, #tpu.memory_space<vmem>> -> memref<1x128xi32, #tpu.memory_space<vmem>>
        %dma_wait3A_116 = tpu.memref_squeeze %dma_wait3A_115 : memref<1x128xi32, #tpu.memory_space<vmem>> -> memref<128xi32, #tpu.memory_space<vmem>>
        %dma_wait3A_117 = arith.constant 0 : i32
        %dma_wait3A_118 = arith.constant 0 : i32
        %dma_wait3A_119 = tpu.memref_slice %arg12[%dma_wait3A_117, %dma_wait3A_118] : memref<10240x128xf32, #tpu.memory_space<vmem_shared>> -> memref<10240x128xf32, #tpu.memory_space<vmem_shared>>
        tpu.wait_indirect_dma semaphore(%run_scoped3A_107 : memref<!tpu.dma_semaphore, #tpu.memory_space<semaphore_mem>>) src(%arg10 : memref<128x128xf32, #tpu.memory_space<vmem>>) dst(%dma_wait3A_119 : memref<10240x128xf32, #tpu.memory_space<vmem_shared>>)
        tpu.yield
      }) : () -> ()
      %dma_wait3A_94 = arith.constant 39 : i32
      %dma_wait3A_95 = arith.constant 0 : i32
      %dma_wait3A_96 = tpu.memref_slice %arg8[%dma_wait3A_94, %dma_wait3A_95] : memref<40x128xi32, #tpu.memory_space<vmem>> -> memref<1x128xi32, #tpu.memory_space<vmem>>
      %dma_wait3A_97 = tpu.memref_squeeze %dma_wait3A_96 : memref<1x128xi32, #tpu.memory_space<vmem>> -> memref<128xi32, #tpu.memory_space<vmem>>
      %dma_wait3A_98 = arith.constant 0 : i32
      %dma_wait3A_99 = arith.constant 0 : i32
      %dma_wait3A_100 = tpu.memref_slice %arg2[%dma_wait3A_98, %dma_wait3A_99] : memref<10240x128xf32, #tpu.memory_space<hbm>> -> memref<10240x128xf32, #tpu.memory_space<hbm>>
      tpu.wait_indirect_dma semaphore(%arg14 : memref<!tpu.dma_semaphore, #tpu.memory_space<semaphore_mem>>) src(%dma_wait3A_100 : memref<10240x128xf32, #tpu.memory_space<hbm>>) dst(%arg11 : memref<128x128xf32, #tpu.memory_space<vmem>>)
      %run_scoped3A_101 = arith.constant 39 : i32
      "tpu.region"() ({
        %run_scoped3A_107 = tpu.sem_alloc : memref<!tpu.dma_semaphore, #tpu.memory_space<semaphore_mem>>
        %dma_start3A_108 = arith.constant 0 : i32
        %dma_start3A_109 = tpu.memref_slice %arg9[%run_scoped3A_101, %dma_start3A_108] : memref<40x128xi32, #tpu.memory_space<vmem>> -> memref<1x128xi32, #tpu.memory_space<vmem>>
        %dma_start3A_110 = tpu.memref_squeeze %dma_start3A_109 : memref<1x128xi32, #tpu.memory_space<vmem>> -> memref<128xi32, #tpu.memory_space<vmem>>
        %dma_start3A_111 = arith.constant 0 : i32
        %dma_start3A_112 = arith.constant 0 : i32
        %dma_start3A_113 = tpu.memref_slice %arg12[%dma_start3A_111, %dma_start3A_112] : memref<10240x128xf32, #tpu.memory_space<vmem_shared>> -> memref<10240x128xf32, #tpu.memory_space<vmem_shared>>
        tpu.enqueue_indirect_dma source(%arg11 : memref<128x128xf32, #tpu.memory_space<vmem>>) target(%dma_start3A_113 : memref<10240x128xf32, #tpu.memory_space<vmem_shared>>) offsets(%dma_start3A_110 : memref<128xi32, #tpu.memory_space<vmem>>) semaphore(%run_scoped3A_107 : memref<!tpu.dma_semaphore, #tpu.memory_space<semaphore_mem>>) {add = true}
        %dma_wait3A_114 = arith.constant 0 : i32
        %dma_wait3A_115 = tpu.memref_slice %arg9[%run_scoped3A_101, %dma_wait3A_114] : memref<40x128xi32, #tpu.memory_space<vmem>> -> memref<1x128xi32, #tpu.memory_space<vmem>>
        %dma_wait3A_116 = tpu.memref_squeeze %dma_wait3A_115 : memref<1x128xi32, #tpu.memory_space<vmem>> -> memref<128xi32, #tpu.memory_space<vmem>>
        %dma_wait3A_117 = arith.constant 0 : i32
        %dma_wait3A_118 = arith.constant 0 : i32
        %dma_wait3A_119 = tpu.memref_slice %arg12[%dma_wait3A_117, %dma_wait3A_118] : memref<10240x128xf32, #tpu.memory_space<vmem_shared>> -> memref<10240x128xf32, #tpu.memory_space<vmem_shared>>
        tpu.wait_indirect_dma semaphore(%run_scoped3A_107 : memref<!tpu.dma_semaphore, #tpu.memory_space<semaphore_mem>>) src(%arg11 : memref<128x128xf32, #tpu.memory_space<vmem>>) dst(%dma_wait3A_119 : memref<10240x128xf32, #tpu.memory_space<vmem_shared>>)
        tpu.yield
      }) : () -> ()
      %barrier3A_102 = arith.constant 0 : index
      tpu.barrier barrier_id(%barrier3A_102)
      %mul3A_103 = arith.constant 640 : i32
      %mul3A_104 = arith.muli %arg1, %mul3A_103 : i32
      %mul3A_105 = arith.constant 640 : i32
      %mul3A_106 = arith.muli %arg1, %mul3A_105 : i32
      "tpu.region"() ({
        %run_scoped3A_107 = tpu.sem_alloc : memref<!tpu.dma_semaphore, #tpu.memory_space<semaphore_mem>>
        %dma_start3A_108 = arith.constant 0 : i32
        %dma_start3A_109 = tpu.memref_slice %arg6[%mul3A_106, %dma_start3A_108] : memref<10240x128xf32, #tpu.memory_space<hbm>> -> memref<640x128xf32, #tpu.memory_space<hbm>>
        %dma_start3A_110 = arith.constant 0 : i32
        %dma_start3A_111 = tpu.memref_slice %arg12[%mul3A_104, %dma_start3A_110] : memref<10240x128xf32, #tpu.memory_space<vmem_shared>> -> memref<640x128xf32, #tpu.memory_space<vmem_shared>>
        tpu.enqueue_dma source(%dma_start3A_111 : memref<640x128xf32, #tpu.memory_space<vmem_shared>>) target(%dma_start3A_109 : memref<640x128xf32, #tpu.memory_space<hbm>>) target_semaphore(%run_scoped3A_107 : memref<!tpu.dma_semaphore, #tpu.memory_space<semaphore_mem>>)
        %dma_wait3A_112 = arith.constant 0 : i32
        %dma_wait3A_113 = tpu.memref_slice %arg6[%mul3A_106, %dma_wait3A_112] : memref<10240x128xf32, #tpu.memory_space<hbm>> -> memref<640x128xf32, #tpu.memory_space<hbm>>
        %dma_wait3A_114 = arith.constant 0 : i32
        %dma_wait3A_115 = tpu.memref_slice %arg12[%mul3A_104, %dma_wait3A_114] : memref<10240x128xf32, #tpu.memory_space<vmem_shared>> -> memref<640x128xf32, #tpu.memory_space<vmem_shared>>
        tpu.wait_dma2 semaphore(%run_scoped3A_107 : memref<!tpu.dma_semaphore, #tpu.memory_space<semaphore_mem>>) src(%dma_wait3A_115 : memref<640x128xf32, #tpu.memory_space<vmem_shared>>) dst(%dma_wait3A_113 : memref<640x128xf32, #tpu.memory_space<hbm>>)
        tpu.yield
      }) : () -> ()
    } else {
    }
    %eq3A_26 = arith.constant 1 : i32
    %eq3A_27 = arith.cmpi eq, %arg0, %eq3A_26 : i32
    %convert_element_type3A_28 = arith.extui %eq3A_27 : i1 to i32
    %cond3A_29 = arith.constant 0 : i32
    %cond3A_30 = arith.cmpi ne, %convert_element_type3A_28, %cond3A_29 : i32
    scf.if %cond3A_30 {
      "tpu.region"() ({
        %run_scoped3A_107 = tpu.sem_alloc : memref<!tpu.dma_semaphore, #tpu.memory_space<semaphore_mem>>
        %dma_start3A_108 = arith.constant 0 : i32
        %dma_start3A_109 = arith.constant 0 : i32
        %dma_start3A_110 = tpu.memref_slice %arg4[%arg1, %dma_start3A_108, %dma_start3A_109] : memref<16x80x128xi32, #tpu.memory_space<hbm>> -> memref<1x40x128xi32, #tpu.memory_space<hbm>>
        %dma_start3A_111 = tpu.memref_squeeze %dma_start3A_110 : memref<1x40x128xi32, #tpu.memory_space<hbm>> -> memref<40x128xi32, #tpu.memory_space<hbm>>
        %dma_start3A_112 = arith.constant 0 : i32
        %dma_start3A_113 = arith.constant 0 : i32
        %dma_start3A_114 = tpu.memref_slice %arg4[%arg1, %dma_start3A_112, %dma_start3A_113] : memref<16x80x128xi32, #tpu.memory_space<hbm>> -> memref<1x40x128xi32, #tpu.memory_space<hbm>>
        %dma_start3A_115 = tpu.memref_squeeze %dma_start3A_114 : memref<1x40x128xi32, #tpu.memory_space<hbm>> -> memref<40x128xi32, #tpu.memory_space<hbm>>
        tpu.enqueue_dma source(%dma_start3A_115 : memref<40x128xi32, #tpu.memory_space<hbm>>) target(%arg8 : memref<40x128xi32, #tpu.memory_space<vmem>>) target_semaphore(%run_scoped3A_107 : memref<!tpu.dma_semaphore, #tpu.memory_space<semaphore_mem>>)
        %dma_wait3A_116 = arith.constant 0 : i32
        %dma_wait3A_117 = arith.constant 0 : i32
        %dma_wait3A_118 = tpu.memref_slice %arg4[%arg1, %dma_wait3A_116, %dma_wait3A_117] : memref<16x80x128xi32, #tpu.memory_space<hbm>> -> memref<1x40x128xi32, #tpu.memory_space<hbm>>
        %dma_wait3A_119 = tpu.memref_squeeze %dma_wait3A_118 : memref<1x40x128xi32, #tpu.memory_space<hbm>> -> memref<40x128xi32, #tpu.memory_space<hbm>>
        %dma_wait3A_120 = arith.constant 0 : i32
        %dma_wait3A_121 = arith.constant 0 : i32
        %dma_wait3A_122 = tpu.memref_slice %arg4[%arg1, %dma_wait3A_120, %dma_wait3A_121] : memref<16x80x128xi32, #tpu.memory_space<hbm>> -> memref<1x40x128xi32, #tpu.memory_space<hbm>>
        %dma_wait3A_123 = tpu.memref_squeeze %dma_wait3A_122 : memref<1x40x128xi32, #tpu.memory_space<hbm>> -> memref<40x128xi32, #tpu.memory_space<hbm>>
        tpu.wait_dma2 semaphore(%run_scoped3A_107 : memref<!tpu.dma_semaphore, #tpu.memory_space<semaphore_mem>>) src(%dma_wait3A_123 : memref<40x128xi32, #tpu.memory_space<hbm>>) dst(%arg8 : memref<40x128xi32, #tpu.memory_space<vmem>>)
        tpu.yield
      }) : () -> ()
      "tpu.region"() ({
        %run_scoped3A_107 = tpu.sem_alloc : memref<!tpu.dma_semaphore, #tpu.memory_space<semaphore_mem>>
        %dma_start3A_108 = arith.constant 0 : i32
        %dma_start3A_109 = arith.constant 0 : i32
        %dma_start3A_110 = tpu.memref_slice %arg5[%arg1, %dma_start3A_108, %dma_start3A_109] : memref<16x80x128xi32, #tpu.memory_space<hbm>> -> memref<1x40x128xi32, #tpu.memory_space<hbm>>
        %dma_start3A_111 = tpu.memref_squeeze %dma_start3A_110 : memref<1x40x128xi32, #tpu.memory_space<hbm>> -> memref<40x128xi32, #tpu.memory_space<hbm>>
        %dma_start3A_112 = arith.constant 0 : i32
        %dma_start3A_113 = arith.constant 0 : i32
        %dma_start3A_114 = tpu.memref_slice %arg5[%arg1, %dma_start3A_112, %dma_start3A_113] : memref<16x80x128xi32, #tpu.memory_space<hbm>> -> memref<1x40x128xi32, #tpu.memory_space<hbm>>
        %dma_start3A_115 = tpu.memref_squeeze %dma_start3A_114 : memref<1x40x128xi32, #tpu.memory_space<hbm>> -> memref<40x128xi32, #tpu.memory_space<hbm>>
        tpu.enqueue_dma source(%dma_start3A_115 : memref<40x128xi32, #tpu.memory_space<hbm>>) target(%arg9 : memref<40x128xi32, #tpu.memory_space<vmem>>) target_semaphore(%run_scoped3A_107 : memref<!tpu.dma_semaphore, #tpu.memory_space<semaphore_mem>>)
        %dma_wait3A_116 = arith.constant 0 : i32
        %dma_wait3A_117 = arith.constant 0 : i32
        %dma_wait3A_118 = tpu.memref_slice %arg5[%arg1, %dma_wait3A_116, %dma_wait3A_117] : memref<16x80x128xi32, #tpu.memory_space<hbm>> -> memref<1x40x128xi32, #tpu.memory_space<hbm>>
        %dma_wait3A_119 = tpu.memref_squeeze %dma_wait3A_118 : memref<1x40x128xi32, #tpu.memory_space<hbm>> -> memref<40x128xi32, #tpu.memory_space<hbm>>
        %dma_wait3A_120 = arith.constant 0 : i32
        %dma_wait3A_121 = arith.constant 0 : i32
        %dma_wait3A_122 = tpu.memref_slice %arg5[%arg1, %dma_wait3A_120, %dma_wait3A_121] : memref<16x80x128xi32, #tpu.memory_space<hbm>> -> memref<1x40x128xi32, #tpu.memory_space<hbm>>
        %dma_wait3A_123 = tpu.memref_squeeze %dma_wait3A_122 : memref<1x40x128xi32, #tpu.memory_space<hbm>> -> memref<40x128xi32, #tpu.memory_space<hbm>>
        tpu.wait_dma2 semaphore(%run_scoped3A_107 : memref<!tpu.dma_semaphore, #tpu.memory_space<semaphore_mem>>) src(%dma_wait3A_123 : memref<40x128xi32, #tpu.memory_space<hbm>>) dst(%arg9 : memref<40x128xi32, #tpu.memory_space<vmem>>)
        tpu.yield
      }) : () -> ()
      %dma_start3A = arith.constant 0 : i32
      %dma_start3A_31 = arith.constant 0 : i32
      %dma_start3A_32 = tpu.memref_slice %arg8[%dma_start3A, %dma_start3A_31] : memref<40x128xi32, #tpu.memory_space<vmem>> -> memref<1x128xi32, #tpu.memory_space<vmem>>
      %dma_start3A_33 = tpu.memref_squeeze %dma_start3A_32 : memref<1x128xi32, #tpu.memory_space<vmem>> -> memref<128xi32, #tpu.memory_space<vmem>>
      %dma_start3A_34 = arith.constant 0 : i32
      %dma_start3A_35 = arith.constant 0 : i32
      %dma_start3A_36 = tpu.memref_slice %arg3[%dma_start3A_34, %dma_start3A_35] : memref<10240x128xf32, #tpu.memory_space<hbm>> -> memref<10240x128xf32, #tpu.memory_space<hbm>>
      tpu.enqueue_indirect_dma source(%dma_start3A_36 : memref<10240x128xf32, #tpu.memory_space<hbm>>) target(%arg10 : memref<128x128xf32, #tpu.memory_space<vmem>>) offsets(%dma_start3A_33 : memref<128xi32, #tpu.memory_space<vmem>>) semaphore(%arg13 : memref<!tpu.dma_semaphore, #tpu.memory_space<semaphore_mem>>)
      %dma_start3A_37 = arith.constant 1 : i32
      %dma_start3A_38 = arith.constant 0 : i32
      %dma_start3A_39 = tpu.memref_slice %arg8[%dma_start3A_37, %dma_start3A_38] : memref<40x128xi32, #tpu.memory_space<vmem>> -> memref<1x128xi32, #tpu.memory_space<vmem>>
      %dma_start3A_40 = tpu.memref_squeeze %dma_start3A_39 : memref<1x128xi32, #tpu.memory_space<vmem>> -> memref<128xi32, #tpu.memory_space<vmem>>
      %dma_start3A_41 = arith.constant 0 : i32
      %dma_start3A_42 = arith.constant 0 : i32
      %dma_start3A_43 = tpu.memref_slice %arg3[%dma_start3A_41, %dma_start3A_42] : memref<10240x128xf32, #tpu.memory_space<hbm>> -> memref<10240x128xf32, #tpu.memory_space<hbm>>
      tpu.enqueue_indirect_dma source(%dma_start3A_43 : memref<10240x128xf32, #tpu.memory_space<hbm>>) target(%arg11 : memref<128x128xf32, #tpu.memory_space<vmem>>) offsets(%dma_start3A_40 : memref<128xi32, #tpu.memory_space<vmem>>) semaphore(%arg14 : memref<!tpu.dma_semaphore, #tpu.memory_space<semaphore_mem>>)
      %scan3A_44 = arith.constant 0 : i32
      %scan3A_45 = arith.constant 0 : i32
      %scan3A_46 = arith.constant 19 : i32
      %scan3A_47 = arith.addi %scan3A_45, %scan3A_46 : i32
      %scan3A_48 = arith.constant 1 : i32
      %scan3A_49 = scf.for %scan3A_107 = %scan3A_45 to %scan3A_47 step %scan3A_48 iter_args(%scan3A_108 = %scan3A_44) -> (i32)  : i32 {
        %mul3A_109 = arith.constant 2 : i32
        %mul3A_110 = arith.muli %scan3A_107, %mul3A_109 : i32
        %dma_wait3A_111 = arith.constant 0 : i32
        %dma_wait3A_112 = tpu.memref_slice %arg8[%mul3A_110, %dma_wait3A_111] : memref<40x128xi32, #tpu.memory_space<vmem>> -> memref<1x128xi32, #tpu.memory_space<vmem>>
        %dma_wait3A_113 = tpu.memref_squeeze %dma_wait3A_112 : memref<1x128xi32, #tpu.memory_space<vmem>> -> memref<128xi32, #tpu.memory_space<vmem>>
        %dma_wait3A_114 = arith.constant 0 : i32
        %dma_wait3A_115 = arith.constant 0 : i32
        %dma_wait3A_116 = tpu.memref_slice %arg3[%dma_wait3A_114, %dma_wait3A_115] : memref<10240x128xf32, #tpu.memory_space<hbm>> -> memref<10240x128xf32, #tpu.memory_space<hbm>>
        tpu.wait_indirect_dma semaphore(%arg13 : memref<!tpu.dma_semaphore, #tpu.memory_space<semaphore_mem>>) src(%dma_wait3A_116 : memref<10240x128xf32, #tpu.memory_space<hbm>>) dst(%arg10 : memref<128x128xf32, #tpu.memory_space<vmem>>)
        "tpu.region"() ({
          %run_scoped3A_144 = tpu.sem_alloc : memref<!tpu.dma_semaphore, #tpu.memory_space<semaphore_mem>>
          %dma_start3A_145 = arith.constant 0 : i32
          %dma_start3A_146 = tpu.memref_slice %arg9[%mul3A_110, %dma_start3A_145] : memref<40x128xi32, #tpu.memory_space<vmem>> -> memref<1x128xi32, #tpu.memory_space<vmem>>
          %dma_start3A_147 = tpu.memref_squeeze %dma_start3A_146 : memref<1x128xi32, #tpu.memory_space<vmem>> -> memref<128xi32, #tpu.memory_space<vmem>>
          %dma_start3A_148 = arith.constant 0 : i32
          %dma_start3A_149 = arith.constant 0 : i32
          %dma_start3A_150 = tpu.memref_slice %arg12[%dma_start3A_148, %dma_start3A_149] : memref<10240x128xf32, #tpu.memory_space<vmem_shared>> -> memref<10240x128xf32, #tpu.memory_space<vmem_shared>>
          tpu.enqueue_indirect_dma source(%arg10 : memref<128x128xf32, #tpu.memory_space<vmem>>) target(%dma_start3A_150 : memref<10240x128xf32, #tpu.memory_space<vmem_shared>>) offsets(%dma_start3A_147 : memref<128xi32, #tpu.memory_space<vmem>>) semaphore(%run_scoped3A_144 : memref<!tpu.dma_semaphore, #tpu.memory_space<semaphore_mem>>) {add = true}
          %dma_wait3A_151 = arith.constant 0 : i32
          %dma_wait3A_152 = tpu.memref_slice %arg9[%mul3A_110, %dma_wait3A_151] : memref<40x128xi32, #tpu.memory_space<vmem>> -> memref<1x128xi32, #tpu.memory_space<vmem>>
          %dma_wait3A_153 = tpu.memref_squeeze %dma_wait3A_152 : memref<1x128xi32, #tpu.memory_space<vmem>> -> memref<128xi32, #tpu.memory_space<vmem>>
          %dma_wait3A_154 = arith.constant 0 : i32
          %dma_wait3A_155 = arith.constant 0 : i32
          %dma_wait3A_156 = tpu.memref_slice %arg12[%dma_wait3A_154, %dma_wait3A_155] : memref<10240x128xf32, #tpu.memory_space<vmem_shared>> -> memref<10240x128xf32, #tpu.memory_space<vmem_shared>>
          tpu.wait_indirect_dma semaphore(%run_scoped3A_144 : memref<!tpu.dma_semaphore, #tpu.memory_space<semaphore_mem>>) src(%arg10 : memref<128x128xf32, #tpu.memory_space<vmem>>) dst(%dma_wait3A_156 : memref<10240x128xf32, #tpu.memory_space<vmem_shared>>)
          tpu.yield
        }) : () -> ()
        %add3A_117 = arith.constant 2 : i32
        %add3A_118 = arith.addi %mul3A_110, %add3A_117 : i32
        %dma_start3A_119 = arith.constant 0 : i32
        %dma_start3A_120 = tpu.memref_slice %arg8[%add3A_118, %dma_start3A_119] : memref<40x128xi32, #tpu.memory_space<vmem>> -> memref<1x128xi32, #tpu.memory_space<vmem>>
        %dma_start3A_121 = tpu.memref_squeeze %dma_start3A_120 : memref<1x128xi32, #tpu.memory_space<vmem>> -> memref<128xi32, #tpu.memory_space<vmem>>
        %dma_start3A_122 = arith.constant 0 : i32
        %dma_start3A_123 = arith.constant 0 : i32
        %dma_start3A_124 = tpu.memref_slice %arg3[%dma_start3A_122, %dma_start3A_123] : memref<10240x128xf32, #tpu.memory_space<hbm>> -> memref<10240x128xf32, #tpu.memory_space<hbm>>
        tpu.enqueue_indirect_dma source(%dma_start3A_124 : memref<10240x128xf32, #tpu.memory_space<hbm>>) target(%arg10 : memref<128x128xf32, #tpu.memory_space<vmem>>) offsets(%dma_start3A_121 : memref<128xi32, #tpu.memory_space<vmem>>) semaphore(%arg13 : memref<!tpu.dma_semaphore, #tpu.memory_space<semaphore_mem>>)
        %add3A_125 = arith.constant 1 : i32
        %add3A_126 = arith.addi %mul3A_110, %add3A_125 : i32
        %dma_wait3A_127 = arith.constant 0 : i32
        %dma_wait3A_128 = tpu.memref_slice %arg8[%add3A_126, %dma_wait3A_127] : memref<40x128xi32, #tpu.memory_space<vmem>> -> memref<1x128xi32, #tpu.memory_space<vmem>>
        %dma_wait3A_129 = tpu.memref_squeeze %dma_wait3A_128 : memref<1x128xi32, #tpu.memory_space<vmem>> -> memref<128xi32, #tpu.memory_space<vmem>>
        %dma_wait3A_130 = arith.constant 0 : i32
        %dma_wait3A_131 = arith.constant 0 : i32
        %dma_wait3A_132 = tpu.memref_slice %arg3[%dma_wait3A_130, %dma_wait3A_131] : memref<10240x128xf32, #tpu.memory_space<hbm>> -> memref<10240x128xf32, #tpu.memory_space<hbm>>
        tpu.wait_indirect_dma semaphore(%arg14 : memref<!tpu.dma_semaphore, #tpu.memory_space<semaphore_mem>>) src(%dma_wait3A_132 : memref<10240x128xf32, #tpu.memory_space<hbm>>) dst(%arg11 : memref<128x128xf32, #tpu.memory_space<vmem>>)
        %add3A_133 = arith.constant 1 : i32
        %add3A_134 = arith.addi %mul3A_110, %add3A_133 : i32
        "tpu.region"() ({
          %run_scoped3A_144 = tpu.sem_alloc : memref<!tpu.dma_semaphore, #tpu.memory_space<semaphore_mem>>
          %dma_start3A_145 = arith.constant 0 : i32
          %dma_start3A_146 = tpu.memref_slice %arg9[%add3A_134, %dma_start3A_145] : memref<40x128xi32, #tpu.memory_space<vmem>> -> memref<1x128xi32, #tpu.memory_space<vmem>>
          %dma_start3A_147 = tpu.memref_squeeze %dma_start3A_146 : memref<1x128xi32, #tpu.memory_space<vmem>> -> memref<128xi32, #tpu.memory_space<vmem>>
          %dma_start3A_148 = arith.constant 0 : i32
          %dma_start3A_149 = arith.constant 0 : i32
          %dma_start3A_150 = tpu.memref_slice %arg12[%dma_start3A_148, %dma_start3A_149] : memref<10240x128xf32, #tpu.memory_space<vmem_shared>> -> memref<10240x128xf32, #tpu.memory_space<vmem_shared>>
          tpu.enqueue_indirect_dma source(%arg11 : memref<128x128xf32, #tpu.memory_space<vmem>>) target(%dma_start3A_150 : memref<10240x128xf32, #tpu.memory_space<vmem_shared>>) offsets(%dma_start3A_147 : memref<128xi32, #tpu.memory_space<vmem>>) semaphore(%run_scoped3A_144 : memref<!tpu.dma_semaphore, #tpu.memory_space<semaphore_mem>>) {add = true}
          %dma_wait3A_151 = arith.constant 0 : i32
          %dma_wait3A_152 = tpu.memref_slice %arg9[%add3A_134, %dma_wait3A_151] : memref<40x128xi32, #tpu.memory_space<vmem>> -> memref<1x128xi32, #tpu.memory_space<vmem>>
          %dma_wait3A_153 = tpu.memref_squeeze %dma_wait3A_152 : memref<1x128xi32, #tpu.memory_space<vmem>> -> memref<128xi32, #tpu.memory_space<vmem>>
          %dma_wait3A_154 = arith.constant 0 : i32
          %dma_wait3A_155 = arith.constant 0 : i32
          %dma_wait3A_156 = tpu.memref_slice %arg12[%dma_wait3A_154, %dma_wait3A_155] : memref<10240x128xf32, #tpu.memory_space<vmem_shared>> -> memref<10240x128xf32, #tpu.memory_space<vmem_shared>>
          tpu.wait_indirect_dma semaphore(%run_scoped3A_144 : memref<!tpu.dma_semaphore, #tpu.memory_space<semaphore_mem>>) src(%arg11 : memref<128x128xf32, #tpu.memory_space<vmem>>) dst(%dma_wait3A_156 : memref<10240x128xf32, #tpu.memory_space<vmem_shared>>)
          tpu.yield
        }) : () -> ()
        %add3A_135 = arith.constant 3 : i32
        %add3A_136 = arith.addi %mul3A_110, %add3A_135 : i32
        %dma_start3A_137 = arith.constant 0 : i32
        %dma_start3A_138 = tpu.memref_slice %arg8[%add3A_136, %dma_start3A_137] : memref<40x128xi32, #tpu.memory_space<vmem>> -> memref<1x128xi32, #tpu.memory_space<vmem>>
        %dma_start3A_139 = tpu.memref_squeeze %dma_start3A_138 : memref<1x128xi32, #tpu.memory_space<vmem>> -> memref<128xi32, #tpu.memory_space<vmem>>
        %dma_start3A_140 = arith.constant 0 : i32
        %dma_start3A_141 = arith.constant 0 : i32
        %dma_start3A_142 = tpu.memref_slice %arg3[%dma_start3A_140, %dma_start3A_141] : memref<10240x128xf32, #tpu.memory_space<hbm>> -> memref<10240x128xf32, #tpu.memory_space<hbm>>
        tpu.enqueue_indirect_dma source(%dma_start3A_142 : memref<10240x128xf32, #tpu.memory_space<hbm>>) target(%arg11 : memref<128x128xf32, #tpu.memory_space<vmem>>) offsets(%dma_start3A_139 : memref<128xi32, #tpu.memory_space<vmem>>) semaphore(%arg14 : memref<!tpu.dma_semaphore, #tpu.memory_space<semaphore_mem>>)
        %scan3A_143 = arith.constant 0 : i32
        scf.yield %scan3A_143 : i32
      }
      %scan3A_50 = arith.constant 19 : i32
      %dma_wait3A = arith.constant 38 : i32
      %dma_wait3A_51 = arith.constant 0 : i32
      %dma_wait3A_52 = tpu.memref_slice %arg8[%dma_wait3A, %dma_wait3A_51] : memref<40x128xi32, #tpu.memory_space<vmem>> -> memref<1x128xi32, #tpu.memory_space<vmem>>
      %dma_wait3A_53 = tpu.memref_squeeze %dma_wait3A_52 : memref<1x128xi32, #tpu.memory_space<vmem>> -> memref<128xi32, #tpu.memory_space<vmem>>
      %dma_wait3A_54 = arith.constant 0 : i32
      %dma_wait3A_55 = arith.constant 0 : i32
      %dma_wait3A_56 = tpu.memref_slice %arg3[%dma_wait3A_54, %dma_wait3A_55] : memref<10240x128xf32, #tpu.memory_space<hbm>> -> memref<10240x128xf32, #tpu.memory_space<hbm>>
      tpu.wait_indirect_dma semaphore(%arg13 : memref<!tpu.dma_semaphore, #tpu.memory_space<semaphore_mem>>) src(%dma_wait3A_56 : memref<10240x128xf32, #tpu.memory_space<hbm>>) dst(%arg10 : memref<128x128xf32, #tpu.memory_space<vmem>>)
      %run_scoped3A = arith.constant 38 : i32
      "tpu.region"() ({
        %run_scoped3A_107 = tpu.sem_alloc : memref<!tpu.dma_semaphore, #tpu.memory_space<semaphore_mem>>
        %dma_start3A_108 = arith.constant 0 : i32
        %dma_start3A_109 = tpu.memref_slice %arg9[%run_scoped3A, %dma_start3A_108] : memref<40x128xi32, #tpu.memory_space<vmem>> -> memref<1x128xi32, #tpu.memory_space<vmem>>
        %dma_start3A_110 = tpu.memref_squeeze %dma_start3A_109 : memref<1x128xi32, #tpu.memory_space<vmem>> -> memref<128xi32, #tpu.memory_space<vmem>>
        %dma_start3A_111 = arith.constant 0 : i32
        %dma_start3A_112 = arith.constant 0 : i32
        %dma_start3A_113 = tpu.memref_slice %arg12[%dma_start3A_111, %dma_start3A_112] : memref<10240x128xf32, #tpu.memory_space<vmem_shared>> -> memref<10240x128xf32, #tpu.memory_space<vmem_shared>>
        tpu.enqueue_indirect_dma source(%arg10 : memref<128x128xf32, #tpu.memory_space<vmem>>) target(%dma_start3A_113 : memref<10240x128xf32, #tpu.memory_space<vmem_shared>>) offsets(%dma_start3A_110 : memref<128xi32, #tpu.memory_space<vmem>>) semaphore(%run_scoped3A_107 : memref<!tpu.dma_semaphore, #tpu.memory_space<semaphore_mem>>) {add = true}
        %dma_wait3A_114 = arith.constant 0 : i32
        %dma_wait3A_115 = tpu.memref_slice %arg9[%run_scoped3A, %dma_wait3A_114] : memref<40x128xi32, #tpu.memory_space<vmem>> -> memref<1x128xi32, #tpu.memory_space<vmem>>
        %dma_wait3A_116 = tpu.memref_squeeze %dma_wait3A_115 : memref<1x128xi32, #tpu.memory_space<vmem>> -> memref<128xi32, #tpu.memory_space<vmem>>
        %dma_wait3A_117 = arith.constant 0 : i32
        %dma_wait3A_118 = arith.constant 0 : i32
        %dma_wait3A_119 = tpu.memref_slice %arg12[%dma_wait3A_117, %dma_wait3A_118] : memref<10240x128xf32, #tpu.memory_space<vmem_shared>> -> memref<10240x128xf32, #tpu.memory_space<vmem_shared>>
        tpu.wait_indirect_dma semaphore(%run_scoped3A_107 : memref<!tpu.dma_semaphore, #tpu.memory_space<semaphore_mem>>) src(%arg10 : memref<128x128xf32, #tpu.memory_space<vmem>>) dst(%dma_wait3A_119 : memref<10240x128xf32, #tpu.memory_space<vmem_shared>>)
        tpu.yield
      }) : () -> ()
      %dma_wait3A_57 = arith.constant 39 : i32
      %dma_wait3A_58 = arith.constant 0 : i32
      %dma_wait3A_59 = tpu.memref_slice %arg8[%dma_wait3A_57, %dma_wait3A_58] : memref<40x128xi32, #tpu.memory_space<vmem>> -> memref<1x128xi32, #tpu.memory_space<vmem>>
      %dma_wait3A_60 = tpu.memref_squeeze %dma_wait3A_59 : memref<1x128xi32, #tpu.memory_space<vmem>> -> memref<128xi32, #tpu.memory_space<vmem>>
      %dma_wait3A_61 = arith.constant 0 : i32
      %dma_wait3A_62 = arith.constant 0 : i32
      %dma_wait3A_63 = tpu.memref_slice %arg3[%dma_wait3A_61, %dma_wait3A_62] : memref<10240x128xf32, #tpu.memory_space<hbm>> -> memref<10240x128xf32, #tpu.memory_space<hbm>>
      tpu.wait_indirect_dma semaphore(%arg14 : memref<!tpu.dma_semaphore, #tpu.memory_space<semaphore_mem>>) src(%dma_wait3A_63 : memref<10240x128xf32, #tpu.memory_space<hbm>>) dst(%arg11 : memref<128x128xf32, #tpu.memory_space<vmem>>)
      %run_scoped3A_64 = arith.constant 39 : i32
      "tpu.region"() ({
        %run_scoped3A_107 = tpu.sem_alloc : memref<!tpu.dma_semaphore, #tpu.memory_space<semaphore_mem>>
        %dma_start3A_108 = arith.constant 0 : i32
        %dma_start3A_109 = tpu.memref_slice %arg9[%run_scoped3A_64, %dma_start3A_108] : memref<40x128xi32, #tpu.memory_space<vmem>> -> memref<1x128xi32, #tpu.memory_space<vmem>>
        %dma_start3A_110 = tpu.memref_squeeze %dma_start3A_109 : memref<1x128xi32, #tpu.memory_space<vmem>> -> memref<128xi32, #tpu.memory_space<vmem>>
        %dma_start3A_111 = arith.constant 0 : i32
        %dma_start3A_112 = arith.constant 0 : i32
        %dma_start3A_113 = tpu.memref_slice %arg12[%dma_start3A_111, %dma_start3A_112] : memref<10240x128xf32, #tpu.memory_space<vmem_shared>> -> memref<10240x128xf32, #tpu.memory_space<vmem_shared>>
        tpu.enqueue_indirect_dma source(%arg11 : memref<128x128xf32, #tpu.memory_space<vmem>>) target(%dma_start3A_113 : memref<10240x128xf32, #tpu.memory_space<vmem_shared>>) offsets(%dma_start3A_110 : memref<128xi32, #tpu.memory_space<vmem>>) semaphore(%run_scoped3A_107 : memref<!tpu.dma_semaphore, #tpu.memory_space<semaphore_mem>>) {add = true}
        %dma_wait3A_114 = arith.constant 0 : i32
        %dma_wait3A_115 = tpu.memref_slice %arg9[%run_scoped3A_64, %dma_wait3A_114] : memref<40x128xi32, #tpu.memory_space<vmem>> -> memref<1x128xi32, #tpu.memory_space<vmem>>
        %dma_wait3A_116 = tpu.memref_squeeze %dma_wait3A_115 : memref<1x128xi32, #tpu.memory_space<vmem>> -> memref<128xi32, #tpu.memory_space<vmem>>
        %dma_wait3A_117 = arith.constant 0 : i32
        %dma_wait3A_118 = arith.constant 0 : i32
        %dma_wait3A_119 = tpu.memref_slice %arg12[%dma_wait3A_117, %dma_wait3A_118] : memref<10240x128xf32, #tpu.memory_space<vmem_shared>> -> memref<10240x128xf32, #tpu.memory_space<vmem_shared>>
        tpu.wait_indirect_dma semaphore(%run_scoped3A_107 : memref<!tpu.dma_semaphore, #tpu.memory_space<semaphore_mem>>) src(%arg11 : memref<128x128xf32, #tpu.memory_space<vmem>>) dst(%dma_wait3A_119 : memref<10240x128xf32, #tpu.memory_space<vmem_shared>>)
        tpu.yield
      }) : () -> ()
      "tpu.region"() ({
        %run_scoped3A_107 = tpu.sem_alloc : memref<!tpu.dma_semaphore, #tpu.memory_space<semaphore_mem>>
        %dma_start3A_108 = arith.constant 40 : i32
        %dma_start3A_109 = arith.constant 0 : i32
        %dma_start3A_110 = tpu.memref_slice %arg4[%arg1, %dma_start3A_108, %dma_start3A_109] : memref<16x80x128xi32, #tpu.memory_space<hbm>> -> memref<1x40x128xi32, #tpu.memory_space<hbm>>
        %dma_start3A_111 = tpu.memref_squeeze %dma_start3A_110 : memref<1x40x128xi32, #tpu.memory_space<hbm>> -> memref<40x128xi32, #tpu.memory_space<hbm>>
        %dma_start3A_112 = arith.constant 40 : i32
        %dma_start3A_113 = arith.constant 0 : i32
        %dma_start3A_114 = tpu.memref_slice %arg4[%arg1, %dma_start3A_112, %dma_start3A_113] : memref<16x80x128xi32, #tpu.memory_space<hbm>> -> memref<1x40x128xi32, #tpu.memory_space<hbm>>
        %dma_start3A_115 = tpu.memref_squeeze %dma_start3A_114 : memref<1x40x128xi32, #tpu.memory_space<hbm>> -> memref<40x128xi32, #tpu.memory_space<hbm>>
        tpu.enqueue_dma source(%dma_start3A_115 : memref<40x128xi32, #tpu.memory_space<hbm>>) target(%arg8 : memref<40x128xi32, #tpu.memory_space<vmem>>) target_semaphore(%run_scoped3A_107 : memref<!tpu.dma_semaphore, #tpu.memory_space<semaphore_mem>>)
        %dma_wait3A_116 = arith.constant 40 : i32
        %dma_wait3A_117 = arith.constant 0 : i32
        %dma_wait3A_118 = tpu.memref_slice %arg4[%arg1, %dma_wait3A_116, %dma_wait3A_117] : memref<16x80x128xi32, #tpu.memory_space<hbm>> -> memref<1x40x128xi32, #tpu.memory_space<hbm>>
        %dma_wait3A_119 = tpu.memref_squeeze %dma_wait3A_118 : memref<1x40x128xi32, #tpu.memory_space<hbm>> -> memref<40x128xi32, #tpu.memory_space<hbm>>
        %dma_wait3A_120 = arith.constant 40 : i32
        %dma_wait3A_121 = arith.constant 0 : i32
        %dma_wait3A_122 = tpu.memref_slice %arg4[%arg1, %dma_wait3A_120, %dma_wait3A_121] : memref<16x80x128xi32, #tpu.memory_space<hbm>> -> memref<1x40x128xi32, #tpu.memory_space<hbm>>
        %dma_wait3A_123 = tpu.memref_squeeze %dma_wait3A_122 : memref<1x40x128xi32, #tpu.memory_space<hbm>> -> memref<40x128xi32, #tpu.memory_space<hbm>>
        tpu.wait_dma2 semaphore(%run_scoped3A_107 : memref<!tpu.dma_semaphore, #tpu.memory_space<semaphore_mem>>) src(%dma_wait3A_123 : memref<40x128xi32, #tpu.memory_space<hbm>>) dst(%arg8 : memref<40x128xi32, #tpu.memory_space<vmem>>)
        tpu.yield
      }) : () -> ()
      "tpu.region"() ({
        %run_scoped3A_107 = tpu.sem_alloc : memref<!tpu.dma_semaphore, #tpu.memory_space<semaphore_mem>>
        %dma_start3A_108 = arith.constant 40 : i32
        %dma_start3A_109 = arith.constant 0 : i32
        %dma_start3A_110 = tpu.memref_slice %arg5[%arg1, %dma_start3A_108, %dma_start3A_109] : memref<16x80x128xi32, #tpu.memory_space<hbm>> -> memref<1x40x128xi32, #tpu.memory_space<hbm>>
        %dma_start3A_111 = tpu.memref_squeeze %dma_start3A_110 : memref<1x40x128xi32, #tpu.memory_space<hbm>> -> memref<40x128xi32, #tpu.memory_space<hbm>>
        %dma_start3A_112 = arith.constant 40 : i32
        %dma_start3A_113 = arith.constant 0 : i32
        %dma_start3A_114 = tpu.memref_slice %arg5[%arg1, %dma_start3A_112, %dma_start3A_113] : memref<16x80x128xi32, #tpu.memory_space<hbm>> -> memref<1x40x128xi32, #tpu.memory_space<hbm>>
        %dma_start3A_115 = tpu.memref_squeeze %dma_start3A_114 : memref<1x40x128xi32, #tpu.memory_space<hbm>> -> memref<40x128xi32, #tpu.memory_space<hbm>>
        tpu.enqueue_dma source(%dma_start3A_115 : memref<40x128xi32, #tpu.memory_space<hbm>>) target(%arg9 : memref<40x128xi32, #tpu.memory_space<vmem>>) target_semaphore(%run_scoped3A_107 : memref<!tpu.dma_semaphore, #tpu.memory_space<semaphore_mem>>)
        %dma_wait3A_116 = arith.constant 40 : i32
        %dma_wait3A_117 = arith.constant 0 : i32
        %dma_wait3A_118 = tpu.memref_slice %arg5[%arg1, %dma_wait3A_116, %dma_wait3A_117] : memref<16x80x128xi32, #tpu.memory_space<hbm>> -> memref<1x40x128xi32, #tpu.memory_space<hbm>>
        %dma_wait3A_119 = tpu.memref_squeeze %dma_wait3A_118 : memref<1x40x128xi32, #tpu.memory_space<hbm>> -> memref<40x128xi32, #tpu.memory_space<hbm>>
        %dma_wait3A_120 = arith.constant 40 : i32
        %dma_wait3A_121 = arith.constant 0 : i32
        %dma_wait3A_122 = tpu.memref_slice %arg5[%arg1, %dma_wait3A_120, %dma_wait3A_121] : memref<16x80x128xi32, #tpu.memory_space<hbm>> -> memref<1x40x128xi32, #tpu.memory_space<hbm>>
        %dma_wait3A_123 = tpu.memref_squeeze %dma_wait3A_122 : memref<1x40x128xi32, #tpu.memory_space<hbm>> -> memref<40x128xi32, #tpu.memory_space<hbm>>
        tpu.wait_dma2 semaphore(%run_scoped3A_107 : memref<!tpu.dma_semaphore, #tpu.memory_space<semaphore_mem>>) src(%dma_wait3A_123 : memref<40x128xi32, #tpu.memory_space<hbm>>) dst(%arg9 : memref<40x128xi32, #tpu.memory_space<vmem>>)
        tpu.yield
      }) : () -> ()
      %dma_start3A_65 = arith.constant 0 : i32
      %dma_start3A_66 = arith.constant 0 : i32
      %dma_start3A_67 = tpu.memref_slice %arg8[%dma_start3A_65, %dma_start3A_66] : memref<40x128xi32, #tpu.memory_space<vmem>> -> memref<1x128xi32, #tpu.memory_space<vmem>>
      %dma_start3A_68 = tpu.memref_squeeze %dma_start3A_67 : memref<1x128xi32, #tpu.memory_space<vmem>> -> memref<128xi32, #tpu.memory_space<vmem>>
      %dma_start3A_69 = arith.constant 0 : i32
      %dma_start3A_70 = arith.constant 0 : i32
      %dma_start3A_71 = tpu.memref_slice %arg3[%dma_start3A_69, %dma_start3A_70] : memref<10240x128xf32, #tpu.memory_space<hbm>> -> memref<10240x128xf32, #tpu.memory_space<hbm>>
      tpu.enqueue_indirect_dma source(%dma_start3A_71 : memref<10240x128xf32, #tpu.memory_space<hbm>>) target(%arg10 : memref<128x128xf32, #tpu.memory_space<vmem>>) offsets(%dma_start3A_68 : memref<128xi32, #tpu.memory_space<vmem>>) semaphore(%arg13 : memref<!tpu.dma_semaphore, #tpu.memory_space<semaphore_mem>>)
      %dma_start3A_72 = arith.constant 1 : i32
      %dma_start3A_73 = arith.constant 0 : i32
      %dma_start3A_74 = tpu.memref_slice %arg8[%dma_start3A_72, %dma_start3A_73] : memref<40x128xi32, #tpu.memory_space<vmem>> -> memref<1x128xi32, #tpu.memory_space<vmem>>
      %dma_start3A_75 = tpu.memref_squeeze %dma_start3A_74 : memref<1x128xi32, #tpu.memory_space<vmem>> -> memref<128xi32, #tpu.memory_space<vmem>>
      %dma_start3A_76 = arith.constant 0 : i32
      %dma_start3A_77 = arith.constant 0 : i32
      %dma_start3A_78 = tpu.memref_slice %arg3[%dma_start3A_76, %dma_start3A_77] : memref<10240x128xf32, #tpu.memory_space<hbm>> -> memref<10240x128xf32, #tpu.memory_space<hbm>>
      tpu.enqueue_indirect_dma source(%dma_start3A_78 : memref<10240x128xf32, #tpu.memory_space<hbm>>) target(%arg11 : memref<128x128xf32, #tpu.memory_space<vmem>>) offsets(%dma_start3A_75 : memref<128xi32, #tpu.memory_space<vmem>>) semaphore(%arg14 : memref<!tpu.dma_semaphore, #tpu.memory_space<semaphore_mem>>)
      %scan3A_79 = arith.constant 0 : i32
      %scan3A_80 = arith.constant 0 : i32
      %scan3A_81 = arith.constant 19 : i32
      %scan3A_82 = arith.addi %scan3A_80, %scan3A_81 : i32
      %scan3A_83 = arith.constant 1 : i32
      %scan3A_84 = scf.for %scan3A_107 = %scan3A_80 to %scan3A_82 step %scan3A_83 iter_args(%scan3A_108 = %scan3A_79) -> (i32)  : i32 {
        %mul3A_109 = arith.constant 2 : i32
        %mul3A_110 = arith.muli %scan3A_107, %mul3A_109 : i32
        %dma_wait3A_111 = arith.constant 0 : i32
        %dma_wait3A_112 = tpu.memref_slice %arg8[%mul3A_110, %dma_wait3A_111] : memref<40x128xi32, #tpu.memory_space<vmem>> -> memref<1x128xi32, #tpu.memory_space<vmem>>
        %dma_wait3A_113 = tpu.memref_squeeze %dma_wait3A_112 : memref<1x128xi32, #tpu.memory_space<vmem>> -> memref<128xi32, #tpu.memory_space<vmem>>
        %dma_wait3A_114 = arith.constant 0 : i32
        %dma_wait3A_115 = arith.constant 0 : i32
        %dma_wait3A_116 = tpu.memref_slice %arg3[%dma_wait3A_114, %dma_wait3A_115] : memref<10240x128xf32, #tpu.memory_space<hbm>> -> memref<10240x128xf32, #tpu.memory_space<hbm>>
        tpu.wait_indirect_dma semaphore(%arg13 : memref<!tpu.dma_semaphore, #tpu.memory_space<semaphore_mem>>) src(%dma_wait3A_116 : memref<10240x128xf32, #tpu.memory_space<hbm>>) dst(%arg10 : memref<128x128xf32, #tpu.memory_space<vmem>>)
        "tpu.region"() ({
          %run_scoped3A_144 = tpu.sem_alloc : memref<!tpu.dma_semaphore, #tpu.memory_space<semaphore_mem>>
          %dma_start3A_145 = arith.constant 0 : i32
          %dma_start3A_146 = tpu.memref_slice %arg9[%mul3A_110, %dma_start3A_145] : memref<40x128xi32, #tpu.memory_space<vmem>> -> memref<1x128xi32, #tpu.memory_space<vmem>>
          %dma_start3A_147 = tpu.memref_squeeze %dma_start3A_146 : memref<1x128xi32, #tpu.memory_space<vmem>> -> memref<128xi32, #tpu.memory_space<vmem>>
          %dma_start3A_148 = arith.constant 0 : i32
          %dma_start3A_149 = arith.constant 0 : i32
          %dma_start3A_150 = tpu.memref_slice %arg12[%dma_start3A_148, %dma_start3A_149] : memref<10240x128xf32, #tpu.memory_space<vmem_shared>> -> memref<10240x128xf32, #tpu.memory_space<vmem_shared>>
          tpu.enqueue_indirect_dma source(%arg10 : memref<128x128xf32, #tpu.memory_space<vmem>>) target(%dma_start3A_150 : memref<10240x128xf32, #tpu.memory_space<vmem_shared>>) offsets(%dma_start3A_147 : memref<128xi32, #tpu.memory_space<vmem>>) semaphore(%run_scoped3A_144 : memref<!tpu.dma_semaphore, #tpu.memory_space<semaphore_mem>>) {add = true}
          %dma_wait3A_151 = arith.constant 0 : i32
          %dma_wait3A_152 = tpu.memref_slice %arg9[%mul3A_110, %dma_wait3A_151] : memref<40x128xi32, #tpu.memory_space<vmem>> -> memref<1x128xi32, #tpu.memory_space<vmem>>
          %dma_wait3A_153 = tpu.memref_squeeze %dma_wait3A_152 : memref<1x128xi32, #tpu.memory_space<vmem>> -> memref<128xi32, #tpu.memory_space<vmem>>
          %dma_wait3A_154 = arith.constant 0 : i32
          %dma_wait3A_155 = arith.constant 0 : i32
          %dma_wait3A_156 = tpu.memref_slice %arg12[%dma_wait3A_154, %dma_wait3A_155] : memref<10240x128xf32, #tpu.memory_space<vmem_shared>> -> memref<10240x128xf32, #tpu.memory_space<vmem_shared>>
          tpu.wait_indirect_dma semaphore(%run_scoped3A_144 : memref<!tpu.dma_semaphore, #tpu.memory_space<semaphore_mem>>) src(%arg10 : memref<128x128xf32, #tpu.memory_space<vmem>>) dst(%dma_wait3A_156 : memref<10240x128xf32, #tpu.memory_space<vmem_shared>>)
          tpu.yield
        }) : () -> ()
        %add3A_117 = arith.constant 2 : i32
        %add3A_118 = arith.addi %mul3A_110, %add3A_117 : i32
        %dma_start3A_119 = arith.constant 0 : i32
        %dma_start3A_120 = tpu.memref_slice %arg8[%add3A_118, %dma_start3A_119] : memref<40x128xi32, #tpu.memory_space<vmem>> -> memref<1x128xi32, #tpu.memory_space<vmem>>
        %dma_start3A_121 = tpu.memref_squeeze %dma_start3A_120 : memref<1x128xi32, #tpu.memory_space<vmem>> -> memref<128xi32, #tpu.memory_space<vmem>>
        %dma_start3A_122 = arith.constant 0 : i32
        %dma_start3A_123 = arith.constant 0 : i32
        %dma_start3A_124 = tpu.memref_slice %arg3[%dma_start3A_122, %dma_start3A_123] : memref<10240x128xf32, #tpu.memory_space<hbm>> -> memref<10240x128xf32, #tpu.memory_space<hbm>>
        tpu.enqueue_indirect_dma source(%dma_start3A_124 : memref<10240x128xf32, #tpu.memory_space<hbm>>) target(%arg10 : memref<128x128xf32, #tpu.memory_space<vmem>>) offsets(%dma_start3A_121 : memref<128xi32, #tpu.memory_space<vmem>>) semaphore(%arg13 : memref<!tpu.dma_semaphore, #tpu.memory_space<semaphore_mem>>)
        %add3A_125 = arith.constant 1 : i32
        %add3A_126 = arith.addi %mul3A_110, %add3A_125 : i32
        %dma_wait3A_127 = arith.constant 0 : i32
        %dma_wait3A_128 = tpu.memref_slice %arg8[%add3A_126, %dma_wait3A_127] : memref<40x128xi32, #tpu.memory_space<vmem>> -> memref<1x128xi32, #tpu.memory_space<vmem>>
        %dma_wait3A_129 = tpu.memref_squeeze %dma_wait3A_128 : memref<1x128xi32, #tpu.memory_space<vmem>> -> memref<128xi32, #tpu.memory_space<vmem>>
        %dma_wait3A_130 = arith.constant 0 : i32
        %dma_wait3A_131 = arith.constant 0 : i32
        %dma_wait3A_132 = tpu.memref_slice %arg3[%dma_wait3A_130, %dma_wait3A_131] : memref<10240x128xf32, #tpu.memory_space<hbm>> -> memref<10240x128xf32, #tpu.memory_space<hbm>>
        tpu.wait_indirect_dma semaphore(%arg14 : memref<!tpu.dma_semaphore, #tpu.memory_space<semaphore_mem>>) src(%dma_wait3A_132 : memref<10240x128xf32, #tpu.memory_space<hbm>>) dst(%arg11 : memref<128x128xf32, #tpu.memory_space<vmem>>)
        %add3A_133 = arith.constant 1 : i32
        %add3A_134 = arith.addi %mul3A_110, %add3A_133 : i32
        "tpu.region"() ({
          %run_scoped3A_144 = tpu.sem_alloc : memref<!tpu.dma_semaphore, #tpu.memory_space<semaphore_mem>>
          %dma_start3A_145 = arith.constant 0 : i32
          %dma_start3A_146 = tpu.memref_slice %arg9[%add3A_134, %dma_start3A_145] : memref<40x128xi32, #tpu.memory_space<vmem>> -> memref<1x128xi32, #tpu.memory_space<vmem>>
          %dma_start3A_147 = tpu.memref_squeeze %dma_start3A_146 : memref<1x128xi32, #tpu.memory_space<vmem>> -> memref<128xi32, #tpu.memory_space<vmem>>
          %dma_start3A_148 = arith.constant 0 : i32
          %dma_start3A_149 = arith.constant 0 : i32
          %dma_start3A_150 = tpu.memref_slice %arg12[%dma_start3A_148, %dma_start3A_149] : memref<10240x128xf32, #tpu.memory_space<vmem_shared>> -> memref<10240x128xf32, #tpu.memory_space<vmem_shared>>
          tpu.enqueue_indirect_dma source(%arg11 : memref<128x128xf32, #tpu.memory_space<vmem>>) target(%dma_start3A_150 : memref<10240x128xf32, #tpu.memory_space<vmem_shared>>) offsets(%dma_start3A_147 : memref<128xi32, #tpu.memory_space<vmem>>) semaphore(%run_scoped3A_144 : memref<!tpu.dma_semaphore, #tpu.memory_space<semaphore_mem>>) {add = true}
          %dma_wait3A_151 = arith.constant 0 : i32
          %dma_wait3A_152 = tpu.memref_slice %arg9[%add3A_134, %dma_wait3A_151] : memref<40x128xi32, #tpu.memory_space<vmem>> -> memref<1x128xi32, #tpu.memory_space<vmem>>
          %dma_wait3A_153 = tpu.memref_squeeze %dma_wait3A_152 : memref<1x128xi32, #tpu.memory_space<vmem>> -> memref<128xi32, #tpu.memory_space<vmem>>
          %dma_wait3A_154 = arith.constant 0 : i32
          %dma_wait3A_155 = arith.constant 0 : i32
          %dma_wait3A_156 = tpu.memref_slice %arg12[%dma_wait3A_154, %dma_wait3A_155] : memref<10240x128xf32, #tpu.memory_space<vmem_shared>> -> memref<10240x128xf32, #tpu.memory_space<vmem_shared>>
          tpu.wait_indirect_dma semaphore(%run_scoped3A_144 : memref<!tpu.dma_semaphore, #tpu.memory_space<semaphore_mem>>) src(%arg11 : memref<128x128xf32, #tpu.memory_space<vmem>>) dst(%dma_wait3A_156 : memref<10240x128xf32, #tpu.memory_space<vmem_shared>>)
          tpu.yield
        }) : () -> ()
        %add3A_135 = arith.constant 3 : i32
        %add3A_136 = arith.addi %mul3A_110, %add3A_135 : i32
        %dma_start3A_137 = arith.constant 0 : i32
        %dma_start3A_138 = tpu.memref_slice %arg8[%add3A_136, %dma_start3A_137] : memref<40x128xi32, #tpu.memory_space<vmem>> -> memref<1x128xi32, #tpu.memory_space<vmem>>
        %dma_start3A_139 = tpu.memref_squeeze %dma_start3A_138 : memref<1x128xi32, #tpu.memory_space<vmem>> -> memref<128xi32, #tpu.memory_space<vmem>>
        %dma_start3A_140 = arith.constant 0 : i32
        %dma_start3A_141 = arith.constant 0 : i32
        %dma_start3A_142 = tpu.memref_slice %arg3[%dma_start3A_140, %dma_start3A_141] : memref<10240x128xf32, #tpu.memory_space<hbm>> -> memref<10240x128xf32, #tpu.memory_space<hbm>>
        tpu.enqueue_indirect_dma source(%dma_start3A_142 : memref<10240x128xf32, #tpu.memory_space<hbm>>) target(%arg11 : memref<128x128xf32, #tpu.memory_space<vmem>>) offsets(%dma_start3A_139 : memref<128xi32, #tpu.memory_space<vmem>>) semaphore(%arg14 : memref<!tpu.dma_semaphore, #tpu.memory_space<semaphore_mem>>)
        %scan3A_143 = arith.constant 0 : i32
        scf.yield %scan3A_143 : i32
      }
      %scan3A_85 = arith.constant 19 : i32
      %dma_wait3A_86 = arith.constant 38 : i32
      %dma_wait3A_87 = arith.constant 0 : i32
      %dma_wait3A_88 = tpu.memref_slice %arg8[%dma_wait3A_86, %dma_wait3A_87] : memref<40x128xi32, #tpu.memory_space<vmem>> -> memref<1x128xi32, #tpu.memory_space<vmem>>
      %dma_wait3A_89 = tpu.memref_squeeze %dma_wait3A_88 : memref<1x128xi32, #tpu.memory_space<vmem>> -> memref<128xi32, #tpu.memory_space<vmem>>
      %dma_wait3A_90 = arith.constant 0 : i32
      %dma_wait3A_91 = arith.constant 0 : i32
      %dma_wait3A_92 = tpu.memref_slice %arg3[%dma_wait3A_90, %dma_wait3A_91] : memref<10240x128xf32, #tpu.memory_space<hbm>> -> memref<10240x128xf32, #tpu.memory_space<hbm>>
      tpu.wait_indirect_dma semaphore(%arg13 : memref<!tpu.dma_semaphore, #tpu.memory_space<semaphore_mem>>) src(%dma_wait3A_92 : memref<10240x128xf32, #tpu.memory_space<hbm>>) dst(%arg10 : memref<128x128xf32, #tpu.memory_space<vmem>>)
      %run_scoped3A_93 = arith.constant 38 : i32
      "tpu.region"() ({
        %run_scoped3A_107 = tpu.sem_alloc : memref<!tpu.dma_semaphore, #tpu.memory_space<semaphore_mem>>
        %dma_start3A_108 = arith.constant 0 : i32
        %dma_start3A_109 = tpu.memref_slice %arg9[%run_scoped3A_93, %dma_start3A_108] : memref<40x128xi32, #tpu.memory_space<vmem>> -> memref<1x128xi32, #tpu.memory_space<vmem>>
        %dma_start3A_110 = tpu.memref_squeeze %dma_start3A_109 : memref<1x128xi32, #tpu.memory_space<vmem>> -> memref<128xi32, #tpu.memory_space<vmem>>
        %dma_start3A_111 = arith.constant 0 : i32
        %dma_start3A_112 = arith.constant 0 : i32
        %dma_start3A_113 = tpu.memref_slice %arg12[%dma_start3A_111, %dma_start3A_112] : memref<10240x128xf32, #tpu.memory_space<vmem_shared>> -> memref<10240x128xf32, #tpu.memory_space<vmem_shared>>
        tpu.enqueue_indirect_dma source(%arg10 : memref<128x128xf32, #tpu.memory_space<vmem>>) target(%dma_start3A_113 : memref<10240x128xf32, #tpu.memory_space<vmem_shared>>) offsets(%dma_start3A_110 : memref<128xi32, #tpu.memory_space<vmem>>) semaphore(%run_scoped3A_107 : memref<!tpu.dma_semaphore, #tpu.memory_space<semaphore_mem>>) {add = true}
        %dma_wait3A_114 = arith.constant 0 : i32
        %dma_wait3A_115 = tpu.memref_slice %arg9[%run_scoped3A_93, %dma_wait3A_114] : memref<40x128xi32, #tpu.memory_space<vmem>> -> memref<1x128xi32, #tpu.memory_space<vmem>>
        %dma_wait3A_116 = tpu.memref_squeeze %dma_wait3A_115 : memref<1x128xi32, #tpu.memory_space<vmem>> -> memref<128xi32, #tpu.memory_space<vmem>>
        %dma_wait3A_117 = arith.constant 0 : i32
        %dma_wait3A_118 = arith.constant 0 : i32
        %dma_wait3A_119 = tpu.memref_slice %arg12[%dma_wait3A_117, %dma_wait3A_118] : memref<10240x128xf32, #tpu.memory_space<vmem_shared>> -> memref<10240x128xf32, #tpu.memory_space<vmem_shared>>
        tpu.wait_indirect_dma semaphore(%run_scoped3A_107 : memref<!tpu.dma_semaphore, #tpu.memory_space<semaphore_mem>>) src(%arg10 : memref<128x128xf32, #tpu.memory_space<vmem>>) dst(%dma_wait3A_119 : memref<10240x128xf32, #tpu.memory_space<vmem_shared>>)
        tpu.yield
      }) : () -> ()
      %dma_wait3A_94 = arith.constant 39 : i32
      %dma_wait3A_95 = arith.constant 0 : i32
      %dma_wait3A_96 = tpu.memref_slice %arg8[%dma_wait3A_94, %dma_wait3A_95] : memref<40x128xi32, #tpu.memory_space<vmem>> -> memref<1x128xi32, #tpu.memory_space<vmem>>
      %dma_wait3A_97 = tpu.memref_squeeze %dma_wait3A_96 : memref<1x128xi32, #tpu.memory_space<vmem>> -> memref<128xi32, #tpu.memory_space<vmem>>
      %dma_wait3A_98 = arith.constant 0 : i32
      %dma_wait3A_99 = arith.constant 0 : i32
      %dma_wait3A_100 = tpu.memref_slice %arg3[%dma_wait3A_98, %dma_wait3A_99] : memref<10240x128xf32, #tpu.memory_space<hbm>> -> memref<10240x128xf32, #tpu.memory_space<hbm>>
      tpu.wait_indirect_dma semaphore(%arg14 : memref<!tpu.dma_semaphore, #tpu.memory_space<semaphore_mem>>) src(%dma_wait3A_100 : memref<10240x128xf32, #tpu.memory_space<hbm>>) dst(%arg11 : memref<128x128xf32, #tpu.memory_space<vmem>>)
      %run_scoped3A_101 = arith.constant 39 : i32
      "tpu.region"() ({
        %run_scoped3A_107 = tpu.sem_alloc : memref<!tpu.dma_semaphore, #tpu.memory_space<semaphore_mem>>
        %dma_start3A_108 = arith.constant 0 : i32
        %dma_start3A_109 = tpu.memref_slice %arg9[%run_scoped3A_101, %dma_start3A_108] : memref<40x128xi32, #tpu.memory_space<vmem>> -> memref<1x128xi32, #tpu.memory_space<vmem>>
        %dma_start3A_110 = tpu.memref_squeeze %dma_start3A_109 : memref<1x128xi32, #tpu.memory_space<vmem>> -> memref<128xi32, #tpu.memory_space<vmem>>
        %dma_start3A_111 = arith.constant 0 : i32
        %dma_start3A_112 = arith.constant 0 : i32
        %dma_start3A_113 = tpu.memref_slice %arg12[%dma_start3A_111, %dma_start3A_112] : memref<10240x128xf32, #tpu.memory_space<vmem_shared>> -> memref<10240x128xf32, #tpu.memory_space<vmem_shared>>
        tpu.enqueue_indirect_dma source(%arg11 : memref<128x128xf32, #tpu.memory_space<vmem>>) target(%dma_start3A_113 : memref<10240x128xf32, #tpu.memory_space<vmem_shared>>) offsets(%dma_start3A_110 : memref<128xi32, #tpu.memory_space<vmem>>) semaphore(%run_scoped3A_107 : memref<!tpu.dma_semaphore, #tpu.memory_space<semaphore_mem>>) {add = true}
        %dma_wait3A_114 = arith.constant 0 : i32
        %dma_wait3A_115 = tpu.memref_slice %arg9[%run_scoped3A_101, %dma_wait3A_114] : memref<40x128xi32, #tpu.memory_space<vmem>> -> memref<1x128xi32, #tpu.memory_space<vmem>>
        %dma_wait3A_116 = tpu.memref_squeeze %dma_wait3A_115 : memref<1x128xi32, #tpu.memory_space<vmem>> -> memref<128xi32, #tpu.memory_space<vmem>>
        %dma_wait3A_117 = arith.constant 0 : i32
        %dma_wait3A_118 = arith.constant 0 : i32
        %dma_wait3A_119 = tpu.memref_slice %arg12[%dma_wait3A_117, %dma_wait3A_118] : memref<10240x128xf32, #tpu.memory_space<vmem_shared>> -> memref<10240x128xf32, #tpu.memory_space<vmem_shared>>
        tpu.wait_indirect_dma semaphore(%run_scoped3A_107 : memref<!tpu.dma_semaphore, #tpu.memory_space<semaphore_mem>>) src(%arg11 : memref<128x128xf32, #tpu.memory_space<vmem>>) dst(%dma_wait3A_119 : memref<10240x128xf32, #tpu.memory_space<vmem_shared>>)
        tpu.yield
      }) : () -> ()
      %barrier3A_102 = arith.constant 0 : index
      tpu.barrier barrier_id(%barrier3A_102)
      %mul3A_103 = arith.constant 640 : i32
      %mul3A_104 = arith.muli %arg1, %mul3A_103 : i32
      %mul3A_105 = arith.constant 640 : i32
      %mul3A_106 = arith.muli %arg1, %mul3A_105 : i32
      "tpu.region"() ({
        %run_scoped3A_107 = tpu.sem_alloc : memref<!tpu.dma_semaphore, #tpu.memory_space<semaphore_mem>>
        %dma_start3A_108 = arith.constant 0 : i32
        %dma_start3A_109 = tpu.memref_slice %arg7[%mul3A_106, %dma_start3A_108] : memref<10240x128xf32, #tpu.memory_space<hbm>> -> memref<640x128xf32, #tpu.memory_space<hbm>>
        %dma_start3A_110 = arith.constant 0 : i32
        %dma_start3A_111 = tpu.memref_slice %arg12[%mul3A_104, %dma_start3A_110] : memref<10240x128xf32, #tpu.memory_space<vmem_shared>> -> memref<640x128xf32, #tpu.memory_space<vmem_shared>>
        tpu.enqueue_dma source(%dma_start3A_111 : memref<640x128xf32, #tpu.memory_space<vmem_shared>>) target(%dma_start3A_109 : memref<640x128xf32, #tpu.memory_space<hbm>>) target_semaphore(%run_scoped3A_107 : memref<!tpu.dma_semaphore, #tpu.memory_space<semaphore_mem>>)
        %dma_wait3A_112 = arith.constant 0 : i32
        %dma_wait3A_113 = tpu.memref_slice %arg7[%mul3A_106, %dma_wait3A_112] : memref<10240x128xf32, #tpu.memory_space<hbm>> -> memref<640x128xf32, #tpu.memory_space<hbm>>
        %dma_wait3A_114 = arith.constant 0 : i32
        %dma_wait3A_115 = tpu.memref_slice %arg12[%mul3A_104, %dma_wait3A_114] : memref<10240x128xf32, #tpu.memory_space<vmem_shared>> -> memref<640x128xf32, #tpu.memory_space<vmem_shared>>
        tpu.wait_dma2 semaphore(%run_scoped3A_107 : memref<!tpu.dma_semaphore, #tpu.memory_space<semaphore_mem>>) src(%dma_wait3A_115 : memref<640x128xf32, #tpu.memory_space<vmem_shared>>) dst(%dma_wait3A_113 : memref<640x128xf32, #tpu.memory_space<hbm>>)
        tpu.yield
      }) : () -> ()
    } else {
    }
    return
  }
}

module attributes {stable_mosaic.version = 14 : i64} {
  func.func @body(%arg0: i32, %arg1: memref<512x256xf32, #tpu.memory_space<vmem>>, %arg2: memref<256x256xf32, #tpu.memory_space<vmem>>, %arg3: memref<512x16xf32, #tpu.memory_space<vmem>>, %arg4: memref<512x128xf32, #tpu.memory_space<vmem>>, %arg5: memref<512x128xf32, #tpu.memory_space<vmem>>) attributes {dimension_semantics = [#tpu.dimension_semantics<arbitrary>], iteration_bounds = array<i64: 20>, scalar_prefetch = 0 : i64, scratch_operands = 0 : i64, tpu.core_type = #tpu.core_type<tc>, window_params = [{transform_indices = @transform_0, window_bounds = array<i64: 512, 256>}, {pipeline_mode = #tpu.pipeline_mode<synchronous>, transform_indices = @transform_1, window_bounds = array<i64: 256, 256>}, {transform_indices = @transform_2, window_bounds = array<i64: 512, 16>}, {transform_indices = @transform_3, window_bounds = array<i64: 512, 128>}, {transform_indices = @transform_4, window_bounds = array<i64: 512, 128>}]} {
    %get3A = arith.constant 0 : index
    %get3A_0 = arith.constant 0 : index
    %get3A_1 = vector.load %arg3[%get3A, %get3A_0] : memref<512x16xf32, #tpu.memory_space<vmem>>, vector<512x1xf32>
    %add3A = arith.constant 1.000000e+00 : f32
    %add3A_2 = vector.broadcast %add3A : f32 to vector<512x1xf32>
    %add3A_3 = arith.addf %get3A_1, %add3A_2 : vector<512x1xf32>
    %rsqrt3A = math.rsqrt %add3A_3 : vector<512x1xf32>
    %get3A_4 = arith.constant 0 : index
    %get3A_5 = arith.constant 0 : index
    %get3A_6 = vector.load %arg1[%get3A_4, %get3A_5] : memref<512x256xf32, #tpu.memory_space<vmem>>, vector<512x256xf32>
    %get3A_7 = arith.constant 0 : index
    %get3A_8 = arith.constant 0 : index
    %get3A_9 = vector.load %arg2[%get3A_7, %get3A_8] : memref<256x256xf32, #tpu.memory_space<vmem>>, vector<256x256xf32>
    %dot_general3A = arith.constant dense<0.000000e+00> : vector<512x256xf32>
    %dot_general3A_10 = tpu.matmul %get3A_6, %get3A_9, %dot_general3A {dimension_numbers = #tpu.dot_dimension_numbers<[1], [1], [0], [0], [0, 0, 1, 0], [], []>, precision = #tpu.contract_precision<fp32>, transpose_lhs_hint = false} : vector<512x256xf32>, vector<256x256xf32>, vector<512x256xf32> -> vector<512x256xf32>
    %mul3A = vector.broadcast %rsqrt3A : vector<512x1xf32> to vector<512x256xf32>
    %mul3A_11 = arith.mulf %dot_general3A_10, %mul3A : vector<512x256xf32>
    %slice3A = vector.extract_strided_slice %mul3A_11 {offsets = [0, 0], sizes = [512, 128], strides = [1, 1]} : vector<512x256xf32> to vector<512x128xf32>
    %swap3A = arith.constant 0 : index
    %swap3A_12 = arith.constant 0 : index
    %swap3A_13 = vector.load %arg4[%swap3A, %swap3A_12] : memref<512x128xf32, #tpu.memory_space<vmem>>, vector<512x128xf32>
    tpu.vector_store %arg4[%swap3A, %swap3A_12], %slice3A {strides = array<i32>} : memref<512x128xf32, #tpu.memory_space<vmem>>, vector<512x128xf32>,
    %slice3A_14 = vector.extract_strided_slice %mul3A_11 {offsets = [0, 128], sizes = [512, 128], strides = [1, 1]} : vector<512x256xf32> to vector<512x128xf32>
    %swap3A_15 = arith.constant 0 : index
    %swap3A_16 = arith.constant 0 : index
    %swap3A_17 = vector.load %arg5[%swap3A_15, %swap3A_16] : memref<512x128xf32, #tpu.memory_space<vmem>>, vector<512x128xf32>
    tpu.vector_store %arg5[%swap3A_15, %swap3A_16], %slice3A_14 {strides = array<i32>} : memref<512x128xf32, #tpu.memory_space<vmem>>, vector<512x128xf32>,
    return
  }
  func.func @transform_0(%arg0: i32) -> (i32, i32) {
    %c0_i32 = arith.constant 0 : i32
    %c0_i32_0 = arith.constant 0 : i32
    return %arg0, %c0_i32 : i32, i32
  }
  func.func @transform_1(%arg0: i32) -> (i32, i32) {
    %c0_i32 = arith.constant 0 : i32
    %c0_i32_0 = arith.constant 0 : i32
    %c0_i32_1 = arith.constant 0 : i32
    return %c0_i32, %c0_i32_0 : i32, i32
  }
  func.func @transform_2(%arg0: i32) -> (i32, i32) {
    %c0_i32 = arith.constant 0 : i32
    %c0_i32_0 = arith.constant 0 : i32
    return %arg0, %c0_i32 : i32, i32
  }
  func.func @transform_3(%arg0: i32) -> (i32, i32) {
    %c0_i32 = arith.constant 0 : i32
    %c0_i32_0 = arith.constant 0 : i32
    return %arg0, %c0_i32 : i32, i32
  }
  func.func @transform_4(%arg0: i32) -> (i32, i32) {
    %c0_i32 = arith.constant 0 : i32
    %c0_i32_0 = arith.constant 0 : i32
    return %arg0, %c0_i32 : i32, i32
  }
}

module attributes {stable_mosaic.version = 14 : i64} {
  func.func @body(%arg0: i32, %arg1: memref<512x128xf32, #tpu.memory_space<vmem>>, %arg2: memref<512x128xf32, #tpu.memory_space<vmem>>, %arg3: memref<512x128xf32, #tpu.memory_space<vmem>>, %arg4: memref<512x128xf32, #tpu.memory_space<vmem>>, %arg5: memref<256x256xf32, #tpu.memory_space<vmem>>, %arg6: memref<1x256xf32, #tpu.memory_space<vmem>>, %arg7: memref<512x16xf32, #tpu.memory_space<vmem>>, %arg8: memref<512x128xf32, #tpu.memory_space<vmem>>, %arg9: memref<512x128xf32, #tpu.memory_space<vmem>>) attributes {dimension_semantics = [#tpu.dimension_semantics<arbitrary>], iteration_bounds = array<i64: 20>, scalar_prefetch = 0 : i64, scratch_operands = 0 : i64, tpu.core_type = #tpu.core_type<tc>, window_params = [{transform_indices = @transform_0, window_bounds = array<i64: 512, 128>}, {transform_indices = @transform_1, window_bounds = array<i64: 512, 128>}, {transform_indices = @transform_2, window_bounds = array<i64: 512, 128>}, {transform_indices = @transform_3, window_bounds = array<i64: 512, 128>}, {pipeline_mode = #tpu.pipeline_mode<synchronous>, transform_indices = @transform_4, window_bounds = array<i64: 256, 256>}, {pipeline_mode = #tpu.pipeline_mode<synchronous>, transform_indices = @transform_5, window_bounds = array<i64: 1, 256>}, {transform_indices = @transform_6, window_bounds = array<i64: 512, 16>}, {transform_indices = @transform_7, window_bounds = array<i64: 512, 128>}, {transform_indices = @transform_8, window_bounds = array<i64: 512, 128>}]} {
    %get3A = arith.constant 0 : index
    %get3A_0 = arith.constant 0 : index
    %get3A_1 = vector.load %arg7[%get3A, %get3A_0] : memref<512x16xf32, #tpu.memory_space<vmem>>, vector<512x1xf32>
    %add3A = arith.constant 1.000000e+00 : f32
    %add3A_2 = vector.broadcast %add3A : f32 to vector<512x1xf32>
    %add3A_3 = arith.addf %get3A_1, %add3A_2 : vector<512x1xf32>
    %rsqrt3A = math.rsqrt %add3A_3 : vector<512x1xf32>
    %get3A_4 = arith.constant 0 : index
    %get3A_5 = arith.constant 0 : index
    %get3A_6 = vector.load %arg1[%get3A_4, %get3A_5] : memref<512x128xf32, #tpu.memory_space<vmem>>, vector<512x128xf32>
    %get3A_7 = arith.constant 0 : index
    %get3A_8 = arith.constant 0 : index
    %get3A_9 = vector.load %arg3[%get3A_7, %get3A_8] : memref<512x128xf32, #tpu.memory_space<vmem>>, vector<512x128xf32>
    %add3A_10 = arith.addf %get3A_6, %get3A_9 : vector<512x128xf32>
    %get3A_11 = arith.constant 0 : index
    %get3A_12 = arith.constant 0 : index
    %get3A_13 = vector.load %arg2[%get3A_11, %get3A_12] : memref<512x128xf32, #tpu.memory_space<vmem>>, vector<512x128xf32>
    %get3A_14 = arith.constant 0 : index
    %get3A_15 = arith.constant 0 : index
    %get3A_16 = vector.load %arg4[%get3A_14, %get3A_15] : memref<512x128xf32, #tpu.memory_space<vmem>>, vector<512x128xf32>
    %add3A_17 = arith.addf %get3A_13, %get3A_16 : vector<512x128xf32>
    %concatenate3A = tpu.concatenate %add3A_10, %add3A_17 in 1 : vector<512x128xf32>, vector<512x128xf32> -> vector<512x256xf32>
    %mul3A = vector.broadcast %rsqrt3A : vector<512x1xf32> to vector<512x256xf32>
    %mul3A_18 = arith.mulf %concatenate3A, %mul3A : vector<512x256xf32>
    %get3A_19 = arith.constant 0 : index
    %get3A_20 = arith.constant 0 : index
    %get3A_21 = vector.load %arg6[%get3A_19, %get3A_20] : memref<1x256xf32, #tpu.memory_space<vmem>>, vector<1x256xf32>
    %add3A_22 = vector.broadcast %get3A_21 : vector<1x256xf32> to vector<512x256xf32>
    %add3A_23 = arith.addf %mul3A_18, %add3A_22 : vector<512x256xf32>
    %max3A = arith.constant 0.000000e+00 : f32
    %max3A_24 = vector.broadcast %max3A : f32 to vector<512x256xf32>
    %max3A_25 = arith.maximumf %add3A_23, %max3A_24 : vector<512x256xf32>
    %get3A_26 = arith.constant 0 : index
    %get3A_27 = arith.constant 0 : index
    %get3A_28 = vector.load %arg5[%get3A_26, %get3A_27] : memref<256x256xf32, #tpu.memory_space<vmem>>, vector<256x256xf32>
    %dot_general3A = arith.constant dense<0.000000e+00> : vector<512x256xf32>
    %dot_general3A_29 = tpu.matmul %max3A_25, %get3A_28, %dot_general3A {dimension_numbers = #tpu.dot_dimension_numbers<[1], [1], [0], [0], [0, 0, 1, 0], [], []>, precision = #tpu.contract_precision<fp32>, transpose_lhs_hint = false} : vector<512x256xf32>, vector<256x256xf32>, vector<512x256xf32> -> vector<512x256xf32>
    %mul3A_30 = vector.broadcast %rsqrt3A : vector<512x1xf32> to vector<512x256xf32>
    %mul3A_31 = arith.mulf %dot_general3A_29, %mul3A_30 : vector<512x256xf32>
    %slice3A = vector.extract_strided_slice %mul3A_31 {offsets = [0, 0], sizes = [512, 128], strides = [1, 1]} : vector<512x256xf32> to vector<512x128xf32>
    %swap3A = arith.constant 0 : index
    %swap3A_32 = arith.constant 0 : index
    %swap3A_33 = vector.load %arg8[%swap3A, %swap3A_32] : memref<512x128xf32, #tpu.memory_space<vmem>>, vector<512x128xf32>
    tpu.vector_store %arg8[%swap3A, %swap3A_32], %slice3A {strides = array<i32>} : memref<512x128xf32, #tpu.memory_space<vmem>>, vector<512x128xf32>,
    %slice3A_34 = vector.extract_strided_slice %mul3A_31 {offsets = [0, 128], sizes = [512, 128], strides = [1, 1]} : vector<512x256xf32> to vector<512x128xf32>
    %swap3A_35 = arith.constant 0 : index
    %swap3A_36 = arith.constant 0 : index
    %swap3A_37 = vector.load %arg9[%swap3A_35, %swap3A_36] : memref<512x128xf32, #tpu.memory_space<vmem>>, vector<512x128xf32>
    tpu.vector_store %arg9[%swap3A_35, %swap3A_36], %slice3A_34 {strides = array<i32>} : memref<512x128xf32, #tpu.memory_space<vmem>>, vector<512x128xf32>,
    return
  }
  func.func @transform_0(%arg0: i32) -> (i32, i32) {
    %c0_i32 = arith.constant 0 : i32
    %c0_i32_0 = arith.constant 0 : i32
    return %arg0, %c0_i32 : i32, i32
  }
  func.func @transform_1(%arg0: i32) -> (i32, i32) {
    %c0_i32 = arith.constant 0 : i32
    %c0_i32_0 = arith.constant 0 : i32
    return %arg0, %c0_i32 : i32, i32
  }
  func.func @transform_2(%arg0: i32) -> (i32, i32) {
    %c0_i32 = arith.constant 0 : i32
    %c0_i32_0 = arith.constant 0 : i32
    return %arg0, %c0_i32 : i32, i32
  }
  func.func @transform_3(%arg0: i32) -> (i32, i32) {
    %c0_i32 = arith.constant 0 : i32
    %c0_i32_0 = arith.constant 0 : i32
    return %arg0, %c0_i32 : i32, i32
  }
  func.func @transform_4(%arg0: i32) -> (i32, i32) {
    %c0_i32 = arith.constant 0 : i32
    %c0_i32_0 = arith.constant 0 : i32
    %c0_i32_1 = arith.constant 0 : i32
    return %c0_i32, %c0_i32_0 : i32, i32
  }
  func.func @transform_5(%arg0: i32) -> (i32, i32) {
    %c0_i32 = arith.constant 0 : i32
    %c0_i32_0 = arith.constant 0 : i32
    %c0_i32_1 = arith.constant 0 : i32
    return %c0_i32, %c0_i32_0 : i32, i32
  }
  func.func @transform_6(%arg0: i32) -> (i32, i32) {
    %c0_i32 = arith.constant 0 : i32
    %c0_i32_0 = arith.constant 0 : i32
    return %arg0, %c0_i32 : i32, i32
  }
  func.func @transform_7(%arg0: i32) -> (i32, i32) {
    %c0_i32 = arith.constant 0 : i32
    %c0_i32_0 = arith.constant 0 : i32
    return %arg0, %c0_i32 : i32, i32
  }
  func.func @transform_8(%arg0: i32) -> (i32, i32) {
    %c0_i32 = arith.constant 0 : i32
    %c0_i32_0 = arith.constant 0 : i32
    return %arg0, %c0_i32 : i32, i32
  }
}

module attributes {stable_mosaic.version = 14 : i64} {
  func.func @body(%arg0: i32, %arg1: memref<512x128xf32, #tpu.memory_space<vmem>>, %arg2: memref<512x128xf32, #tpu.memory_space<vmem>>, %arg3: memref<512x128xf32, #tpu.memory_space<vmem>>, %arg4: memref<512x128xf32, #tpu.memory_space<vmem>>, %arg5: memref<512x16xf32, #tpu.memory_space<vmem>>, %arg6: memref<1x256xf32, #tpu.memory_space<vmem>>, %arg7: memref<1x1x512xi32, #tpu.memory_space<vmem>>, %arg8: memref<128x256xf32, #tpu.memory_space<vmem>>, %arg9: memref<1x128xf32, #tpu.memory_space<vmem>>, %arg10: memref<64x128xf32, #tpu.memory_space<vmem>>, %arg11: memref<64x256xf32, #tpu.memory_space<vmem>>, %arg12: memref<64x128xf32, #tpu.memory_space<vmem>>) attributes {dimension_semantics = [#tpu.dimension_semantics<arbitrary>], iteration_bounds = array<i64: 20>, scalar_prefetch = 0 : i64, scratch_operands = 2 : i64, tpu.core_type = #tpu.core_type<tc>, window_params = [{transform_indices = @transform_0, window_bounds = array<i64: 512, 128>}, {transform_indices = @transform_1, window_bounds = array<i64: 512, 128>}, {transform_indices = @transform_2, window_bounds = array<i64: 512, 128>}, {transform_indices = @transform_3, window_bounds = array<i64: 512, 128>}, {transform_indices = @transform_4, window_bounds = array<i64: 512, 16>}, {pipeline_mode = #tpu.pipeline_mode<synchronous>, transform_indices = @transform_5, window_bounds = array<i64: 1, 256>}, {transform_indices = @transform_6, window_bounds = array<i64: 1, 1, 512>}, {pipeline_mode = #tpu.pipeline_mode<synchronous>, transform_indices = @transform_7, window_bounds = array<i64: 128, 256>}, {pipeline_mode = #tpu.pipeline_mode<synchronous>, transform_indices = @transform_8, window_bounds = array<i64: 1, 128>}, {pipeline_mode = #tpu.pipeline_mode<synchronous>, transform_indices = @transform_9, window_bounds = array<i64: 64, 128>}]} {
    %eq3A = arith.constant 0 : i32
    %eq3A_0 = arith.cmpi eq, %arg0, %eq3A : i32
    %convert_element_type3A = arith.extui %eq3A_0 : i1 to i32
    %cond3A = arith.constant 0 : i32
    %cond3A_1 = arith.cmpi ne, %convert_element_type3A, %cond3A : i32
    scf.if %cond3A_1 {
      %broadcast_in_dim3A_59 = arith.constant 0.000000e+00 : f32
      %broadcast_in_dim3A_60 = vector.broadcast %broadcast_in_dim3A_59 : f32 to vector<64x256xf32>
      %swap3A_61 = arith.constant 0 : index
      %swap3A_62 = arith.constant 0 : index
      %swap3A_63 = vector.load %arg11[%swap3A_61, %swap3A_62] : memref<64x256xf32, #tpu.memory_space<vmem>>, vector<64x256xf32>
      tpu.vector_store %arg11[%swap3A_61, %swap3A_62], %broadcast_in_dim3A_60 {strides = array<i32>} : memref<64x256xf32, #tpu.memory_space<vmem>>, vector<64x256xf32>,
      %broadcast_in_dim3A_64 = arith.constant 0.000000e+00 : f32
      %broadcast_in_dim3A_65 = vector.broadcast %broadcast_in_dim3A_64 : f32 to vector<64x128xf32>
      %swap3A_66 = arith.constant 0 : index
      %swap3A_67 = arith.constant 0 : index
      %swap3A_68 = vector.load %arg12[%swap3A_66, %swap3A_67] : memref<64x128xf32, #tpu.memory_space<vmem>>, vector<64x128xf32>
      tpu.vector_store %arg12[%swap3A_66, %swap3A_67], %broadcast_in_dim3A_65 {strides = array<i32>} : memref<64x128xf32, #tpu.memory_space<vmem>>, vector<64x128xf32>,
    } else {
    }
    %get3A = arith.constant 0 : index
    %get3A_2 = arith.constant 0 : index
    %get3A_3 = vector.load %arg5[%get3A, %get3A_2] : memref<512x16xf32, #tpu.memory_space<vmem>>, vector<512x1xf32>
    %add3A = arith.constant 1.000000e+00 : f32
    %add3A_4 = vector.broadcast %add3A : f32 to vector<512x1xf32>
    %add3A_5 = arith.addf %get3A_3, %add3A_4 : vector<512x1xf32>
    %rsqrt3A = math.rsqrt %add3A_5 : vector<512x1xf32>
    %get3A_6 = arith.constant 0 : index
    %get3A_7 = arith.constant 0 : index
    %get3A_8 = vector.load %arg1[%get3A_6, %get3A_7] : memref<512x128xf32, #tpu.memory_space<vmem>>, vector<512x128xf32>
    %get3A_9 = arith.constant 0 : index
    %get3A_10 = arith.constant 0 : index
    %get3A_11 = vector.load %arg3[%get3A_9, %get3A_10] : memref<512x128xf32, #tpu.memory_space<vmem>>, vector<512x128xf32>
    %add3A_12 = arith.addf %get3A_8, %get3A_11 : vector<512x128xf32>
    %get3A_13 = arith.constant 0 : index
    %get3A_14 = arith.constant 0 : index
    %get3A_15 = vector.load %arg2[%get3A_13, %get3A_14] : memref<512x128xf32, #tpu.memory_space<vmem>>, vector<512x128xf32>
    %get3A_16 = arith.constant 0 : index
    %get3A_17 = arith.constant 0 : index
    %get3A_18 = vector.load %arg4[%get3A_16, %get3A_17] : memref<512x128xf32, #tpu.memory_space<vmem>>, vector<512x128xf32>
    %add3A_19 = arith.addf %get3A_15, %get3A_18 : vector<512x128xf32>
    %concatenate3A = tpu.concatenate %add3A_12, %add3A_19 in 1 : vector<512x128xf32>, vector<512x128xf32> -> vector<512x256xf32>
    %mul3A = vector.broadcast %rsqrt3A : vector<512x1xf32> to vector<512x256xf32>
    %mul3A_20 = arith.mulf %concatenate3A, %mul3A : vector<512x256xf32>
    %get3A_21 = arith.constant 0 : index
    %get3A_22 = arith.constant 0 : index
    %get3A_23 = vector.load %arg6[%get3A_21, %get3A_22] : memref<1x256xf32, #tpu.memory_space<vmem>>, vector<1x256xf32>
    %add3A_24 = vector.broadcast %get3A_23 : vector<1x256xf32> to vector<512x256xf32>
    %add3A_25 = arith.addf %mul3A_20, %add3A_24 : vector<512x256xf32>
    %max3A = arith.constant 0.000000e+00 : f32
    %max3A_26 = vector.broadcast %max3A : f32 to vector<512x256xf32>
    %max3A_27 = arith.maximumf %add3A_25, %max3A_26 : vector<512x256xf32>
    %get3A_28 = arith.constant 0 : index
    %get3A_29 = arith.constant 0 : index
    %get3A_30 = arith.constant 0 : index
    %get3A_31 = vector.load %arg7[%get3A_28, %get3A_29, %get3A_30] : memref<1x1x512xi32, #tpu.memory_space<vmem>>, vector<1x1x512xi32>
    %reshape3A = vector.shape_cast %get3A_31 : vector<1x1x512xi32> to vector<1x512xi32>
    %iota3A = tpu.iota {dimensions = array<i32: 0>} : vector<64x1xi32>
    %eq3A_32 = vector.broadcast %iota3A : vector<64x1xi32> to vector<64x512xi32>
    %eq3A_33 = vector.broadcast %reshape3A : vector<1x512xi32> to vector<64x512xi32>
    %eq3A_34 = arith.cmpi eq, %eq3A_32, %eq3A_33 : vector<64x512xi32>
    %convert_element_type3A_35 = arith.extui %eq3A_34 : vector<64x512xi1> to vector<64x512xi32>
    %convert_element_type3A_36 = arith.sitofp %convert_element_type3A_35 : vector<64x512xi32> to vector<64x512xf32>
    %get3A_37 = arith.constant 0 : index
    %get3A_38 = arith.constant 0 : index
    %get3A_39 = vector.load %arg11[%get3A_37, %get3A_38] : memref<64x256xf32, #tpu.memory_space<vmem>>, vector<64x256xf32>
    %dot_general3A = arith.constant dense<0.000000e+00> : vector<64x256xf32>
    %dot_general3A_40 = tpu.matmul %convert_element_type3A_36, %max3A_27, %dot_general3A {dimension_numbers = #tpu.dot_dimension_numbers<[1], [0], [0], [1], [0, 0, 1, 1], [], []>, precision = #tpu.contract_precision<fp32>, transpose_lhs_hint = false} : vector<64x512xf32>, vector<512x256xf32>, vector<64x256xf32> -> vector<64x256xf32>
    %add3A_41 = arith.addf %get3A_39, %dot_general3A_40 : vector<64x256xf32>
    %swap3A = arith.constant 0 : index
    %swap3A_42 = arith.constant 0 : index
    %swap3A_43 = vector.load %arg11[%swap3A, %swap3A_42] : memref<64x256xf32, #tpu.memory_space<vmem>>, vector<64x256xf32>
    tpu.vector_store %arg11[%swap3A, %swap3A_42], %add3A_41 {strides = array<i32>} : memref<64x256xf32, #tpu.memory_space<vmem>>, vector<64x256xf32>,
    %get3A_44 = arith.constant 0 : index
    %get3A_45 = arith.constant 0 : index
    %get3A_46 = vector.load %arg12[%get3A_44, %get3A_45] : memref<64x128xf32, #tpu.memory_space<vmem>>, vector<64x128xf32>
    %broadcast_in_dim3A = arith.constant 1.000000e+00 : f32
    %broadcast_in_dim3A_47 = vector.broadcast %broadcast_in_dim3A : f32 to vector<512x128xf32>
    %dot_general3A_48 = arith.constant dense<0.000000e+00> : vector<64x128xf32>
    %dot_general3A_49 = tpu.matmul %convert_element_type3A_36, %broadcast_in_dim3A_47, %dot_general3A_48 {dimension_numbers = #tpu.dot_dimension_numbers<[1], [0], [0], [1], [0, 0, 1, 1], [], []>, precision = #tpu.contract_precision<fp32>, transpose_lhs_hint = false} : vector<64x512xf32>, vector<512x128xf32>, vector<64x128xf32> -> vector<64x128xf32>
    %add3A_50 = arith.addf %get3A_46, %dot_general3A_49 : vector<64x128xf32>
    %swap3A_51 = arith.constant 0 : index
    %swap3A_52 = arith.constant 0 : index
    %swap3A_53 = vector.load %arg12[%swap3A_51, %swap3A_52] : memref<64x128xf32, #tpu.memory_space<vmem>>, vector<64x128xf32>
    tpu.vector_store %arg12[%swap3A_51, %swap3A_52], %add3A_50 {strides = array<i32>} : memref<64x128xf32, #tpu.memory_space<vmem>>, vector<64x128xf32>,
    %eq3A_54 = arith.constant 19 : i32
    %eq3A_55 = arith.cmpi eq, %arg0, %eq3A_54 : i32
    %convert_element_type3A_56 = arith.extui %eq3A_55 : i1 to i32
    %cond3A_57 = arith.constant 0 : i32
    %cond3A_58 = arith.cmpi ne, %convert_element_type3A_56, %cond3A_57 : i32
    scf.if %cond3A_58 {
      %get3A_59 = arith.constant 0 : index
      %get3A_60 = arith.constant 0 : index
      %get3A_61 = vector.load %arg11[%get3A_59, %get3A_60] : memref<64x256xf32, #tpu.memory_space<vmem>>, vector<64x256xf32>
      %get3A_62 = arith.constant 0 : index
      %get3A_63 = arith.constant 0 : index
      %get3A_64 = vector.load %arg12[%get3A_62, %get3A_63] : memref<64x128xf32, #tpu.memory_space<vmem>>, vector<64x1xf32>
      %max3A_65 = arith.constant 1.000000e+00 : f32
      %max3A_66 = vector.broadcast %max3A_65 : f32 to vector<64x1xf32>
      %max3A_67 = arith.maximumf %get3A_64, %max3A_66 : vector<64x1xf32>
      %div3A = vector.broadcast %max3A_67 : vector<64x1xf32> to vector<64x256xf32>
      %div3A_68 = arith.divf %get3A_61, %div3A : vector<64x256xf32>
      %get3A_69 = arith.constant 0 : index
      %get3A_70 = arith.constant 0 : index
      %get3A_71 = vector.load %arg8[%get3A_69, %get3A_70] : memref<128x256xf32, #tpu.memory_space<vmem>>, vector<128x256xf32>
      %dot_general3A_72 = arith.constant dense<0.000000e+00> : vector<64x128xf32>
      %dot_general3A_73 = tpu.matmul %div3A_68, %get3A_71, %dot_general3A_72 {dimension_numbers = #tpu.dot_dimension_numbers<[1], [1], [0], [0], [0, 0, 1, 0], [], []>, precision = #tpu.contract_precision<fp32>, transpose_lhs_hint = false} : vector<64x256xf32>, vector<128x256xf32>, vector<64x128xf32> -> vector<64x128xf32>
      %get3A_74 = arith.constant 0 : index
      %get3A_75 = arith.constant 0 : index
      %get3A_76 = vector.load %arg9[%get3A_74, %get3A_75] : memref<1x128xf32, #tpu.memory_space<vmem>>, vector<1x128xf32>
      %add3A_77 = vector.broadcast %get3A_76 : vector<1x128xf32> to vector<64x128xf32>
      %add3A_78 = arith.addf %dot_general3A_73, %add3A_77 : vector<64x128xf32>
      %swap3A_79 = arith.constant 0 : index
      %swap3A_80 = arith.constant 0 : index
      %swap3A_81 = vector.load %arg10[%swap3A_79, %swap3A_80] : memref<64x128xf32, #tpu.memory_space<vmem>>, vector<64x128xf32>
      tpu.vector_store %arg10[%swap3A_79, %swap3A_80], %add3A_78 {strides = array<i32>} : memref<64x128xf32, #tpu.memory_space<vmem>>, vector<64x128xf32>,
    } else {
    }
    return
  }
  func.func @transform_0(%arg0: i32) -> (i32, i32) {
    %c0_i32 = arith.constant 0 : i32
    %c0_i32_0 = arith.constant 0 : i32
    return %arg0, %c0_i32 : i32, i32
  }
  func.func @transform_1(%arg0: i32) -> (i32, i32) {
    %c0_i32 = arith.constant 0 : i32
    %c0_i32_0 = arith.constant 0 : i32
    return %arg0, %c0_i32 : i32, i32
  }
  func.func @transform_2(%arg0: i32) -> (i32, i32) {
    %c0_i32 = arith.constant 0 : i32
    %c0_i32_0 = arith.constant 0 : i32
    return %arg0, %c0_i32 : i32, i32
  }
  func.func @transform_3(%arg0: i32) -> (i32, i32) {
    %c0_i32 = arith.constant 0 : i32
    %c0_i32_0 = arith.constant 0 : i32
    return %arg0, %c0_i32 : i32, i32
  }
  func.func @transform_4(%arg0: i32) -> (i32, i32) {
    %c0_i32 = arith.constant 0 : i32
    %c0_i32_0 = arith.constant 0 : i32
    return %arg0, %c0_i32 : i32, i32
  }
  func.func @transform_5(%arg0: i32) -> (i32, i32) {
    %c0_i32 = arith.constant 0 : i32
    %c0_i32_0 = arith.constant 0 : i32
    %c0_i32_1 = arith.constant 0 : i32
    return %c0_i32, %c0_i32_0 : i32, i32
  }
  func.func @transform_6(%arg0: i32) -> (i32, i32, i32) {
    %c0_i32 = arith.constant 0 : i32
    %c0_i32_0 = arith.constant 0 : i32
    %c0_i32_1 = arith.constant 0 : i32
    return %arg0, %c0_i32, %c0_i32_0 : i32, i32, i32
  }
  func.func @transform_7(%arg0: i32) -> (i32, i32) {
    %c0_i32 = arith.constant 0 : i32
    %c0_i32_0 = arith.constant 0 : i32
    %c0_i32_1 = arith.constant 0 : i32
    return %c0_i32, %c0_i32_0 : i32, i32
  }
  func.func @transform_8(%arg0: i32) -> (i32, i32) {
    %c0_i32 = arith.constant 0 : i32
    %c0_i32_0 = arith.constant 0 : i32
    %c0_i32_1 = arith.constant 0 : i32
    return %c0_i32, %c0_i32_0 : i32, i32
  }
  func.func @transform_9(%arg0: i32) -> (i32, i32) {
    %c0_i32 = arith.constant 0 : i32
    %c0_i32_0 = arith.constant 0 : i32
    %c0_i32_1 = arith.constant 0 : i32
    return %c0_i32, %c0_i32_0 : i32, i32
  }
}

</mosaic_0001>

<sc_bundles>
// kernel: kernel.10.cloned.1.call-start
scs
__scs_entry_jumppad:
0x0: {  	(pc) =	sbr.rel $0x88, $3  }
0x1: {  	(tag) =	ssettag $0x0;
	lr =	simm.s32 $0x1  }
0x2: {  	[smem:$0x3F96] =	sst lr;
	_ =	strace $0xD0000000  }
0x3: {  	_ = 	snop  }
0x4: {  	_ = 	snop  }
0x5: {  	_ = 	snop  }
0x6: {  	_ = 	snop  }
0x7: {  	_ = 	snop  }
__scs_overlays_trampoline_lowered:
0x8: {  	[smem:$0x3FA5] =	sst s0  }
0x9: {  	[smem:$0x3FA6] =	sst s1  }
0xa: {  	[smem:$0x3FA7] =	sst s2  }
0xb: {  	[smem:$0x3FA8] =	sst s3  }
0xc: {  	[smem:$0x3FA9] =	sst s4  }
0xd: {  	[smem:$0x3FAA] =	sst s5  }
0xe: {  	[smem:$0x3FAB] =	sst s6  }
0xf: {  	[smem:$0x3FAC] =	sst s7  }
0x10: {  	[smem:$0x3FAD] =	sst s8  }
0x11: {  	[smem:$0x3FAE] =	sst s9;
	s0 =	simm.s32 @!p0 $0x0  }
0x12: {  	s1 =	sld [smem:$0x3F94];
	s0 =	simm.s32 @p0 $0x1  }
0x13: {  	[smem:$0x3FAF] =	sst s0;
	s0 =	simm.s32 @!p1 $0x0  }
0x14: {  	s2 =	sld [smem:$0x3F93];
	s0 =	simm.s32 @p1 $0x1  }
0x15: {  	[smem:$0x3FB0] =	sst s0;
	s0 =	simm.s32 @!p2 $0x0  }
0x16: {  	s3 =	sld [smem:$0x3FDB];
	s0 =	simm.s32 @p2 $0x1  }
0x17: {  	s4 =	simm.s32 $0x1BF5;
	[smem:$0x3FB2] =	sst s0  }
0x18: {  	s0 =	sld [smem:$0x3F95];
	_ =	swait.ge [sflag:s4], $0x0  }
0x19: {  	s7 =	sld [smem:$0x3F96]  }
0x1a: {  	s8 =	sadd.s32 $0xFFFFE003, lr  }
0x1b: {  	s9 =	sadd.s32 $0xFFFFFEF7, lr;
	s5 =	simm.s32 $0xFFFFFFFF;
	p2 =	slt.u32 s8, $0xFFFFF086  }
0x1c: {  	p1 =	slt.u32 s9, $0xF7A;
	s5 =	simm.s32 @!p2 $0x0  }
0x1d: {  	s5 =	simm.s32 @p1 $0x1;
	p0 =	seq.s32 s7, s2  }
0x1e: {  	s7 =	smul.u32 @!p0 $0xF7A, s2;
	p2 =	seq.s32 @!p0 s5, $0x0  }
0x1f: {  	s9 =	smul.u32 $0xF7A, s1;
	s8 =	simm.s32 @!p0 $0x1BF5;
	p2 =	por !p2, p0  }
0x20: {  	[sflag:s8] =	ssyncset.s32 @!p0 $0xFFFFF086;
	s6 =	sadd.s32 @!p0 s3, s7;
	s7 =	simm.s32 @!p0 $0x108  }
0x21: {  	s3 =	sadd.s32 s3, s9;
	s6 =	sadd.s32 @!p0 $0x88, s6;
	s7 =	simm.s32 @p2 $0x1082  }
0x22: {  	[simem:s7], [sflag:s8] =	dma.local @!p0 [hbm:s6], $0xF7A  }
0x23: {  	s9 =	sor.u32 $0xD0000000, s2;
	s6 =	simm.s32 $0x108;
	_ =	swait.ge @!p0 [sflag:s8], $0x0  }
0x24: {  	s3 =	sadd.s32 $0x88, s3;
	s6 =	simm.s32 @!p1 $0x1082;
	[sflag:s4] =	ssyncset.s32 $0xFFFFF086  }
0x25: {  	[simem:s6], [sflag:s4] =	dma.local [hbm:s3], $0xF7A  }
0x26: {  	[smem:$0x3F96] =	sst s1;
	(tag) =	ssettag s2;
	_ =	strace s9  }
0x27: {  	s1 =	sld [smem:$0x3FA6]  }
0x28: {  	s2 =	sld [smem:$0x3FA7]  }
0x29: {  	s4 =	sld [smem:$0x3FA9]  }
0x2a: {  	p0 =	seq.s32 s5, $0x0;
	s5 =	sld [smem:$0x3FAA]  }
0x2b: {  	s6 =	sld [smem:$0x3FAB]  }
0x2c: {  	s7 =	sld [smem:$0x3FAC]  }
0x2d: {  	s3 =	simm.s32 $0x108;
	s8 =	sld [smem:$0x3FAD]  }
0x2e: {  	s3 =	simm.s32 @!p0 $0x1082;
	s9 =	sld [smem:$0x3FAE]  }
0x2f: {  	lr =	sadd.s32 s0, s3;
	s0 =	sld [smem:$0x3FA5]  }
0x30: {  	s3 =	sld [smem:$0x3FA8]  }
0x31: {  	[smem:$0x3FB1] =	sst s10  }
0x32: {  	s10 =	sld [smem:$0x3FAF];
	_ =	sdelay $0x3  }
0x33: {  	p0 =	seq.s32 s10, $0x1;
	s10 =	sld [smem:$0x3FB1];
	_ =	sdelay $0x3  }
0x34: {  	[smem:$0x3FB1] =	sst s10  }
0x35: {  	s10 =	sld [smem:$0x3FB0];
	_ =	sdelay $0x3  }
0x36: {  	p1 =	seq.s32 s10, $0x1;
	s10 =	sld [smem:$0x3FB1];
	_ =	sdelay $0x3  }
0x37: {  	[smem:$0x3FB1] =	sst s10  }
0x38: {  	s10 =	sld [smem:$0x3FB2]  }
0x39: {  	_ = 	snop;
	(pc) =	sbr.ind lr, $3  }
0x3a: {  	_ = 	snop  }
0x3b: {  	_ = 	snop  }
0x3c: {  	p2 =	seq.s32 s10, $0x1;
	s10 =	sld [smem:$0x3FB1]  }
0x3d: {  	_ =	shalt  }
0x3e: {  	_ =	shalt  }
0x3f: {  	_ =	shalt  }
0x40: {  	_ =	shalt  }
0x41: {  	_ =	shalt  }
0x42: {  	_ =	shalt  }
0x43: {  	_ =	shalt  }
0x44: {  	_ =	shalt  }
0x45: {  	_ =	shalt  }
0x46: {  	_ =	shalt  }
0x47: {  	_ =	shalt  }
0x48: {  	_ =	shalt  }
0x49: {  	_ =	shalt  }
0x4a: {  	_ =	shalt  }
0x4b: {  	_ =	shalt  }
0x4c: {  	_ =	shalt  }
0x4d: {  	_ =	shalt  }
0x4e: {  	_ =	shalt  }
0x4f: {  	_ =	shalt  }
0x50: {  	_ =	shalt  }
0x51: {  	_ =	shalt  }
0x52: {  	_ =	shalt  }
0x53: {  	_ =	shalt  }
0x54: {  	_ =	shalt  }
0x55: {  	_ =	shalt  }
0x56: {  	_ =	shalt  }
0x57: {  	_ =	shalt  }
0x58: {  	_ =	shalt  }
0x59: {  	_ =	shalt  }
0x5a: {  	_ =	shalt  }
0x5b: {  	_ =	shalt  }
0x5c: {  	_ =	shalt  }
0x5d: {  	_ =	shalt  }
0x5e: {  	_ =	shalt  }
0x5f: {  	_ =	shalt  }
0x60: {  	_ =	shalt  }
0x61: {  	_ =	shalt  }
0x62: {  	_ =	shalt  }
0x63: {  	_ =	shalt  }
0x64: {  	_ =	shalt  }
0x65: {  	_ =	shalt  }
0x66: {  	_ =	shalt  }
0x67: {  	_ =	shalt  }
0x68: {  	_ =	shalt  }
0x69: {  	_ =	shalt  }
0x6a: {  	_ =	shalt  }
0x6b: {  	_ =	shalt  }
0x6c: {  	_ =	shalt  }
0x6d: {  	_ =	shalt  }
0x6e: {  	_ =	shalt  }
0x6f: {  	_ =	shalt  }
0x70: {  	_ =	shalt  }
0x71: {  	_ =	shalt  }
0x72: {  	_ =	shalt  }
0x73: {  	_ =	shalt  }
0x74: {  	_ =	shalt  }
0x75: {  	_ =	shalt  }
0x76: {  	_ =	shalt  }
0x77: {  	_ =	shalt  }
0x78: {  	_ =	shalt  }
0x79: {  	_ =	shalt  }
0x7a: {  	_ =	shalt  }
0x7b: {  	_ =	shalt  }
0x7c: {  	_ =	shalt  }
0x7d: {  	_ =	shalt  }
0x7e: {  	_ =	shalt  }
0x7f: {  	_ =	shalt  }
0x80: {  	_ =	shalt  }
0x81: {  	_ =	shalt  }
0x82: {  	_ =	shalt  }
0x83: {  	_ =	shalt  }
0x84: {  	_ =	shalt  }
0x85: {  	_ =	shalt  }
0x86: {  	_ =	shalt  }
0x87: {  	_ =	shalt  }
.Lfunc_end0:
.L_simem_size_0:
called_computation_lowered:
.L_overlay_start_0:
0x88: {  	s2 =	sld [smem:$0x3FD9]  }
0x89: {  	s3 =	sld [smem:$0x3FFE];
	_ =	sdelay $0x1  }
0x8a: {  	s1 =	srdreg.scid  }
0x8b: {  	s0 =	sand.u32 $0x1, s1  }
0x8c: {  	s16 =	sshll.u32 s0, $0xA;
	s2 =	sadd.s32 s3, s2  }
0x8d: {  	s2 =	sadd.s32 s2, s16  }
0x8e: {  	[smem:$0x3FBD] =	sst s2  }
0x8f: {  	_ = 	snop  }
0x90: {  	(tm) =	ssettm $0x1  }
0x91: {  	s17 =	sld [smem:$0x3FFB];
	_ =	sdelay $0x3  }
0x92: {  	_ =	strace s17  }
0x93: {  	s2 =	sld [smem:$0x3FFC];
	_ =	sdelay $0x3  }
0x94: {  	_ =	strace s2  }
0x95: {  	s2 =	sld [smem:$0x3FFD];
	_ =	sdelay $0x3  }
0x96: {  	_ =	strace s2  }
0x97: {  	_ =	strace $0x8FFFFFFF  }
0x98: {  	s18 =	sld [smem:$0x3FDB];
	_ =	sdelay $0x1  }
0x99: {  	s19 =	simm.s32 $_scs_section_size  }
0x9a: {  	s4 =	simm.s32 $_size__tile_overlayer_lowered;
	s5 =	simm.s32 $_tile_overlayer_lowered  }
0x9b: {  	s22 =	simm.s32 $0x1BFF;
	s21 =	sshll.u32 s5, $0x1;
	s2 =	sadd.s32 s19, s18  }
0x9c: {  	s6 =	simm.s32 $0x0;
	s20 =	sshll.u32 s4, $0x1;
	s4 =	sadd.s32 s21, s2  }
0x9d: {  	[timem:s6], [sflag:s22] =	dma.local [hbm:s4], s20  }
0x9e: {  	_ =	swait.ge [sflag:s22], s20  }
0x9f: {  	s3 =	ssub.s32 $0x0, s20;
	[sflag:s22] =	ssyncset.done $0x0  }
0xa0: {  	[sflag:s22] =	ssyncadd.s32 s3;
	_ =	sdelay $0x1  }
0xa1: {  	s23 =	simm.s32 $0x1B8B  }
0xa2: {  	_ =	swait.ge [sflag:s23], $0x1  }
0xa3: {  	[sflag:s23] =	ssyncset.done $0x0  }
0xa4: {  	s25 =	simm.s32 $0x1B8E;
	s24 =	sld [smem:$0x3FFE];
	[sflag:s23] =	ssyncadd.s32 $0xFFFFFFFF  }
0xa5: {  	s26 =	simm.s32 $execute0_lowered;
	[smem:$0x3FD2] =	sst s25  }
0xa6: {  	s4 =	sshll.u32 s26, $0x1;
	_ =	strace $0x80000046;
	[dreg:$0x1] =	wrdreg $0xFFFFFFFF  }
0xa7: {  	s28 =	simm.s32 $_size_execute0_lowered;
	s2 =	sadd.s32 s2, s4;
	[dreg:$0x0] =	wrdreg $0x0  }
0xa8: {  	s4 =	sshll.u32 s28, $0x1;
	[dreg:$0x2] =	wrdreg s2  }
0xa9: {  	[dreg:$0x3] =	wrdreg s4  }
0xaa: {  	[dreg:$0x4] =	wrdreg $0xC0  }
0xab: {  	_ =	task [dreg:s6], $0x5FFFF  }
0xac: {  	[dreg:$0x1] =	wrdreg $0xFFFFFFFF  }
0xad: {  	[dreg:$0x0] =	wrdreg $0x60  }
0xae: {  	[dreg:$0x2] =	wrdreg s24  }
0xaf: {  	[dreg:$0x3] =	wrdreg $0xA8000  }
0xb0: {  	[dreg:$0x4] =	wrdreg $0x9  }
0xb1: {  	_ =	task.clear_ibuf [dreg:s6], $0x5FFFF;
	_ =	strace $0x90000046  }
0xb2: {  	s29 =	simm.s32 $0x9;
	_ =	strace $0x80000048  }
0xb3: {  	_ =	swait.ge [sflag:s29], $0x1  }
0xb4: {  	[sflag:s29] =	ssyncadd.s32 $0xFFFFFFFF  }
0xb5: {  	_ =	strace $0x90000048  }
0xb6: {  	_ =	sfence  }
0xb7: {  	s30 =	sld [smem:$0x0];
	_ =	sdelay $0x2  }
0xb8: {  	s31 =	sshll.u32 s1, $0xD;
	s1 =	sshrl.u32 s1, $0x2  }
0xb9: {  	s3 =	sand.u32 $0x4000, s31;
	s1 =	sadd.s32 s1, s30  }
0xba: {  	s0 =	sor.u32 s3, s0;
	s1 =	sshll.u32 s1, $0x11  }
0xbb: {  	s0 =	sor.u32 s1, s0  }
0xbc: {  	s0 =	sadd.s32 $0x8F2B, s0  }
0xbd: {  	[sflag:s0] =	ssyncadd.remote.s32 $0x1  }
0xbe: {  	_ =	sfence.sel $0xFFFF  }
0xbf: {  	[dreg:$0x0] =	wrdreg $0xFFFFFFFF;
	(pc) =	sbr.abs _section_cstart, $3  }
0xc0: {  	[dreg:$0x1] =	wrdreg $0xFFFFFFFF  }
0xc1: {  	_ =	task.clear_ibuf [dreg:s6], $0x2FFFF;
	_ =	strace $0x9FFFFFFF  }
0xc2: {  	(tm) =	ssettm $0x7FFFFFFF  }
0xc3: {  	_ =	shalt  }
tec
execute0_lowered:
.L_overlay_start_1:
0x0: {  	(tag) =	ssettag $0x1  }
0x1: {  	s9 =	rddreg [dreg:$0x0]  }
0x2: {  	s2 =	rddreg [dreg:$0x1]  }
0x3: {  	s0 =	rddreg [dreg:$0x2]  }
0x4: {  	s1 =	stileid.u32;
	s3 =	simm.s32 $0x0;
	s5 =	srdreg.scid  }
0x5: {  	s12 =	simm.s32 $0x31800;
	s15 =	simm.s32 $0x80;
	s4 =	smul.u32 $0x500, s1  }
0x6: {  	s16 =	simm.s32 $0x2800;
	s19 =	simm.s32 $0x0;
	s31 =	smul.u32 $0x50000, s1  }
0x7: {  	[smem:$0x7FF] =	sst s3;
	s10 =	sand.u32 $0x1, s5;
	s13 =	smul.u32 $0x2800, s1  }
0x8: {  	s17 =	sshll.u32 s1, $0x6;
	_ =	strace $0x80000047;
	s6 =	ssub.s32 $0x2, s10  }
0x9: {  	p0 =	seq.s32 s10, $0x1;
	s14 =	smul.u32 $0x5000, s10;
	s17 =	sor.u32 $0x1C01, s17  }
0xa: {  	s4 =	sadd.s32 s4, s9;
	s7 =	sshrl.u32 s6, $0x1;
	s5 =	sshrl.u32 s31, $0x2  }
0xb: {  	s12 =	simm.s32 @!p0 $0x9800;
	s11 =	ssub.s32 s6, s7;
	s5 =	sadd.s32 s5, s2  }
0xc: {  	s4 =	sadd.s32 $0x4800, s4;
	s12 =	sadd.s32 s12, s9;
	s6 =	sadd.s32 $0x4000, s5  }
0xd: {  	s7 =	sadd.s32 $0x8000, s5;
	s8 =	sadd.s32 $0xC000, s5;
	s9 =	sadd.s32 $0x10000, s5  }
0xe: {  	s10 =	smax.u32 s11, $0x1;
	s11 =	sadd.s32 s12, s13;
	s12 =	sshrl.u32 s14, $0x2  }
0xf: {  	v0 =	vimm.f32 $1.000000000e+00;
	v1 =	vimm.f32 $0.0e+00;
	s13 =	simm.s32 $0x1;
	s14 =	simm.s32 $0x6800;
	s18 =	sshrl.u32 s5, $0x3  }
.LBB2_1:
0x10: {  	[tilespmem:s3], [sflag:$0x1] =	stream.linear.gather [hbm4b:s4+s3], $0x2800, $0x38;
	[tilespmem:$0xD000] =	vst v63  }
0x11: {  	_ =	swait.ge [sflag:s13], $0x2800  }
0x12: {  	[sflag:s13] =	ssyncset.done $0x0  }
0x13: {  	s20 =	simm.s32 $0x200;
	s21 =	simm.s32 $0x0;
	[sflag:s13] =	ssyncadd.s32 $0xFFFFD800  }
.LBB2_2:
0x14: {  	p0 =	sne.s32 s20, $0xFE00;
	[tilespmem:s21+$0x2800] =	vst v0;
	s22 =	smov.u32 s20;
	s20 =	sadd.s32 $0x200, s20  }
.Ltmp0:
0x15: {  	[tilespmem:s21+$0x6800] =	vst v1;
	(pc) =	sbr.rel @p0 .LBB2_2-.Ltmp0, $2  }
0x16: {  	_ =	sdelay $0x2  }
0x17: {  	s21 =	sshra.s32 s22, $0x2  }
0x18: {  	[tilespmem:s21+$0x2800] =	vst v0  }
0x19: {  	[tilespmem:s21+$0x6800] =	vst v1  }
0x1a: {  	[spmem:s5] =	stream.linear.scatter [tilespmem:s14], [sflag:$0x1], $0x4000, $0x38;
	[tilespmem:$0xD000] =	vst v63  }
0x1b: {  	_ =	swait.ge [sflag:s13], $0x4000  }
0x1c: {  	[sflag:s13] =	ssyncset.done $0x0  }
0x1d: {  	[sflag:s13] =	ssyncadd.s32 $0xFFFFC000  }
0x1e: {  	[spmem:s6] =	stream.linear.scatter [tilespmem:s14], [sflag:$0x1], $0x4000, $0x38;
	[tilespmem:$0xD000] =	vst v63  }
0x1f: {  	_ =	swait.ge [sflag:s13], $0x4000  }
0x20: {  	[sflag:s13] =	ssyncset.done $0x0  }
0x21: {  	[sflag:s13] =	ssyncadd.s32 $0xFFFFC000  }
0x22: {  	[spmem:s7] =	stream.linear.scatter [tilespmem:s14], [sflag:$0x1], $0x4000, $0x38;
	[tilespmem:$0xD000] =	vst v63  }
0x23: {  	_ =	swait.ge [sflag:s13], $0x4000  }
0x24: {  	[sflag:s13] =	ssyncset.done $0x0  }
0x25: {  	[sflag:s13] =	ssyncadd.s32 $0xFFFFC000  }
0x26: {  	[spmem:s8] =	stream.linear.scatter [tilespmem:s14], [sflag:$0x1], $0x4000, $0x38;
	[tilespmem:$0xD000] =	vst v63  }
0x27: {  	_ =	swait.ge [sflag:s13], $0x4000  }
0x28: {  	[sflag:s13] =	ssyncset.done $0x0  }
0x29: {  	[sflag:s13] =	ssyncadd.s32 $0xFFFFC000  }
0x2a: {  	[spmem:s9] =	stream.linear.scatter [tilespmem:s14], [sflag:$0x1], $0x4000, $0x38;
	[tilespmem:$0xD000] =	vst v63  }
0x2b: {  	_ =	swait.ge [sflag:s13], $0x4000  }
0x2c: {  	[sflag:s13] =	ssyncset.done $0x0  }
0x2d: {  	[sflag:s13] =	ssyncadd.s32 $0xFFFFC000  }
0x2e: {  	s20 =	sadd.s32 $0x0, s12;
	[bflag:$0x0] =	sbarrier.arrive $0xFFFF  }
0x2f: {  	[spmem:s2] =	stream.indirect.scatter.add.f32 [tilespmem:s16], [sflag:$0x1], $0x10, s20, s15, $0xb8;
	[tilespmem:$0xD000] =	vst v63  }
0x30: {  	s20 =	simm.s32 $0x200;
	_ =	swait.ge [sflag:s13], $0x800  }
.LBB2_4:
0x31: {  	s21 =	sshra.s32 s20, $0x2;
	[sflag:s13] =	ssyncset.done $0x0;
	p0 =	sne.s32 s20, $0x4E00  }
.Ltmp1:
0x32: {  	s21 =	sadd.s32 s21, s12;
	[sflag:s13] =	ssyncadd.s32 $0xFFFFF800;
	(pc) =	sbr.rel @p0 .LBB2_4-.Ltmp1, $3  }
0x33: {  	[spmem:s2] =	stream.indirect.scatter.add.f32 [tilespmem:s16], [sflag:$0x1], $0x10, s21, s15, $0xb8;
	[tilespmem:$0xD000] =	vst v63  }
0x34: {  	s20 =	sadd.s32 $0x200, s20;
	_ =	sdelay $0x1  }
0x35: {  	_ =	swait.ge [sflag:s13], $0x800  }
0x36: {  	[sflag:s13] =	ssyncset.done $0x0;
	s19 =	sadd.s32 $0x1, s19  }
0x37: {  	[sflag:s13] =	ssyncadd.s32 $0xFFFFF800;
	p0 =	sne.s32 s19, s10  }
.Ltmp2:
0x38: {  	[bflag:$0x0] =	sbarrier.arrive $0xFFFF;
	(pc) =	sbr.rel @p0 .LBB2_1-.Ltmp2, $4  }
0x39: {  	[hbm:s11], [sflag:s17] =	dma.local [spmem:s18], $0x2800  }
0x3a: {  	_ =	swait.ge [sflag:s13], $0x2800  }
0x3b: {  	[sflag:s13] =	ssyncset.done $0x0  }
0x3c: {  	[sflag:s13] =	ssyncadd.s32 $0xFFFFD800  }
0x3d: {  	_ =	sfence.sel $0x180000  }
0x3e: {  	[bflag:$0x0] =	sbarrier.arrive $0xFFFF  }
0x3f: {  	p0 =	sne.s32 s1, $0x0;
	_ =	strace $0x90000047  }
0x40: {  	s0 =	sadd.s32 @!p0 $0x100000, s0;
	[bflag:$0x2] =	sbarrier.arrive $0xFFFF  }
0x41: {  	[sflag:s0] =	ssyncadd.tile.s32 @!p0 $0x1;
	_ =	shalt  }
.Lfunc_end2:
_tile_overlayer_lowered:
.L_overlay_start_2:
0x42: {  	(tag) =	ssettag $0x2  }
0x43: {  	s0 =	rddreg [dreg:$0x0];
	s2 =	stileid.u32  }
0x44: {  	s1 =	rddreg [dreg:$0x1];
	p0 =	sne.s32 s2, $0x0  }
0x45: {  	s3 =	rddreg [dreg:$0x2];
	[bflag:$0x3] =	sbarrier.arrive $0xFFFF;
	s2 =	simm.s32 @!p0 $0x1C01  }
0x46: {  	[timem:s3], [sflag:s2] =	dma.local @!p0 [hbm:s0], s1  }
0x47: {  	s0 =	simm.s32 @!p0 $0x1  }
0x48: {  	_ =	swait.ge @!p0 [sflag:s0], s1  }
0x49: {  	s1 =	ssub.s32 @!p0 $0x0, s1;
	[sflag:s0] =	ssyncset.done @!p0 $0x0  }
0x4a: {  	[sflag:s0] =	ssyncadd.s32 @!p0 s1  }
0x4b: {  	[bflag:$0x3] =	sbarrier.arrive $0xFFFF  }
0x4c: {  	_ =	shalt  }

// kernel: kernel.13.cloned.1.call-start
scs
__scs_entry_jumppad:
0x0: {  	(pc) =	sbr.rel $0x88, $3  }
0x1: {  	(tag) =	ssettag $0x0;
	lr =	simm.s32 $0x1  }
0x2: {  	[smem:$0x3F96] =	sst lr;
	_ =	strace $0xD0000000  }
0x3: {  	_ = 	snop  }
0x4: {  	_ = 	snop  }
0x5: {  	_ = 	snop  }
0x6: {  	_ = 	snop  }
0x7: {  	_ = 	snop  }
__scs_overlays_trampoline_lowered:
0x8: {  	[smem:$0x3FA5] =	sst s0  }
0x9: {  	[smem:$0x3FA6] =	sst s1  }
0xa: {  	[smem:$0x3FA7] =	sst s2  }
0xb: {  	[smem:$0x3FA8] =	sst s3  }
0xc: {  	[smem:$0x3FA9] =	sst s4  }
0xd: {  	[smem:$0x3FAA] =	sst s5  }
0xe: {  	[smem:$0x3FAB] =	sst s6  }
0xf: {  	[smem:$0x3FAC] =	sst s7  }
0x10: {  	[smem:$0x3FAD] =	sst s8  }
0x11: {  	[smem:$0x3FAE] =	sst s9;
	s0 =	simm.s32 @!p0 $0x0  }
0x12: {  	s1 =	sld [smem:$0x3F94];
	s0 =	simm.s32 @p0 $0x1  }
0x13: {  	[smem:$0x3FAF] =	sst s0;
	s0 =	simm.s32 @!p1 $0x0  }
0x14: {  	s2 =	sld [smem:$0x3F93];
	s0 =	simm.s32 @p1 $0x1  }
0x15: {  	[smem:$0x3FB0] =	sst s0;
	s0 =	simm.s32 @!p2 $0x0  }
0x16: {  	s3 =	sld [smem:$0x3FDB];
	s0 =	simm.s32 @p2 $0x1  }
0x17: {  	s4 =	simm.s32 $0x1BF5;
	[smem:$0x3FB2] =	sst s0  }
0x18: {  	s0 =	sld [smem:$0x3F95];
	_ =	swait.ge [sflag:s4], $0x0  }
0x19: {  	s7 =	sld [smem:$0x3F96]  }
0x1a: {  	s8 =	sadd.s32 $0xFFFFE003, lr  }
0x1b: {  	s9 =	sadd.s32 $0xFFFFFEF7, lr;
	s5 =	simm.s32 $0xFFFFFFFF;
	p2 =	slt.u32 s8, $0xFFFFF086  }
0x1c: {  	p1 =	slt.u32 s9, $0xF7A;
	s5 =	simm.s32 @!p2 $0x0  }
0x1d: {  	s5 =	simm.s32 @p1 $0x1;
	p0 =	seq.s32 s7, s2  }
0x1e: {  	s7 =	smul.u32 @!p0 $0xF7A, s2;
	p2 =	seq.s32 @!p0 s5, $0x0  }
0x1f: {  	s9 =	smul.u32 $0xF7A, s1;
	s8 =	simm.s32 @!p0 $0x1BF5;
	p2 =	por !p2, p0  }
0x20: {  	[sflag:s8] =	ssyncset.s32 @!p0 $0xFFFFF086;
	s6 =	sadd.s32 @!p0 s3, s7;
	s7 =	simm.s32 @!p0 $0x108  }
0x21: {  	s3 =	sadd.s32 s3, s9;
	s6 =	sadd.s32 @!p0 $0x88, s6;
	s7 =	simm.s32 @p2 $0x1082  }
0x22: {  	[simem:s7], [sflag:s8] =	dma.local @!p0 [hbm:s6], $0xF7A  }
0x23: {  	s9 =	sor.u32 $0xD0000000, s2;
	s6 =	simm.s32 $0x108;
	_ =	swait.ge @!p0 [sflag:s8], $0x0  }
0x24: {  	s3 =	sadd.s32 $0x88, s3;
	s6 =	simm.s32 @!p1 $0x1082;
	[sflag:s4] =	ssyncset.s32 $0xFFFFF086  }
0x25: {  	[simem:s6], [sflag:s4] =	dma.local [hbm:s3], $0xF7A  }
0x26: {  	[smem:$0x3F96] =	sst s1;
	(tag) =	ssettag s2;
	_ =	strace s9  }
0x27: {  	s1 =	sld [smem:$0x3FA6]  }
0x28: {  	s2 =	sld [smem:$0x3FA7]  }
0x29: {  	s4 =	sld [smem:$0x3FA9]  }
0x2a: {  	p0 =	seq.s32 s5, $0x0;
	s5 =	sld [smem:$0x3FAA]  }
0x2b: {  	s6 =	sld [smem:$0x3FAB]  }
0x2c: {  	s7 =	sld [smem:$0x3FAC]  }
0x2d: {  	s3 =	simm.s32 $0x108;
	s8 =	sld [smem:$0x3FAD]  }
0x2e: {  	s3 =	simm.s32 @!p0 $0x1082;
	s9 =	sld [smem:$0x3FAE]  }
0x2f: {  	lr =	sadd.s32 s0, s3;
	s0 =	sld [smem:$0x3FA5]  }
0x30: {  	s3 =	sld [smem:$0x3FA8]  }
0x31: {  	[smem:$0x3FB1] =	sst s10  }
0x32: {  	s10 =	sld [smem:$0x3FAF];
	_ =	sdelay $0x3  }
0x33: {  	p0 =	seq.s32 s10, $0x1;
	s10 =	sld [smem:$0x3FB1];
	_ =	sdelay $0x3  }
0x34: {  	[smem:$0x3FB1] =	sst s10  }
0x35: {  	s10 =	sld [smem:$0x3FB0];
	_ =	sdelay $0x3  }
0x36: {  	p1 =	seq.s32 s10, $0x1;
	s10 =	sld [smem:$0x3FB1];
	_ =	sdelay $0x3  }
0x37: {  	[smem:$0x3FB1] =	sst s10  }
0x38: {  	s10 =	sld [smem:$0x3FB2]  }
0x39: {  	_ = 	snop;
	(pc) =	sbr.ind lr, $3  }
0x3a: {  	_ = 	snop  }
0x3b: {  	_ = 	snop  }
0x3c: {  	p2 =	seq.s32 s10, $0x1;
	s10 =	sld [smem:$0x3FB1]  }
0x3d: {  	_ =	shalt  }
0x3e: {  	_ =	shalt  }
0x3f: {  	_ =	shalt  }
0x40: {  	_ =	shalt  }
0x41: {  	_ =	shalt  }
0x42: {  	_ =	shalt  }
0x43: {  	_ =	shalt  }
0x44: {  	_ =	shalt  }
0x45: {  	_ =	shalt  }
0x46: {  	_ =	shalt  }
0x47: {  	_ =	shalt  }
0x48: {  	_ =	shalt  }
0x49: {  	_ =	shalt  }
0x4a: {  	_ =	shalt  }
0x4b: {  	_ =	shalt  }
0x4c: {  	_ =	shalt  }
0x4d: {  	_ =	shalt  }
0x4e: {  	_ =	shalt  }
0x4f: {  	_ =	shalt  }
0x50: {  	_ =	shalt  }
0x51: {  	_ =	shalt  }
0x52: {  	_ =	shalt  }
0x53: {  	_ =	shalt  }
0x54: {  	_ =	shalt  }
0x55: {  	_ =	shalt  }
0x56: {  	_ =	shalt  }
0x57: {  	_ =	shalt  }
0x58: {  	_ =	shalt  }
0x59: {  	_ =	shalt  }
0x5a: {  	_ =	shalt  }
0x5b: {  	_ =	shalt  }
0x5c: {  	_ =	shalt  }
0x5d: {  	_ =	shalt  }
0x5e: {  	_ =	shalt  }
0x5f: {  	_ =	shalt  }
0x60: {  	_ =	shalt  }
0x61: {  	_ =	shalt  }
0x62: {  	_ =	shalt  }
0x63: {  	_ =	shalt  }
0x64: {  	_ =	shalt  }
0x65: {  	_ =	shalt  }
0x66: {  	_ =	shalt  }
0x67: {  	_ =	shalt  }
0x68: {  	_ =	shalt  }
0x69: {  	_ =	shalt  }
0x6a: {  	_ =	shalt  }
0x6b: {  	_ =	shalt  }
0x6c: {  	_ =	shalt  }
0x6d: {  	_ =	shalt  }
0x6e: {  	_ =	shalt  }
0x6f: {  	_ =	shalt  }
0x70: {  	_ =	shalt  }
0x71: {  	_ =	shalt  }
0x72: {  	_ =	shalt  }
0x73: {  	_ =	shalt  }
0x74: {  	_ =	shalt  }
0x75: {  	_ =	shalt  }
0x76: {  	_ =	shalt  }
0x77: {  	_ =	shalt  }
0x78: {  	_ =	shalt  }
0x79: {  	_ =	shalt  }
0x7a: {  	_ =	shalt  }
0x7b: {  	_ =	shalt  }
0x7c: {  	_ =	shalt  }
0x7d: {  	_ =	shalt  }
0x7e: {  	_ =	shalt  }
0x7f: {  	_ =	shalt  }
0x80: {  	_ =	shalt  }
0x81: {  	_ =	shalt  }
0x82: {  	_ =	shalt  }
0x83: {  	_ =	shalt  }
0x84: {  	_ =	shalt  }
0x85: {  	_ =	shalt  }
0x86: {  	_ =	shalt  }
0x87: {  	_ =	shalt  }
.Lfunc_end0:
.L_simem_size_0:
called_computation.1_lowered:
.L_overlay_start_0:
0x88: {  	s2 =	sld [smem:$0x3FD9]  }
0x89: {  	s3 =	sld [smem:$0x3FFE];
	_ =	sdelay $0x1  }
0x8a: {  	s1 =	srdreg.scid  }
0x8b: {  	s0 =	sand.u32 $0x1, s1  }
0x8c: {  	s16 =	sshll.u32 s0, $0xA;
	s2 =	sadd.s32 s3, s2  }
0x8d: {  	s2 =	sadd.s32 s2, s16  }
0x8e: {  	[smem:$0x3FBD] =	sst s2  }
0x8f: {  	_ = 	snop  }
0x90: {  	(tm) =	ssettm $0x1  }
0x91: {  	s17 =	sld [smem:$0x3FFB];
	_ =	sdelay $0x3  }
0x92: {  	_ =	strace s17  }
0x93: {  	s2 =	sld [smem:$0x3FFC];
	_ =	sdelay $0x3  }
0x94: {  	_ =	strace s2  }
0x95: {  	s2 =	sld [smem:$0x3FFD];
	_ =	sdelay $0x3  }
0x96: {  	_ =	strace s2  }
0x97: {  	_ =	strace $0x8FFFFFFF  }
0x98: {  	s18 =	sld [smem:$0x3FDB];
	_ =	sdelay $0x1  }
0x99: {  	s19 =	simm.s32 $_scs_section_size  }
0x9a: {  	s4 =	simm.s32 $_size__tile_overlayer_lowered;
	s5 =	simm.s32 $_tile_overlayer_lowered  }
0x9b: {  	s22 =	simm.s32 $0x1BFF;
	s21 =	sshll.u32 s5, $0x1;
	s2 =	sadd.s32 s19, s18  }
0x9c: {  	s6 =	simm.s32 $0x0;
	s20 =	sshll.u32 s4, $0x1;
	s4 =	sadd.s32 s21, s2  }
0x9d: {  	[timem:s6], [sflag:s22] =	dma.local [hbm:s4], s20  }
0x9e: {  	_ =	swait.ge [sflag:s22], s20  }
0x9f: {  	s3 =	ssub.s32 $0x0, s20;
	[sflag:s22] =	ssyncset.done $0x0  }
0xa0: {  	[sflag:s22] =	ssyncadd.s32 s3;
	_ =	sdelay $0x1  }
0xa1: {  	s23 =	simm.s32 $0x1B8B  }
0xa2: {  	_ =	swait.ge [sflag:s23], $0x1  }
0xa3: {  	[sflag:s23] =	ssyncset.done $0x0  }
0xa4: {  	s25 =	simm.s32 $0x1B8E;
	s24 =	sld [smem:$0x3FFE];
	[sflag:s23] =	ssyncadd.s32 $0xFFFFFFFF  }
0xa5: {  	s26 =	simm.s32 $execute0_lowered;
	[smem:$0x3FD2] =	sst s25  }
0xa6: {  	s4 =	sshll.u32 s26, $0x1;
	_ =	strace $0x80000049;
	[dreg:$0x1] =	wrdreg $0xFFFFFFFF  }
0xa7: {  	s28 =	simm.s32 $_size_execute0_lowered;
	s2 =	sadd.s32 s2, s4;
	[dreg:$0x0] =	wrdreg $0x0  }
0xa8: {  	s4 =	sshll.u32 s28, $0x1;
	[dreg:$0x2] =	wrdreg s2  }
0xa9: {  	[dreg:$0x3] =	wrdreg s4  }
0xaa: {  	[dreg:$0x4] =	wrdreg $0xC0  }
0xab: {  	_ =	task [dreg:s6], $0x5FFFF  }
0xac: {  	[dreg:$0x1] =	wrdreg $0xFFFFFFFF  }
0xad: {  	[dreg:$0x0] =	wrdreg $0x60  }
0xae: {  	[dreg:$0x2] =	wrdreg s24  }
0xaf: {  	[dreg:$0x3] =	wrdreg $0xA8000  }
0xb0: {  	[dreg:$0x4] =	wrdreg $0x9  }
0xb1: {  	_ =	task.clear_ibuf [dreg:s6], $0x5FFFF;
	_ =	strace $0x90000049  }
0xb2: {  	s29 =	simm.s32 $0x9;
	_ =	strace $0x8000004B  }
0xb3: {  	_ =	swait.ge [sflag:s29], $0x1  }
0xb4: {  	[sflag:s29] =	ssyncadd.s32 $0xFFFFFFFF  }
0xb5: {  	_ =	strace $0x9000004B  }
0xb6: {  	_ =	sfence  }
0xb7: {  	s30 =	sld [smem:$0x0];
	_ =	sdelay $0x2  }
0xb8: {  	s31 =	sshll.u32 s1, $0xD;
	s1 =	sshrl.u32 s1, $0x2  }
0xb9: {  	s3 =	sand.u32 $0x4000, s31;
	s1 =	sadd.s32 s1, s30  }
0xba: {  	s0 =	sor.u32 s3, s0;
	s1 =	sshll.u32 s1, $0x11  }
0xbb: {  	s0 =	sor.u32 s1, s0  }
0xbc: {  	s0 =	sadd.s32 $0x8F2B, s0  }
0xbd: {  	[sflag:s0] =	ssyncadd.remote.s32 $0x1  }
0xbe: {  	_ =	sfence.sel $0xFFFF  }
0xbf: {  	[dreg:$0x0] =	wrdreg $0xFFFFFFFF;
	(pc) =	sbr.abs _section_cstart, $3  }
0xc0: {  	[dreg:$0x1] =	wrdreg $0xFFFFFFFF  }
0xc1: {  	_ =	task.clear_ibuf [dreg:s6], $0x2FFFF;
	_ =	strace $0x9FFFFFFF  }
0xc2: {  	(tm) =	ssettm $0x7FFFFFFF  }
0xc3: {  	_ =	shalt  }
tec
execute0_lowered:
.L_overlay_start_1:
0x0: {  	(tag) =	ssettag $0x1  }
0x1: {  	s9 =	rddreg [dreg:$0x0]  }
0x2: {  	s1 =	rddreg [dreg:$0x1]  }
0x3: {  	s3 =	simm.s32 $0x0;
	s2 =	stileid.u32;
	s6 =	srdreg.scid  }
0x4: {  	s20 =	simm.s32 $0x3;
	s21 =	simm.s32 $0x1400;
	s22 =	simm.s32 $0x80  }
0x5: {  	s23 =	simm.s32 $0x6800;
	s24 =	simm.s32 $0x1;
	s25 =	simm.s32 $0x2  }
0x6: {  	s26 =	simm.s32 $0x2700;
	s28 =	simm.s32 $0x2780;
	s29 =	simm.s32 $0x0  }
0x7: {  	[smem:$0x7FF] =	sst s3;
	s4 =	sadd.s32 $0x31800, s9;
	s5 =	sadd.s32 $0x59800, s9  }
0x8: {  	s7 =	smul.u32 $0x50000, s2;
	s16 =	sadd.s32 $0xA9800, s9;
	s17 =	sadd.s32 $0x4800, s9  }
0x9: {  	s14 =	sand.u32 $0x1, s6;
	s6 =	sadd.s32 $0x81800, s9;
	s8 =	smul.u32 $0x2800, s2  }
0xa: {  	s9 =	sadd.s32 $0xAE800, s9;
	_ =	strace $0x8000004A;
	s10 =	ssub.s32 $0x2, s14  }
0xb: {  	p0 =	seq.s32 s14, $0x1;
	s7 =	sshrl.u32 s7, $0x2;
	s11 =	sshrl.u32 s10, $0x1  }
.Ltmp0:
0xc: {  	s15 =	sshrl.u32 s8, $0x3;
	s7 =	sadd.s32 s7, s1;
	(pc) =	sbr.rel .LBB2_1-.Ltmp0, $4  }
0xd: {  	s18 =	ssub.s32 s10, s11;
	s19 =	sadd.s32 $0x280, s15;
	s14 =	sadd.s32 s16, s15  }
0xe: {  	s15 =	sadd.s32 s17, s15;
	s10 =	sadd.s32 $0x4000, s7;
	s11 =	sadd.s32 $0x8000, s7  }
0xf: {  	s12 =	sadd.s32 $0xC000, s7;
	s13 =	sadd.s32 $0x10000, s7;
	s16 =	sadd.s32 s16, s19  }
0x10: {  	v0 =	vimm.f32 $0.0e+00;
	s17 =	sadd.s32 s17, s19;
	s18 =	smax.u32 s18, $0x1;
	s19 =	simm.s32 $0x2800  }
.LBB2_8:
0x11: {  	[tilespmem:s23], [sflag:$0x2] =	stream.indirect.gather [hbm4b:s4+s22], $0x80, s31, s22, $0xb8;
	[tilespmem:$0x1E800] =	vst v63  }
0x12: {  	s30 =	smov.u32 s6  }
.LBB2_14:
0x13: {  	_ =	swait.ge [sflag:s24], $0x4000  }
0x14: {  	[sflag:s24] =	ssyncset.done $0x0  }
0x15: {  	[sflag:s24] =	ssyncadd.s32 $0xFFFFC000  }
0x16: {  	[spmem:s1] =	stream.indirect.scatter.add.f32 [tilespmem:s19], [sflag:$0x3], $0x80, s26, s22, $0xb8;
	[tilespmem:$0x1E800] =	vst v63  }
0x17: {  	_ =	swait.ge [sflag:s20], $0x4000  }
0x18: {  	[sflag:s20] =	ssyncset.done $0x0  }
0x19: {  	[sflag:s20] =	ssyncadd.s32 $0xFFFFC000  }
0x1a: {  	_ =	swait.ge [sflag:s25], $0x4000  }
0x1b: {  	[sflag:s25] =	ssyncset.done $0x0  }
0x1c: {  	[sflag:s25] =	ssyncadd.s32 $0xFFFFC000  }
0x1d: {  	[spmem:s1] =	stream.indirect.scatter.add.f32 [tilespmem:s23], [sflag:$0x3], $0x80, s28, s22, $0xb8;
	[tilespmem:$0x1E800] =	vst v63  }
0x1e: {  	s0 =	sadd.s32 s30, s8;
	_ =	swait.ge [sflag:s20], $0x4000  }
0x1f: {  	s31 =	sshll.u32 s2, $0x6;
	s29 =	sadd.s32 $0x1, s29;
	[sflag:s20] =	ssyncset.done $0x0  }
0x20: {  	s30 =	sor.u32 $0x1C03, s31;
	p1 =	sne.s32 s29, s18;
	[sflag:s20] =	ssyncadd.s32 $0xFFFFC000  }
.Ltmp1:
0x21: {  	s31 =	sshrl.u32 s7, $0x3;
	[bflag:$0x0] =	sbarrier.arrive $0xFFFF;
	(pc) =	sbr.rel @!p1 .LBB2_15-.Ltmp1, $4  }
0x22: {  	[hbm:s0], [sflag:s30] =	dma.local [spmem:s31], $0x2800  }
0x23: {  	_ =	swait.ge [sflag:s20], $0x2800  }
0x24: {  	[sflag:s20] =	ssyncset.done $0x0  }
0x25: {  	[sflag:s20] =	ssyncadd.s32 $0xFFFFD800  }
.LBB2_1:
0x26: {  	s30 =	simm.s32 $0x0;
	s31 =	simm.s32 $0x200  }
.LBB2_2:
0x27: {  	p1 =	sne.s32 s31, $0xFE00;
	[tilespmem:s30+$0x2870] =	vst v0  }
0x28: {  	[tilespmem:s30+$0x2800] =	vst v0  }
0x29: {  	[tilespmem:s30+$0x2810] =	vst v0  }
.Ltmp2:
0x2a: {  	[tilespmem:s30+$0x2820] =	vst v0;
	(pc) =	sbr.rel @p1 .LBB2_2-.Ltmp2, $4  }
0x2b: {  	[tilespmem:s30+$0x2830] =	vst v0  }
0x2c: {  	[tilespmem:s30+$0x2840] =	vst v0  }
0x2d: {  	[tilespmem:s30+$0x2850] =	vst v0  }
0x2e: {  	[tilespmem:s30+$0x2860] =	vst v0;
	s30 =	sshra.s32 s31, $0x2;
	s31 =	sadd.s32 $0x200, s31  }
0x2f: {  	[tilespmem:s30+$0x2870] =	vst v0  }
0x30: {  	[tilespmem:s30+$0x2800] =	vst v0  }
0x31: {  	[tilespmem:s30+$0x2810] =	vst v0  }
0x32: {  	[tilespmem:s30+$0x2820] =	vst v0  }
0x33: {  	[tilespmem:s30+$0x2830] =	vst v0  }
0x34: {  	[tilespmem:s30+$0x2840] =	vst v0  }
0x35: {  	[tilespmem:s30+$0x2850] =	vst v0  }
0x36: {  	[tilespmem:s30+$0x2860] =	vst v0  }
0x37: {  	[spmem:s7] =	stream.linear.scatter [tilespmem:s19], [sflag:$0x3], $0x4000, $0x38;
	[tilespmem:$0x1E800] =	vst v63  }
0x38: {  	_ =	swait.ge [sflag:s20], $0x4000  }
0x39: {  	[sflag:s20] =	ssyncset.done $0x0  }
0x3a: {  	[sflag:s20] =	ssyncadd.s32 $0xFFFFC000  }
0x3b: {  	[spmem:s10] =	stream.linear.scatter [tilespmem:s19], [sflag:$0x3], $0x4000, $0x38;
	[tilespmem:$0x1E800] =	vst v63  }
0x3c: {  	_ =	swait.ge [sflag:s20], $0x4000  }
0x3d: {  	[sflag:s20] =	ssyncset.done $0x0  }
0x3e: {  	[sflag:s20] =	ssyncadd.s32 $0xFFFFC000  }
0x3f: {  	[spmem:s11] =	stream.linear.scatter [tilespmem:s19], [sflag:$0x3], $0x4000, $0x38;
	[tilespmem:$0x1E800] =	vst v63  }
0x40: {  	_ =	swait.ge [sflag:s20], $0x4000  }
0x41: {  	[sflag:s20] =	ssyncset.done $0x0  }
0x42: {  	[sflag:s20] =	ssyncadd.s32 $0xFFFFC000  }
0x43: {  	[spmem:s12] =	stream.linear.scatter [tilespmem:s19], [sflag:$0x3], $0x4000, $0x38;
	[tilespmem:$0x1E800] =	vst v63  }
0x44: {  	_ =	swait.ge [sflag:s20], $0x4000  }
0x45: {  	[sflag:s20] =	ssyncset.done $0x0  }
0x46: {  	[sflag:s20] =	ssyncadd.s32 $0xFFFFC000  }
0x47: {  	[spmem:s13] =	stream.linear.scatter [tilespmem:s19], [sflag:$0x3], $0x4000, $0x38;
	[tilespmem:$0x1E800] =	vst v63  }
0x48: {  	_ =	swait.ge [sflag:s20], $0x4000  }
0x49: {  	[sflag:s20] =	ssyncset.done $0x0  }
0x4a: {  	[sflag:s20] =	ssyncadd.s32 $0xFFFFC000  }
0x4b: {  	[bflag:$0x0] =	sbarrier.arrive $0xFFFF  }
0x4c: {  	[tilespmem:s3], [sflag:$0x3] =	stream.linear.gather [hbm4b:s14+s3], $0x1400, $0x38;
	[tilespmem:$0x1E800] =	vst v63  }
0x4d: {  	_ =	swait.ge [sflag:s20], $0x1400  }
0x4e: {  	[sflag:s20] =	ssyncset.done $0x0  }
.Ltmp3:
0x4f: {  	[sflag:s20] =	ssyncadd.s32 $0xFFFFEC00;
	(pc) =	sbr.rel @!p0 .LBB2_4-.Ltmp3, $4  }
0x50: {  	[tilespmem:s21], [sflag:$0x3] =	stream.linear.gather [hbm4b:s15+s3], $0x1400, $0x38;
	[tilespmem:$0x1E800] =	vst v63  }
0x51: {  	_ =	swait.ge [sflag:s20], $0x1400  }
0x52: {  	[sflag:s20] =	ssyncset.done $0x0  }
0x53: {  	[sflag:s20] =	ssyncadd.s32 $0xFFFFEC00  }
0x54: {  	s0 =	simm.s32 $0x0  }
0x55: {  	[tilespmem:s19], [sflag:$0x1] =	stream.indirect.gather [hbm4b:s5+s22], $0x80, s0, s22, $0xb8;
	[tilespmem:$0x1E800] =	vst v63  }
0x56: {  	_ = 	snop  }
0x57: {  	[tilespmem:s23], [sflag:$0x2] =	stream.indirect.gather [hbm4b:s5+s22], $0x80, s22, s22, $0xb8;
	[tilespmem:$0x1E800] =	vst v63  }
0x58: {  	_ =	swait.ge [sflag:s24], $0x4000  }
0x59: {  	[sflag:s24] =	ssyncset.done $0x0  }
0x5a: {  	s0 =	simm.s32 $0x1400;
	[sflag:s24] =	ssyncadd.s32 $0xFFFFC000  }
0x5b: {  	[spmem:s1] =	stream.indirect.scatter.add.f32 [tilespmem:s19], [sflag:$0x3], $0x80, s0, s22, $0xb8;
	[tilespmem:$0x1E800] =	vst v63  }
0x5c: {  	_ =	swait.ge [sflag:s20], $0x4000  }
0x5d: {  	[sflag:s20] =	ssyncset.done $0x0  }
0x5e: {  	s0 =	simm.s32 $0x100;
	[sflag:s20] =	ssyncadd.s32 $0xFFFFC000  }
0x5f: {  	[tilespmem:s19], [sflag:$0x1] =	stream.indirect.gather [hbm4b:s5+s22], $0x80, s0, s22, $0xb8;
	[tilespmem:$0x1E800] =	vst v63  }
0x60: {  	_ =	swait.ge [sflag:s25], $0x4000  }
0x61: {  	[sflag:s25] =	ssyncset.done $0x0  }
0x62: {  	s0 =	simm.s32 $0x1480;
	[sflag:s25] =	ssyncadd.s32 $0xFFFFC000  }
0x63: {  	[spmem:s1] =	stream.indirect.scatter.add.f32 [tilespmem:s23], [sflag:$0x3], $0x80, s0, s22, $0xb8;
	[tilespmem:$0x1E800] =	vst v63  }
0x64: {  	_ =	swait.ge [sflag:s20], $0x4000  }
0x65: {  	[sflag:s20] =	ssyncset.done $0x0  }
0x66: {  	s30 =	simm.s32 $0x400;
	s31 =	simm.s32 $0x180;
	[sflag:s20] =	ssyncadd.s32 $0xFFFFC000  }
.LBB2_10:
0x67: {  	[tilespmem:s23], [sflag:$0x2] =	stream.indirect.gather [hbm4b:s5+s22], $0x80, s31, s22, $0xb8;
	[tilespmem:$0x1E800] =	vst v63  }
0x68: {  	s0 =	smov.u32 s30  }
0x69: {  	p1 =	sne.s32 s30, $0x4800;
	s30 =	sadd.s32 $0x400, s30;
	_ =	swait.ge [sflag:s24], $0x4000  }
0x6a: {  	s0 =	sshra.s32 s0, $0x2;
	[sflag:s24] =	ssyncset.done $0x0  }
0x6b: {  	s31 =	sadd.s32 $0x1400, s0;
	[sflag:s24] =	ssyncadd.s32 $0xFFFFC000  }
0x6c: {  	[spmem:s1] =	stream.indirect.scatter.add.f32 [tilespmem:s19], [sflag:$0x3], $0x80, s31, s22, $0xb8;
	[tilespmem:$0x1E800] =	vst v63  }
0x6d: {  	_ =	swait.ge [sflag:s20], $0x4000  }
0x6e: {  	[sflag:s20] =	ssyncset.done $0x0  }
0x6f: {  	s31 =	sadd.s32 $0x100, s0;
	[sflag:s20] =	ssyncadd.s32 $0xFFFFC000  }
0x70: {  	[tilespmem:s19], [sflag:$0x1] =	stream.indirect.gather [hbm4b:s5+s22], $0x80, s31, s22, $0xb8;
	[tilespmem:$0x1E800] =	vst v63  }
0x71: {  	_ =	swait.ge [sflag:s25], $0x4000  }
0x72: {  	[sflag:s25] =	ssyncset.done $0x0  }
.Ltmp4:
0x73: {  	s31 =	sadd.s32 $0x1480, s0;
	[sflag:s25] =	ssyncadd.s32 $0xFFFFC000;
	(pc) =	sbr.rel @p1 .LBB2_10-.Ltmp4, $4  }
0x74: {  	[spmem:s1] =	stream.indirect.scatter.add.f32 [tilespmem:s23], [sflag:$0x3], $0x80, s31, s22, $0xb8;
	[tilespmem:$0x1E800] =	vst v63  }
0x75: {  	_ =	swait.ge [sflag:s20], $0x4000  }
0x76: {  	[sflag:s20] =	ssyncset.done $0x0  }
0x77: {  	s31 =	sadd.s32 $0x180, s0;
	[sflag:s20] =	ssyncadd.s32 $0xFFFFC000  }
0x78: {  	[tilespmem:s23], [sflag:$0x2] =	stream.indirect.gather [hbm4b:s5+s22], $0x80, s31, s22, $0xb8;
	[tilespmem:$0x1E800] =	vst v63  }
0x79: {  	_ =	swait.ge [sflag:s24], $0x4000  }
0x7a: {  	[sflag:s24] =	ssyncset.done $0x0  }
0x7b: {  	[sflag:s24] =	ssyncadd.s32 $0xFFFFC000  }
0x7c: {  	[spmem:s1] =	stream.indirect.scatter.add.f32 [tilespmem:s19], [sflag:$0x3], $0x80, s26, s22, $0xb8;
	[tilespmem:$0x1E800] =	vst v63  }
0x7d: {  	_ =	swait.ge [sflag:s20], $0x4000  }
0x7e: {  	[sflag:s20] =	ssyncset.done $0x0  }
0x7f: {  	[sflag:s20] =	ssyncadd.s32 $0xFFFFC000  }
0x80: {  	_ =	swait.ge [sflag:s25], $0x4000  }
0x81: {  	[sflag:s25] =	ssyncset.done $0x0  }
0x82: {  	[sflag:s25] =	ssyncadd.s32 $0xFFFFC000  }
0x83: {  	[spmem:s1] =	stream.indirect.scatter.add.f32 [tilespmem:s23], [sflag:$0x3], $0x80, s28, s22, $0xb8;
	[tilespmem:$0x1E800] =	vst v63  }
0x84: {  	_ =	swait.ge [sflag:s20], $0x4000  }
0x85: {  	[sflag:s20] =	ssyncset.done $0x0  }
0x86: {  	s0 =	simm.s32 $0x0;
	[sflag:s20] =	ssyncadd.s32 $0xFFFFC000  }
0x87: {  	[tilespmem:s0], [sflag:$0x3] =	stream.linear.gather [hbm4b:s16+s0], $0x1400, $0x38;
	[tilespmem:$0x1E800] =	vst v63  }
0x88: {  	_ =	swait.ge [sflag:s20], $0x1400  }
0x89: {  	[sflag:s20] =	ssyncset.done $0x0  }
0x8a: {  	[sflag:s20] =	ssyncadd.s32 $0xFFFFEC00  }
0x8b: {  	[tilespmem:s21], [sflag:$0x3] =	stream.linear.gather [hbm4b:s17+s0], $0x1400, $0x38;
	[tilespmem:$0x1E800] =	vst v63  }
0x8c: {  	_ =	swait.ge [sflag:s20], $0x1400  }
0x8d: {  	[sflag:s20] =	ssyncset.done $0x0  }
0x8e: {  	[sflag:s20] =	ssyncadd.s32 $0xFFFFEC00  }
0x8f: {  	[tilespmem:s19], [sflag:$0x1] =	stream.indirect.gather [hbm4b:s5+s22], $0x80, s0, s22, $0xb8;
	[tilespmem:$0x1E800] =	vst v63  }
0x90: {  	_ = 	snop  }
0x91: {  	[tilespmem:s23], [sflag:$0x2] =	stream.indirect.gather [hbm4b:s5+s22], $0x80, s22, s22, $0xb8;
	[tilespmem:$0x1E800] =	vst v63  }
0x92: {  	_ =	swait.ge [sflag:s24], $0x4000  }
0x93: {  	[sflag:s24] =	ssyncset.done $0x0  }
0x94: {  	s0 =	simm.s32 $0x1400;
	[sflag:s24] =	ssyncadd.s32 $0xFFFFC000  }
0x95: {  	[spmem:s1] =	stream.indirect.scatter.add.f32 [tilespmem:s19], [sflag:$0x3], $0x80, s0, s22, $0xb8;
	[tilespmem:$0x1E800] =	vst v63  }
0x96: {  	_ =	swait.ge [sflag:s20], $0x4000  }
0x97: {  	[sflag:s20] =	ssyncset.done $0x0  }
0x98: {  	s0 =	simm.s32 $0x100;
	[sflag:s20] =	ssyncadd.s32 $0xFFFFC000  }
0x99: {  	[tilespmem:s19], [sflag:$0x1] =	stream.indirect.gather [hbm4b:s5+s22], $0x80, s0, s22, $0xb8;
	[tilespmem:$0x1E800] =	vst v63  }
0x9a: {  	_ =	swait.ge [sflag:s25], $0x4000  }
0x9b: {  	[sflag:s25] =	ssyncset.done $0x0  }
0x9c: {  	s0 =	simm.s32 $0x1480;
	[sflag:s25] =	ssyncadd.s32 $0xFFFFC000  }
0x9d: {  	[spmem:s1] =	stream.indirect.scatter.add.f32 [tilespmem:s23], [sflag:$0x3], $0x80, s0, s22, $0xb8;
	[tilespmem:$0x1E800] =	vst v63  }
0x9e: {  	_ =	swait.ge [sflag:s20], $0x4000  }
0x9f: {  	[sflag:s20] =	ssyncset.done $0x0  }
0xa0: {  	s30 =	simm.s32 $0x400;
	s31 =	simm.s32 $0x180;
	[sflag:s20] =	ssyncadd.s32 $0xFFFFC000  }
.LBB2_12:
0xa1: {  	[tilespmem:s23], [sflag:$0x2] =	stream.indirect.gather [hbm4b:s5+s22], $0x80, s31, s22, $0xb8;
	[tilespmem:$0x1E800] =	vst v63  }
0xa2: {  	s0 =	smov.u32 s30  }
0xa3: {  	p1 =	sne.s32 s30, $0x4800;
	s30 =	sadd.s32 $0x400, s30;
	_ =	swait.ge [sflag:s24], $0x4000  }
0xa4: {  	s0 =	sshra.s32 s0, $0x2;
	[sflag:s24] =	ssyncset.done $0x0  }
0xa5: {  	s31 =	sadd.s32 $0x1400, s0;
	[sflag:s24] =	ssyncadd.s32 $0xFFFFC000  }
0xa6: {  	[spmem:s1] =	stream.indirect.scatter.add.f32 [tilespmem:s19], [sflag:$0x3], $0x80, s31, s22, $0xb8;
	[tilespmem:$0x1E800] =	vst v63  }
0xa7: {  	_ =	swait.ge [sflag:s20], $0x4000  }
0xa8: {  	[sflag:s20] =	ssyncset.done $0x0  }
0xa9: {  	s31 =	sadd.s32 $0x100, s0;
	[sflag:s20] =	ssyncadd.s32 $0xFFFFC000  }
0xaa: {  	[tilespmem:s19], [sflag:$0x1] =	stream.indirect.gather [hbm4b:s5+s22], $0x80, s31, s22, $0xb8;
	[tilespmem:$0x1E800] =	vst v63  }
0xab: {  	_ =	swait.ge [sflag:s25], $0x4000  }
0xac: {  	[sflag:s25] =	ssyncset.done $0x0  }
.Ltmp5:
0xad: {  	s31 =	sadd.s32 $0x1480, s0;
	[sflag:s25] =	ssyncadd.s32 $0xFFFFC000;
	(pc) =	sbr.rel @p1 .LBB2_12-.Ltmp5, $4  }
0xae: {  	[spmem:s1] =	stream.indirect.scatter.add.f32 [tilespmem:s23], [sflag:$0x3], $0x80, s31, s22, $0xb8;
	[tilespmem:$0x1E800] =	vst v63  }
0xaf: {  	_ =	swait.ge [sflag:s20], $0x4000  }
0xb0: {  	[sflag:s20] =	ssyncset.done $0x0  }
0xb1: {  	s31 =	sadd.s32 $0x180, s0;
	[sflag:s20] =	ssyncadd.s32 $0xFFFFC000  }
.Ltmp6:
0xb2: {  	(pc) =	sbr.rel .LBB2_14-.Ltmp6, $3  }
0xb3: {  	_ =	sdelay $0x1  }
0xb4: {  	[tilespmem:s23], [sflag:$0x2] =	stream.indirect.gather [hbm4b:s5+s22], $0x80, s31, s22, $0xb8;
	[tilespmem:$0x1E800] =	vst v63  }
0xb5: {  	s30 =	smov.u32 s9  }
.LBB2_4:
0xb6: {  	s30 =	simm.s32 $0x0  }
0xb7: {  	[tilespmem:s19], [sflag:$0x1] =	stream.indirect.gather [hbm4b:s4+s22], $0x80, s30, s22, $0xb8;
	[tilespmem:$0x1E800] =	vst v63  }
0xb8: {  	_ = 	snop  }
0xb9: {  	[tilespmem:s23], [sflag:$0x2] =	stream.indirect.gather [hbm4b:s4+s22], $0x80, s22, s22, $0xb8;
	[tilespmem:$0x1E800] =	vst v63  }
0xba: {  	_ =	swait.ge [sflag:s24], $0x4000  }
0xbb: {  	[sflag:s24] =	ssyncset.done $0x0  }
0xbc: {  	s30 =	simm.s32 $0x1400;
	[sflag:s24] =	ssyncadd.s32 $0xFFFFC000  }
0xbd: {  	[spmem:s1] =	stream.indirect.scatter.add.f32 [tilespmem:s19], [sflag:$0x3], $0x80, s30, s22, $0xb8;
	[tilespmem:$0x1E800] =	vst v63  }
0xbe: {  	_ =	swait.ge [sflag:s20], $0x4000  }
0xbf: {  	[sflag:s20] =	ssyncset.done $0x0  }
0xc0: {  	s30 =	simm.s32 $0x100;
	[sflag:s20] =	ssyncadd.s32 $0xFFFFC000  }
0xc1: {  	[tilespmem:s19], [sflag:$0x1] =	stream.indirect.gather [hbm4b:s4+s22], $0x80, s30, s22, $0xb8;
	[tilespmem:$0x1E800] =	vst v63  }
0xc2: {  	_ =	swait.ge [sflag:s25], $0x4000  }
0xc3: {  	[sflag:s25] =	ssyncset.done $0x0  }
0xc4: {  	s30 =	simm.s32 $0x1480;
	[sflag:s25] =	ssyncadd.s32 $0xFFFFC000  }
0xc5: {  	[spmem:s1] =	stream.indirect.scatter.add.f32 [tilespmem:s23], [sflag:$0x3], $0x80, s30, s22, $0xb8;
	[tilespmem:$0x1E800] =	vst v63  }
0xc6: {  	_ =	swait.ge [sflag:s20], $0x4000  }
0xc7: {  	[sflag:s20] =	ssyncset.done $0x0  }
0xc8: {  	s31 =	simm.s32 $0x180;
	s30 =	simm.s32 $0x400;
	[sflag:s20] =	ssyncadd.s32 $0xFFFFC000  }
.LBB2_5:
0xc9: {  	[tilespmem:s23], [sflag:$0x2] =	stream.indirect.gather [hbm4b:s4+s22], $0x80, s31, s22, $0xb8;
	[tilespmem:$0x1E800] =	vst v63  }
0xca: {  	s31 =	smov.u32 s30  }
0xcb: {  	p1 =	sne.s32 s30, $0x4800;
	s30 =	sadd.s32 $0x400, s30;
	_ =	swait.ge [sflag:s24], $0x4000  }
0xcc: {  	s31 =	sshra.s32 s31, $0x2;
	[sflag:s24] =	ssyncset.done $0x0  }
0xcd: {  	s0 =	sadd.s32 $0x1400, s31;
	[sflag:s24] =	ssyncadd.s32 $0xFFFFC000  }
0xce: {  	[spmem:s1] =	stream.indirect.scatter.add.f32 [tilespmem:s19], [sflag:$0x3], $0x80, s0, s22, $0xb8;
	[tilespmem:$0x1E800] =	vst v63  }
0xcf: {  	_ =	swait.ge [sflag:s20], $0x4000  }
0xd0: {  	[sflag:s20] =	ssyncset.done $0x0  }
0xd1: {  	s0 =	sadd.s32 $0x100, s31;
	[sflag:s20] =	ssyncadd.s32 $0xFFFFC000  }
0xd2: {  	[tilespmem:s19], [sflag:$0x1] =	stream.indirect.gather [hbm4b:s4+s22], $0x80, s0, s22, $0xb8;
	[tilespmem:$0x1E800] =	vst v63  }
0xd3: {  	_ =	swait.ge [sflag:s25], $0x4000  }
0xd4: {  	[sflag:s25] =	ssyncset.done $0x0  }
.Ltmp7:
0xd5: {  	s0 =	sadd.s32 $0x1480, s31;
	[sflag:s25] =	ssyncadd.s32 $0xFFFFC000;
	(pc) =	sbr.rel @p1 .LBB2_5-.Ltmp7, $4  }
0xd6: {  	[spmem:s1] =	stream.indirect.scatter.add.f32 [tilespmem:s23], [sflag:$0x3], $0x80, s0, s22, $0xb8;
	[tilespmem:$0x1E800] =	vst v63  }
0xd7: {  	_ =	swait.ge [sflag:s20], $0x4000  }
0xd8: {  	[sflag:s20] =	ssyncset.done $0x0  }
0xd9: {  	s31 =	sadd.s32 $0x180, s31;
	[sflag:s20] =	ssyncadd.s32 $0xFFFFC000  }
0xda: {  	[tilespmem:s23], [sflag:$0x2] =	stream.indirect.gather [hbm4b:s4+s22], $0x80, s31, s22, $0xb8;
	[tilespmem:$0x1E800] =	vst v63  }
0xdb: {  	_ =	swait.ge [sflag:s24], $0x4000  }
0xdc: {  	[sflag:s24] =	ssyncset.done $0x0  }
0xdd: {  	[sflag:s24] =	ssyncadd.s32 $0xFFFFC000  }
0xde: {  	[spmem:s1] =	stream.indirect.scatter.add.f32 [tilespmem:s19], [sflag:$0x3], $0x80, s26, s22, $0xb8;
	[tilespmem:$0x1E800] =	vst v63  }
0xdf: {  	_ =	swait.ge [sflag:s20], $0x4000  }
0xe0: {  	[sflag:s20] =	ssyncset.done $0x0  }
0xe1: {  	[sflag:s20] =	ssyncadd.s32 $0xFFFFC000  }
0xe2: {  	_ =	swait.ge [sflag:s25], $0x4000  }
0xe3: {  	[sflag:s25] =	ssyncset.done $0x0  }
0xe4: {  	[sflag:s25] =	ssyncadd.s32 $0xFFFFC000  }
0xe5: {  	[spmem:s1] =	stream.indirect.scatter.add.f32 [tilespmem:s23], [sflag:$0x3], $0x80, s28, s22, $0xb8;
	[tilespmem:$0x1E800] =	vst v63  }
0xe6: {  	_ =	swait.ge [sflag:s20], $0x4000  }
0xe7: {  	[sflag:s20] =	ssyncset.done $0x0  }
0xe8: {  	s0 =	simm.s32 $0x0;
	[sflag:s20] =	ssyncadd.s32 $0xFFFFC000  }
0xe9: {  	[tilespmem:s0], [sflag:$0x3] =	stream.linear.gather [hbm4b:s16+s0], $0x1400, $0x38;
	[tilespmem:$0x1E800] =	vst v63  }
0xea: {  	_ =	swait.ge [sflag:s20], $0x1400  }
0xeb: {  	[sflag:s20] =	ssyncset.done $0x0  }
0xec: {  	[sflag:s20] =	ssyncadd.s32 $0xFFFFEC00  }
0xed: {  	[tilespmem:s21], [sflag:$0x3] =	stream.linear.gather [hbm4b:s17+s0], $0x1400, $0x38;
	[tilespmem:$0x1E800] =	vst v63  }
0xee: {  	_ =	swait.ge [sflag:s20], $0x1400  }
0xef: {  	[sflag:s20] =	ssyncset.done $0x0  }
0xf0: {  	[sflag:s20] =	ssyncadd.s32 $0xFFFFEC00  }
0xf1: {  	[tilespmem:s19], [sflag:$0x1] =	stream.indirect.gather [hbm4b:s4+s22], $0x80, s0, s22, $0xb8;
	[tilespmem:$0x1E800] =	vst v63  }
0xf2: {  	_ = 	snop  }
0xf3: {  	[tilespmem:s23], [sflag:$0x2] =	stream.indirect.gather [hbm4b:s4+s22], $0x80, s22, s22, $0xb8;
	[tilespmem:$0x1E800] =	vst v63  }
0xf4: {  	_ =	swait.ge [sflag:s24], $0x4000  }
0xf5: {  	[sflag:s24] =	ssyncset.done $0x0  }
0xf6: {  	s0 =	simm.s32 $0x1400;
	[sflag:s24] =	ssyncadd.s32 $0xFFFFC000  }
0xf7: {  	[spmem:s1] =	stream.indirect.scatter.add.f32 [tilespmem:s19], [sflag:$0x3], $0x80, s0, s22, $0xb8;
	[tilespmem:$0x1E800] =	vst v63  }
0xf8: {  	_ =	swait.ge [sflag:s20], $0x4000  }
0xf9: {  	[sflag:s20] =	ssyncset.done $0x0  }
0xfa: {  	s0 =	simm.s32 $0x100;
	[sflag:s20] =	ssyncadd.s32 $0xFFFFC000  }
0xfb: {  	[tilespmem:s19], [sflag:$0x1] =	stream.indirect.gather [hbm4b:s4+s22], $0x80, s0, s22, $0xb8;
	[tilespmem:$0x1E800] =	vst v63  }
0xfc: {  	_ =	swait.ge [sflag:s25], $0x4000  }
0xfd: {  	[sflag:s25] =	ssyncset.done $0x0  }
0xfe: {  	s0 =	simm.s32 $0x1480;
	[sflag:s25] =	ssyncadd.s32 $0xFFFFC000  }
0xff: {  	[spmem:s1] =	stream.indirect.scatter.add.f32 [tilespmem:s23], [sflag:$0x3], $0x80, s0, s22, $0xb8;
	[tilespmem:$0x1E800] =	vst v63  }
0x100: {  	_ =	swait.ge [sflag:s20], $0x4000  }
0x101: {  	[sflag:s20] =	ssyncset.done $0x0  }
0x102: {  	s30 =	simm.s32 $0x400;
	s31 =	simm.s32 $0x180;
	[sflag:s20] =	ssyncadd.s32 $0xFFFFC000  }
.LBB2_7:
0x103: {  	[tilespmem:s23], [sflag:$0x2] =	stream.indirect.gather [hbm4b:s4+s22], $0x80, s31, s22, $0xb8;
	[tilespmem:$0x1E800] =	vst v63  }
0x104: {  	s0 =	smov.u32 s30  }
0x105: {  	p1 =	seq.s32 s30, $0x4800;
	s30 =	sadd.s32 $0x400, s30;
	_ =	swait.ge [sflag:s24], $0x4000  }
0x106: {  	s0 =	sshra.s32 s0, $0x2;
	[sflag:s24] =	ssyncset.done $0x0  }
0x107: {  	s31 =	sadd.s32 $0x1400, s0;
	[sflag:s24] =	ssyncadd.s32 $0xFFFFC000  }
0x108: {  	[spmem:s1] =	stream.indirect.scatter.add.f32 [tilespmem:s19], [sflag:$0x3], $0x80, s31, s22, $0xb8;
	[tilespmem:$0x1E800] =	vst v63  }
0x109: {  	_ =	swait.ge [sflag:s20], $0x4000  }
0x10a: {  	[sflag:s20] =	ssyncset.done $0x0  }
0x10b: {  	s31 =	sadd.s32 $0x100, s0;
	[sflag:s20] =	ssyncadd.s32 $0xFFFFC000  }
0x10c: {  	[tilespmem:s19], [sflag:$0x1] =	stream.indirect.gather [hbm4b:s4+s22], $0x80, s31, s22, $0xb8;
	[tilespmem:$0x1E800] =	vst v63  }
0x10d: {  	_ =	swait.ge [sflag:s25], $0x4000  }
0x10e: {  	[sflag:s25] =	ssyncset.done $0x0  }
.Ltmp8:
0x10f: {  	s31 =	sadd.s32 $0x1480, s0;
	[sflag:s25] =	ssyncadd.s32 $0xFFFFC000;
	(pc) =	sbr.rel @!p1 .LBB2_7-.Ltmp8, $4  }
0x110: {  	[spmem:s1] =	stream.indirect.scatter.add.f32 [tilespmem:s23], [sflag:$0x3], $0x80, s31, s22, $0xb8;
	[tilespmem:$0x1E800] =	vst v63  }
0x111: {  	_ =	swait.ge [sflag:s20], $0x4000  }
0x112: {  	[sflag:s20] =	ssyncset.done $0x0  }
0x113: {  	s31 =	sadd.s32 $0x180, s0;
	[sflag:s20] =	ssyncadd.s32 $0xFFFFC000  }
.Ltmp9:
0x114: {  	_ = 	snop;
	(pc) =	sbr.rel .LBB2_8-.Ltmp9, $1  }
0x115: {  	_ =	sdelay $0x3  }
.LBB2_15:
0x116: {  	_ =	sfence.sel $0x180000  }
0x117: {  	[bflag:$0x0] =	sbarrier.arrive $0xFFFF  }
0x118: {  	_ =	strace $0x9000004A  }
0x119: {  	[bflag:$0x2] =	sbarrier.arrive $0xFFFF  }
0x11a: {  	p0 =	sne.s32 s2, $0x0;
	s0 =	rddreg [dreg:$0x2]  }
0x11b: {  	s0 =	sadd.s32 @!p0 $0x100000, s0  }
0x11c: {  	[sflag:s0] =	ssyncadd.tile.s32 @!p0 $0x1;
	_ =	shalt  }
.Lfunc_end2:
_tile_overlayer_lowered:
.L_overlay_start_2:
0x11d: {  	(tag) =	ssettag $0x2  }
0x11e: {  	s0 =	rddreg [dreg:$0x0];
	s2 =	stileid.u32  }
0x11f: {  	s1 =	rddreg [dreg:$0x1];
	p0 =	sne.s32 s2, $0x0  }
0x120: {  	s3 =	rddreg [dreg:$0x2];
	[bflag:$0x3] =	sbarrier.arrive $0xFFFF;
	s2 =	simm.s32 @!p0 $0x1C03  }
0x121: {  	[timem:s3], [sflag:s2] =	dma.local @!p0 [hbm:s0], s1  }
0x122: {  	s0 =	simm.s32 @!p0 $0x3  }
0x123: {  	_ =	swait.ge @!p0 [sflag:s0], s1  }
0x124: {  	s1 =	ssub.s32 @!p0 $0x0, s1;
	[sflag:s0] =	ssyncset.done @!p0 $0x0  }
0x125: {  	[sflag:s0] =	ssyncadd.s32 @!p0 s1  }
0x126: {  	[bflag:$0x3] =	sbarrier.arrive $0xFFFF  }
0x127: {  	_ =	shalt  }

// kernel: kernel.16.cloned.1.call-start
scs
__scs_entry_jumppad:
0x0: {  	(pc) =	sbr.rel $0x88, $3  }
0x1: {  	(tag) =	ssettag $0x0;
	lr =	simm.s32 $0x1  }
0x2: {  	[smem:$0x3F96] =	sst lr;
	_ =	strace $0xD0000000  }
0x3: {  	_ = 	snop  }
0x4: {  	_ = 	snop  }
0x5: {  	_ = 	snop  }
0x6: {  	_ = 	snop  }
0x7: {  	_ = 	snop  }
__scs_overlays_trampoline_lowered:
0x8: {  	[smem:$0x3FA5] =	sst s0  }
0x9: {  	[smem:$0x3FA6] =	sst s1  }
0xa: {  	[smem:$0x3FA7] =	sst s2  }
0xb: {  	[smem:$0x3FA8] =	sst s3  }
0xc: {  	[smem:$0x3FA9] =	sst s4  }
0xd: {  	[smem:$0x3FAA] =	sst s5  }
0xe: {  	[smem:$0x3FAB] =	sst s6  }
0xf: {  	[smem:$0x3FAC] =	sst s7  }
0x10: {  	[smem:$0x3FAD] =	sst s8  }
0x11: {  	[smem:$0x3FAE] =	sst s9;
	s0 =	simm.s32 @!p0 $0x0  }
0x12: {  	s1 =	sld [smem:$0x3F94];
	s0 =	simm.s32 @p0 $0x1  }
0x13: {  	[smem:$0x3FAF] =	sst s0;
	s0 =	simm.s32 @!p1 $0x0  }
0x14: {  	s2 =	sld [smem:$0x3F93];
	s0 =	simm.s32 @p1 $0x1  }
0x15: {  	[smem:$0x3FB0] =	sst s0;
	s0 =	simm.s32 @!p2 $0x0  }
0x16: {  	s3 =	sld [smem:$0x3FDB];
	s0 =	simm.s32 @p2 $0x1  }
0x17: {  	s4 =	simm.s32 $0x1BF5;
	[smem:$0x3FB2] =	sst s0  }
0x18: {  	s0 =	sld [smem:$0x3F95];
	_ =	swait.ge [sflag:s4], $0x0  }
0x19: {  	s7 =	sld [smem:$0x3F96]  }
0x1a: {  	s8 =	sadd.s32 $0xFFFFE003, lr  }
0x1b: {  	s9 =	sadd.s32 $0xFFFFFEF7, lr;
	s5 =	simm.s32 $0xFFFFFFFF;
	p2 =	slt.u32 s8, $0xFFFFF086  }
0x1c: {  	p1 =	slt.u32 s9, $0xF7A;
	s5 =	simm.s32 @!p2 $0x0  }
0x1d: {  	s5 =	simm.s32 @p1 $0x1;
	p0 =	seq.s32 s7, s2  }
0x1e: {  	s7 =	smul.u32 @!p0 $0xF7A, s2;
	p2 =	seq.s32 @!p0 s5, $0x0  }
0x1f: {  	s9 =	smul.u32 $0xF7A, s1;
	s8 =	simm.s32 @!p0 $0x1BF5;
	p2 =	por !p2, p0  }
0x20: {  	[sflag:s8] =	ssyncset.s32 @!p0 $0xFFFFF086;
	s6 =	sadd.s32 @!p0 s3, s7;
	s7 =	simm.s32 @!p0 $0x108  }
0x21: {  	s3 =	sadd.s32 s3, s9;
	s6 =	sadd.s32 @!p0 $0x88, s6;
	s7 =	simm.s32 @p2 $0x1082  }
0x22: {  	[simem:s7], [sflag:s8] =	dma.local @!p0 [hbm:s6], $0xF7A  }
0x23: {  	s9 =	sor.u32 $0xD0000000, s2;
	s6 =	simm.s32 $0x108;
	_ =	swait.ge @!p0 [sflag:s8], $0x0  }
0x24: {  	s3 =	sadd.s32 $0x88, s3;
	s6 =	simm.s32 @!p1 $0x1082;
	[sflag:s4] =	ssyncset.s32 $0xFFFFF086  }
0x25: {  	[simem:s6], [sflag:s4] =	dma.local [hbm:s3], $0xF7A  }
0x26: {  	[smem:$0x3F96] =	sst s1;
	(tag) =	ssettag s2;
	_ =	strace s9  }
0x27: {  	s1 =	sld [smem:$0x3FA6]  }
0x28: {  	s2 =	sld [smem:$0x3FA7]  }
0x29: {  	s4 =	sld [smem:$0x3FA9]  }
0x2a: {  	p0 =	seq.s32 s5, $0x0;
	s5 =	sld [smem:$0x3FAA]  }
0x2b: {  	s6 =	sld [smem:$0x3FAB]  }
0x2c: {  	s7 =	sld [smem:$0x3FAC]  }
0x2d: {  	s3 =	simm.s32 $0x108;
	s8 =	sld [smem:$0x3FAD]  }
0x2e: {  	s3 =	simm.s32 @!p0 $0x1082;
	s9 =	sld [smem:$0x3FAE]  }
0x2f: {  	lr =	sadd.s32 s0, s3;
	s0 =	sld [smem:$0x3FA5]  }
0x30: {  	s3 =	sld [smem:$0x3FA8]  }
0x31: {  	[smem:$0x3FB1] =	sst s10  }
0x32: {  	s10 =	sld [smem:$0x3FAF];
	_ =	sdelay $0x3  }
0x33: {  	p0 =	seq.s32 s10, $0x1;
	s10 =	sld [smem:$0x3FB1];
	_ =	sdelay $0x3  }
0x34: {  	[smem:$0x3FB1] =	sst s10  }
0x35: {  	s10 =	sld [smem:$0x3FB0];
	_ =	sdelay $0x3  }
0x36: {  	p1 =	seq.s32 s10, $0x1;
	s10 =	sld [smem:$0x3FB1];
	_ =	sdelay $0x3  }
0x37: {  	[smem:$0x3FB1] =	sst s10  }
0x38: {  	s10 =	sld [smem:$0x3FB2]  }
0x39: {  	_ = 	snop;
	(pc) =	sbr.ind lr, $3  }
0x3a: {  	_ = 	snop  }
0x3b: {  	_ = 	snop  }
0x3c: {  	p2 =	seq.s32 s10, $0x1;
	s10 =	sld [smem:$0x3FB1]  }
0x3d: {  	_ =	shalt  }
0x3e: {  	_ =	shalt  }
0x3f: {  	_ =	shalt  }
0x40: {  	_ =	shalt  }
0x41: {  	_ =	shalt  }
0x42: {  	_ =	shalt  }
0x43: {  	_ =	shalt  }
0x44: {  	_ =	shalt  }
0x45: {  	_ =	shalt  }
0x46: {  	_ =	shalt  }
0x47: {  	_ =	shalt  }
0x48: {  	_ =	shalt  }
0x49: {  	_ =	shalt  }
0x4a: {  	_ =	shalt  }
0x4b: {  	_ =	shalt  }
0x4c: {  	_ =	shalt  }
0x4d: {  	_ =	shalt  }
0x4e: {  	_ =	shalt  }
0x4f: {  	_ =	shalt  }
0x50: {  	_ =	shalt  }
0x51: {  	_ =	shalt  }
0x52: {  	_ =	shalt  }
0x53: {  	_ =	shalt  }
0x54: {  	_ =	shalt  }
0x55: {  	_ =	shalt  }
0x56: {  	_ =	shalt  }
0x57: {  	_ =	shalt  }
0x58: {  	_ =	shalt  }
0x59: {  	_ =	shalt  }
0x5a: {  	_ =	shalt  }
0x5b: {  	_ =	shalt  }
0x5c: {  	_ =	shalt  }
0x5d: {  	_ =	shalt  }
0x5e: {  	_ =	shalt  }
0x5f: {  	_ =	shalt  }
0x60: {  	_ =	shalt  }
0x61: {  	_ =	shalt  }
0x62: {  	_ =	shalt  }
0x63: {  	_ =	shalt  }
0x64: {  	_ =	shalt  }
0x65: {  	_ =	shalt  }
0x66: {  	_ =	shalt  }
0x67: {  	_ =	shalt  }
0x68: {  	_ =	shalt  }
0x69: {  	_ =	shalt  }
0x6a: {  	_ =	shalt  }
0x6b: {  	_ =	shalt  }
0x6c: {  	_ =	shalt  }
0x6d: {  	_ =	shalt  }
0x6e: {  	_ =	shalt  }
0x6f: {  	_ =	shalt  }
0x70: {  	_ =	shalt  }
0x71: {  	_ =	shalt  }
0x72: {  	_ =	shalt  }
0x73: {  	_ =	shalt  }
0x74: {  	_ =	shalt  }
0x75: {  	_ =	shalt  }
0x76: {  	_ =	shalt  }
0x77: {  	_ =	shalt  }
0x78: {  	_ =	shalt  }
0x79: {  	_ =	shalt  }
0x7a: {  	_ =	shalt  }
0x7b: {  	_ =	shalt  }
0x7c: {  	_ =	shalt  }
0x7d: {  	_ =	shalt  }
0x7e: {  	_ =	shalt  }
0x7f: {  	_ =	shalt  }
0x80: {  	_ =	shalt  }
0x81: {  	_ =	shalt  }
0x82: {  	_ =	shalt  }
0x83: {  	_ =	shalt  }
0x84: {  	_ =	shalt  }
0x85: {  	_ =	shalt  }
0x86: {  	_ =	shalt  }
0x87: {  	_ =	shalt  }
.Lfunc_end0:
.L_simem_size_0:
called_computation.2_lowered:
.L_overlay_start_0:
0x88: {  	s2 =	sld [smem:$0x3FD9]  }
0x89: {  	s3 =	sld [smem:$0x3FFE];
	_ =	sdelay $0x1  }
0x8a: {  	s1 =	srdreg.scid  }
0x8b: {  	s0 =	sand.u32 $0x1, s1  }
0x8c: {  	s16 =	sshll.u32 s0, $0xA;
	s2 =	sadd.s32 s3, s2  }
0x8d: {  	s2 =	sadd.s32 s2, s16  }
0x8e: {  	[smem:$0x3FBD] =	sst s2  }
0x8f: {  	_ = 	snop  }
0x90: {  	(tm) =	ssettm $0x1  }
0x91: {  	s17 =	sld [smem:$0x3FFB];
	_ =	sdelay $0x3  }
0x92: {  	_ =	strace s17  }
0x93: {  	s2 =	sld [smem:$0x3FFC];
	_ =	sdelay $0x3  }
0x94: {  	_ =	strace s2  }
0x95: {  	s2 =	sld [smem:$0x3FFD];
	_ =	sdelay $0x3  }
0x96: {  	_ =	strace s2  }
0x97: {  	_ =	strace $0x8FFFFFFF  }
0x98: {  	s18 =	sld [smem:$0x3FDB];
	_ =	sdelay $0x1  }
0x99: {  	s19 =	simm.s32 $_scs_section_size  }
0x9a: {  	s4 =	simm.s32 $_size__tile_overlayer_lowered;
	s5 =	simm.s32 $_tile_overlayer_lowered  }
0x9b: {  	s22 =	simm.s32 $0x1BFF;
	s21 =	sshll.u32 s5, $0x1;
	s2 =	sadd.s32 s19, s18  }
0x9c: {  	s6 =	simm.s32 $0x0;
	s20 =	sshll.u32 s4, $0x1;
	s4 =	sadd.s32 s21, s2  }
0x9d: {  	[timem:s6], [sflag:s22] =	dma.local [hbm:s4], s20  }
0x9e: {  	_ =	swait.ge [sflag:s22], s20  }
0x9f: {  	s3 =	ssub.s32 $0x0, s20;
	[sflag:s22] =	ssyncset.done $0x0  }
0xa0: {  	[sflag:s22] =	ssyncadd.s32 s3;
	_ =	sdelay $0x1  }
0xa1: {  	s23 =	simm.s32 $0x1B8B  }
0xa2: {  	_ =	swait.ge [sflag:s23], $0x1  }
0xa3: {  	[sflag:s23] =	ssyncset.done $0x0  }
0xa4: {  	s25 =	simm.s32 $0x1B8E;
	s24 =	sld [smem:$0x3FFE];
	[sflag:s23] =	ssyncadd.s32 $0xFFFFFFFF  }
0xa5: {  	s26 =	simm.s32 $execute0_lowered;
	[smem:$0x3FD2] =	sst s25  }
0xa6: {  	s4 =	sshll.u32 s26, $0x1;
	_ =	strace $0x8000004C;
	[dreg:$0x1] =	wrdreg $0xFFFFFFFF  }
0xa7: {  	s28 =	simm.s32 $_size_execute0_lowered;
	s2 =	sadd.s32 s2, s4;
	[dreg:$0x0] =	wrdreg $0x0  }
0xa8: {  	s4 =	sshll.u32 s28, $0x1;
	[dreg:$0x2] =	wrdreg s2  }
0xa9: {  	[dreg:$0x3] =	wrdreg s4  }
0xaa: {  	[dreg:$0x4] =	wrdreg $0xC0  }
0xab: {  	_ =	task [dreg:s6], $0x5FFFF  }
0xac: {  	[dreg:$0x1] =	wrdreg $0xFFFFFFFF  }
0xad: {  	[dreg:$0x0] =	wrdreg $0x60  }
0xae: {  	[dreg:$0x2] =	wrdreg s24  }
0xaf: {  	[dreg:$0x3] =	wrdreg $0xA8000  }
0xb0: {  	[dreg:$0x4] =	wrdreg $0x9  }
0xb1: {  	_ =	task.clear_ibuf [dreg:s6], $0x5FFFF;
	_ =	strace $0x9000004C  }
0xb2: {  	s29 =	simm.s32 $0x9;
	_ =	strace $0x8000004E  }
0xb3: {  	_ =	swait.ge [sflag:s29], $0x1  }
0xb4: {  	[sflag:s29] =	ssyncadd.s32 $0xFFFFFFFF  }
0xb5: {  	_ =	strace $0x9000004E  }
0xb6: {  	_ =	sfence  }
0xb7: {  	s30 =	sld [smem:$0x0];
	_ =	sdelay $0x2  }
0xb8: {  	s31 =	sshll.u32 s1, $0xD;
	s1 =	sshrl.u32 s1, $0x2  }
0xb9: {  	s3 =	sand.u32 $0x4000, s31;
	s1 =	sadd.s32 s1, s30  }
0xba: {  	s0 =	sor.u32 s3, s0;
	s1 =	sshll.u32 s1, $0x11  }
0xbb: {  	s0 =	sor.u32 s1, s0  }
0xbc: {  	s0 =	sadd.s32 $0x8F2B, s0  }
0xbd: {  	[sflag:s0] =	ssyncadd.remote.s32 $0x1  }
0xbe: {  	_ =	sfence.sel $0xFFFF  }
0xbf: {  	[dreg:$0x0] =	wrdreg $0xFFFFFFFF;
	(pc) =	sbr.abs _section_cstart, $3  }
0xc0: {  	[dreg:$0x1] =	wrdreg $0xFFFFFFFF  }
0xc1: {  	_ =	task.clear_ibuf [dreg:s6], $0x2FFFF;
	_ =	strace $0x9FFFFFFF  }
0xc2: {  	(tm) =	ssettm $0x7FFFFFFF  }
0xc3: {  	_ =	shalt  }
tec
execute0_lowered:
.L_overlay_start_1:
0x0: {  	(tag) =	ssettag $0x1  }
0x1: {  	s9 =	rddreg [dreg:$0x0]  }
0x2: {  	s1 =	rddreg [dreg:$0x1]  }
0x3: {  	s3 =	simm.s32 $0x0;
	s2 =	stileid.u32;
	s6 =	srdreg.scid  }
0x4: {  	s20 =	simm.s32 $0x3;
	s21 =	simm.s32 $0x1400;
	s22 =	simm.s32 $0x80  }
0x5: {  	s23 =	simm.s32 $0x6800;
	s24 =	simm.s32 $0x1;
	s25 =	simm.s32 $0x2  }
0x6: {  	s26 =	simm.s32 $0x2700;
	s28 =	simm.s32 $0x2780;
	s29 =	simm.s32 $0x0  }
0x7: {  	[smem:$0x7FF] =	sst s3;
	s4 =	sadd.s32 $0x31800, s9;
	s5 =	sadd.s32 $0x59800, s9  }
0x8: {  	s7 =	smul.u32 $0x50000, s2;
	s16 =	sadd.s32 $0xA9800, s9;
	s17 =	sadd.s32 $0x4800, s9  }
0x9: {  	s14 =	sand.u32 $0x1, s6;
	s6 =	sadd.s32 $0x81800, s9;
	s8 =	smul.u32 $0x2800, s2  }
0xa: {  	s9 =	sadd.s32 $0xAE800, s9;
	_ =	strace $0x8000004D;
	s10 =	ssub.s32 $0x2, s14  }
0xb: {  	p0 =	seq.s32 s14, $0x1;
	s7 =	sshrl.u32 s7, $0x2;
	s11 =	sshrl.u32 s10, $0x1  }
.Ltmp0:
0xc: {  	s15 =	sshrl.u32 s8, $0x3;
	s7 =	sadd.s32 s7, s1;
	(pc) =	sbr.rel .LBB2_1-.Ltmp0, $4  }
0xd: {  	s18 =	ssub.s32 s10, s11;
	s19 =	sadd.s32 $0x280, s15;
	s14 =	sadd.s32 s16, s15  }
0xe: {  	s15 =	sadd.s32 s17, s15;
	s10 =	sadd.s32 $0x4000, s7;
	s11 =	sadd.s32 $0x8000, s7  }
0xf: {  	s12 =	sadd.s32 $0xC000, s7;
	s13 =	sadd.s32 $0x10000, s7;
	s16 =	sadd.s32 s16, s19  }
0x10: {  	v0 =	vimm.f32 $0.0e+00;
	s17 =	sadd.s32 s17, s19;
	s18 =	smax.u32 s18, $0x1;
	s19 =	simm.s32 $0x2800  }
.LBB2_8:
0x11: {  	[tilespmem:s23], [sflag:$0x2] =	stream.indirect.gather [hbm4b:s4+s22], $0x80, s31, s22, $0xb8;
	[tilespmem:$0x1E800] =	vst v63  }
0x12: {  	s30 =	smov.u32 s6  }
.LBB2_14:
0x13: {  	_ =	swait.ge [sflag:s24], $0x4000  }
0x14: {  	[sflag:s24] =	ssyncset.done $0x0  }
0x15: {  	[sflag:s24] =	ssyncadd.s32 $0xFFFFC000  }
0x16: {  	[spmem:s1] =	stream.indirect.scatter.add.f32 [tilespmem:s19], [sflag:$0x3], $0x80, s26, s22, $0xb8;
	[tilespmem:$0x1E800] =	vst v63  }
0x17: {  	_ =	swait.ge [sflag:s20], $0x4000  }
0x18: {  	[sflag:s20] =	ssyncset.done $0x0  }
0x19: {  	[sflag:s20] =	ssyncadd.s32 $0xFFFFC000  }
0x1a: {  	_ =	swait.ge [sflag:s25], $0x4000  }
0x1b: {  	[sflag:s25] =	ssyncset.done $0x0  }
0x1c: {  	[sflag:s25] =	ssyncadd.s32 $0xFFFFC000  }
0x1d: {  	[spmem:s1] =	stream.indirect.scatter.add.f32 [tilespmem:s23], [sflag:$0x3], $0x80, s28, s22, $0xb8;
	[tilespmem:$0x1E800] =	vst v63  }
0x1e: {  	s0 =	sadd.s32 s30, s8;
	_ =	swait.ge [sflag:s20], $0x4000  }
0x1f: {  	s31 =	sshll.u32 s2, $0x6;
	s29 =	sadd.s32 $0x1, s29;
	[sflag:s20] =	ssyncset.done $0x0  }
0x20: {  	s30 =	sor.u32 $0x1C03, s31;
	p1 =	sne.s32 s29, s18;
	[sflag:s20] =	ssyncadd.s32 $0xFFFFC000  }
.Ltmp1:
0x21: {  	s31 =	sshrl.u32 s7, $0x3;
	[bflag:$0x0] =	sbarrier.arrive $0xFFFF;
	(pc) =	sbr.rel @!p1 .LBB2_15-.Ltmp1, $4  }
0x22: {  	[hbm:s0], [sflag:s30] =	dma.local [spmem:s31], $0x2800  }
0x23: {  	_ =	swait.ge [sflag:s20], $0x2800  }
0x24: {  	[sflag:s20] =	ssyncset.done $0x0  }
0x25: {  	[sflag:s20] =	ssyncadd.s32 $0xFFFFD800  }
.LBB2_1:
0x26: {  	s30 =	simm.s32 $0x0;
	s31 =	simm.s32 $0x200  }
.LBB2_2:
0x27: {  	p1 =	sne.s32 s31, $0xFE00;
	[tilespmem:s30+$0x2870] =	vst v0  }
0x28: {  	[tilespmem:s30+$0x2800] =	vst v0  }
0x29: {  	[tilespmem:s30+$0x2810] =	vst v0  }
.Ltmp2:
0x2a: {  	[tilespmem:s30+$0x2820] =	vst v0;
	(pc) =	sbr.rel @p1 .LBB2_2-.Ltmp2, $4  }
0x2b: {  	[tilespmem:s30+$0x2830] =	vst v0  }
0x2c: {  	[tilespmem:s30+$0x2840] =	vst v0  }
0x2d: {  	[tilespmem:s30+$0x2850] =	vst v0  }
0x2e: {  	[tilespmem:s30+$0x2860] =	vst v0;
	s30 =	sshra.s32 s31, $0x2;
	s31 =	sadd.s32 $0x200, s31  }
0x2f: {  	[tilespmem:s30+$0x2870] =	vst v0  }
0x30: {  	[tilespmem:s30+$0x2800] =	vst v0  }
0x31: {  	[tilespmem:s30+$0x2810] =	vst v0  }
0x32: {  	[tilespmem:s30+$0x2820] =	vst v0  }
0x33: {  	[tilespmem:s30+$0x2830] =	vst v0  }
0x34: {  	[tilespmem:s30+$0x2840] =	vst v0  }
0x35: {  	[tilespmem:s30+$0x2850] =	vst v0  }
0x36: {  	[tilespmem:s30+$0x2860] =	vst v0  }
0x37: {  	[spmem:s7] =	stream.linear.scatter [tilespmem:s19], [sflag:$0x3], $0x4000, $0x38;
	[tilespmem:$0x1E800] =	vst v63  }
0x38: {  	_ =	swait.ge [sflag:s20], $0x4000  }
0x39: {  	[sflag:s20] =	ssyncset.done $0x0  }
0x3a: {  	[sflag:s20] =	ssyncadd.s32 $0xFFFFC000  }
0x3b: {  	[spmem:s10] =	stream.linear.scatter [tilespmem:s19], [sflag:$0x3], $0x4000, $0x38;
	[tilespmem:$0x1E800] =	vst v63  }
0x3c: {  	_ =	swait.ge [sflag:s20], $0x4000  }
0x3d: {  	[sflag:s20] =	ssyncset.done $0x0  }
0x3e: {  	[sflag:s20] =	ssyncadd.s32 $0xFFFFC000  }
0x3f: {  	[spmem:s11] =	stream.linear.scatter [tilespmem:s19], [sflag:$0x3], $0x4000, $0x38;
	[tilespmem:$0x1E800] =	vst v63  }
0x40: {  	_ =	swait.ge [sflag:s20], $0x4000  }
0x41: {  	[sflag:s20] =	ssyncset.done $0x0  }
0x42: {  	[sflag:s20] =	ssyncadd.s32 $0xFFFFC000  }
0x43: {  	[spmem:s12] =	stream.linear.scatter [tilespmem:s19], [sflag:$0x3], $0x4000, $0x38;
	[tilespmem:$0x1E800] =	vst v63  }
0x44: {  	_ =	swait.ge [sflag:s20], $0x4000  }
0x45: {  	[sflag:s20] =	ssyncset.done $0x0  }
0x46: {  	[sflag:s20] =	ssyncadd.s32 $0xFFFFC000  }
0x47: {  	[spmem:s13] =	stream.linear.scatter [tilespmem:s19], [sflag:$0x3], $0x4000, $0x38;
	[tilespmem:$0x1E800] =	vst v63  }
0x48: {  	_ =	swait.ge [sflag:s20], $0x4000  }
0x49: {  	[sflag:s20] =	ssyncset.done $0x0  }
0x4a: {  	[sflag:s20] =	ssyncadd.s32 $0xFFFFC000  }
0x4b: {  	[bflag:$0x0] =	sbarrier.arrive $0xFFFF  }
0x4c: {  	[tilespmem:s3], [sflag:$0x3] =	stream.linear.gather [hbm4b:s14+s3], $0x1400, $0x38;
	[tilespmem:$0x1E800] =	vst v63  }
0x4d: {  	_ =	swait.ge [sflag:s20], $0x1400  }
0x4e: {  	[sflag:s20] =	ssyncset.done $0x0  }
.Ltmp3:
0x4f: {  	[sflag:s20] =	ssyncadd.s32 $0xFFFFEC00;
	(pc) =	sbr.rel @!p0 .LBB2_4-.Ltmp3, $4  }
0x50: {  	[tilespmem:s21], [sflag:$0x3] =	stream.linear.gather [hbm4b:s15+s3], $0x1400, $0x38;
	[tilespmem:$0x1E800] =	vst v63  }
0x51: {  	_ =	swait.ge [sflag:s20], $0x1400  }
0x52: {  	[sflag:s20] =	ssyncset.done $0x0  }
0x53: {  	[sflag:s20] =	ssyncadd.s32 $0xFFFFEC00  }
0x54: {  	s0 =	simm.s32 $0x0  }
0x55: {  	[tilespmem:s19], [sflag:$0x1] =	stream.indirect.gather [hbm4b:s5+s22], $0x80, s0, s22, $0xb8;
	[tilespmem:$0x1E800] =	vst v63  }
0x56: {  	_ = 	snop  }
0x57: {  	[tilespmem:s23], [sflag:$0x2] =	stream.indirect.gather [hbm4b:s5+s22], $0x80, s22, s22, $0xb8;
	[tilespmem:$0x1E800] =	vst v63  }
0x58: {  	_ =	swait.ge [sflag:s24], $0x4000  }
0x59: {  	[sflag:s24] =	ssyncset.done $0x0  }
0x5a: {  	s0 =	simm.s32 $0x1400;
	[sflag:s24] =	ssyncadd.s32 $0xFFFFC000  }
0x5b: {  	[spmem:s1] =	stream.indirect.scatter.add.f32 [tilespmem:s19], [sflag:$0x3], $0x80, s0, s22, $0xb8;
	[tilespmem:$0x1E800] =	vst v63  }
0x5c: {  	_ =	swait.ge [sflag:s20], $0x4000  }
0x5d: {  	[sflag:s20] =	ssyncset.done $0x0  }
0x5e: {  	s0 =	simm.s32 $0x100;
	[sflag:s20] =	ssyncadd.s32 $0xFFFFC000  }
0x5f: {  	[tilespmem:s19], [sflag:$0x1] =	stream.indirect.gather [hbm4b:s5+s22], $0x80, s0, s22, $0xb8;
	[tilespmem:$0x1E800] =	vst v63  }
0x60: {  	_ =	swait.ge [sflag:s25], $0x4000  }
0x61: {  	[sflag:s25] =	ssyncset.done $0x0  }
0x62: {  	s0 =	simm.s32 $0x1480;
	[sflag:s25] =	ssyncadd.s32 $0xFFFFC000  }
0x63: {  	[spmem:s1] =	stream.indirect.scatter.add.f32 [tilespmem:s23], [sflag:$0x3], $0x80, s0, s22, $0xb8;
	[tilespmem:$0x1E800] =	vst v63  }
0x64: {  	_ =	swait.ge [sflag:s20], $0x4000  }
0x65: {  	[sflag:s20] =	ssyncset.done $0x0  }
0x66: {  	s30 =	simm.s32 $0x400;
	s31 =	simm.s32 $0x180;
	[sflag:s20] =	ssyncadd.s32 $0xFFFFC000  }
.LBB2_10:
0x67: {  	[tilespmem:s23], [sflag:$0x2] =	stream.indirect.gather [hbm4b:s5+s22], $0x80, s31, s22, $0xb8;
	[tilespmem:$0x1E800] =	vst v63  }
0x68: {  	s0 =	smov.u32 s30  }
0x69: {  	p1 =	sne.s32 s30, $0x4800;
	s30 =	sadd.s32 $0x400, s30;
	_ =	swait.ge [sflag:s24], $0x4000  }
0x6a: {  	s0 =	sshra.s32 s0, $0x2;
	[sflag:s24] =	ssyncset.done $0x0  }
0x6b: {  	s31 =	sadd.s32 $0x1400, s0;
	[sflag:s24] =	ssyncadd.s32 $0xFFFFC000  }
0x6c: {  	[spmem:s1] =	stream.indirect.scatter.add.f32 [tilespmem:s19], [sflag:$0x3], $0x80, s31, s22, $0xb8;
	[tilespmem:$0x1E800] =	vst v63  }
0x6d: {  	_ =	swait.ge [sflag:s20], $0x4000  }
0x6e: {  	[sflag:s20] =	ssyncset.done $0x0  }
0x6f: {  	s31 =	sadd.s32 $0x100, s0;
	[sflag:s20] =	ssyncadd.s32 $0xFFFFC000  }
0x70: {  	[tilespmem:s19], [sflag:$0x1] =	stream.indirect.gather [hbm4b:s5+s22], $0x80, s31, s22, $0xb8;
	[tilespmem:$0x1E800] =	vst v63  }
0x71: {  	_ =	swait.ge [sflag:s25], $0x4000  }
0x72: {  	[sflag:s25] =	ssyncset.done $0x0  }
.Ltmp4:
0x73: {  	s31 =	sadd.s32 $0x1480, s0;
	[sflag:s25] =	ssyncadd.s32 $0xFFFFC000;
	(pc) =	sbr.rel @p1 .LBB2_10-.Ltmp4, $4  }
0x74: {  	[spmem:s1] =	stream.indirect.scatter.add.f32 [tilespmem:s23], [sflag:$0x3], $0x80, s31, s22, $0xb8;
	[tilespmem:$0x1E800] =	vst v63  }
0x75: {  	_ =	swait.ge [sflag:s20], $0x4000  }
0x76: {  	[sflag:s20] =	ssyncset.done $0x0  }
0x77: {  	s31 =	sadd.s32 $0x180, s0;
	[sflag:s20] =	ssyncadd.s32 $0xFFFFC000  }
0x78: {  	[tilespmem:s23], [sflag:$0x2] =	stream.indirect.gather [hbm4b:s5+s22], $0x80, s31, s22, $0xb8;
	[tilespmem:$0x1E800] =	vst v63  }
0x79: {  	_ =	swait.ge [sflag:s24], $0x4000  }
0x7a: {  	[sflag:s24] =	ssyncset.done $0x0  }
0x7b: {  	[sflag:s24] =	ssyncadd.s32 $0xFFFFC000  }
0x7c: {  	[spmem:s1] =	stream.indirect.scatter.add.f32 [tilespmem:s19], [sflag:$0x3], $0x80, s26, s22, $0xb8;
	[tilespmem:$0x1E800] =	vst v63  }
0x7d: {  	_ =	swait.ge [sflag:s20], $0x4000  }
0x7e: {  	[sflag:s20] =	ssyncset.done $0x0  }
0x7f: {  	[sflag:s20] =	ssyncadd.s32 $0xFFFFC000  }
0x80: {  	_ =	swait.ge [sflag:s25], $0x4000  }
0x81: {  	[sflag:s25] =	ssyncset.done $0x0  }
0x82: {  	[sflag:s25] =	ssyncadd.s32 $0xFFFFC000  }
0x83: {  	[spmem:s1] =	stream.indirect.scatter.add.f32 [tilespmem:s23], [sflag:$0x3], $0x80, s28, s22, $0xb8;
	[tilespmem:$0x1E800] =	vst v63  }
0x84: {  	_ =	swait.ge [sflag:s20], $0x4000  }
0x85: {  	[sflag:s20] =	ssyncset.done $0x0  }
0x86: {  	s0 =	simm.s32 $0x0;
	[sflag:s20] =	ssyncadd.s32 $0xFFFFC000  }
0x87: {  	[tilespmem:s0], [sflag:$0x3] =	stream.linear.gather [hbm4b:s16+s0], $0x1400, $0x38;
	[tilespmem:$0x1E800] =	vst v63  }
0x88: {  	_ =	swait.ge [sflag:s20], $0x1400  }
0x89: {  	[sflag:s20] =	ssyncset.done $0x0  }
0x8a: {  	[sflag:s20] =	ssyncadd.s32 $0xFFFFEC00  }
0x8b: {  	[tilespmem:s21], [sflag:$0x3] =	stream.linear.gather [hbm4b:s17+s0], $0x1400, $0x38;
	[tilespmem:$0x1E800] =	vst v63  }
0x8c: {  	_ =	swait.ge [sflag:s20], $0x1400  }
0x8d: {  	[sflag:s20] =	ssyncset.done $0x0  }
0x8e: {  	[sflag:s20] =	ssyncadd.s32 $0xFFFFEC00  }
0x8f: {  	[tilespmem:s19], [sflag:$0x1] =	stream.indirect.gather [hbm4b:s5+s22], $0x80, s0, s22, $0xb8;
	[tilespmem:$0x1E800] =	vst v63  }
0x90: {  	_ = 	snop  }
0x91: {  	[tilespmem:s23], [sflag:$0x2] =	stream.indirect.gather [hbm4b:s5+s22], $0x80, s22, s22, $0xb8;
	[tilespmem:$0x1E800] =	vst v63  }
0x92: {  	_ =	swait.ge [sflag:s24], $0x4000  }
0x93: {  	[sflag:s24] =	ssyncset.done $0x0  }
0x94: {  	s0 =	simm.s32 $0x1400;
	[sflag:s24] =	ssyncadd.s32 $0xFFFFC000  }
0x95: {  	[spmem:s1] =	stream.indirect.scatter.add.f32 [tilespmem:s19], [sflag:$0x3], $0x80, s0, s22, $0xb8;
	[tilespmem:$0x1E800] =	vst v63  }
0x96: {  	_ =	swait.ge [sflag:s20], $0x4000  }
0x97: {  	[sflag:s20] =	ssyncset.done $0x0  }
0x98: {  	s0 =	simm.s32 $0x100;
	[sflag:s20] =	ssyncadd.s32 $0xFFFFC000  }
0x99: {  	[tilespmem:s19], [sflag:$0x1] =	stream.indirect.gather [hbm4b:s5+s22], $0x80, s0, s22, $0xb8;
	[tilespmem:$0x1E800] =	vst v63  }
0x9a: {  	_ =	swait.ge [sflag:s25], $0x4000  }
0x9b: {  	[sflag:s25] =	ssyncset.done $0x0  }
0x9c: {  	s0 =	simm.s32 $0x1480;
	[sflag:s25] =	ssyncadd.s32 $0xFFFFC000  }
0x9d: {  	[spmem:s1] =	stream.indirect.scatter.add.f32 [tilespmem:s23], [sflag:$0x3], $0x80, s0, s22, $0xb8;
	[tilespmem:$0x1E800] =	vst v63  }
0x9e: {  	_ =	swait.ge [sflag:s20], $0x4000  }
0x9f: {  	[sflag:s20] =	ssyncset.done $0x0  }
0xa0: {  	s30 =	simm.s32 $0x400;
	s31 =	simm.s32 $0x180;
	[sflag:s20] =	ssyncadd.s32 $0xFFFFC000  }
.LBB2_12:
0xa1: {  	[tilespmem:s23], [sflag:$0x2] =	stream.indirect.gather [hbm4b:s5+s22], $0x80, s31, s22, $0xb8;
	[tilespmem:$0x1E800] =	vst v63  }
0xa2: {  	s0 =	smov.u32 s30  }
0xa3: {  	p1 =	sne.s32 s30, $0x4800;
	s30 =	sadd.s32 $0x400, s30;
	_ =	swait.ge [sflag:s24], $0x4000  }
0xa4: {  	s0 =	sshra.s32 s0, $0x2;
	[sflag:s24] =	ssyncset.done $0x0  }
0xa5: {  	s31 =	sadd.s32 $0x1400, s0;
	[sflag:s24] =	ssyncadd.s32 $0xFFFFC000  }
0xa6: {  	[spmem:s1] =	stream.indirect.scatter.add.f32 [tilespmem:s19], [sflag:$0x3], $0x80, s31, s22, $0xb8;
	[tilespmem:$0x1E800] =	vst v63  }
0xa7: {  	_ =	swait.ge [sflag:s20], $0x4000  }
0xa8: {  	[sflag:s20] =	ssyncset.done $0x0  }
0xa9: {  	s31 =	sadd.s32 $0x100, s0;
	[sflag:s20] =	ssyncadd.s32 $0xFFFFC000  }
0xaa: {  	[tilespmem:s19], [sflag:$0x1] =	stream.indirect.gather [hbm4b:s5+s22], $0x80, s31, s22, $0xb8;
	[tilespmem:$0x1E800] =	vst v63  }
0xab: {  	_ =	swait.ge [sflag:s25], $0x4000  }
0xac: {  	[sflag:s25] =	ssyncset.done $0x0  }
.Ltmp5:
0xad: {  	s31 =	sadd.s32 $0x1480, s0;
	[sflag:s25] =	ssyncadd.s32 $0xFFFFC000;
	(pc) =	sbr.rel @p1 .LBB2_12-.Ltmp5, $4  }
0xae: {  	[spmem:s1] =	stream.indirect.scatter.add.f32 [tilespmem:s23], [sflag:$0x3], $0x80, s31, s22, $0xb8;
	[tilespmem:$0x1E800] =	vst v63  }
0xaf: {  	_ =	swait.ge [sflag:s20], $0x4000  }
0xb0: {  	[sflag:s20] =	ssyncset.done $0x0  }
0xb1: {  	s31 =	sadd.s32 $0x180, s0;
	[sflag:s20] =	ssyncadd.s32 $0xFFFFC000  }
.Ltmp6:
0xb2: {  	(pc) =	sbr.rel .LBB2_14-.Ltmp6, $3  }
0xb3: {  	_ =	sdelay $0x1  }
0xb4: {  	[tilespmem:s23], [sflag:$0x2] =	stream.indirect.gather [hbm4b:s5+s22], $0x80, s31, s22, $0xb8;
	[tilespmem:$0x1E800] =	vst v63  }
0xb5: {  	s30 =	smov.u32 s9  }
.LBB2_4:
0xb6: {  	s30 =	simm.s32 $0x0  }
0xb7: {  	[tilespmem:s19], [sflag:$0x1] =	stream.indirect.gather [hbm4b:s4+s22], $0x80, s30, s22, $0xb8;
	[tilespmem:$0x1E800] =	vst v63  }
0xb8: {  	_ = 	snop  }
0xb9: {  	[tilespmem:s23], [sflag:$0x2] =	stream.indirect.gather [hbm4b:s4+s22], $0x80, s22, s22, $0xb8;
	[tilespmem:$0x1E800] =	vst v63  }
0xba: {  	_ =	swait.ge [sflag:s24], $0x4000  }
0xbb: {  	[sflag:s24] =	ssyncset.done $0x0  }
0xbc: {  	s30 =	simm.s32 $0x1400;
	[sflag:s24] =	ssyncadd.s32 $0xFFFFC000  }
0xbd: {  	[spmem:s1] =	stream.indirect.scatter.add.f32 [tilespmem:s19], [sflag:$0x3], $0x80, s30, s22, $0xb8;
	[tilespmem:$0x1E800] =	vst v63  }
0xbe: {  	_ =	swait.ge [sflag:s20], $0x4000  }
0xbf: {  	[sflag:s20] =	ssyncset.done $0x0  }
0xc0: {  	s30 =	simm.s32 $0x100;
	[sflag:s20] =	ssyncadd.s32 $0xFFFFC000  }
0xc1: {  	[tilespmem:s19], [sflag:$0x1] =	stream.indirect.gather [hbm4b:s4+s22], $0x80, s30, s22, $0xb8;
	[tilespmem:$0x1E800] =	vst v63  }
0xc2: {  	_ =	swait.ge [sflag:s25], $0x4000  }
0xc3: {  	[sflag:s25] =	ssyncset.done $0x0  }
0xc4: {  	s30 =	simm.s32 $0x1480;
	[sflag:s25] =	ssyncadd.s32 $0xFFFFC000  }
0xc5: {  	[spmem:s1] =	stream.indirect.scatter.add.f32 [tilespmem:s23], [sflag:$0x3], $0x80, s30, s22, $0xb8;
	[tilespmem:$0x1E800] =	vst v63  }
0xc6: {  	_ =	swait.ge [sflag:s20], $0x4000  }
0xc7: {  	[sflag:s20] =	ssyncset.done $0x0  }
0xc8: {  	s31 =	simm.s32 $0x180;
	s30 =	simm.s32 $0x400;
	[sflag:s20] =	ssyncadd.s32 $0xFFFFC000  }
.LBB2_5:
0xc9: {  	[tilespmem:s23], [sflag:$0x2] =	stream.indirect.gather [hbm4b:s4+s22], $0x80, s31, s22, $0xb8;
	[tilespmem:$0x1E800] =	vst v63  }
0xca: {  	s31 =	smov.u32 s30  }
0xcb: {  	p1 =	sne.s32 s30, $0x4800;
	s30 =	sadd.s32 $0x400, s30;
	_ =	swait.ge [sflag:s24], $0x4000  }
0xcc: {  	s31 =	sshra.s32 s31, $0x2;
	[sflag:s24] =	ssyncset.done $0x0  }
0xcd: {  	s0 =	sadd.s32 $0x1400, s31;
	[sflag:s24] =	ssyncadd.s32 $0xFFFFC000  }
0xce: {  	[spmem:s1] =	stream.indirect.scatter.add.f32 [tilespmem:s19], [sflag:$0x3], $0x80, s0, s22, $0xb8;
	[tilespmem:$0x1E800] =	vst v63  }
0xcf: {  	_ =	swait.ge [sflag:s20], $0x4000  }
0xd0: {  	[sflag:s20] =	ssyncset.done $0x0  }
0xd1: {  	s0 =	sadd.s32 $0x100, s31;
	[sflag:s20] =	ssyncadd.s32 $0xFFFFC000  }
0xd2: {  	[tilespmem:s19], [sflag:$0x1] =	stream.indirect.gather [hbm4b:s4+s22], $0x80, s0, s22, $0xb8;
	[tilespmem:$0x1E800] =	vst v63  }
0xd3: {  	_ =	swait.ge [sflag:s25], $0x4000  }
0xd4: {  	[sflag:s25] =	ssyncset.done $0x0  }
.Ltmp7:
0xd5: {  	s0 =	sadd.s32 $0x1480, s31;
	[sflag:s25] =	ssyncadd.s32 $0xFFFFC000;
	(pc) =	sbr.rel @p1 .LBB2_5-.Ltmp7, $4  }
0xd6: {  	[spmem:s1] =	stream.indirect.scatter.add.f32 [tilespmem:s23], [sflag:$0x3], $0x80, s0, s22, $0xb8;
	[tilespmem:$0x1E800] =	vst v63  }
0xd7: {  	_ =	swait.ge [sflag:s20], $0x4000  }
0xd8: {  	[sflag:s20] =	ssyncset.done $0x0  }
0xd9: {  	s31 =	sadd.s32 $0x180, s31;
	[sflag:s20] =	ssyncadd.s32 $0xFFFFC000  }
0xda: {  	[tilespmem:s23], [sflag:$0x2] =	stream.indirect.gather [hbm4b:s4+s22], $0x80, s31, s22, $0xb8;
	[tilespmem:$0x1E800] =	vst v63  }
0xdb: {  	_ =	swait.ge [sflag:s24], $0x4000  }
0xdc: {  	[sflag:s24] =	ssyncset.done $0x0  }
0xdd: {  	[sflag:s24] =	ssyncadd.s32 $0xFFFFC000  }
0xde: {  	[spmem:s1] =	stream.indirect.scatter.add.f32 [tilespmem:s19], [sflag:$0x3], $0x80, s26, s22, $0xb8;
	[tilespmem:$0x1E800] =	vst v63  }
0xdf: {  	_ =	swait.ge [sflag:s20], $0x4000  }
0xe0: {  	[sflag:s20] =	ssyncset.done $0x0  }
0xe1: {  	[sflag:s20] =	ssyncadd.s32 $0xFFFFC000  }
0xe2: {  	_ =	swait.ge [sflag:s25], $0x4000  }
0xe3: {  	[sflag:s25] =	ssyncset.done $0x0  }
0xe4: {  	[sflag:s25] =	ssyncadd.s32 $0xFFFFC000  }
0xe5: {  	[spmem:s1] =	stream.indirect.scatter.add.f32 [tilespmem:s23], [sflag:$0x3], $0x80, s28, s22, $0xb8;
	[tilespmem:$0x1E800] =	vst v63  }
0xe6: {  	_ =	swait.ge [sflag:s20], $0x4000  }
0xe7: {  	[sflag:s20] =	ssyncset.done $0x0  }
0xe8: {  	s0 =	simm.s32 $0x0;
	[sflag:s20] =	ssyncadd.s32 $0xFFFFC000  }
0xe9: {  	[tilespmem:s0], [sflag:$0x3] =	stream.linear.gather [hbm4b:s16+s0], $0x1400, $0x38;
	[tilespmem:$0x1E800] =	vst v63  }
0xea: {  	_ =	swait.ge [sflag:s20], $0x1400  }
0xeb: {  	[sflag:s20] =	ssyncset.done $0x0  }
0xec: {  	[sflag:s20] =	ssyncadd.s32 $0xFFFFEC00  }
0xed: {  	[tilespmem:s21], [sflag:$0x3] =	stream.linear.gather [hbm4b:s17+s0], $0x1400, $0x38;
	[tilespmem:$0x1E800] =	vst v63  }
0xee: {  	_ =	swait.ge [sflag:s20], $0x1400  }
0xef: {  	[sflag:s20] =	ssyncset.done $0x0  }
0xf0: {  	[sflag:s20] =	ssyncadd.s32 $0xFFFFEC00  }
0xf1: {  	[tilespmem:s19], [sflag:$0x1] =	stream.indirect.gather [hbm4b:s4+s22], $0x80, s0, s22, $0xb8;
	[tilespmem:$0x1E800] =	vst v63  }
0xf2: {  	_ = 	snop  }
0xf3: {  	[tilespmem:s23], [sflag:$0x2] =	stream.indirect.gather [hbm4b:s4+s22], $0x80, s22, s22, $0xb8;
	[tilespmem:$0x1E800] =	vst v63  }
0xf4: {  	_ =	swait.ge [sflag:s24], $0x4000  }
0xf5: {  	[sflag:s24] =	ssyncset.done $0x0  }
0xf6: {  	s0 =	simm.s32 $0x1400;
	[sflag:s24] =	ssyncadd.s32 $0xFFFFC000  }
0xf7: {  	[spmem:s1] =	stream.indirect.scatter.add.f32 [tilespmem:s19], [sflag:$0x3], $0x80, s0, s22, $0xb8;
	[tilespmem:$0x1E800] =	vst v63  }
0xf8: {  	_ =	swait.ge [sflag:s20], $0x4000  }
0xf9: {  	[sflag:s20] =	ssyncset.done $0x0  }
0xfa: {  	s0 =	simm.s32 $0x100;
	[sflag:s20] =	ssyncadd.s32 $0xFFFFC000  }
0xfb: {  	[tilespmem:s19], [sflag:$0x1] =	stream.indirect.gather [hbm4b:s4+s22], $0x80, s0, s22, $0xb8;
	[tilespmem:$0x1E800] =	vst v63  }
0xfc: {  	_ =	swait.ge [sflag:s25], $0x4000  }
0xfd: {  	[sflag:s25] =	ssyncset.done $0x0  }
0xfe: {  	s0 =	simm.s32 $0x1480;
	[sflag:s25] =	ssyncadd.s32 $0xFFFFC000  }
0xff: {  	[spmem:s1] =	stream.indirect.scatter.add.f32 [tilespmem:s23], [sflag:$0x3], $0x80, s0, s22, $0xb8;
	[tilespmem:$0x1E800] =	vst v63  }
0x100: {  	_ =	swait.ge [sflag:s20], $0x4000  }
0x101: {  	[sflag:s20] =	ssyncset.done $0x0  }
0x102: {  	s30 =	simm.s32 $0x400;
	s31 =	simm.s32 $0x180;
	[sflag:s20] =	ssyncadd.s32 $0xFFFFC000  }
.LBB2_7:
0x103: {  	[tilespmem:s23], [sflag:$0x2] =	stream.indirect.gather [hbm4b:s4+s22], $0x80, s31, s22, $0xb8;
	[tilespmem:$0x1E800] =	vst v63  }
0x104: {  	s0 =	smov.u32 s30  }
0x105: {  	p1 =	seq.s32 s30, $0x4800;
	s30 =	sadd.s32 $0x400, s30;
	_ =	swait.ge [sflag:s24], $0x4000  }
0x106: {  	s0 =	sshra.s32 s0, $0x2;
	[sflag:s24] =	ssyncset.done $0x0  }
0x107: {  	s31 =	sadd.s32 $0x1400, s0;
	[sflag:s24] =	ssyncadd.s32 $0xFFFFC000  }
0x108: {  	[spmem:s1] =	stream.indirect.scatter.add.f32 [tilespmem:s19], [sflag:$0x3], $0x80, s31, s22, $0xb8;
	[tilespmem:$0x1E800] =	vst v63  }
0x109: {  	_ =	swait.ge [sflag:s20], $0x4000  }
0x10a: {  	[sflag:s20] =	ssyncset.done $0x0  }
0x10b: {  	s31 =	sadd.s32 $0x100, s0;
	[sflag:s20] =	ssyncadd.s32 $0xFFFFC000  }
0x10c: {  	[tilespmem:s19], [sflag:$0x1] =	stream.indirect.gather [hbm4b:s4+s22], $0x80, s31, s22, $0xb8;
	[tilespmem:$0x1E800] =	vst v63  }
0x10d: {  	_ =	swait.ge [sflag:s25], $0x4000  }
0x10e: {  	[sflag:s25] =	ssyncset.done $0x0  }
.Ltmp8:
0x10f: {  	s31 =	sadd.s32 $0x1480, s0;
	[sflag:s25] =	ssyncadd.s32 $0xFFFFC000;
	(pc) =	sbr.rel @!p1 .LBB2_7-.Ltmp8, $4  }
0x110: {  	[spmem:s1] =	stream.indirect.scatter.add.f32 [tilespmem:s23], [sflag:$0x3], $0x80, s31, s22, $0xb8;
	[tilespmem:$0x1E800] =	vst v63  }
0x111: {  	_ =	swait.ge [sflag:s20], $0x4000  }
0x112: {  	[sflag:s20] =	ssyncset.done $0x0  }
0x113: {  	s31 =	sadd.s32 $0x180, s0;
	[sflag:s20] =	ssyncadd.s32 $0xFFFFC000  }
.Ltmp9:
0x114: {  	_ = 	snop;
	(pc) =	sbr.rel .LBB2_8-.Ltmp9, $1  }
0x115: {  	_ =	sdelay $0x3  }
.LBB2_15:
0x116: {  	_ =	sfence.sel $0x180000  }
0x117: {  	[bflag:$0x0] =	sbarrier.arrive $0xFFFF  }
0x118: {  	_ =	strace $0x9000004D  }
0x119: {  	[bflag:$0x2] =	sbarrier.arrive $0xFFFF  }
0x11a: {  	p0 =	sne.s32 s2, $0x0;
	s0 =	rddreg [dreg:$0x2]  }
0x11b: {  	s0 =	sadd.s32 @!p0 $0x100000, s0  }
0x11c: {  	[sflag:s0] =	ssyncadd.tile.s32 @!p0 $0x1;
	_ =	shalt  }
.Lfunc_end2:
_tile_overlayer_lowered:
.L_overlay_start_2:
0x11d: {  	(tag) =	ssettag $0x2  }
0x11e: {  	s0 =	rddreg [dreg:$0x0];
	s2 =	stileid.u32  }
0x11f: {  	s1 =	rddreg [dreg:$0x1];
	p0 =	sne.s32 s2, $0x0  }
0x120: {  	s3 =	rddreg [dreg:$0x2];
	[bflag:$0x3] =	sbarrier.arrive $0xFFFF;
	s2 =	simm.s32 @!p0 $0x1C03  }
0x121: {  	[timem:s3], [sflag:s2] =	dma.local @!p0 [hbm:s0], s1  }
0x122: {  	s0 =	simm.s32 @!p0 $0x3  }
0x123: {  	_ =	swait.ge @!p0 [sflag:s0], s1  }
0x124: {  	s1 =	ssub.s32 @!p0 $0x0, s1;
	[sflag:s0] =	ssyncset.done @!p0 $0x0  }
0x125: {  	[sflag:s0] =	ssyncadd.s32 @!p0 s1  }
0x126: {  	[bflag:$0x3] =	sbarrier.arrive $0xFFFF  }
0x127: {  	_ =	shalt  }

// kernel: kernel.19.cloned.1.call-start
scs
__scs_entry_jumppad:
0x0: {  	(pc) =	sbr.rel $0x88, $3  }
0x1: {  	(tag) =	ssettag $0x0;
	lr =	simm.s32 $0x1  }
0x2: {  	[smem:$0x3F96] =	sst lr;
	_ =	strace $0xD0000000  }
0x3: {  	_ = 	snop  }
0x4: {  	_ = 	snop  }
0x5: {  	_ = 	snop  }
0x6: {  	_ = 	snop  }
0x7: {  	_ = 	snop  }
__scs_overlays_trampoline_lowered:
0x8: {  	[smem:$0x3FA5] =	sst s0  }
0x9: {  	[smem:$0x3FA6] =	sst s1  }
0xa: {  	[smem:$0x3FA7] =	sst s2  }
0xb: {  	[smem:$0x3FA8] =	sst s3  }
0xc: {  	[smem:$0x3FA9] =	sst s4  }
0xd: {  	[smem:$0x3FAA] =	sst s5  }
0xe: {  	[smem:$0x3FAB] =	sst s6  }
0xf: {  	[smem:$0x3FAC] =	sst s7  }
0x10: {  	[smem:$0x3FAD] =	sst s8  }
0x11: {  	[smem:$0x3FAE] =	sst s9;
	s0 =	simm.s32 @!p0 $0x0  }
0x12: {  	s1 =	sld [smem:$0x3F94];
	s0 =	simm.s32 @p0 $0x1  }
0x13: {  	[smem:$0x3FAF] =	sst s0;
	s0 =	simm.s32 @!p1 $0x0  }
0x14: {  	s2 =	sld [smem:$0x3F93];
	s0 =	simm.s32 @p1 $0x1  }
0x15: {  	[smem:$0x3FB0] =	sst s0;
	s0 =	simm.s32 @!p2 $0x0  }
0x16: {  	s3 =	sld [smem:$0x3FDB];
	s0 =	simm.s32 @p2 $0x1  }
0x17: {  	s4 =	simm.s32 $0x1BF5;
	[smem:$0x3FB2] =	sst s0  }
0x18: {  	s0 =	sld [smem:$0x3F95];
	_ =	swait.ge [sflag:s4], $0x0  }
0x19: {  	s7 =	sld [smem:$0x3F96]  }
0x1a: {  	s8 =	sadd.s32 $0xFFFFE003, lr  }
0x1b: {  	s9 =	sadd.s32 $0xFFFFFEF7, lr;
	s5 =	simm.s32 $0xFFFFFFFF;
	p2 =	slt.u32 s8, $0xFFFFF086  }
0x1c: {  	p1 =	slt.u32 s9, $0xF7A;
	s5 =	simm.s32 @!p2 $0x0  }
0x1d: {  	s5 =	simm.s32 @p1 $0x1;
	p0 =	seq.s32 s7, s2  }
0x1e: {  	s7 =	smul.u32 @!p0 $0xF7A, s2;
	p2 =	seq.s32 @!p0 s5, $0x0  }
0x1f: {  	s9 =	smul.u32 $0xF7A, s1;
	s8 =	simm.s32 @!p0 $0x1BF5;
	p2 =	por !p2, p0  }
0x20: {  	[sflag:s8] =	ssyncset.s32 @!p0 $0xFFFFF086;
	s6 =	sadd.s32 @!p0 s3, s7;
	s7 =	simm.s32 @!p0 $0x108  }
0x21: {  	s3 =	sadd.s32 s3, s9;
	s6 =	sadd.s32 @!p0 $0x88, s6;
	s7 =	simm.s32 @p2 $0x1082  }
0x22: {  	[simem:s7], [sflag:s8] =	dma.local @!p0 [hbm:s6], $0xF7A  }
0x23: {  	s9 =	sor.u32 $0xD0000000, s2;
	s6 =	simm.s32 $0x108;
	_ =	swait.ge @!p0 [sflag:s8], $0x0  }
0x24: {  	s3 =	sadd.s32 $0x88, s3;
	s6 =	simm.s32 @!p1 $0x1082;
	[sflag:s4] =	ssyncset.s32 $0xFFFFF086  }
0x25: {  	[simem:s6], [sflag:s4] =	dma.local [hbm:s3], $0xF7A  }
0x26: {  	[smem:$0x3F96] =	sst s1;
	(tag) =	ssettag s2;
	_ =	strace s9  }
0x27: {  	s1 =	sld [smem:$0x3FA6]  }
0x28: {  	s2 =	sld [smem:$0x3FA7]  }
0x29: {  	s4 =	sld [smem:$0x3FA9]  }
0x2a: {  	p0 =	seq.s32 s5, $0x0;
	s5 =	sld [smem:$0x3FAA]  }
0x2b: {  	s6 =	sld [smem:$0x3FAB]  }
0x2c: {  	s7 =	sld [smem:$0x3FAC]  }
0x2d: {  	s3 =	simm.s32 $0x108;
	s8 =	sld [smem:$0x3FAD]  }
0x2e: {  	s3 =	simm.s32 @!p0 $0x1082;
	s9 =	sld [smem:$0x3FAE]  }
0x2f: {  	lr =	sadd.s32 s0, s3;
	s0 =	sld [smem:$0x3FA5]  }
0x30: {  	s3 =	sld [smem:$0x3FA8]  }
0x31: {  	[smem:$0x3FB1] =	sst s10  }
0x32: {  	s10 =	sld [smem:$0x3FAF];
	_ =	sdelay $0x3  }
0x33: {  	p0 =	seq.s32 s10, $0x1;
	s10 =	sld [smem:$0x3FB1];
	_ =	sdelay $0x3  }
0x34: {  	[smem:$0x3FB1] =	sst s10  }
0x35: {  	s10 =	sld [smem:$0x3FB0];
	_ =	sdelay $0x3  }
0x36: {  	p1 =	seq.s32 s10, $0x1;
	s10 =	sld [smem:$0x3FB1];
	_ =	sdelay $0x3  }
0x37: {  	[smem:$0x3FB1] =	sst s10  }
0x38: {  	s10 =	sld [smem:$0x3FB2]  }
0x39: {  	_ = 	snop;
	(pc) =	sbr.ind lr, $3  }
0x3a: {  	_ = 	snop  }
0x3b: {  	_ = 	snop  }
0x3c: {  	p2 =	seq.s32 s10, $0x1;
	s10 =	sld [smem:$0x3FB1]  }
0x3d: {  	_ =	shalt  }
0x3e: {  	_ =	shalt  }
0x3f: {  	_ =	shalt  }
0x40: {  	_ =	shalt  }
0x41: {  	_ =	shalt  }
0x42: {  	_ =	shalt  }
0x43: {  	_ =	shalt  }
0x44: {  	_ =	shalt  }
0x45: {  	_ =	shalt  }
0x46: {  	_ =	shalt  }
0x47: {  	_ =	shalt  }
0x48: {  	_ =	shalt  }
0x49: {  	_ =	shalt  }
0x4a: {  	_ =	shalt  }
0x4b: {  	_ =	shalt  }
0x4c: {  	_ =	shalt  }
0x4d: {  	_ =	shalt  }
0x4e: {  	_ =	shalt  }
0x4f: {  	_ =	shalt  }
0x50: {  	_ =	shalt  }
0x51: {  	_ =	shalt  }
0x52: {  	_ =	shalt  }
0x53: {  	_ =	shalt  }
0x54: {  	_ =	shalt  }
0x55: {  	_ =	shalt  }
0x56: {  	_ =	shalt  }
0x57: {  	_ =	shalt  }
0x58: {  	_ =	shalt  }
0x59: {  	_ =	shalt  }
0x5a: {  	_ =	shalt  }
0x5b: {  	_ =	shalt  }
0x5c: {  	_ =	shalt  }
0x5d: {  	_ =	shalt  }
0x5e: {  	_ =	shalt  }
0x5f: {  	_ =	shalt  }
0x60: {  	_ =	shalt  }
0x61: {  	_ =	shalt  }
0x62: {  	_ =	shalt  }
0x63: {  	_ =	shalt  }
0x64: {  	_ =	shalt  }
0x65: {  	_ =	shalt  }
0x66: {  	_ =	shalt  }
0x67: {  	_ =	shalt  }
0x68: {  	_ =	shalt  }
0x69: {  	_ =	shalt  }
0x6a: {  	_ =	shalt  }
0x6b: {  	_ =	shalt  }
0x6c: {  	_ =	shalt  }
0x6d: {  	_ =	shalt  }
0x6e: {  	_ =	shalt  }
0x6f: {  	_ =	shalt  }
0x70: {  	_ =	shalt  }
0x71: {  	_ =	shalt  }
0x72: {  	_ =	shalt  }
0x73: {  	_ =	shalt  }
0x74: {  	_ =	shalt  }
0x75: {  	_ =	shalt  }
0x76: {  	_ =	shalt  }
0x77: {  	_ =	shalt  }
0x78: {  	_ =	shalt  }
0x79: {  	_ =	shalt  }
0x7a: {  	_ =	shalt  }
0x7b: {  	_ =	shalt  }
0x7c: {  	_ =	shalt  }
0x7d: {  	_ =	shalt  }
0x7e: {  	_ =	shalt  }
0x7f: {  	_ =	shalt  }
0x80: {  	_ =	shalt  }
0x81: {  	_ =	shalt  }
0x82: {  	_ =	shalt  }
0x83: {  	_ =	shalt  }
0x84: {  	_ =	shalt  }
0x85: {  	_ =	shalt  }
0x86: {  	_ =	shalt  }
0x87: {  	_ =	shalt  }
.Lfunc_end0:
.L_simem_size_0:
called_computation.3_lowered:
.L_overlay_start_0:
0x88: {  	s2 =	sld [smem:$0x3FD9]  }
0x89: {  	s3 =	sld [smem:$0x3FFE];
	_ =	sdelay $0x1  }
0x8a: {  	s1 =	srdreg.scid  }
0x8b: {  	s0 =	sand.u32 $0x1, s1  }
0x8c: {  	s16 =	sshll.u32 s0, $0xA;
	s2 =	sadd.s32 s3, s2  }
0x8d: {  	s2 =	sadd.s32 s2, s16  }
0x8e: {  	[smem:$0x3FBD] =	sst s2  }
0x8f: {  	_ = 	snop  }
0x90: {  	(tm) =	ssettm $0x1  }
0x91: {  	s17 =	sld [smem:$0x3FFB];
	_ =	sdelay $0x3  }
0x92: {  	_ =	strace s17  }
0x93: {  	s2 =	sld [smem:$0x3FFC];
	_ =	sdelay $0x3  }
0x94: {  	_ =	strace s2  }
0x95: {  	s2 =	sld [smem:$0x3FFD];
	_ =	sdelay $0x3  }
0x96: {  	_ =	strace s2  }
0x97: {  	_ =	strace $0x8FFFFFFF  }
0x98: {  	s18 =	sld [smem:$0x3FDB];
	_ =	sdelay $0x1  }
0x99: {  	s19 =	simm.s32 $_scs_section_size  }
0x9a: {  	s4 =	simm.s32 $_size__tile_overlayer_lowered;
	s5 =	simm.s32 $_tile_overlayer_lowered  }
0x9b: {  	s22 =	simm.s32 $0x1BFF;
	s21 =	sshll.u32 s5, $0x1;
	s2 =	sadd.s32 s19, s18  }
0x9c: {  	s6 =	simm.s32 $0x0;
	s20 =	sshll.u32 s4, $0x1;
	s4 =	sadd.s32 s21, s2  }
0x9d: {  	[timem:s6], [sflag:s22] =	dma.local [hbm:s4], s20  }
0x9e: {  	_ =	swait.ge [sflag:s22], s20  }
0x9f: {  	s3 =	ssub.s32 $0x0, s20;
	[sflag:s22] =	ssyncset.done $0x0  }
0xa0: {  	[sflag:s22] =	ssyncadd.s32 s3;
	_ =	sdelay $0x1  }
0xa1: {  	s23 =	simm.s32 $0x1B8B  }
0xa2: {  	_ =	swait.ge [sflag:s23], $0x1  }
0xa3: {  	[sflag:s23] =	ssyncset.done $0x0  }
0xa4: {  	s25 =	simm.s32 $0x1B8E;
	s24 =	sld [smem:$0x3FFE];
	[sflag:s23] =	ssyncadd.s32 $0xFFFFFFFF  }
0xa5: {  	s26 =	simm.s32 $execute0_lowered;
	[smem:$0x3FD2] =	sst s25  }
0xa6: {  	s4 =	sshll.u32 s26, $0x1;
	_ =	strace $0x8000004F;
	[dreg:$0x1] =	wrdreg $0xFFFFFFFF  }
0xa7: {  	s28 =	simm.s32 $_size_execute0_lowered;
	s2 =	sadd.s32 s2, s4;
	[dreg:$0x0] =	wrdreg $0x0  }
0xa8: {  	s4 =	sshll.u32 s28, $0x1;
	[dreg:$0x2] =	wrdreg s2  }
0xa9: {  	[dreg:$0x3] =	wrdreg s4  }
0xaa: {  	[dreg:$0x4] =	wrdreg $0xC0  }
0xab: {  	_ =	task [dreg:s6], $0x5FFFF  }
0xac: {  	[dreg:$0x1] =	wrdreg $0xFFFFFFFF  }
0xad: {  	[dreg:$0x0] =	wrdreg $0x60  }
0xae: {  	[dreg:$0x2] =	wrdreg s24  }
0xaf: {  	[dreg:$0x3] =	wrdreg $0xA8000  }
0xb0: {  	[dreg:$0x4] =	wrdreg $0x9  }
0xb1: {  	_ =	task.clear_ibuf [dreg:s6], $0x5FFFF;
	_ =	strace $0x9000004F  }
0xb2: {  	s29 =	simm.s32 $0x9;
	_ =	strace $0x80000051  }
0xb3: {  	_ =	swait.ge [sflag:s29], $0x1  }
0xb4: {  	[sflag:s29] =	ssyncadd.s32 $0xFFFFFFFF  }
0xb5: {  	_ =	strace $0x90000051  }
0xb6: {  	_ =	sfence  }
0xb7: {  	s30 =	sld [smem:$0x0];
	_ =	sdelay $0x2  }
0xb8: {  	s31 =	sshll.u32 s1, $0xD;
	s1 =	sshrl.u32 s1, $0x2  }
0xb9: {  	s3 =	sand.u32 $0x4000, s31;
	s1 =	sadd.s32 s1, s30  }
0xba: {  	s0 =	sor.u32 s3, s0;
	s1 =	sshll.u32 s1, $0x11  }
0xbb: {  	s0 =	sor.u32 s1, s0  }
0xbc: {  	s0 =	sadd.s32 $0x8F2B, s0  }
0xbd: {  	[sflag:s0] =	ssyncadd.remote.s32 $0x1  }
0xbe: {  	_ =	sfence.sel $0xFFFF  }
0xbf: {  	[dreg:$0x0] =	wrdreg $0xFFFFFFFF;
	(pc) =	sbr.abs _section_cstart, $3  }
0xc0: {  	[dreg:$0x1] =	wrdreg $0xFFFFFFFF  }
0xc1: {  	_ =	task.clear_ibuf [dreg:s6], $0x2FFFF;
	_ =	strace $0x9FFFFFFF  }
0xc2: {  	(tm) =	ssettm $0x7FFFFFFF  }
0xc3: {  	_ =	shalt  }
tec
execute0_lowered:
.L_overlay_start_1:
0x0: {  	(tag) =	ssettag $0x1  }
0x1: {  	s9 =	rddreg [dreg:$0x0]  }
0x2: {  	s1 =	rddreg [dreg:$0x1]  }
0x3: {  	s3 =	simm.s32 $0x0;
	s2 =	stileid.u32;
	s6 =	srdreg.scid  }
0x4: {  	s20 =	simm.s32 $0x3;
	s21 =	simm.s32 $0x1400;
	s22 =	simm.s32 $0x80  }
0x5: {  	s23 =	simm.s32 $0x6800;
	s24 =	simm.s32 $0x1;
	s25 =	simm.s32 $0x2  }
0x6: {  	s26 =	simm.s32 $0x2700;
	s28 =	simm.s32 $0x2780;
	s29 =	simm.s32 $0x0  }
0x7: {  	[smem:$0x7FF] =	sst s3;
	s4 =	sadd.s32 $0x31800, s9;
	s5 =	sadd.s32 $0x59800, s9  }
0x8: {  	s7 =	smul.u32 $0x50000, s2;
	s16 =	sadd.s32 $0xA9800, s9;
	s17 =	sadd.s32 $0x4800, s9  }
0x9: {  	s14 =	sand.u32 $0x1, s6;
	s6 =	sadd.s32 $0x81800, s9;
	s8 =	smul.u32 $0x2800, s2  }
0xa: {  	s9 =	sadd.s32 $0xAE800, s9;
	_ =	strace $0x80000050;
	s10 =	ssub.s32 $0x2, s14  }
0xb: {  	p0 =	seq.s32 s14, $0x1;
	s7 =	sshrl.u32 s7, $0x2;
	s11 =	sshrl.u32 s10, $0x1  }
.Ltmp0:
0xc: {  	s15 =	sshrl.u32 s8, $0x3;
	s7 =	sadd.s32 s7, s1;
	(pc) =	sbr.rel .LBB2_1-.Ltmp0, $4  }
0xd: {  	s18 =	ssub.s32 s10, s11;
	s19 =	sadd.s32 $0x280, s15;
	s14 =	sadd.s32 s16, s15  }
0xe: {  	s15 =	sadd.s32 s17, s15;
	s10 =	sadd.s32 $0x4000, s7;
	s11 =	sadd.s32 $0x8000, s7  }
0xf: {  	s12 =	sadd.s32 $0xC000, s7;
	s13 =	sadd.s32 $0x10000, s7;
	s16 =	sadd.s32 s16, s19  }
0x10: {  	v0 =	vimm.f32 $0.0e+00;
	s17 =	sadd.s32 s17, s19;
	s18 =	smax.u32 s18, $0x1;
	s19 =	simm.s32 $0x2800  }
.LBB2_8:
0x11: {  	[tilespmem:s23], [sflag:$0x2] =	stream.indirect.gather [hbm4b:s4+s22], $0x80, s31, s22, $0xb8;
	[tilespmem:$0x1E800] =	vst v63  }
0x12: {  	s30 =	smov.u32 s6  }
.LBB2_14:
0x13: {  	_ =	swait.ge [sflag:s24], $0x4000  }
0x14: {  	[sflag:s24] =	ssyncset.done $0x0  }
0x15: {  	[sflag:s24] =	ssyncadd.s32 $0xFFFFC000  }
0x16: {  	[spmem:s1] =	stream.indirect.scatter.add.f32 [tilespmem:s19], [sflag:$0x3], $0x80, s26, s22, $0xb8;
	[tilespmem:$0x1E800] =	vst v63  }
0x17: {  	_ =	swait.ge [sflag:s20], $0x4000  }
0x18: {  	[sflag:s20] =	ssyncset.done $0x0  }
0x19: {  	[sflag:s20] =	ssyncadd.s32 $0xFFFFC000  }
0x1a: {  	_ =	swait.ge [sflag:s25], $0x4000  }
0x1b: {  	[sflag:s25] =	ssyncset.done $0x0  }
0x1c: {  	[sflag:s25] =	ssyncadd.s32 $0xFFFFC000  }
0x1d: {  	[spmem:s1] =	stream.indirect.scatter.add.f32 [tilespmem:s23], [sflag:$0x3], $0x80, s28, s22, $0xb8;
	[tilespmem:$0x1E800] =	vst v63  }
0x1e: {  	s0 =	sadd.s32 s30, s8;
	_ =	swait.ge [sflag:s20], $0x4000  }
0x1f: {  	s31 =	sshll.u32 s2, $0x6;
	s29 =	sadd.s32 $0x1, s29;
	[sflag:s20] =	ssyncset.done $0x0  }
0x20: {  	s30 =	sor.u32 $0x1C03, s31;
	p1 =	sne.s32 s29, s18;
	[sflag:s20] =	ssyncadd.s32 $0xFFFFC000  }
.Ltmp1:
0x21: {  	s31 =	sshrl.u32 s7, $0x3;
	[bflag:$0x0] =	sbarrier.arrive $0xFFFF;
	(pc) =	sbr.rel @!p1 .LBB2_15-.Ltmp1, $4  }
0x22: {  	[hbm:s0], [sflag:s30] =	dma.local [spmem:s31], $0x2800  }
0x23: {  	_ =	swait.ge [sflag:s20], $0x2800  }
0x24: {  	[sflag:s20] =	ssyncset.done $0x0  }
0x25: {  	[sflag:s20] =	ssyncadd.s32 $0xFFFFD800  }
.LBB2_1:
0x26: {  	s30 =	simm.s32 $0x0;
	s31 =	simm.s32 $0x200  }
.LBB2_2:
0x27: {  	p1 =	sne.s32 s31, $0xFE00;
	[tilespmem:s30+$0x2870] =	vst v0  }
0x28: {  	[tilespmem:s30+$0x2800] =	vst v0  }
0x29: {  	[tilespmem:s30+$0x2810] =	vst v0  }
.Ltmp2:
0x2a: {  	[tilespmem:s30+$0x2820] =	vst v0;
	(pc) =	sbr.rel @p1 .LBB2_2-.Ltmp2, $4  }
0x2b: {  	[tilespmem:s30+$0x2830] =	vst v0  }
0x2c: {  	[tilespmem:s30+$0x2840] =	vst v0  }
0x2d: {  	[tilespmem:s30+$0x2850] =	vst v0  }
0x2e: {  	[tilespmem:s30+$0x2860] =	vst v0;
	s30 =	sshra.s32 s31, $0x2;
	s31 =	sadd.s32 $0x200, s31  }
0x2f: {  	[tilespmem:s30+$0x2870] =	vst v0  }
0x30: {  	[tilespmem:s30+$0x2800] =	vst v0  }
0x31: {  	[tilespmem:s30+$0x2810] =	vst v0  }
0x32: {  	[tilespmem:s30+$0x2820] =	vst v0  }
0x33: {  	[tilespmem:s30+$0x2830] =	vst v0  }
0x34: {  	[tilespmem:s30+$0x2840] =	vst v0  }
0x35: {  	[tilespmem:s30+$0x2850] =	vst v0  }
0x36: {  	[tilespmem:s30+$0x2860] =	vst v0  }
0x37: {  	[spmem:s7] =	stream.linear.scatter [tilespmem:s19], [sflag:$0x3], $0x4000, $0x38;
	[tilespmem:$0x1E800] =	vst v63  }
0x38: {  	_ =	swait.ge [sflag:s20], $0x4000  }
0x39: {  	[sflag:s20] =	ssyncset.done $0x0  }
0x3a: {  	[sflag:s20] =	ssyncadd.s32 $0xFFFFC000  }
0x3b: {  	[spmem:s10] =	stream.linear.scatter [tilespmem:s19], [sflag:$0x3], $0x4000, $0x38;
	[tilespmem:$0x1E800] =	vst v63  }
0x3c: {  	_ =	swait.ge [sflag:s20], $0x4000  }
0x3d: {  	[sflag:s20] =	ssyncset.done $0x0  }
0x3e: {  	[sflag:s20] =	ssyncadd.s32 $0xFFFFC000  }
0x3f: {  	[spmem:s11] =	stream.linear.scatter [tilespmem:s19], [sflag:$0x3], $0x4000, $0x38;
	[tilespmem:$0x1E800] =	vst v63  }
0x40: {  	_ =	swait.ge [sflag:s20], $0x4000  }
0x41: {  	[sflag:s20] =	ssyncset.done $0x0  }
0x42: {  	[sflag:s20] =	ssyncadd.s32 $0xFFFFC000  }
0x43: {  	[spmem:s12] =	stream.linear.scatter [tilespmem:s19], [sflag:$0x3], $0x4000, $0x38;
	[tilespmem:$0x1E800] =	vst v63  }
0x44: {  	_ =	swait.ge [sflag:s20], $0x4000  }
0x45: {  	[sflag:s20] =	ssyncset.done $0x0  }
0x46: {  	[sflag:s20] =	ssyncadd.s32 $0xFFFFC000  }
0x47: {  	[spmem:s13] =	stream.linear.scatter [tilespmem:s19], [sflag:$0x3], $0x4000, $0x38;
	[tilespmem:$0x1E800] =	vst v63  }
0x48: {  	_ =	swait.ge [sflag:s20], $0x4000  }
0x49: {  	[sflag:s20] =	ssyncset.done $0x0  }
0x4a: {  	[sflag:s20] =	ssyncadd.s32 $0xFFFFC000  }
0x4b: {  	[bflag:$0x0] =	sbarrier.arrive $0xFFFF  }
0x4c: {  	[tilespmem:s3], [sflag:$0x3] =	stream.linear.gather [hbm4b:s14+s3], $0x1400, $0x38;
	[tilespmem:$0x1E800] =	vst v63  }
0x4d: {  	_ =	swait.ge [sflag:s20], $0x1400  }
0x4e: {  	[sflag:s20] =	ssyncset.done $0x0  }
.Ltmp3:
0x4f: {  	[sflag:s20] =	ssyncadd.s32 $0xFFFFEC00;
	(pc) =	sbr.rel @!p0 .LBB2_4-.Ltmp3, $4  }
0x50: {  	[tilespmem:s21], [sflag:$0x3] =	stream.linear.gather [hbm4b:s15+s3], $0x1400, $0x38;
	[tilespmem:$0x1E800] =	vst v63  }
0x51: {  	_ =	swait.ge [sflag:s20], $0x1400  }
0x52: {  	[sflag:s20] =	ssyncset.done $0x0  }
0x53: {  	[sflag:s20] =	ssyncadd.s32 $0xFFFFEC00  }
0x54: {  	s0 =	simm.s32 $0x0  }
0x55: {  	[tilespmem:s19], [sflag:$0x1] =	stream.indirect.gather [hbm4b:s5+s22], $0x80, s0, s22, $0xb8;
	[tilespmem:$0x1E800] =	vst v63  }
0x56: {  	_ = 	snop  }
0x57: {  	[tilespmem:s23], [sflag:$0x2] =	stream.indirect.gather [hbm4b:s5+s22], $0x80, s22, s22, $0xb8;
	[tilespmem:$0x1E800] =	vst v63  }
0x58: {  	_ =	swait.ge [sflag:s24], $0x4000  }
0x59: {  	[sflag:s24] =	ssyncset.done $0x0  }
0x5a: {  	s0 =	simm.s32 $0x1400;
	[sflag:s24] =	ssyncadd.s32 $0xFFFFC000  }
0x5b: {  	[spmem:s1] =	stream.indirect.scatter.add.f32 [tilespmem:s19], [sflag:$0x3], $0x80, s0, s22, $0xb8;
	[tilespmem:$0x1E800] =	vst v63  }
0x5c: {  	_ =	swait.ge [sflag:s20], $0x4000  }
0x5d: {  	[sflag:s20] =	ssyncset.done $0x0  }
0x5e: {  	s0 =	simm.s32 $0x100;
	[sflag:s20] =	ssyncadd.s32 $0xFFFFC000  }
0x5f: {  	[tilespmem:s19], [sflag:$0x1] =	stream.indirect.gather [hbm4b:s5+s22], $0x80, s0, s22, $0xb8;
	[tilespmem:$0x1E800] =	vst v63  }
0x60: {  	_ =	swait.ge [sflag:s25], $0x4000  }
0x61: {  	[sflag:s25] =	ssyncset.done $0x0  }
0x62: {  	s0 =	simm.s32 $0x1480;
	[sflag:s25] =	ssyncadd.s32 $0xFFFFC000  }
0x63: {  	[spmem:s1] =	stream.indirect.scatter.add.f32 [tilespmem:s23], [sflag:$0x3], $0x80, s0, s22, $0xb8;
	[tilespmem:$0x1E800] =	vst v63  }
0x64: {  	_ =	swait.ge [sflag:s20], $0x4000  }
0x65: {  	[sflag:s20] =	ssyncset.done $0x0  }
0x66: {  	s30 =	simm.s32 $0x400;
	s31 =	simm.s32 $0x180;
	[sflag:s20] =	ssyncadd.s32 $0xFFFFC000  }
.LBB2_10:
0x67: {  	[tilespmem:s23], [sflag:$0x2] =	stream.indirect.gather [hbm4b:s5+s22], $0x80, s31, s22, $0xb8;
	[tilespmem:$0x1E800] =	vst v63  }
0x68: {  	s0 =	smov.u32 s30  }
0x69: {  	p1 =	sne.s32 s30, $0x4800;
	s30 =	sadd.s32 $0x400, s30;
	_ =	swait.ge [sflag:s24], $0x4000  }
0x6a: {  	s0 =	sshra.s32 s0, $0x2;
	[sflag:s24] =	ssyncset.done $0x0  }
0x6b: {  	s31 =	sadd.s32 $0x1400, s0;
	[sflag:s24] =	ssyncadd.s32 $0xFFFFC000  }
0x6c: {  	[spmem:s1] =	stream.indirect.scatter.add.f32 [tilespmem:s19], [sflag:$0x3], $0x80, s31, s22, $0xb8;
	[tilespmem:$0x1E800] =	vst v63  }
0x6d: {  	_ =	swait.ge [sflag:s20], $0x4000  }
0x6e: {  	[sflag:s20] =	ssyncset.done $0x0  }
0x6f: {  	s31 =	sadd.s32 $0x100, s0;
	[sflag:s20] =	ssyncadd.s32 $0xFFFFC000  }
0x70: {  	[tilespmem:s19], [sflag:$0x1] =	stream.indirect.gather [hbm4b:s5+s22], $0x80, s31, s22, $0xb8;
	[tilespmem:$0x1E800] =	vst v63  }
0x71: {  	_ =	swait.ge [sflag:s25], $0x4000  }
0x72: {  	[sflag:s25] =	ssyncset.done $0x0  }
.Ltmp4:
0x73: {  	s31 =	sadd.s32 $0x1480, s0;
	[sflag:s25] =	ssyncadd.s32 $0xFFFFC000;
	(pc) =	sbr.rel @p1 .LBB2_10-.Ltmp4, $4  }
0x74: {  	[spmem:s1] =	stream.indirect.scatter.add.f32 [tilespmem:s23], [sflag:$0x3], $0x80, s31, s22, $0xb8;
	[tilespmem:$0x1E800] =	vst v63  }
0x75: {  	_ =	swait.ge [sflag:s20], $0x4000  }
0x76: {  	[sflag:s20] =	ssyncset.done $0x0  }
0x77: {  	s31 =	sadd.s32 $0x180, s0;
	[sflag:s20] =	ssyncadd.s32 $0xFFFFC000  }
0x78: {  	[tilespmem:s23], [sflag:$0x2] =	stream.indirect.gather [hbm4b:s5+s22], $0x80, s31, s22, $0xb8;
	[tilespmem:$0x1E800] =	vst v63  }
0x79: {  	_ =	swait.ge [sflag:s24], $0x4000  }
0x7a: {  	[sflag:s24] =	ssyncset.done $0x0  }
0x7b: {  	[sflag:s24] =	ssyncadd.s32 $0xFFFFC000  }
0x7c: {  	[spmem:s1] =	stream.indirect.scatter.add.f32 [tilespmem:s19], [sflag:$0x3], $0x80, s26, s22, $0xb8;
	[tilespmem:$0x1E800] =	vst v63  }
0x7d: {  	_ =	swait.ge [sflag:s20], $0x4000  }
0x7e: {  	[sflag:s20] =	ssyncset.done $0x0  }
0x7f: {  	[sflag:s20] =	ssyncadd.s32 $0xFFFFC000  }
0x80: {  	_ =	swait.ge [sflag:s25], $0x4000  }
0x81: {  	[sflag:s25] =	ssyncset.done $0x0  }
0x82: {  	[sflag:s25] =	ssyncadd.s32 $0xFFFFC000  }
0x83: {  	[spmem:s1] =	stream.indirect.scatter.add.f32 [tilespmem:s23], [sflag:$0x3], $0x80, s28, s22, $0xb8;
	[tilespmem:$0x1E800] =	vst v63  }
0x84: {  	_ =	swait.ge [sflag:s20], $0x4000  }
0x85: {  	[sflag:s20] =	ssyncset.done $0x0  }
0x86: {  	s0 =	simm.s32 $0x0;
	[sflag:s20] =	ssyncadd.s32 $0xFFFFC000  }
0x87: {  	[tilespmem:s0], [sflag:$0x3] =	stream.linear.gather [hbm4b:s16+s0], $0x1400, $0x38;
	[tilespmem:$0x1E800] =	vst v63  }
0x88: {  	_ =	swait.ge [sflag:s20], $0x1400  }
0x89: {  	[sflag:s20] =	ssyncset.done $0x0  }
0x8a: {  	[sflag:s20] =	ssyncadd.s32 $0xFFFFEC00  }
0x8b: {  	[tilespmem:s21], [sflag:$0x3] =	stream.linear.gather [hbm4b:s17+s0], $0x1400, $0x38;
	[tilespmem:$0x1E800] =	vst v63  }
0x8c: {  	_ =	swait.ge [sflag:s20], $0x1400  }
0x8d: {  	[sflag:s20] =	ssyncset.done $0x0  }
0x8e: {  	[sflag:s20] =	ssyncadd.s32 $0xFFFFEC00  }
0x8f: {  	[tilespmem:s19], [sflag:$0x1] =	stream.indirect.gather [hbm4b:s5+s22], $0x80, s0, s22, $0xb8;
	[tilespmem:$0x1E800] =	vst v63  }
0x90: {  	_ = 	snop  }
0x91: {  	[tilespmem:s23], [sflag:$0x2] =	stream.indirect.gather [hbm4b:s5+s22], $0x80, s22, s22, $0xb8;
	[tilespmem:$0x1E800] =	vst v63  }
0x92: {  	_ =	swait.ge [sflag:s24], $0x4000  }
0x93: {  	[sflag:s24] =	ssyncset.done $0x0  }
0x94: {  	s0 =	simm.s32 $0x1400;
	[sflag:s24] =	ssyncadd.s32 $0xFFFFC000  }
0x95: {  	[spmem:s1] =	stream.indirect.scatter.add.f32 [tilespmem:s19], [sflag:$0x3], $0x80, s0, s22, $0xb8;
	[tilespmem:$0x1E800] =	vst v63  }
0x96: {  	_ =	swait.ge [sflag:s20], $0x4000  }
0x97: {  	[sflag:s20] =	ssyncset.done $0x0  }
0x98: {  	s0 =	simm.s32 $0x100;
	[sflag:s20] =	ssyncadd.s32 $0xFFFFC000  }
0x99: {  	[tilespmem:s19], [sflag:$0x1] =	stream.indirect.gather [hbm4b:s5+s22], $0x80, s0, s22, $0xb8;
	[tilespmem:$0x1E800] =	vst v63  }
0x9a: {  	_ =	swait.ge [sflag:s25], $0x4000  }
0x9b: {  	[sflag:s25] =	ssyncset.done $0x0  }
0x9c: {  	s0 =	simm.s32 $0x1480;
	[sflag:s25] =	ssyncadd.s32 $0xFFFFC000  }
0x9d: {  	[spmem:s1] =	stream.indirect.scatter.add.f32 [tilespmem:s23], [sflag:$0x3], $0x80, s0, s22, $0xb8;
	[tilespmem:$0x1E800] =	vst v63  }
0x9e: {  	_ =	swait.ge [sflag:s20], $0x4000  }
0x9f: {  	[sflag:s20] =	ssyncset.done $0x0  }
0xa0: {  	s30 =	simm.s32 $0x400;
	s31 =	simm.s32 $0x180;
	[sflag:s20] =	ssyncadd.s32 $0xFFFFC000  }
.LBB2_12:
0xa1: {  	[tilespmem:s23], [sflag:$0x2] =	stream.indirect.gather [hbm4b:s5+s22], $0x80, s31, s22, $0xb8;
	[tilespmem:$0x1E800] =	vst v63  }
0xa2: {  	s0 =	smov.u32 s30  }
0xa3: {  	p1 =	sne.s32 s30, $0x4800;
	s30 =	sadd.s32 $0x400, s30;
	_ =	swait.ge [sflag:s24], $0x4000  }
0xa4: {  	s0 =	sshra.s32 s0, $0x2;
	[sflag:s24] =	ssyncset.done $0x0  }
0xa5: {  	s31 =	sadd.s32 $0x1400, s0;
	[sflag:s24] =	ssyncadd.s32 $0xFFFFC000  }
0xa6: {  	[spmem:s1] =	stream.indirect.scatter.add.f32 [tilespmem:s19], [sflag:$0x3], $0x80, s31, s22, $0xb8;
	[tilespmem:$0x1E800] =	vst v63  }
0xa7: {  	_ =	swait.ge [sflag:s20], $0x4000  }
0xa8: {  	[sflag:s20] =	ssyncset.done $0x0  }
0xa9: {  	s31 =	sadd.s32 $0x100, s0;
	[sflag:s20] =	ssyncadd.s32 $0xFFFFC000  }
0xaa: {  	[tilespmem:s19], [sflag:$0x1] =	stream.indirect.gather [hbm4b:s5+s22], $0x80, s31, s22, $0xb8;
	[tilespmem:$0x1E800] =	vst v63  }
0xab: {  	_ =	swait.ge [sflag:s25], $0x4000  }
0xac: {  	[sflag:s25] =	ssyncset.done $0x0  }
.Ltmp5:
0xad: {  	s31 =	sadd.s32 $0x1480, s0;
	[sflag:s25] =	ssyncadd.s32 $0xFFFFC000;
	(pc) =	sbr.rel @p1 .LBB2_12-.Ltmp5, $4  }
0xae: {  	[spmem:s1] =	stream.indirect.scatter.add.f32 [tilespmem:s23], [sflag:$0x3], $0x80, s31, s22, $0xb8;
	[tilespmem:$0x1E800] =	vst v63  }
0xaf: {  	_ =	swait.ge [sflag:s20], $0x4000  }
0xb0: {  	[sflag:s20] =	ssyncset.done $0x0  }
0xb1: {  	s31 =	sadd.s32 $0x180, s0;
	[sflag:s20] =	ssyncadd.s32 $0xFFFFC000  }
.Ltmp6:
0xb2: {  	(pc) =	sbr.rel .LBB2_14-.Ltmp6, $3  }
0xb3: {  	_ =	sdelay $0x1  }
0xb4: {  	[tilespmem:s23], [sflag:$0x2] =	stream.indirect.gather [hbm4b:s5+s22], $0x80, s31, s22, $0xb8;
	[tilespmem:$0x1E800] =	vst v63  }
0xb5: {  	s30 =	smov.u32 s9  }
.LBB2_4:
0xb6: {  	s30 =	simm.s32 $0x0  }
0xb7: {  	[tilespmem:s19], [sflag:$0x1] =	stream.indirect.gather [hbm4b:s4+s22], $0x80, s30, s22, $0xb8;
	[tilespmem:$0x1E800] =	vst v63  }
0xb8: {  	_ = 	snop  }
0xb9: {  	[tilespmem:s23], [sflag:$0x2] =	stream.indirect.gather [hbm4b:s4+s22], $0x80, s22, s22, $0xb8;
	[tilespmem:$0x1E800] =	vst v63  }
0xba: {  	_ =	swait.ge [sflag:s24], $0x4000  }
0xbb: {  	[sflag:s24] =	ssyncset.done $0x0  }
0xbc: {  	s30 =	simm.s32 $0x1400;
	[sflag:s24] =	ssyncadd.s32 $0xFFFFC000  }
0xbd: {  	[spmem:s1] =	stream.indirect.scatter.add.f32 [tilespmem:s19], [sflag:$0x3], $0x80, s30, s22, $0xb8;
	[tilespmem:$0x1E800] =	vst v63  }
0xbe: {  	_ =	swait.ge [sflag:s20], $0x4000  }
0xbf: {  	[sflag:s20] =	ssyncset.done $0x0  }
0xc0: {  	s30 =	simm.s32 $0x100;
	[sflag:s20] =	ssyncadd.s32 $0xFFFFC000  }
0xc1: {  	[tilespmem:s19], [sflag:$0x1] =	stream.indirect.gather [hbm4b:s4+s22], $0x80, s30, s22, $0xb8;
	[tilespmem:$0x1E800] =	vst v63  }
0xc2: {  	_ =	swait.ge [sflag:s25], $0x4000  }
0xc3: {  	[sflag:s25] =	ssyncset.done $0x0  }
0xc4: {  	s30 =	simm.s32 $0x1480;
	[sflag:s25] =	ssyncadd.s32 $0xFFFFC000  }
0xc5: {  	[spmem:s1] =	stream.indirect.scatter.add.f32 [tilespmem:s23], [sflag:$0x3], $0x80, s30, s22, $0xb8;
	[tilespmem:$0x1E800] =	vst v63  }
0xc6: {  	_ =	swait.ge [sflag:s20], $0x4000  }
0xc7: {  	[sflag:s20] =	ssyncset.done $0x0  }
0xc8: {  	s31 =	simm.s32 $0x180;
	s30 =	simm.s32 $0x400;
	[sflag:s20] =	ssyncadd.s32 $0xFFFFC000  }
.LBB2_5:
0xc9: {  	[tilespmem:s23], [sflag:$0x2] =	stream.indirect.gather [hbm4b:s4+s22], $0x80, s31, s22, $0xb8;
	[tilespmem:$0x1E800] =	vst v63  }
0xca: {  	s31 =	smov.u32 s30  }
0xcb: {  	p1 =	sne.s32 s30, $0x4800;
	s30 =	sadd.s32 $0x400, s30;
	_ =	swait.ge [sflag:s24], $0x4000  }
0xcc: {  	s31 =	sshra.s32 s31, $0x2;
	[sflag:s24] =	ssyncset.done $0x0  }
0xcd: {  	s0 =	sadd.s32 $0x1400, s31;
	[sflag:s24] =	ssyncadd.s32 $0xFFFFC000  }
0xce: {  	[spmem:s1] =	stream.indirect.scatter.add.f32 [tilespmem:s19], [sflag:$0x3], $0x80, s0, s22, $0xb8;
	[tilespmem:$0x1E800] =	vst v63  }
0xcf: {  	_ =	swait.ge [sflag:s20], $0x4000  }
0xd0: {  	[sflag:s20] =	ssyncset.done $0x0  }
0xd1: {  	s0 =	sadd.s32 $0x100, s31;
	[sflag:s20] =	ssyncadd.s32 $0xFFFFC000  }
0xd2: {  	[tilespmem:s19], [sflag:$0x1] =	stream.indirect.gather [hbm4b:s4+s22], $0x80, s0, s22, $0xb8;
	[tilespmem:$0x1E800] =	vst v63  }
0xd3: {  	_ =	swait.ge [sflag:s25], $0x4000  }
0xd4: {  	[sflag:s25] =	ssyncset.done $0x0  }
.Ltmp7:
0xd5: {  	s0 =	sadd.s32 $0x1480, s31;
	[sflag:s25] =	ssyncadd.s32 $0xFFFFC000;
	(pc) =	sbr.rel @p1 .LBB2_5-.Ltmp7, $4  }
0xd6: {  	[spmem:s1] =	stream.indirect.scatter.add.f32 [tilespmem:s23], [sflag:$0x3], $0x80, s0, s22, $0xb8;
	[tilespmem:$0x1E800] =	vst v63  }
0xd7: {  	_ =	swait.ge [sflag:s20], $0x4000  }
0xd8: {  	[sflag:s20] =	ssyncset.done $0x0  }
0xd9: {  	s31 =	sadd.s32 $0x180, s31;
	[sflag:s20] =	ssyncadd.s32 $0xFFFFC000  }
0xda: {  	[tilespmem:s23], [sflag:$0x2] =	stream.indirect.gather [hbm4b:s4+s22], $0x80, s31, s22, $0xb8;
	[tilespmem:$0x1E800] =	vst v63  }
0xdb: {  	_ =	swait.ge [sflag:s24], $0x4000  }
0xdc: {  	[sflag:s24] =	ssyncset.done $0x0  }
0xdd: {  	[sflag:s24] =	ssyncadd.s32 $0xFFFFC000  }
0xde: {  	[spmem:s1] =	stream.indirect.scatter.add.f32 [tilespmem:s19], [sflag:$0x3], $0x80, s26, s22, $0xb8;
	[tilespmem:$0x1E800] =	vst v63  }
0xdf: {  	_ =	swait.ge [sflag:s20], $0x4000  }
0xe0: {  	[sflag:s20] =	ssyncset.done $0x0  }
0xe1: {  	[sflag:s20] =	ssyncadd.s32 $0xFFFFC000  }
0xe2: {  	_ =	swait.ge [sflag:s25], $0x4000  }
0xe3: {  	[sflag:s25] =	ssyncset.done $0x0  }
0xe4: {  	[sflag:s25] =	ssyncadd.s32 $0xFFFFC000  }
0xe5: {  	[spmem:s1] =	stream.indirect.scatter.add.f32 [tilespmem:s23], [sflag:$0x3], $0x80, s28, s22, $0xb8;
	[tilespmem:$0x1E800] =	vst v63  }
0xe6: {  	_ =	swait.ge [sflag:s20], $0x4000  }
0xe7: {  	[sflag:s20] =	ssyncset.done $0x0  }
0xe8: {  	s0 =	simm.s32 $0x0;
	[sflag:s20] =	ssyncadd.s32 $0xFFFFC000  }
0xe9: {  	[tilespmem:s0], [sflag:$0x3] =	stream.linear.gather [hbm4b:s16+s0], $0x1400, $0x38;
	[tilespmem:$0x1E800] =	vst v63  }
0xea: {  	_ =	swait.ge [sflag:s20], $0x1400  }
0xeb: {  	[sflag:s20] =	ssyncset.done $0x0  }
0xec: {  	[sflag:s20] =	ssyncadd.s32 $0xFFFFEC00  }
0xed: {  	[tilespmem:s21], [sflag:$0x3] =	stream.linear.gather [hbm4b:s17+s0], $0x1400, $0x38;
	[tilespmem:$0x1E800] =	vst v63  }
0xee: {  	_ =	swait.ge [sflag:s20], $0x1400  }
0xef: {  	[sflag:s20] =	ssyncset.done $0x0  }
0xf0: {  	[sflag:s20] =	ssyncadd.s32 $0xFFFFEC00  }
0xf1: {  	[tilespmem:s19], [sflag:$0x1] =	stream.indirect.gather [hbm4b:s4+s22], $0x80, s0, s22, $0xb8;
	[tilespmem:$0x1E800] =	vst v63  }
0xf2: {  	_ = 	snop  }
0xf3: {  	[tilespmem:s23], [sflag:$0x2] =	stream.indirect.gather [hbm4b:s4+s22], $0x80, s22, s22, $0xb8;
	[tilespmem:$0x1E800] =	vst v63  }
0xf4: {  	_ =	swait.ge [sflag:s24], $0x4000  }
0xf5: {  	[sflag:s24] =	ssyncset.done $0x0  }
0xf6: {  	s0 =	simm.s32 $0x1400;
	[sflag:s24] =	ssyncadd.s32 $0xFFFFC000  }
0xf7: {  	[spmem:s1] =	stream.indirect.scatter.add.f32 [tilespmem:s19], [sflag:$0x3], $0x80, s0, s22, $0xb8;
	[tilespmem:$0x1E800] =	vst v63  }
0xf8: {  	_ =	swait.ge [sflag:s20], $0x4000  }
0xf9: {  	[sflag:s20] =	ssyncset.done $0x0  }
0xfa: {  	s0 =	simm.s32 $0x100;
	[sflag:s20] =	ssyncadd.s32 $0xFFFFC000  }
0xfb: {  	[tilespmem:s19], [sflag:$0x1] =	stream.indirect.gather [hbm4b:s4+s22], $0x80, s0, s22, $0xb8;
	[tilespmem:$0x1E800] =	vst v63  }
0xfc: {  	_ =	swait.ge [sflag:s25], $0x4000  }
0xfd: {  	[sflag:s25] =	ssyncset.done $0x0  }
0xfe: {  	s0 =	simm.s32 $0x1480;
	[sflag:s25] =	ssyncadd.s32 $0xFFFFC000  }
0xff: {  	[spmem:s1] =	stream.indirect.scatter.add.f32 [tilespmem:s23], [sflag:$0x3], $0x80, s0, s22, $0xb8;
	[tilespmem:$0x1E800] =	vst v63  }
0x100: {  	_ =	swait.ge [sflag:s20], $0x4000  }
0x101: {  	[sflag:s20] =	ssyncset.done $0x0  }
0x102: {  	s30 =	simm.s32 $0x400;
	s31 =	simm.s32 $0x180;
	[sflag:s20] =	ssyncadd.s32 $0xFFFFC000  }
.LBB2_7:
0x103: {  	[tilespmem:s23], [sflag:$0x2] =	stream.indirect.gather [hbm4b:s4+s22], $0x80, s31, s22, $0xb8;
	[tilespmem:$0x1E800] =	vst v63  }
0x104: {  	s0 =	smov.u32 s30  }
0x105: {  	p1 =	seq.s32 s30, $0x4800;
	s30 =	sadd.s32 $0x400, s30;
	_ =	swait.ge [sflag:s24], $0x4000  }
0x106: {  	s0 =	sshra.s32 s0, $0x2;
	[sflag:s24] =	ssyncset.done $0x0  }
0x107: {  	s31 =	sadd.s32 $0x1400, s0;
	[sflag:s24] =	ssyncadd.s32 $0xFFFFC000  }
0x108: {  	[spmem:s1] =	stream.indirect.scatter.add.f32 [tilespmem:s19], [sflag:$0x3], $0x80, s31, s22, $0xb8;
	[tilespmem:$0x1E800] =	vst v63  }
0x109: {  	_ =	swait.ge [sflag:s20], $0x4000  }
0x10a: {  	[sflag:s20] =	ssyncset.done $0x0  }
0x10b: {  	s31 =	sadd.s32 $0x100, s0;
	[sflag:s20] =	ssyncadd.s32 $0xFFFFC000  }
0x10c: {  	[tilespmem:s19], [sflag:$0x1] =	stream.indirect.gather [hbm4b:s4+s22], $0x80, s31, s22, $0xb8;
	[tilespmem:$0x1E800] =	vst v63  }
0x10d: {  	_ =	swait.ge [sflag:s25], $0x4000  }
0x10e: {  	[sflag:s25] =	ssyncset.done $0x0  }
.Ltmp8:
0x10f: {  	s31 =	sadd.s32 $0x1480, s0;
	[sflag:s25] =	ssyncadd.s32 $0xFFFFC000;
	(pc) =	sbr.rel @!p1 .LBB2_7-.Ltmp8, $4  }
0x110: {  	[spmem:s1] =	stream.indirect.scatter.add.f32 [tilespmem:s23], [sflag:$0x3], $0x80, s31, s22, $0xb8;
	[tilespmem:$0x1E800] =	vst v63  }
0x111: {  	_ =	swait.ge [sflag:s20], $0x4000  }
0x112: {  	[sflag:s20] =	ssyncset.done $0x0  }
0x113: {  	s31 =	sadd.s32 $0x180, s0;
	[sflag:s20] =	ssyncadd.s32 $0xFFFFC000  }
.Ltmp9:
0x114: {  	_ = 	snop;
	(pc) =	sbr.rel .LBB2_8-.Ltmp9, $1  }
0x115: {  	_ =	sdelay $0x3  }
.LBB2_15:
0x116: {  	_ =	sfence.sel $0x180000  }
0x117: {  	[bflag:$0x0] =	sbarrier.arrive $0xFFFF  }
0x118: {  	_ =	strace $0x90000050  }
0x119: {  	[bflag:$0x2] =	sbarrier.arrive $0xFFFF  }
0x11a: {  	p0 =	sne.s32 s2, $0x0;
	s0 =	rddreg [dreg:$0x2]  }
0x11b: {  	s0 =	sadd.s32 @!p0 $0x100000, s0  }
0x11c: {  	[sflag:s0] =	ssyncadd.tile.s32 @!p0 $0x1;
	_ =	shalt  }
.Lfunc_end2:
_tile_overlayer_lowered:
.L_overlay_start_2:
0x11d: {  	(tag) =	ssettag $0x2  }
0x11e: {  	s0 =	rddreg [dreg:$0x0];
	s2 =	stileid.u32  }
0x11f: {  	s1 =	rddreg [dreg:$0x1];
	p0 =	sne.s32 s2, $0x0  }
0x120: {  	s3 =	rddreg [dreg:$0x2];
	[bflag:$0x3] =	sbarrier.arrive $0xFFFF;
	s2 =	simm.s32 @!p0 $0x1C03  }
0x121: {  	[timem:s3], [sflag:s2] =	dma.local @!p0 [hbm:s0], s1  }
0x122: {  	s0 =	simm.s32 @!p0 $0x3  }
0x123: {  	_ =	swait.ge @!p0 [sflag:s0], s1  }
0x124: {  	s1 =	ssub.s32 @!p0 $0x0, s1;
	[sflag:s0] =	ssyncset.done @!p0 $0x0  }
0x125: {  	[sflag:s0] =	ssyncadd.s32 @!p0 s1  }
0x126: {  	[bflag:$0x3] =	sbarrier.arrive $0xFFFF  }
0x127: {  	_ =	shalt  }

</sc_bundles>
